<compile_context>
chip_gen: v7x
topology: tpu7x:2x2x1
jax: 0.10.2.dev20260603
libtpu: 0.0.44.dev20260713+nightly
codegen_flags: <defaults>
</compile_context>

<pallas_src>
import functools

import jax
import jax.numpy as jnp
from jax import lax
from jax.experimental import pallas as pl
from jax.experimental.pallas import tpu as pltpu
from jax.experimental.pallas import tpu_sc as plsc

L = 50
B = 16384
EMBED = 32
CH = 1024
NIDX = CH // 128
NCHUNK = B // CH
TPW = L // 2


def _sc_gather(idx2d, table):
    mesh = plsc.VectorSubcoreMesh(core_axis_name="c", subcore_axis_name="s")

    @functools.partial(
        pl.kernel,
        mesh=mesh,
        compiler_params=pltpu.CompilerParams(
            use_tc_tiling_on_sc=False, needs_layout_passes=False),
        out_type=jax.ShapeDtypeStruct((L, 4, B // 128, 8, 128), jnp.float32),
        scratch_types=[
            pltpu.VMEM((NIDX, 128), jnp.int32),
            pltpu.VMEM((NIDX, 128), jnp.int32),
            pltpu.VMEM((NIDX, 128, EMBED), jnp.float32),
            pltpu.VMEM((NIDX, 128, EMBED), jnp.float32),
            pltpu.VMEM((4, NIDX, 8, 128), jnp.float32),
            pltpu.SemaphoreType.DMA,
            pltpu.SemaphoreType.DMA,
            pltpu.SemaphoreType.DMA,
            pltpu.SemaphoreType.DMA,
            pltpu.SemaphoreType.DMA,
        ],
    )
    def k(idx_hbm, table_hbm, out_hbm,
          idx0, idx1, rows0, rows1, t4,
          si0, si1, sg0, sg1, sw):
        wid = lax.axis_index("s") * 2 + lax.axis_index("c")
        c = wid % NCHUNK
        l0 = wid // NCHUNK

        iota = lax.iota(jnp.int32, 16)
        row_vecs = [c0 + iota for c0 in range(0, 128, 16)]
        j_vecs = [jnp.full((16,), j, jnp.int32) for j in range(NIDX)]

        def load_idx(kk, idx_v, si):
            pltpu.async_copy(
                idx_hbm.at[pl.ds(128 * (l0 + 2 * kk) + NIDX * c, NIDX)],
                idx_v, si)

        def wait_idx(idx_v, si):
            pltpu.make_async_copy(idx_hbm.at[pl.ds(0, NIDX)], idx_v, si).wait()

        def fire(idx_v, rows, sg):
            for j in range(NIDX):
                pltpu.async_copy(table_hbm.at[idx_v.at[j]], rows.at[j], sg)

        def wait_gathers(idx_v, rows, sg):
            for j in range(NIDX):
                pltpu.make_async_copy(
                    table_hbm.at[idx_v.at[j]], rows.at[j], sg).wait()

        def retile(rows):
            @plsc.parallel_loop(0, EMBED, 1, unroll=4)
            def step(m):
                e_vec = jnp.bitwise_and(m + iota, EMBED - 1)
                e_hi = jnp.right_shift(e_vec, 3)
                e_lo = jnp.bitwise_and(e_vec, 7)
                for tcc in range(NIDX):
                    for ci in range(8):
                        v = plsc.load_gather(
                            rows, [j_vecs[tcc], row_vecs[ci], e_vec])
                        plsc.store_scatter(
                            t4, [e_hi, j_vecs[tcc], e_lo, row_vecs[ci]], v)

        def start_write(kk):
            pltpu.async_copy(
                t4, out_hbm.at[l0 + 2 * kk, :, pl.ds(NIDX * c, NIDX)], sw)

        def wait_write():
            pltpu.make_async_copy(
                t4, out_hbm.at[l0, :, pl.ds(NIDX * c, NIDX)], sw).wait()

        load_idx(0, idx0, si0)
        wait_idx(idx0, si0)
        fire(idx0, rows0, sg0)
        load_idx(1, idx1, si1)

        def half(kk, idx_p, si_p, rows_p, sg_p, idx_q, si_q, rows_q, sg_q,
                 first, last):
            @pl.when(jnp.logical_not(last))
            def _():
                wait_idx(idx_q, si_q)
                fire(idx_q, rows_q, sg_q)

            wait_gathers(idx_p, rows_p, sg_p)

            @pl.when(jnp.logical_and(jnp.logical_not(last), kk + 2 < TPW))
            def _():
                load_idx(kk + 2, idx_p, si_p)

            @pl.when(jnp.logical_not(first))
            def _():
                wait_write()

            retile(rows_p)
            start_write(kk)

        def body2(i, carry):
            k0 = 2 * i
            half(k0, idx0, si0, rows0, sg0, idx1, si1, rows1, sg1,
                 k0 == 0, False)
            half(k0 + 1, idx1, si1, rows1, sg1, idx0, si0, rows0, sg0,
                 False, k0 + 1 == TPW - 1)
            return carry

        lax.fori_loop(0, TPW // 2, body2, 0)
        half(TPW - 1, idx0, si0, rows0, sg0, idx1, si1, rows1, sg1,
             False, True)
        wait_write()

    return k(idx2d, table)


VB = 8192


def _tc_linearize(t_t):
    def body(x_ref, o_ref):
        y3 = x_ref[...].T.reshape(VB // 4, 4, EMBED)
        for q in range(4):
            o_ref[:, q * EMBED:(q + 1) * EMBED] = y3[:, q, :]

    grid = (1000000 + VB - 1) // VB
    return pl.pallas_call(
        body,
        grid=(grid,),
        in_specs=[pl.BlockSpec((EMBED, VB), lambda i: (0, i))],
        out_specs=pl.BlockSpec((VB // 4, 128), lambda i: (i, 0)),
        out_shape=jax.ShapeDtypeStruct((250000, 128), jnp.float32),
    )(t_t)


def kernel(inputs, table):
    idx2d = inputs.T.reshape((B * L) // 128, 128)
    tlin = _tc_linearize(table.T).reshape(table.shape)
    out5d = _sc_gather(idx2d, tlin)
    return out5d.transpose(0, 2, 4, 1, 3).reshape(L, B, EMBED)

# --- scband reference (transcript-rebuilt; emitter-appended) ---
"""Pipeline reference for scband-discrete-feature-sequence-input-45870250721830 (READ-ONLY COPY).

The authoritative reference and input builder live on the scoring server;
editing this copy changes nothing except your own understanding.
"""

import jax, jax.numpy as jnp
import numpy as np

VOCAB = 1000000
EMBED = 32
B = 16384
L = 50

def setup_inputs(seed: int = 0) -> dict:
    key = jax.random.key(seed)
    k1, k2 = jax.random.split(key)
    inputs = jax.random.randint(k1, (B, L), 0, VOCAB, dtype=jnp.int32)
    table = jax.random.normal(k2, (VOCAB, EMBED), dtype=jnp.float32)
    # nn.Embedding(padding_idx=0): row 0 is zero
    table = table.at[0].set(0.0)
    return {"inputs": inputs, "table": table}

def reference(inputs, table):
    # forward with transpose=True: input.t() -> [L, B], then embedding lookup -> [L, B, E]
    x = inputs.T
    out = jnp.take(table, x, axis=0)
    return out

if __name__ == "__main__":
    import jax
    _d = setup_inputs()
    print(jax.jit(kernel)(*tuple(_d.values())))

</pallas_src>

<mosaic_0001>
#map = affine_map<(d0, d1) -> (0, 0)>
#map1 = affine_map<(d0, d1) -> (0, 0, 0, 0, 0)>
module attributes {stable_mosaic.version = 14 : i64} {
  func.func @k(%arg0: i32, %arg1: i32, %arg2: memref<6400x128xi32, #tpu.memory_space<hbm>>, %arg3: memref<1000000x32xf32, #tpu.memory_space<hbm>>, %arg4: memref<50x4x128x8x128xf32, #tpu.memory_space<hbm>>, %arg5: memref<8x128xi32, #tpu.memory_space<vmem>>, %arg6: memref<8x128xi32, #tpu.memory_space<vmem>>, %arg7: memref<8x128x32xf32, #tpu.memory_space<vmem>>, %arg8: memref<8x128x32xf32, #tpu.memory_space<vmem>>, %arg9: memref<4x8x8x128xf32, #tpu.memory_space<vmem>>, %arg10: memref<!tpu.dma_semaphore, #tpu.memory_space<semaphore_mem>>, %arg11: memref<!tpu.dma_semaphore, #tpu.memory_space<semaphore_mem>>, %arg12: memref<!tpu.dma_semaphore, #tpu.memory_space<semaphore_mem>>, %arg13: memref<!tpu.dma_semaphore, #tpu.memory_space<semaphore_mem>>, %arg14: memref<!tpu.dma_semaphore, #tpu.memory_space<semaphore_mem>>) attributes {dimension_semantics = [#tpu.dimension_semantics<core_parallel>, #tpu.dimension_semantics<subcore_parallel>], iteration_bounds = array<i64: 2, 16>, scalar_prefetch = 0 : i64, scratch_operands = 10 : i64, tpu.core_type = #tpu.core_type<sc_vector_subcore>, window_params = [{transform_indices = #map}, {transform_indices = #map}, {transform_indices = #map1}]} {
    %mul3A = arith.constant 2 : i32
    %mul3A_0 = arith.muli %arg1, %mul3A : i32
    %add3A = arith.addi %mul3A_0, %arg0 : i32
    %jit3A = arith.constant 16 : i32
    %eq3A = arith.constant 0 : i32
    %eq3A_1 = arith.cmpi eq, %jit3A, %eq3A : i32
    %jit3A_2 = arith.constant 1 : i32
    %select_n3A = arith.select %eq3A_1, %jit3A_2, %jit3A : i32
    %rem3A = arith.remsi %add3A, %select_n3A : i32
    %ne3A = arith.constant 0 : i32
    %ne3A_3 = arith.cmpi ne, %rem3A, %ne3A : i32
    %lt3A = arith.constant 0 : i32
    %lt3A_4 = arith.cmpi slt, %rem3A, %lt3A : i32
    %lt3A_5 = arith.constant 0 : i32
    %lt3A_6 = arith.cmpi slt, %select_n3A, %lt3A_5 : i32
    %ne3A_7 = arith.xori %lt3A_4, %lt3A_6 : i1
    %and3A = arith.andi %ne3A_7, %ne3A_3 : i1
    %add3A_8 = arith.addi %rem3A, %select_n3A : i32
    %select_n3A_9 = arith.select %and3A, %add3A_8, %rem3A : i32
    %jit3A_10 = arith.constant 16 : i32
    %div3A = arith.divsi %add3A, %jit3A_10 : i32
    %sign3A = arith.constant 0 : i32
    %sign3A_11 = arith.cmpi sgt, %add3A, %sign3A : i32
    %sign3A_12 = arith.extui %sign3A_11 : i1 to i32
    %sign3A_13 = arith.constant 0 : i32
    %sign3A_14 = arith.cmpi slt, %add3A, %sign3A_13 : i32
    %sign3A_15 = arith.extui %sign3A_14 : i1 to i32
    %sign3A_16 = arith.subi %sign3A_12, %sign3A_15 : i32
    %sign3A_17 = arith.constant 0 : i32
    %sign3A_18 = arith.cmpi sgt, %jit3A_10, %sign3A_17 : i32
    %sign3A_19 = arith.extui %sign3A_18 : i1 to i32
    %sign3A_20 = arith.constant 0 : i32
    %sign3A_21 = arith.cmpi slt, %jit3A_10, %sign3A_20 : i32
    %sign3A_22 = arith.extui %sign3A_21 : i1 to i32
    %sign3A_23 = arith.subi %sign3A_19, %sign3A_22 : i32
    %ne3A_24 = arith.cmpi ne, %sign3A_16, %sign3A_23 : i32
    %rem3A_25 = arith.remsi %add3A, %jit3A_10 : i32
    %ne3A_26 = arith.constant 0 : i32
    %ne3A_27 = arith.cmpi ne, %rem3A_25, %ne3A_26 : i32
    %and3A_28 = arith.andi %ne3A_24, %ne3A_27 : i1
    %sub3A = arith.constant 1 : i32
    %sub3A_29 = arith.subi %div3A, %sub3A : i32
    %select_n3A_30 = arith.select %and3A_28, %sub3A_29, %div3A : i32
    %iota3A = tpu.iota {dimensions = array<i32: 0>} : vector<16xi32>
    %add3A_31 = arith.constant 0 : i32
    %add3A_32 = vector.broadcast %add3A_31 : i32 to vector<16xi32>
    %add3A_33 = arith.addi %add3A_32, %iota3A : vector<16xi32>
    %add3A_34 = arith.constant 16 : i32
    %add3A_35 = vector.broadcast %add3A_34 : i32 to vector<16xi32>
    %add3A_36 = arith.addi %add3A_35, %iota3A : vector<16xi32>
    %add3A_37 = arith.constant 32 : i32
    %add3A_38 = vector.broadcast %add3A_37 : i32 to vector<16xi32>
    %add3A_39 = arith.addi %add3A_38, %iota3A : vector<16xi32>
    %add3A_40 = arith.constant 48 : i32
    %add3A_41 = vector.broadcast %add3A_40 : i32 to vector<16xi32>
    %add3A_42 = arith.addi %add3A_41, %iota3A : vector<16xi32>
    %add3A_43 = arith.constant 64 : i32
    %add3A_44 = vector.broadcast %add3A_43 : i32 to vector<16xi32>
    %add3A_45 = arith.addi %add3A_44, %iota3A : vector<16xi32>
    %add3A_46 = arith.constant 80 : i32
    %add3A_47 = vector.broadcast %add3A_46 : i32 to vector<16xi32>
    %add3A_48 = arith.addi %add3A_47, %iota3A : vector<16xi32>
    %add3A_49 = arith.constant 96 : i32
    %add3A_50 = vector.broadcast %add3A_49 : i32 to vector<16xi32>
    %add3A_51 = arith.addi %add3A_50, %iota3A : vector<16xi32>
    %add3A_52 = arith.constant 112 : i32
    %add3A_53 = vector.broadcast %add3A_52 : i32 to vector<16xi32>
    %add3A_54 = arith.addi %add3A_53, %iota3A : vector<16xi32>
    %broadcast_in_dim3A = arith.constant 0 : i32
    %broadcast_in_dim3A_55 = vector.broadcast %broadcast_in_dim3A : i32 to vector<16xi32>
    %broadcast_in_dim3A_56 = arith.constant 1 : i32
    %broadcast_in_dim3A_57 = vector.broadcast %broadcast_in_dim3A_56 : i32 to vector<16xi32>
    %broadcast_in_dim3A_58 = arith.constant 2 : i32
    %broadcast_in_dim3A_59 = vector.broadcast %broadcast_in_dim3A_58 : i32 to vector<16xi32>
    %broadcast_in_dim3A_60 = arith.constant 3 : i32
    %broadcast_in_dim3A_61 = vector.broadcast %broadcast_in_dim3A_60 : i32 to vector<16xi32>
    %broadcast_in_dim3A_62 = arith.constant 4 : i32
    %broadcast_in_dim3A_63 = vector.broadcast %broadcast_in_dim3A_62 : i32 to vector<16xi32>
    %broadcast_in_dim3A_64 = arith.constant 5 : i32
    %broadcast_in_dim3A_65 = vector.broadcast %broadcast_in_dim3A_64 : i32 to vector<16xi32>
    %broadcast_in_dim3A_66 = arith.constant 6 : i32
    %broadcast_in_dim3A_67 = vector.broadcast %broadcast_in_dim3A_66 : i32 to vector<16xi32>
    %broadcast_in_dim3A_68 = arith.constant 7 : i32
    %broadcast_in_dim3A_69 = vector.broadcast %broadcast_in_dim3A_68 : i32 to vector<16xi32>
    %add3A_70 = arith.constant 0 : i32
    %add3A_71 = arith.addi %select_n3A_30, %add3A_70 : i32
    %mul3A_72 = arith.constant 128 : i32
    %mul3A_73 = arith.muli %mul3A_72, %add3A_71 : i32
    %mul3A_74 = arith.constant 8 : i32
    %mul3A_75 = arith.muli %mul3A_74, %select_n3A_9 : i32
    %add3A_76 = arith.addi %mul3A_73, %mul3A_75 : i32
    %dma_start3A = arith.constant 0 : i32
    %dma_start3A_77 = tpu.memref_slice %arg2[%add3A_76, %dma_start3A] : memref<6400x128xi32, #tpu.memory_space<hbm>> -> memref<8x128xi32, #tpu.memory_space<hbm>>
    %dma_start3A_78 = arith.constant 0 : i32
    %dma_start3A_79 = tpu.memref_slice %arg2[%add3A_76, %dma_start3A_78] : memref<6400x128xi32, #tpu.memory_space<hbm>> -> memref<8x128xi32, #tpu.memory_space<hbm>>
    tpu.enqueue_dma source(%dma_start3A_79 : memref<8x128xi32, #tpu.memory_space<hbm>>) target(%arg5 : memref<8x128xi32, #tpu.memory_space<vmem>>) target_semaphore(%arg10 : memref<!tpu.dma_semaphore, #tpu.memory_space<semaphore_mem>>)
    %dma_wait3A = arith.constant 0 : i32
    %dma_wait3A_80 = arith.constant 0 : i32
    %dma_wait3A_81 = tpu.memref_slice %arg2[%dma_wait3A, %dma_wait3A_80] : memref<6400x128xi32, #tpu.memory_space<hbm>> -> memref<8x128xi32, #tpu.memory_space<hbm>>
    %dma_wait3A_82 = arith.constant 0 : i32
    %dma_wait3A_83 = arith.constant 0 : i32
    %dma_wait3A_84 = tpu.memref_slice %arg2[%dma_wait3A_82, %dma_wait3A_83] : memref<6400x128xi32, #tpu.memory_space<hbm>> -> memref<8x128xi32, #tpu.memory_space<hbm>>
    tpu.wait_dma2 semaphore(%arg10 : memref<!tpu.dma_semaphore, #tpu.memory_space<semaphore_mem>>) src(%dma_wait3A_84 : memref<8x128xi32, #tpu.memory_space<hbm>>) dst(%arg5 : memref<8x128xi32, #tpu.memory_space<vmem>>)
    %dma_start3A_85 = arith.constant 0 : i32
    %dma_start3A_86 = arith.constant 0 : i32
    %dma_start3A_87 = arith.constant 0 : i32
    %dma_start3A_88 = arith.constant 0 : i32
    %dma_start3A_89 = tpu.memref_slice %arg7[%dma_start3A_86, %dma_start3A_87, %dma_start3A_88] : memref<8x128x32xf32, #tpu.memory_space<vmem>> -> memref<1x128x32xf32, #tpu.memory_space<vmem>>
    %dma_start3A_90 = tpu.memref_squeeze %dma_start3A_89 : memref<1x128x32xf32, #tpu.memory_space<vmem>> -> memref<128x32xf32, #tpu.memory_space<vmem>>
    %dma_start3A_91 = arith.constant 0 : i32
    %dma_start3A_92 = tpu.memref_slice %arg5[%dma_start3A_85, %dma_start3A_91] : memref<8x128xi32, #tpu.memory_space<vmem>> -> memref<1x128xi32, #tpu.memory_space<vmem>>
    %dma_start3A_93 = tpu.memref_squeeze %dma_start3A_92 : memref<1x128xi32, #tpu.memory_space<vmem>> -> memref<128xi32, #tpu.memory_space<vmem>>
    %dma_start3A_94 = arith.constant 0 : i32
    %dma_start3A_95 = arith.constant 0 : i32
    %dma_start3A_96 = tpu.memref_slice %arg3[%dma_start3A_94, %dma_start3A_95] : memref<1000000x32xf32, #tpu.memory_space<hbm>> -> memref<1000000x32xf32, #tpu.memory_space<hbm>>
    tpu.enqueue_indirect_dma source(%dma_start3A_96 : memref<1000000x32xf32, #tpu.memory_space<hbm>>) target(%dma_start3A_90 : memref<128x32xf32, #tpu.memory_space<vmem>>) offsets(%dma_start3A_93 : memref<128xi32, #tpu.memory_space<vmem>>) semaphore(%arg12 : memref<!tpu.dma_semaphore, #tpu.memory_space<semaphore_mem>>)
    %dma_start3A_97 = arith.constant 1 : i32
    %dma_start3A_98 = arith.constant 1 : i32
    %dma_start3A_99 = arith.constant 0 : i32
    %dma_start3A_100 = arith.constant 0 : i32
    %dma_start3A_101 = tpu.memref_slice %arg7[%dma_start3A_98, %dma_start3A_99, %dma_start3A_100] : memref<8x128x32xf32, #tpu.memory_space<vmem>> -> memref<1x128x32xf32, #tpu.memory_space<vmem>>
    %dma_start3A_102 = tpu.memref_squeeze %dma_start3A_101 : memref<1x128x32xf32, #tpu.memory_space<vmem>> -> memref<128x32xf32, #tpu.memory_space<vmem>>
    %dma_start3A_103 = arith.constant 0 : i32
    %dma_start3A_104 = tpu.memref_slice %arg5[%dma_start3A_97, %dma_start3A_103] : memref<8x128xi32, #tpu.memory_space<vmem>> -> memref<1x128xi32, #tpu.memory_space<vmem>>
    %dma_start3A_105 = tpu.memref_squeeze %dma_start3A_104 : memref<1x128xi32, #tpu.memory_space<vmem>> -> memref<128xi32, #tpu.memory_space<vmem>>
    %dma_start3A_106 = arith.constant 0 : i32
    %dma_start3A_107 = arith.constant 0 : i32
    %dma_start3A_108 = tpu.memref_slice %arg3[%dma_start3A_106, %dma_start3A_107] : memref<1000000x32xf32, #tpu.memory_space<hbm>> -> memref<1000000x32xf32, #tpu.memory_space<hbm>>
    tpu.enqueue_indirect_dma source(%dma_start3A_108 : memref<1000000x32xf32, #tpu.memory_space<hbm>>) target(%dma_start3A_102 : memref<128x32xf32, #tpu.memory_space<vmem>>) offsets(%dma_start3A_105 : memref<128xi32, #tpu.memory_space<vmem>>) semaphore(%arg12 : memref<!tpu.dma_semaphore, #tpu.memory_space<semaphore_mem>>)
    %dma_start3A_109 = arith.constant 2 : i32
    %dma_start3A_110 = arith.constant 2 : i32
    %dma_start3A_111 = arith.constant 0 : i32
    %dma_start3A_112 = arith.constant 0 : i32
    %dma_start3A_113 = tpu.memref_slice %arg7[%dma_start3A_110, %dma_start3A_111, %dma_start3A_112] : memref<8x128x32xf32, #tpu.memory_space<vmem>> -> memref<1x128x32xf32, #tpu.memory_space<vmem>>
    %dma_start3A_114 = tpu.memref_squeeze %dma_start3A_113 : memref<1x128x32xf32, #tpu.memory_space<vmem>> -> memref<128x32xf32, #tpu.memory_space<vmem>>
    %dma_start3A_115 = arith.constant 0 : i32
    %dma_start3A_116 = tpu.memref_slice %arg5[%dma_start3A_109, %dma_start3A_115] : memref<8x128xi32, #tpu.memory_space<vmem>> -> memref<1x128xi32, #tpu.memory_space<vmem>>
    %dma_start3A_117 = tpu.memref_squeeze %dma_start3A_116 : memref<1x128xi32, #tpu.memory_space<vmem>> -> memref<128xi32, #tpu.memory_space<vmem>>
    %dma_start3A_118 = arith.constant 0 : i32
    %dma_start3A_119 = arith.constant 0 : i32
    %dma_start3A_120 = tpu.memref_slice %arg3[%dma_start3A_118, %dma_start3A_119] : memref<1000000x32xf32, #tpu.memory_space<hbm>> -> memref<1000000x32xf32, #tpu.memory_space<hbm>>
    tpu.enqueue_indirect_dma source(%dma_start3A_120 : memref<1000000x32xf32, #tpu.memory_space<hbm>>) target(%dma_start3A_114 : memref<128x32xf32, #tpu.memory_space<vmem>>) offsets(%dma_start3A_117 : memref<128xi32, #tpu.memory_space<vmem>>) semaphore(%arg12 : memref<!tpu.dma_semaphore, #tpu.memory_space<semaphore_mem>>)
    %dma_start3A_121 = arith.constant 3 : i32
    %dma_start3A_122 = arith.constant 3 : i32
    %dma_start3A_123 = arith.constant 0 : i32
    %dma_start3A_124 = arith.constant 0 : i32
    %dma_start3A_125 = tpu.memref_slice %arg7[%dma_start3A_122, %dma_start3A_123, %dma_start3A_124] : memref<8x128x32xf32, #tpu.memory_space<vmem>> -> memref<1x128x32xf32, #tpu.memory_space<vmem>>
    %dma_start3A_126 = tpu.memref_squeeze %dma_start3A_125 : memref<1x128x32xf32, #tpu.memory_space<vmem>> -> memref<128x32xf32, #tpu.memory_space<vmem>>
    %dma_start3A_127 = arith.constant 0 : i32
    %dma_start3A_128 = tpu.memref_slice %arg5[%dma_start3A_121, %dma_start3A_127] : memref<8x128xi32, #tpu.memory_space<vmem>> -> memref<1x128xi32, #tpu.memory_space<vmem>>
    %dma_start3A_129 = tpu.memref_squeeze %dma_start3A_128 : memref<1x128xi32, #tpu.memory_space<vmem>> -> memref<128xi32, #tpu.memory_space<vmem>>
    %dma_start3A_130 = arith.constant 0 : i32
    %dma_start3A_131 = arith.constant 0 : i32
    %dma_start3A_132 = tpu.memref_slice %arg3[%dma_start3A_130, %dma_start3A_131] : memref<1000000x32xf32, #tpu.memory_space<hbm>> -> memref<1000000x32xf32, #tpu.memory_space<hbm>>
    tpu.enqueue_indirect_dma source(%dma_start3A_132 : memref<1000000x32xf32, #tpu.memory_space<hbm>>) target(%dma_start3A_126 : memref<128x32xf32, #tpu.memory_space<vmem>>) offsets(%dma_start3A_129 : memref<128xi32, #tpu.memory_space<vmem>>) semaphore(%arg12 : memref<!tpu.dma_semaphore, #tpu.memory_space<semaphore_mem>>)
    %dma_start3A_133 = arith.constant 4 : i32
    %dma_start3A_134 = arith.constant 4 : i32
    %dma_start3A_135 = arith.constant 0 : i32
    %dma_start3A_136 = arith.constant 0 : i32
    %dma_start3A_137 = tpu.memref_slice %arg7[%dma_start3A_134, %dma_start3A_135, %dma_start3A_136] : memref<8x128x32xf32, #tpu.memory_space<vmem>> -> memref<1x128x32xf32, #tpu.memory_space<vmem>>
    %dma_start3A_138 = tpu.memref_squeeze %dma_start3A_137 : memref<1x128x32xf32, #tpu.memory_space<vmem>> -> memref<128x32xf32, #tpu.memory_space<vmem>>
    %dma_start3A_139 = arith.constant 0 : i32
    %dma_start3A_140 = tpu.memref_slice %arg5[%dma_start3A_133, %dma_start3A_139] : memref<8x128xi32, #tpu.memory_space<vmem>> -> memref<1x128xi32, #tpu.memory_space<vmem>>
    %dma_start3A_141 = tpu.memref_squeeze %dma_start3A_140 : memref<1x128xi32, #tpu.memory_space<vmem>> -> memref<128xi32, #tpu.memory_space<vmem>>
    %dma_start3A_142 = arith.constant 0 : i32
    %dma_start3A_143 = arith.constant 0 : i32
    %dma_start3A_144 = tpu.memref_slice %arg3[%dma_start3A_142, %dma_start3A_143] : memref<1000000x32xf32, #tpu.memory_space<hbm>> -> memref<1000000x32xf32, #tpu.memory_space<hbm>>
    tpu.enqueue_indirect_dma source(%dma_start3A_144 : memref<1000000x32xf32, #tpu.memory_space<hbm>>) target(%dma_start3A_138 : memref<128x32xf32, #tpu.memory_space<vmem>>) offsets(%dma_start3A_141 : memref<128xi32, #tpu.memory_space<vmem>>) semaphore(%arg12 : memref<!tpu.dma_semaphore, #tpu.memory_space<semaphore_mem>>)
    %dma_start3A_145 = arith.constant 5 : i32
    %dma_start3A_146 = arith.constant 5 : i32
    %dma_start3A_147 = arith.constant 0 : i32
    %dma_start3A_148 = arith.constant 0 : i32
    %dma_start3A_149 = tpu.memref_slice %arg7[%dma_start3A_146, %dma_start3A_147, %dma_start3A_148] : memref<8x128x32xf32, #tpu.memory_space<vmem>> -> memref<1x128x32xf32, #tpu.memory_space<vmem>>
    %dma_start3A_150 = tpu.memref_squeeze %dma_start3A_149 : memref<1x128x32xf32, #tpu.memory_space<vmem>> -> memref<128x32xf32, #tpu.memory_space<vmem>>
    %dma_start3A_151 = arith.constant 0 : i32
    %dma_start3A_152 = tpu.memref_slice %arg5[%dma_start3A_145, %dma_start3A_151] : memref<8x128xi32, #tpu.memory_space<vmem>> -> memref<1x128xi32, #tpu.memory_space<vmem>>
    %dma_start3A_153 = tpu.memref_squeeze %dma_start3A_152 : memref<1x128xi32, #tpu.memory_space<vmem>> -> memref<128xi32, #tpu.memory_space<vmem>>
    %dma_start3A_154 = arith.constant 0 : i32
    %dma_start3A_155 = arith.constant 0 : i32
    %dma_start3A_156 = tpu.memref_slice %arg3[%dma_start3A_154, %dma_start3A_155] : memref<1000000x32xf32, #tpu.memory_space<hbm>> -> memref<1000000x32xf32, #tpu.memory_space<hbm>>
    tpu.enqueue_indirect_dma source(%dma_start3A_156 : memref<1000000x32xf32, #tpu.memory_space<hbm>>) target(%dma_start3A_150 : memref<128x32xf32, #tpu.memory_space<vmem>>) offsets(%dma_start3A_153 : memref<128xi32, #tpu.memory_space<vmem>>) semaphore(%arg12 : memref<!tpu.dma_semaphore, #tpu.memory_space<semaphore_mem>>)
    %dma_start3A_157 = arith.constant 6 : i32
    %dma_start3A_158 = arith.constant 6 : i32
    %dma_start3A_159 = arith.constant 0 : i32
    %dma_start3A_160 = arith.constant 0 : i32
    %dma_start3A_161 = tpu.memref_slice %arg7[%dma_start3A_158, %dma_start3A_159, %dma_start3A_160] : memref<8x128x32xf32, #tpu.memory_space<vmem>> -> memref<1x128x32xf32, #tpu.memory_space<vmem>>
    %dma_start3A_162 = tpu.memref_squeeze %dma_start3A_161 : memref<1x128x32xf32, #tpu.memory_space<vmem>> -> memref<128x32xf32, #tpu.memory_space<vmem>>
    %dma_start3A_163 = arith.constant 0 : i32
    %dma_start3A_164 = tpu.memref_slice %arg5[%dma_start3A_157, %dma_start3A_163] : memref<8x128xi32, #tpu.memory_space<vmem>> -> memref<1x128xi32, #tpu.memory_space<vmem>>
    %dma_start3A_165 = tpu.memref_squeeze %dma_start3A_164 : memref<1x128xi32, #tpu.memory_space<vmem>> -> memref<128xi32, #tpu.memory_space<vmem>>
    %dma_start3A_166 = arith.constant 0 : i32
    %dma_start3A_167 = arith.constant 0 : i32
    %dma_start3A_168 = tpu.memref_slice %arg3[%dma_start3A_166, %dma_start3A_167] : memref<1000000x32xf32, #tpu.memory_space<hbm>> -> memref<1000000x32xf32, #tpu.memory_space<hbm>>
    tpu.enqueue_indirect_dma source(%dma_start3A_168 : memref<1000000x32xf32, #tpu.memory_space<hbm>>) target(%dma_start3A_162 : memref<128x32xf32, #tpu.memory_space<vmem>>) offsets(%dma_start3A_165 : memref<128xi32, #tpu.memory_space<vmem>>) semaphore(%arg12 : memref<!tpu.dma_semaphore, #tpu.memory_space<semaphore_mem>>)
    %dma_start3A_169 = arith.constant 7 : i32
    %dma_start3A_170 = arith.constant 7 : i32
    %dma_start3A_171 = arith.constant 0 : i32
    %dma_start3A_172 = arith.constant 0 : i32
    %dma_start3A_173 = tpu.memref_slice %arg7[%dma_start3A_170, %dma_start3A_171, %dma_start3A_172] : memref<8x128x32xf32, #tpu.memory_space<vmem>> -> memref<1x128x32xf32, #tpu.memory_space<vmem>>
    %dma_start3A_174 = tpu.memref_squeeze %dma_start3A_173 : memref<1x128x32xf32, #tpu.memory_space<vmem>> -> memref<128x32xf32, #tpu.memory_space<vmem>>
    %dma_start3A_175 = arith.constant 0 : i32
    %dma_start3A_176 = tpu.memref_slice %arg5[%dma_start3A_169, %dma_start3A_175] : memref<8x128xi32, #tpu.memory_space<vmem>> -> memref<1x128xi32, #tpu.memory_space<vmem>>
    %dma_start3A_177 = tpu.memref_squeeze %dma_start3A_176 : memref<1x128xi32, #tpu.memory_space<vmem>> -> memref<128xi32, #tpu.memory_space<vmem>>
    %dma_start3A_178 = arith.constant 0 : i32
    %dma_start3A_179 = arith.constant 0 : i32
    %dma_start3A_180 = tpu.memref_slice %arg3[%dma_start3A_178, %dma_start3A_179] : memref<1000000x32xf32, #tpu.memory_space<hbm>> -> memref<1000000x32xf32, #tpu.memory_space<hbm>>
    tpu.enqueue_indirect_dma source(%dma_start3A_180 : memref<1000000x32xf32, #tpu.memory_space<hbm>>) target(%dma_start3A_174 : memref<128x32xf32, #tpu.memory_space<vmem>>) offsets(%dma_start3A_177 : memref<128xi32, #tpu.memory_space<vmem>>) semaphore(%arg12 : memref<!tpu.dma_semaphore, #tpu.memory_space<semaphore_mem>>)
    %add3A_181 = arith.constant 2 : i32
    %add3A_182 = arith.addi %select_n3A_30, %add3A_181 : i32
    %mul3A_183 = arith.constant 128 : i32
    %mul3A_184 = arith.muli %mul3A_183, %add3A_182 : i32
    %mul3A_185 = arith.constant 8 : i32
    %mul3A_186 = arith.muli %mul3A_185, %select_n3A_9 : i32
    %add3A_187 = arith.addi %mul3A_184, %mul3A_186 : i32
    %dma_start3A_188 = arith.constant 0 : i32
    %dma_start3A_189 = tpu.memref_slice %arg2[%add3A_187, %dma_start3A_188] : memref<6400x128xi32, #tpu.memory_space<hbm>> -> memref<8x128xi32, #tpu.memory_space<hbm>>
    %dma_start3A_190 = arith.constant 0 : i32
    %dma_start3A_191 = tpu.memref_slice %arg2[%add3A_187, %dma_start3A_190] : memref<6400x128xi32, #tpu.memory_space<hbm>> -> memref<8x128xi32, #tpu.memory_space<hbm>>
    tpu.enqueue_dma source(%dma_start3A_191 : memref<8x128xi32, #tpu.memory_space<hbm>>) target(%arg6 : memref<8x128xi32, #tpu.memory_space<vmem>>) target_semaphore(%arg11 : memref<!tpu.dma_semaphore, #tpu.memory_space<semaphore_mem>>)
    %scan3A = arith.constant 0 : i32
    %scan3A_192 = arith.constant 0 : i32
    %scan3A_193 = arith.constant 12 : i32
    %scan3A_194 = arith.addi %scan3A_192, %scan3A_193 : i32
    %scan3A_195 = arith.constant 1 : i32
    scf.for %scan3A_338 = %scan3A_192 to %scan3A_194 step %scan3A_195  : i32 {
      %mul3A_339 = arith.constant 2 : i32
      %mul3A_340 = arith.muli %mul3A_339, %scan3A_338 : i32
      %eq3A_341 = arith.constant 0 : i32
      %eq3A_342 = arith.cmpi eq, %mul3A_340, %eq3A_341 : i32
      %not3A_343 = arith.constant false
      %not3A_344 = arith.constant true
      %not3A_345 = arith.xori %not3A_343, %not3A_344 : i1
      %convert_element_type3A_346 = arith.extui %not3A_345 : i1 to i32
      %cond3A_347 = arith.constant 0 : i32
      %cond3A_348 = arith.cmpi ne, %convert_element_type3A_346, %cond3A_347 : i32
      scf.if %cond3A_348 {
        %dma_wait3A_620 = arith.constant 0 : i32
        %dma_wait3A_621 = arith.constant 0 : i32
        %dma_wait3A_622 = tpu.memref_slice %arg2[%dma_wait3A_620, %dma_wait3A_621] : memref<6400x128xi32, #tpu.memory_space<hbm>> -> memref<8x128xi32, #tpu.memory_space<hbm>>
        %dma_wait3A_623 = arith.constant 0 : i32
        %dma_wait3A_624 = arith.constant 0 : i32
        %dma_wait3A_625 = tpu.memref_slice %arg2[%dma_wait3A_623, %dma_wait3A_624] : memref<6400x128xi32, #tpu.memory_space<hbm>> -> memref<8x128xi32, #tpu.memory_space<hbm>>
        tpu.wait_dma2 semaphore(%arg11 : memref<!tpu.dma_semaphore, #tpu.memory_space<semaphore_mem>>) src(%dma_wait3A_625 : memref<8x128xi32, #tpu.memory_space<hbm>>) dst(%arg6 : memref<8x128xi32, #tpu.memory_space<vmem>>)
        %dma_start3A_626 = arith.constant 0 : i32
        %dma_start3A_627 = arith.constant 0 : i32
        %dma_start3A_628 = arith.constant 0 : i32
        %dma_start3A_629 = arith.constant 0 : i32
        %dma_start3A_630 = tpu.memref_slice %arg8[%dma_start3A_627, %dma_start3A_628, %dma_start3A_629] : memref<8x128x32xf32, #tpu.memory_space<vmem>> -> memref<1x128x32xf32, #tpu.memory_space<vmem>>
        %dma_start3A_631 = tpu.memref_squeeze %dma_start3A_630 : memref<1x128x32xf32, #tpu.memory_space<vmem>> -> memref<128x32xf32, #tpu.memory_space<vmem>>
        %dma_start3A_632 = arith.constant 0 : i32
        %dma_start3A_633 = tpu.memref_slice %arg6[%dma_start3A_626, %dma_start3A_632] : memref<8x128xi32, #tpu.memory_space<vmem>> -> memref<1x128xi32, #tpu.memory_space<vmem>>
        %dma_start3A_634 = tpu.memref_squeeze %dma_start3A_633 : memref<1x128xi32, #tpu.memory_space<vmem>> -> memref<128xi32, #tpu.memory_space<vmem>>
        %dma_start3A_635 = arith.constant 0 : i32
        %dma_start3A_636 = arith.constant 0 : i32
        %dma_start3A_637 = tpu.memref_slice %arg3[%dma_start3A_635, %dma_start3A_636] : memref<1000000x32xf32, #tpu.memory_space<hbm>> -> memref<1000000x32xf32, #tpu.memory_space<hbm>>
        tpu.enqueue_indirect_dma source(%dma_start3A_637 : memref<1000000x32xf32, #tpu.memory_space<hbm>>) target(%dma_start3A_631 : memref<128x32xf32, #tpu.memory_space<vmem>>) offsets(%dma_start3A_634 : memref<128xi32, #tpu.memory_space<vmem>>) semaphore(%arg13 : memref<!tpu.dma_semaphore, #tpu.memory_space<semaphore_mem>>)
        %dma_start3A_638 = arith.constant 1 : i32
        %dma_start3A_639 = arith.constant 1 : i32
        %dma_start3A_640 = arith.constant 0 : i32
        %dma_start3A_641 = arith.constant 0 : i32
        %dma_start3A_642 = tpu.memref_slice %arg8[%dma_start3A_639, %dma_start3A_640, %dma_start3A_641] : memref<8x128x32xf32, #tpu.memory_space<vmem>> -> memref<1x128x32xf32, #tpu.memory_space<vmem>>
        %dma_start3A_643 = tpu.memref_squeeze %dma_start3A_642 : memref<1x128x32xf32, #tpu.memory_space<vmem>> -> memref<128x32xf32, #tpu.memory_space<vmem>>
        %dma_start3A_644 = arith.constant 0 : i32
        %dma_start3A_645 = tpu.memref_slice %arg6[%dma_start3A_638, %dma_start3A_644] : memref<8x128xi32, #tpu.memory_space<vmem>> -> memref<1x128xi32, #tpu.memory_space<vmem>>
        %dma_start3A_646 = tpu.memref_squeeze %dma_start3A_645 : memref<1x128xi32, #tpu.memory_space<vmem>> -> memref<128xi32, #tpu.memory_space<vmem>>
        %dma_start3A_647 = arith.constant 0 : i32
        %dma_start3A_648 = arith.constant 0 : i32
        %dma_start3A_649 = tpu.memref_slice %arg3[%dma_start3A_647, %dma_start3A_648] : memref<1000000x32xf32, #tpu.memory_space<hbm>> -> memref<1000000x32xf32, #tpu.memory_space<hbm>>
        tpu.enqueue_indirect_dma source(%dma_start3A_649 : memref<1000000x32xf32, #tpu.memory_space<hbm>>) target(%dma_start3A_643 : memref<128x32xf32, #tpu.memory_space<vmem>>) offsets(%dma_start3A_646 : memref<128xi32, #tpu.memory_space<vmem>>) semaphore(%arg13 : memref<!tpu.dma_semaphore, #tpu.memory_space<semaphore_mem>>)
        %dma_start3A_650 = arith.constant 2 : i32
        %dma_start3A_651 = arith.constant 2 : i32
        %dma_start3A_652 = arith.constant 0 : i32
        %dma_start3A_653 = arith.constant 0 : i32
        %dma_start3A_654 = tpu.memref_slice %arg8[%dma_start3A_651, %dma_start3A_652, %dma_start3A_653] : memref<8x128x32xf32, #tpu.memory_space<vmem>> -> memref<1x128x32xf32, #tpu.memory_space<vmem>>
        %dma_start3A_655 = tpu.memref_squeeze %dma_start3A_654 : memref<1x128x32xf32, #tpu.memory_space<vmem>> -> memref<128x32xf32, #tpu.memory_space<vmem>>
        %dma_start3A_656 = arith.constant 0 : i32
        %dma_start3A_657 = tpu.memref_slice %arg6[%dma_start3A_650, %dma_start3A_656] : memref<8x128xi32, #tpu.memory_space<vmem>> -> memref<1x128xi32, #tpu.memory_space<vmem>>
        %dma_start3A_658 = tpu.memref_squeeze %dma_start3A_657 : memref<1x128xi32, #tpu.memory_space<vmem>> -> memref<128xi32, #tpu.memory_space<vmem>>
        %dma_start3A_659 = arith.constant 0 : i32
        %dma_start3A_660 = arith.constant 0 : i32
        %dma_start3A_661 = tpu.memref_slice %arg3[%dma_start3A_659, %dma_start3A_660] : memref<1000000x32xf32, #tpu.memory_space<hbm>> -> memref<1000000x32xf32, #tpu.memory_space<hbm>>
        tpu.enqueue_indirect_dma source(%dma_start3A_661 : memref<1000000x32xf32, #tpu.memory_space<hbm>>) target(%dma_start3A_655 : memref<128x32xf32, #tpu.memory_space<vmem>>) offsets(%dma_start3A_658 : memref<128xi32, #tpu.memory_space<vmem>>) semaphore(%arg13 : memref<!tpu.dma_semaphore, #tpu.memory_space<semaphore_mem>>)
        %dma_start3A_662 = arith.constant 3 : i32
        %dma_start3A_663 = arith.constant 3 : i32
        %dma_start3A_664 = arith.constant 0 : i32
        %dma_start3A_665 = arith.constant 0 : i32
        %dma_start3A_666 = tpu.memref_slice %arg8[%dma_start3A_663, %dma_start3A_664, %dma_start3A_665] : memref<8x128x32xf32, #tpu.memory_space<vmem>> -> memref<1x128x32xf32, #tpu.memory_space<vmem>>
        %dma_start3A_667 = tpu.memref_squeeze %dma_start3A_666 : memref<1x128x32xf32, #tpu.memory_space<vmem>> -> memref<128x32xf32, #tpu.memory_space<vmem>>
        %dma_start3A_668 = arith.constant 0 : i32
        %dma_start3A_669 = tpu.memref_slice %arg6[%dma_start3A_662, %dma_start3A_668] : memref<8x128xi32, #tpu.memory_space<vmem>> -> memref<1x128xi32, #tpu.memory_space<vmem>>
        %dma_start3A_670 = tpu.memref_squeeze %dma_start3A_669 : memref<1x128xi32, #tpu.memory_space<vmem>> -> memref<128xi32, #tpu.memory_space<vmem>>
        %dma_start3A_671 = arith.constant 0 : i32
        %dma_start3A_672 = arith.constant 0 : i32
        %dma_start3A_673 = tpu.memref_slice %arg3[%dma_start3A_671, %dma_start3A_672] : memref<1000000x32xf32, #tpu.memory_space<hbm>> -> memref<1000000x32xf32, #tpu.memory_space<hbm>>
        tpu.enqueue_indirect_dma source(%dma_start3A_673 : memref<1000000x32xf32, #tpu.memory_space<hbm>>) target(%dma_start3A_667 : memref<128x32xf32, #tpu.memory_space<vmem>>) offsets(%dma_start3A_670 : memref<128xi32, #tpu.memory_space<vmem>>) semaphore(%arg13 : memref<!tpu.dma_semaphore, #tpu.memory_space<semaphore_mem>>)
        %dma_start3A_674 = arith.constant 4 : i32
        %dma_start3A_675 = arith.constant 4 : i32
        %dma_start3A_676 = arith.constant 0 : i32
        %dma_start3A_677 = arith.constant 0 : i32
        %dma_start3A_678 = tpu.memref_slice %arg8[%dma_start3A_675, %dma_start3A_676, %dma_start3A_677] : memref<8x128x32xf32, #tpu.memory_space<vmem>> -> memref<1x128x32xf32, #tpu.memory_space<vmem>>
        %dma_start3A_679 = tpu.memref_squeeze %dma_start3A_678 : memref<1x128x32xf32, #tpu.memory_space<vmem>> -> memref<128x32xf32, #tpu.memory_space<vmem>>
        %dma_start3A_680 = arith.constant 0 : i32
        %dma_start3A_681 = tpu.memref_slice %arg6[%dma_start3A_674, %dma_start3A_680] : memref<8x128xi32, #tpu.memory_space<vmem>> -> memref<1x128xi32, #tpu.memory_space<vmem>>
        %dma_start3A_682 = tpu.memref_squeeze %dma_start3A_681 : memref<1x128xi32, #tpu.memory_space<vmem>> -> memref<128xi32, #tpu.memory_space<vmem>>
        %dma_start3A_683 = arith.constant 0 : i32
        %dma_start3A_684 = arith.constant 0 : i32
        %dma_start3A_685 = tpu.memref_slice %arg3[%dma_start3A_683, %dma_start3A_684] : memref<1000000x32xf32, #tpu.memory_space<hbm>> -> memref<1000000x32xf32, #tpu.memory_space<hbm>>
        tpu.enqueue_indirect_dma source(%dma_start3A_685 : memref<1000000x32xf32, #tpu.memory_space<hbm>>) target(%dma_start3A_679 : memref<128x32xf32, #tpu.memory_space<vmem>>) offsets(%dma_start3A_682 : memref<128xi32, #tpu.memory_space<vmem>>) semaphore(%arg13 : memref<!tpu.dma_semaphore, #tpu.memory_space<semaphore_mem>>)
        %dma_start3A_686 = arith.constant 5 : i32
        %dma_start3A_687 = arith.constant 5 : i32
        %dma_start3A_688 = arith.constant 0 : i32
        %dma_start3A_689 = arith.constant 0 : i32
        %dma_start3A_690 = tpu.memref_slice %arg8[%dma_start3A_687, %dma_start3A_688, %dma_start3A_689] : memref<8x128x32xf32, #tpu.memory_space<vmem>> -> memref<1x128x32xf32, #tpu.memory_space<vmem>>
        %dma_start3A_691 = tpu.memref_squeeze %dma_start3A_690 : memref<1x128x32xf32, #tpu.memory_space<vmem>> -> memref<128x32xf32, #tpu.memory_space<vmem>>
        %dma_start3A_692 = arith.constant 0 : i32
        %dma_start3A_693 = tpu.memref_slice %arg6[%dma_start3A_686, %dma_start3A_692] : memref<8x128xi32, #tpu.memory_space<vmem>> -> memref<1x128xi32, #tpu.memory_space<vmem>>
        %dma_start3A_694 = tpu.memref_squeeze %dma_start3A_693 : memref<1x128xi32, #tpu.memory_space<vmem>> -> memref<128xi32, #tpu.memory_space<vmem>>
        %dma_start3A_695 = arith.constant 0 : i32
        %dma_start3A_696 = arith.constant 0 : i32
        %dma_start3A_697 = tpu.memref_slice %arg3[%dma_start3A_695, %dma_start3A_696] : memref<1000000x32xf32, #tpu.memory_space<hbm>> -> memref<1000000x32xf32, #tpu.memory_space<hbm>>
        tpu.enqueue_indirect_dma source(%dma_start3A_697 : memref<1000000x32xf32, #tpu.memory_space<hbm>>) target(%dma_start3A_691 : memref<128x32xf32, #tpu.memory_space<vmem>>) offsets(%dma_start3A_694 : memref<128xi32, #tpu.memory_space<vmem>>) semaphore(%arg13 : memref<!tpu.dma_semaphore, #tpu.memory_space<semaphore_mem>>)
        %dma_start3A_698 = arith.constant 6 : i32
        %dma_start3A_699 = arith.constant 6 : i32
        %dma_start3A_700 = arith.constant 0 : i32
        %dma_start3A_701 = arith.constant 0 : i32
        %dma_start3A_702 = tpu.memref_slice %arg8[%dma_start3A_699, %dma_start3A_700, %dma_start3A_701] : memref<8x128x32xf32, #tpu.memory_space<vmem>> -> memref<1x128x32xf32, #tpu.memory_space<vmem>>
        %dma_start3A_703 = tpu.memref_squeeze %dma_start3A_702 : memref<1x128x32xf32, #tpu.memory_space<vmem>> -> memref<128x32xf32, #tpu.memory_space<vmem>>
        %dma_start3A_704 = arith.constant 0 : i32
        %dma_start3A_705 = tpu.memref_slice %arg6[%dma_start3A_698, %dma_start3A_704] : memref<8x128xi32, #tpu.memory_space<vmem>> -> memref<1x128xi32, #tpu.memory_space<vmem>>
        %dma_start3A_706 = tpu.memref_squeeze %dma_start3A_705 : memref<1x128xi32, #tpu.memory_space<vmem>> -> memref<128xi32, #tpu.memory_space<vmem>>
        %dma_start3A_707 = arith.constant 0 : i32
        %dma_start3A_708 = arith.constant 0 : i32
        %dma_start3A_709 = tpu.memref_slice %arg3[%dma_start3A_707, %dma_start3A_708] : memref<1000000x32xf32, #tpu.memory_space<hbm>> -> memref<1000000x32xf32, #tpu.memory_space<hbm>>
        tpu.enqueue_indirect_dma source(%dma_start3A_709 : memref<1000000x32xf32, #tpu.memory_space<hbm>>) target(%dma_start3A_703 : memref<128x32xf32, #tpu.memory_space<vmem>>) offsets(%dma_start3A_706 : memref<128xi32, #tpu.memory_space<vmem>>) semaphore(%arg13 : memref<!tpu.dma_semaphore, #tpu.memory_space<semaphore_mem>>)
        %dma_start3A_710 = arith.constant 7 : i32
        %dma_start3A_711 = arith.constant 7 : i32
        %dma_start3A_712 = arith.constant 0 : i32
        %dma_start3A_713 = arith.constant 0 : i32
        %dma_start3A_714 = tpu.memref_slice %arg8[%dma_start3A_711, %dma_start3A_712, %dma_start3A_713] : memref<8x128x32xf32, #tpu.memory_space<vmem>> -> memref<1x128x32xf32, #tpu.memory_space<vmem>>
        %dma_start3A_715 = tpu.memref_squeeze %dma_start3A_714 : memref<1x128x32xf32, #tpu.memory_space<vmem>> -> memref<128x32xf32, #tpu.memory_space<vmem>>
        %dma_start3A_716 = arith.constant 0 : i32
        %dma_start3A_717 = tpu.memref_slice %arg6[%dma_start3A_710, %dma_start3A_716] : memref<8x128xi32, #tpu.memory_space<vmem>> -> memref<1x128xi32, #tpu.memory_space<vmem>>
        %dma_start3A_718 = tpu.memref_squeeze %dma_start3A_717 : memref<1x128xi32, #tpu.memory_space<vmem>> -> memref<128xi32, #tpu.memory_space<vmem>>
        %dma_start3A_719 = arith.constant 0 : i32
        %dma_start3A_720 = arith.constant 0 : i32
        %dma_start3A_721 = tpu.memref_slice %arg3[%dma_start3A_719, %dma_start3A_720] : memref<1000000x32xf32, #tpu.memory_space<hbm>> -> memref<1000000x32xf32, #tpu.memory_space<hbm>>
        tpu.enqueue_indirect_dma source(%dma_start3A_721 : memref<1000000x32xf32, #tpu.memory_space<hbm>>) target(%dma_start3A_715 : memref<128x32xf32, #tpu.memory_space<vmem>>) offsets(%dma_start3A_718 : memref<128xi32, #tpu.memory_space<vmem>>) semaphore(%arg13 : memref<!tpu.dma_semaphore, #tpu.memory_space<semaphore_mem>>)
      } else {
      }
      %dma_wait3A_349 = arith.constant 0 : i32
      %dma_wait3A_350 = arith.constant 0 : i32
      %dma_wait3A_351 = arith.constant 0 : i32
      %dma_wait3A_352 = arith.constant 0 : i32
      %dma_wait3A_353 = tpu.memref_slice %arg7[%dma_wait3A_350, %dma_wait3A_351, %dma_wait3A_352] : memref<8x128x32xf32, #tpu.memory_space<vmem>> -> memref<1x128x32xf32, #tpu.memory_space<vmem>>
      %dma_wait3A_354 = tpu.memref_squeeze %dma_wait3A_353 : memref<1x128x32xf32, #tpu.memory_space<vmem>> -> memref<128x32xf32, #tpu.memory_space<vmem>>
      %dma_wait3A_355 = arith.constant 0 : i32
      %dma_wait3A_356 = tpu.memref_slice %arg5[%dma_wait3A_349, %dma_wait3A_355] : memref<8x128xi32, #tpu.memory_space<vmem>> -> memref<1x128xi32, #tpu.memory_space<vmem>>
      %dma_wait3A_357 = tpu.memref_squeeze %dma_wait3A_356 : memref<1x128xi32, #tpu.memory_space<vmem>> -> memref<128xi32, #tpu.memory_space<vmem>>
      %dma_wait3A_358 = arith.constant 0 : i32
      %dma_wait3A_359 = arith.constant 0 : i32
      %dma_wait3A_360 = tpu.memref_slice %arg3[%dma_wait3A_358, %dma_wait3A_359] : memref<1000000x32xf32, #tpu.memory_space<hbm>> -> memref<1000000x32xf32, #tpu.memory_space<hbm>>
      tpu.wait_indirect_dma semaphore(%arg12 : memref<!tpu.dma_semaphore, #tpu.memory_space<semaphore_mem>>) src(%dma_wait3A_360 : memref<1000000x32xf32, #tpu.memory_space<hbm>>) dst(%dma_wait3A_354 : memref<128x32xf32, #tpu.memory_space<vmem>>)
      %dma_wait3A_361 = arith.constant 1 : i32
      %dma_wait3A_362 = arith.constant 1 : i32
      %dma_wait3A_363 = arith.constant 0 : i32
      %dma_wait3A_364 = arith.constant 0 : i32
      %dma_wait3A_365 = tpu.memref_slice %arg7[%dma_wait3A_362, %dma_wait3A_363, %dma_wait3A_364] : memref<8x128x32xf32, #tpu.memory_space<vmem>> -> memref<1x128x32xf32, #tpu.memory_space<vmem>>
      %dma_wait3A_366 = tpu.memref_squeeze %dma_wait3A_365 : memref<1x128x32xf32, #tpu.memory_space<vmem>> -> memref<128x32xf32, #tpu.memory_space<vmem>>
      %dma_wait3A_367 = arith.constant 0 : i32
      %dma_wait3A_368 = tpu.memref_slice %arg5[%dma_wait3A_361, %dma_wait3A_367] : memref<8x128xi32, #tpu.memory_space<vmem>> -> memref<1x128xi32, #tpu.memory_space<vmem>>
      %dma_wait3A_369 = tpu.memref_squeeze %dma_wait3A_368 : memref<1x128xi32, #tpu.memory_space<vmem>> -> memref<128xi32, #tpu.memory_space<vmem>>
      %dma_wait3A_370 = arith.constant 0 : i32
      %dma_wait3A_371 = arith.constant 0 : i32
      %dma_wait3A_372 = tpu.memref_slice %arg3[%dma_wait3A_370, %dma_wait3A_371] : memref<1000000x32xf32, #tpu.memory_space<hbm>> -> memref<1000000x32xf32, #tpu.memory_space<hbm>>
      tpu.wait_indirect_dma semaphore(%arg12 : memref<!tpu.dma_semaphore, #tpu.memory_space<semaphore_mem>>) src(%dma_wait3A_372 : memref<1000000x32xf32, #tpu.memory_space<hbm>>) dst(%dma_wait3A_366 : memref<128x32xf32, #tpu.memory_space<vmem>>)
      %dma_wait3A_373 = arith.constant 2 : i32
      %dma_wait3A_374 = arith.constant 2 : i32
      %dma_wait3A_375 = arith.constant 0 : i32
      %dma_wait3A_376 = arith.constant 0 : i32
      %dma_wait3A_377 = tpu.memref_slice %arg7[%dma_wait3A_374, %dma_wait3A_375, %dma_wait3A_376] : memref<8x128x32xf32, #tpu.memory_space<vmem>> -> memref<1x128x32xf32, #tpu.memory_space<vmem>>
      %dma_wait3A_378 = tpu.memref_squeeze %dma_wait3A_377 : memref<1x128x32xf32, #tpu.memory_space<vmem>> -> memref<128x32xf32, #tpu.memory_space<vmem>>
      %dma_wait3A_379 = arith.constant 0 : i32
      %dma_wait3A_380 = tpu.memref_slice %arg5[%dma_wait3A_373, %dma_wait3A_379] : memref<8x128xi32, #tpu.memory_space<vmem>> -> memref<1x128xi32, #tpu.memory_space<vmem>>
      %dma_wait3A_381 = tpu.memref_squeeze %dma_wait3A_380 : memref<1x128xi32, #tpu.memory_space<vmem>> -> memref<128xi32, #tpu.memory_space<vmem>>
      %dma_wait3A_382 = arith.constant 0 : i32
      %dma_wait3A_383 = arith.constant 0 : i32
      %dma_wait3A_384 = tpu.memref_slice %arg3[%dma_wait3A_382, %dma_wait3A_383] : memref<1000000x32xf32, #tpu.memory_space<hbm>> -> memref<1000000x32xf32, #tpu.memory_space<hbm>>
      tpu.wait_indirect_dma semaphore(%arg12 : memref<!tpu.dma_semaphore, #tpu.memory_space<semaphore_mem>>) src(%dma_wait3A_384 : memref<1000000x32xf32, #tpu.memory_space<hbm>>) dst(%dma_wait3A_378 : memref<128x32xf32, #tpu.memory_space<vmem>>)
      %dma_wait3A_385 = arith.constant 3 : i32
      %dma_wait3A_386 = arith.constant 3 : i32
      %dma_wait3A_387 = arith.constant 0 : i32
      %dma_wait3A_388 = arith.constant 0 : i32
      %dma_wait3A_389 = tpu.memref_slice %arg7[%dma_wait3A_386, %dma_wait3A_387, %dma_wait3A_388] : memref<8x128x32xf32, #tpu.memory_space<vmem>> -> memref<1x128x32xf32, #tpu.memory_space<vmem>>
      %dma_wait3A_390 = tpu.memref_squeeze %dma_wait3A_389 : memref<1x128x32xf32, #tpu.memory_space<vmem>> -> memref<128x32xf32, #tpu.memory_space<vmem>>
      %dma_wait3A_391 = arith.constant 0 : i32
      %dma_wait3A_392 = tpu.memref_slice %arg5[%dma_wait3A_385, %dma_wait3A_391] : memref<8x128xi32, #tpu.memory_space<vmem>> -> memref<1x128xi32, #tpu.memory_space<vmem>>
      %dma_wait3A_393 = tpu.memref_squeeze %dma_wait3A_392 : memref<1x128xi32, #tpu.memory_space<vmem>> -> memref<128xi32, #tpu.memory_space<vmem>>
      %dma_wait3A_394 = arith.constant 0 : i32
      %dma_wait3A_395 = arith.constant 0 : i32
      %dma_wait3A_396 = tpu.memref_slice %arg3[%dma_wait3A_394, %dma_wait3A_395] : memref<1000000x32xf32, #tpu.memory_space<hbm>> -> memref<1000000x32xf32, #tpu.memory_space<hbm>>
      tpu.wait_indirect_dma semaphore(%arg12 : memref<!tpu.dma_semaphore, #tpu.memory_space<semaphore_mem>>) src(%dma_wait3A_396 : memref<1000000x32xf32, #tpu.memory_space<hbm>>) dst(%dma_wait3A_390 : memref<128x32xf32, #tpu.memory_space<vmem>>)
      %dma_wait3A_397 = arith.constant 4 : i32
      %dma_wait3A_398 = arith.constant 4 : i32
      %dma_wait3A_399 = arith.constant 0 : i32
      %dma_wait3A_400 = arith.constant 0 : i32
      %dma_wait3A_401 = tpu.memref_slice %arg7[%dma_wait3A_398, %dma_wait3A_399, %dma_wait3A_400] : memref<8x128x32xf32, #tpu.memory_space<vmem>> -> memref<1x128x32xf32, #tpu.memory_space<vmem>>
      %dma_wait3A_402 = tpu.memref_squeeze %dma_wait3A_401 : memref<1x128x32xf32, #tpu.memory_space<vmem>> -> memref<128x32xf32, #tpu.memory_space<vmem>>
      %dma_wait3A_403 = arith.constant 0 : i32
      %dma_wait3A_404 = tpu.memref_slice %arg5[%dma_wait3A_397, %dma_wait3A_403] : memref<8x128xi32, #tpu.memory_space<vmem>> -> memref<1x128xi32, #tpu.memory_space<vmem>>
      %dma_wait3A_405 = tpu.memref_squeeze %dma_wait3A_404 : memref<1x128xi32, #tpu.memory_space<vmem>> -> memref<128xi32, #tpu.memory_space<vmem>>
      %dma_wait3A_406 = arith.constant 0 : i32
      %dma_wait3A_407 = arith.constant 0 : i32
      %dma_wait3A_408 = tpu.memref_slice %arg3[%dma_wait3A_406, %dma_wait3A_407] : memref<1000000x32xf32, #tpu.memory_space<hbm>> -> memref<1000000x32xf32, #tpu.memory_space<hbm>>
      tpu.wait_indirect_dma semaphore(%arg12 : memref<!tpu.dma_semaphore, #tpu.memory_space<semaphore_mem>>) src(%dma_wait3A_408 : memref<1000000x32xf32, #tpu.memory_space<hbm>>) dst(%dma_wait3A_402 : memref<128x32xf32, #tpu.memory_space<vmem>>)
      %dma_wait3A_409 = arith.constant 5 : i32
      %dma_wait3A_410 = arith.constant 5 : i32
      %dma_wait3A_411 = arith.constant 0 : i32
      %dma_wait3A_412 = arith.constant 0 : i32
      %dma_wait3A_413 = tpu.memref_slice %arg7[%dma_wait3A_410, %dma_wait3A_411, %dma_wait3A_412] : memref<8x128x32xf32, #tpu.memory_space<vmem>> -> memref<1x128x32xf32, #tpu.memory_space<vmem>>
      %dma_wait3A_414 = tpu.memref_squeeze %dma_wait3A_413 : memref<1x128x32xf32, #tpu.memory_space<vmem>> -> memref<128x32xf32, #tpu.memory_space<vmem>>
      %dma_wait3A_415 = arith.constant 0 : i32
      %dma_wait3A_416 = tpu.memref_slice %arg5[%dma_wait3A_409, %dma_wait3A_415] : memref<8x128xi32, #tpu.memory_space<vmem>> -> memref<1x128xi32, #tpu.memory_space<vmem>>
      %dma_wait3A_417 = tpu.memref_squeeze %dma_wait3A_416 : memref<1x128xi32, #tpu.memory_space<vmem>> -> memref<128xi32, #tpu.memory_space<vmem>>
      %dma_wait3A_418 = arith.constant 0 : i32
      %dma_wait3A_419 = arith.constant 0 : i32
      %dma_wait3A_420 = tpu.memref_slice %arg3[%dma_wait3A_418, %dma_wait3A_419] : memref<1000000x32xf32, #tpu.memory_space<hbm>> -> memref<1000000x32xf32, #tpu.memory_space<hbm>>
      tpu.wait_indirect_dma semaphore(%arg12 : memref<!tpu.dma_semaphore, #tpu.memory_space<semaphore_mem>>) src(%dma_wait3A_420 : memref<1000000x32xf32, #tpu.memory_space<hbm>>) dst(%dma_wait3A_414 : memref<128x32xf32, #tpu.memory_space<vmem>>)
      %dma_wait3A_421 = arith.constant 6 : i32
      %dma_wait3A_422 = arith.constant 6 : i32
      %dma_wait3A_423 = arith.constant 0 : i32
      %dma_wait3A_424 = arith.constant 0 : i32
      %dma_wait3A_425 = tpu.memref_slice %arg7[%dma_wait3A_422, %dma_wait3A_423, %dma_wait3A_424] : memref<8x128x32xf32, #tpu.memory_space<vmem>> -> memref<1x128x32xf32, #tpu.memory_space<vmem>>
      %dma_wait3A_426 = tpu.memref_squeeze %dma_wait3A_425 : memref<1x128x32xf32, #tpu.memory_space<vmem>> -> memref<128x32xf32, #tpu.memory_space<vmem>>
      %dma_wait3A_427 = arith.constant 0 : i32
      %dma_wait3A_428 = tpu.memref_slice %arg5[%dma_wait3A_421, %dma_wait3A_427] : memref<8x128xi32, #tpu.memory_space<vmem>> -> memref<1x128xi32, #tpu.memory_space<vmem>>
      %dma_wait3A_429 = tpu.memref_squeeze %dma_wait3A_428 : memref<1x128xi32, #tpu.memory_space<vmem>> -> memref<128xi32, #tpu.memory_space<vmem>>
      %dma_wait3A_430 = arith.constant 0 : i32
      %dma_wait3A_431 = arith.constant 0 : i32
      %dma_wait3A_432 = tpu.memref_slice %arg3[%dma_wait3A_430, %dma_wait3A_431] : memref<1000000x32xf32, #tpu.memory_space<hbm>> -> memref<1000000x32xf32, #tpu.memory_space<hbm>>
      tpu.wait_indirect_dma semaphore(%arg12 : memref<!tpu.dma_semaphore, #tpu.memory_space<semaphore_mem>>) src(%dma_wait3A_432 : memref<1000000x32xf32, #tpu.memory_space<hbm>>) dst(%dma_wait3A_426 : memref<128x32xf32, #tpu.memory_space<vmem>>)
      %dma_wait3A_433 = arith.constant 7 : i32
      %dma_wait3A_434 = arith.constant 7 : i32
      %dma_wait3A_435 = arith.constant 0 : i32
      %dma_wait3A_436 = arith.constant 0 : i32
      %dma_wait3A_437 = tpu.memref_slice %arg7[%dma_wait3A_434, %dma_wait3A_435, %dma_wait3A_436] : memref<8x128x32xf32, #tpu.memory_space<vmem>> -> memref<1x128x32xf32, #tpu.memory_space<vmem>>
      %dma_wait3A_438 = tpu.memref_squeeze %dma_wait3A_437 : memref<1x128x32xf32, #tpu.memory_space<vmem>> -> memref<128x32xf32, #tpu.memory_space<vmem>>
      %dma_wait3A_439 = arith.constant 0 : i32
      %dma_wait3A_440 = tpu.memref_slice %arg5[%dma_wait3A_433, %dma_wait3A_439] : memref<8x128xi32, #tpu.memory_space<vmem>> -> memref<1x128xi32, #tpu.memory_space<vmem>>
      %dma_wait3A_441 = tpu.memref_squeeze %dma_wait3A_440 : memref<1x128xi32, #tpu.memory_space<vmem>> -> memref<128xi32, #tpu.memory_space<vmem>>
      %dma_wait3A_442 = arith.constant 0 : i32
      %dma_wait3A_443 = arith.constant 0 : i32
      %dma_wait3A_444 = tpu.memref_slice %arg3[%dma_wait3A_442, %dma_wait3A_443] : memref<1000000x32xf32, #tpu.memory_space<hbm>> -> memref<1000000x32xf32, #tpu.memory_space<hbm>>
      tpu.wait_indirect_dma semaphore(%arg12 : memref<!tpu.dma_semaphore, #tpu.memory_space<semaphore_mem>>) src(%dma_wait3A_444 : memref<1000000x32xf32, #tpu.memory_space<hbm>>) dst(%dma_wait3A_438 : memref<128x32xf32, #tpu.memory_space<vmem>>)
      %not3A_445 = arith.constant false
      %not3A_446 = arith.constant true
      %not3A_447 = arith.xori %not3A_445, %not3A_446 : i1
      %add3A_448 = arith.constant 2 : i32
      %add3A_449 = arith.addi %mul3A_340, %add3A_448 : i32
      %lt3A_450 = arith.constant 25 : i32
      %lt3A_451 = arith.cmpi slt, %add3A_449, %lt3A_450 : i32
      %and3A_452 = arith.andi %not3A_447, %lt3A_451 : i1
      %convert_element_type3A_453 = arith.extui %and3A_452 : i1 to i32
      %cond3A_454 = arith.constant 0 : i32
      %cond3A_455 = arith.cmpi ne, %convert_element_type3A_453, %cond3A_454 : i32
      scf.if %cond3A_455 {
        %add3A_620 = arith.constant 2 : i32
        %add3A_621 = arith.addi %mul3A_340, %add3A_620 : i32
        %mul3A_622 = arith.constant 2 : i32
        %mul3A_623 = arith.muli %mul3A_622, %add3A_621 : i32
        %add3A_624 = arith.addi %select_n3A_30, %mul3A_623 : i32
        %mul3A_625 = arith.constant 128 : i32
        %mul3A_626 = arith.muli %mul3A_625, %add3A_624 : i32
        %mul3A_627 = arith.constant 8 : i32
        %mul3A_628 = arith.muli %mul3A_627, %select_n3A_9 : i32
        %add3A_629 = arith.addi %mul3A_626, %mul3A_628 : i32
        %dma_start3A_630 = arith.constant 0 : i32
        %dma_start3A_631 = tpu.memref_slice %arg2[%add3A_629, %dma_start3A_630] : memref<6400x128xi32, #tpu.memory_space<hbm>> -> memref<8x128xi32, #tpu.memory_space<hbm>>
        %dma_start3A_632 = arith.constant 0 : i32
        %dma_start3A_633 = tpu.memref_slice %arg2[%add3A_629, %dma_start3A_632] : memref<6400x128xi32, #tpu.memory_space<hbm>> -> memref<8x128xi32, #tpu.memory_space<hbm>>
        tpu.enqueue_dma source(%dma_start3A_633 : memref<8x128xi32, #tpu.memory_space<hbm>>) target(%arg5 : memref<8x128xi32, #tpu.memory_space<vmem>>) target_semaphore(%arg10 : memref<!tpu.dma_semaphore, #tpu.memory_space<semaphore_mem>>)
      } else {
      }
      %not3A_456 = arith.constant true
      %not3A_457 = arith.xori %eq3A_342, %not3A_456 : i1
      %convert_element_type3A_458 = arith.extui %not3A_457 : i1 to i32
      %cond3A_459 = arith.constant 0 : i32
      %cond3A_460 = arith.cmpi ne, %convert_element_type3A_458, %cond3A_459 : i32
      scf.if %cond3A_460 {
        %mul3A_620 = arith.constant 8 : i32
        %mul3A_621 = arith.muli %mul3A_620, %select_n3A_9 : i32
        %dma_wait3A_622 = arith.constant 0 : i32
        %dma_wait3A_623 = arith.constant 0 : i32
        %dma_wait3A_624 = arith.constant 0 : i32
        %dma_wait3A_625 = tpu.memref_slice %arg4[%select_n3A_30, %dma_wait3A_622, %mul3A_621, %dma_wait3A_623, %dma_wait3A_624] : memref<50x4x128x8x128xf32, #tpu.memory_space<hbm>> -> memref<1x4x8x8x128xf32, #tpu.memory_space<hbm>>
        %dma_wait3A_626 = tpu.memref_squeeze %dma_wait3A_625 : memref<1x4x8x8x128xf32, #tpu.memory_space<hbm>> -> memref<4x8x8x128xf32, #tpu.memory_space<hbm>>
        %dma_wait3A_627 = arith.constant 0 : i32
        %dma_wait3A_628 = arith.constant 0 : i32
        %dma_wait3A_629 = arith.constant 0 : i32
        %dma_wait3A_630 = tpu.memref_slice %arg4[%select_n3A_30, %dma_wait3A_627, %mul3A_621, %dma_wait3A_628, %dma_wait3A_629] : memref<50x4x128x8x128xf32, #tpu.memory_space<hbm>> -> memref<1x4x8x8x128xf32, #tpu.memory_space<hbm>>
        %dma_wait3A_631 = tpu.memref_squeeze %dma_wait3A_630 : memref<1x4x8x8x128xf32, #tpu.memory_space<hbm>> -> memref<4x8x8x128xf32, #tpu.memory_space<hbm>>
        tpu.wait_dma2 semaphore(%arg14 : memref<!tpu.dma_semaphore, #tpu.memory_space<semaphore_mem>>) src(%arg9 : memref<4x8x8x128xf32, #tpu.memory_space<vmem>>) dst(%dma_wait3A_631 : memref<4x8x8x128xf32, #tpu.memory_space<hbm>>)
      } else {
      }
      %parallel_loop3A_461 = arith.constant 0 : i32
      %parallel_loop3A_462 = arith.constant 32 : i32
      %parallel_loop3A_463 = arith.constant 1 : i32
      scf.for %parallel_loop3A_620 = %parallel_loop3A_461 to %parallel_loop3A_462 step %parallel_loop3A_463  : i32 {
        %parallel_loop3A_621 = vector.broadcast %parallel_loop3A_620 : i32 to vector<16xi32>
        %parallel_loop3A_622 = arith.addi %parallel_loop3A_621, %iota3A : vector<16xi32>
        %parallel_loop3A_623 = arith.constant 31 : i32
        %parallel_loop3A_624 = vector.broadcast %parallel_loop3A_623 : i32 to vector<16xi32>
        %parallel_loop3A_625 = arith.andi %parallel_loop3A_622, %parallel_loop3A_624 : vector<16xi32>
        %parallel_loop3A_626 = arith.constant 3 : i32
        %parallel_loop3A_627 = vector.broadcast %parallel_loop3A_626 : i32 to vector<16xi32>
        %parallel_loop3A_628 = arith.shrsi %parallel_loop3A_625, %parallel_loop3A_627 : vector<16xi32>
        %parallel_loop3A_629 = arith.constant 7 : i32
        %parallel_loop3A_630 = vector.broadcast %parallel_loop3A_629 : i32 to vector<16xi32>
        %parallel_loop3A_631 = arith.andi %parallel_loop3A_625, %parallel_loop3A_630 : vector<16xi32>
        %parallel_loop3A_632 = tpu.vector_load_idx %arg7[%broadcast_in_dim3A_55, %add3A_33, %parallel_loop3A_625] : memref<8x128x32xf32, #tpu.memory_space<vmem>>[vector<16xi32>, vector<16xi32>, vector<16xi32>], vector<16xf32>,
        tpu.vector_store_idx %arg9[%parallel_loop3A_628, %broadcast_in_dim3A_55, %parallel_loop3A_631, %add3A_33], %parallel_loop3A_632 : memref<4x8x8x128xf32, #tpu.memory_space<vmem>>[vector<16xi32>, vector<16xi32>, vector<16xi32>, vector<16xi32>], vector<16xf32>,
        %parallel_loop3A_633 = tpu.vector_load_idx %arg7[%broadcast_in_dim3A_55, %add3A_36, %parallel_loop3A_625] : memref<8x128x32xf32, #tpu.memory_space<vmem>>[vector<16xi32>, vector<16xi32>, vector<16xi32>], vector<16xf32>,
        tpu.vector_store_idx %arg9[%parallel_loop3A_628, %broadcast_in_dim3A_55, %parallel_loop3A_631, %add3A_36], %parallel_loop3A_633 : memref<4x8x8x128xf32, #tpu.memory_space<vmem>>[vector<16xi32>, vector<16xi32>, vector<16xi32>, vector<16xi32>], vector<16xf32>,
        %parallel_loop3A_634 = tpu.vector_load_idx %arg7[%broadcast_in_dim3A_55, %add3A_39, %parallel_loop3A_625] : memref<8x128x32xf32, #tpu.memory_space<vmem>>[vector<16xi32>, vector<16xi32>, vector<16xi32>], vector<16xf32>,
        tpu.vector_store_idx %arg9[%parallel_loop3A_628, %broadcast_in_dim3A_55, %parallel_loop3A_631, %add3A_39], %parallel_loop3A_634 : memref<4x8x8x128xf32, #tpu.memory_space<vmem>>[vector<16xi32>, vector<16xi32>, vector<16xi32>, vector<16xi32>], vector<16xf32>,
        %parallel_loop3A_635 = tpu.vector_load_idx %arg7[%broadcast_in_dim3A_55, %add3A_42, %parallel_loop3A_625] : memref<8x128x32xf32, #tpu.memory_space<vmem>>[vector<16xi32>, vector<16xi32>, vector<16xi32>], vector<16xf32>,
        tpu.vector_store_idx %arg9[%parallel_loop3A_628, %broadcast_in_dim3A_55, %parallel_loop3A_631, %add3A_42], %parallel_loop3A_635 : memref<4x8x8x128xf32, #tpu.memory_space<vmem>>[vector<16xi32>, vector<16xi32>, vector<16xi32>, vector<16xi32>], vector<16xf32>,
        %parallel_loop3A_636 = tpu.vector_load_idx %arg7[%broadcast_in_dim3A_55, %add3A_45, %parallel_loop3A_625] : memref<8x128x32xf32, #tpu.memory_space<vmem>>[vector<16xi32>, vector<16xi32>, vector<16xi32>], vector<16xf32>,
        tpu.vector_store_idx %arg9[%parallel_loop3A_628, %broadcast_in_dim3A_55, %parallel_loop3A_631, %add3A_45], %parallel_loop3A_636 : memref<4x8x8x128xf32, #tpu.memory_space<vmem>>[vector<16xi32>, vector<16xi32>, vector<16xi32>, vector<16xi32>], vector<16xf32>,
        %parallel_loop3A_637 = tpu.vector_load_idx %arg7[%broadcast_in_dim3A_55, %add3A_48, %parallel_loop3A_625] : memref<8x128x32xf32, #tpu.memory_space<vmem>>[vector<16xi32>, vector<16xi32>, vector<16xi32>], vector<16xf32>,
        tpu.vector_store_idx %arg9[%parallel_loop3A_628, %broadcast_in_dim3A_55, %parallel_loop3A_631, %add3A_48], %parallel_loop3A_637 : memref<4x8x8x128xf32, #tpu.memory_space<vmem>>[vector<16xi32>, vector<16xi32>, vector<16xi32>, vector<16xi32>], vector<16xf32>,
        %parallel_loop3A_638 = tpu.vector_load_idx %arg7[%broadcast_in_dim3A_55, %add3A_51, %parallel_loop3A_625] : memref<8x128x32xf32, #tpu.memory_space<vmem>>[vector<16xi32>, vector<16xi32>, vector<16xi32>], vector<16xf32>,
        tpu.vector_store_idx %arg9[%parallel_loop3A_628, %broadcast_in_dim3A_55, %parallel_loop3A_631, %add3A_51], %parallel_loop3A_638 : memref<4x8x8x128xf32, #tpu.memory_space<vmem>>[vector<16xi32>, vector<16xi32>, vector<16xi32>, vector<16xi32>], vector<16xf32>,
        %parallel_loop3A_639 = tpu.vector_load_idx %arg7[%broadcast_in_dim3A_55, %add3A_54, %parallel_loop3A_625] : memref<8x128x32xf32, #tpu.memory_space<vmem>>[vector<16xi32>, vector<16xi32>, vector<16xi32>], vector<16xf32>,
        tpu.vector_store_idx %arg9[%parallel_loop3A_628, %broadcast_in_dim3A_55, %parallel_loop3A_631, %add3A_54], %parallel_loop3A_639 : memref<4x8x8x128xf32, #tpu.memory_space<vmem>>[vector<16xi32>, vector<16xi32>, vector<16xi32>, vector<16xi32>], vector<16xf32>,
        %parallel_loop3A_640 = tpu.vector_load_idx %arg7[%broadcast_in_dim3A_57, %add3A_33, %parallel_loop3A_625] : memref<8x128x32xf32, #tpu.memory_space<vmem>>[vector<16xi32>, vector<16xi32>, vector<16xi32>], vector<16xf32>,
        tpu.vector_store_idx %arg9[%parallel_loop3A_628, %broadcast_in_dim3A_57, %parallel_loop3A_631, %add3A_33], %parallel_loop3A_640 : memref<4x8x8x128xf32, #tpu.memory_space<vmem>>[vector<16xi32>, vector<16xi32>, vector<16xi32>, vector<16xi32>], vector<16xf32>,
        %parallel_loop3A_641 = tpu.vector_load_idx %arg7[%broadcast_in_dim3A_57, %add3A_36, %parallel_loop3A_625] : memref<8x128x32xf32, #tpu.memory_space<vmem>>[vector<16xi32>, vector<16xi32>, vector<16xi32>], vector<16xf32>,
        tpu.vector_store_idx %arg9[%parallel_loop3A_628, %broadcast_in_dim3A_57, %parallel_loop3A_631, %add3A_36], %parallel_loop3A_641 : memref<4x8x8x128xf32, #tpu.memory_space<vmem>>[vector<16xi32>, vector<16xi32>, vector<16xi32>, vector<16xi32>], vector<16xf32>,
        %parallel_loop3A_642 = tpu.vector_load_idx %arg7[%broadcast_in_dim3A_57, %add3A_39, %parallel_loop3A_625] : memref<8x128x32xf32, #tpu.memory_space<vmem>>[vector<16xi32>, vector<16xi32>, vector<16xi32>], vector<16xf32>,
        tpu.vector_store_idx %arg9[%parallel_loop3A_628, %broadcast_in_dim3A_57, %parallel_loop3A_631, %add3A_39], %parallel_loop3A_642 : memref<4x8x8x128xf32, #tpu.memory_space<vmem>>[vector<16xi32>, vector<16xi32>, vector<16xi32>, vector<16xi32>], vector<16xf32>,
        %parallel_loop3A_643 = tpu.vector_load_idx %arg7[%broadcast_in_dim3A_57, %add3A_42, %parallel_loop3A_625] : memref<8x128x32xf32, #tpu.memory_space<vmem>>[vector<16xi32>, vector<16xi32>, vector<16xi32>], vector<16xf32>,
        tpu.vector_store_idx %arg9[%parallel_loop3A_628, %broadcast_in_dim3A_57, %parallel_loop3A_631, %add3A_42], %parallel_loop3A_643 : memref<4x8x8x128xf32, #tpu.memory_space<vmem>>[vector<16xi32>, vector<16xi32>, vector<16xi32>, vector<16xi32>], vector<16xf32>,
        %parallel_loop3A_644 = tpu.vector_load_idx %arg7[%broadcast_in_dim3A_57, %add3A_45, %parallel_loop3A_625] : memref<8x128x32xf32, #tpu.memory_space<vmem>>[vector<16xi32>, vector<16xi32>, vector<16xi32>], vector<16xf32>,
        tpu.vector_store_idx %arg9[%parallel_loop3A_628, %broadcast_in_dim3A_57, %parallel_loop3A_631, %add3A_45], %parallel_loop3A_644 : memref<4x8x8x128xf32, #tpu.memory_space<vmem>>[vector<16xi32>, vector<16xi32>, vector<16xi32>, vector<16xi32>], vector<16xf32>,
        %parallel_loop3A_645 = tpu.vector_load_idx %arg7[%broadcast_in_dim3A_57, %add3A_48, %parallel_loop3A_625] : memref<8x128x32xf32, #tpu.memory_space<vmem>>[vector<16xi32>, vector<16xi32>, vector<16xi32>], vector<16xf32>,
        tpu.vector_store_idx %arg9[%parallel_loop3A_628, %broadcast_in_dim3A_57, %parallel_loop3A_631, %add3A_48], %parallel_loop3A_645 : memref<4x8x8x128xf32, #tpu.memory_space<vmem>>[vector<16xi32>, vector<16xi32>, vector<16xi32>, vector<16xi32>], vector<16xf32>,
        %parallel_loop3A_646 = tpu.vector_load_idx %arg7[%broadcast_in_dim3A_57, %add3A_51, %parallel_loop3A_625] : memref<8x128x32xf32, #tpu.memory_space<vmem>>[vector<16xi32>, vector<16xi32>, vector<16xi32>], vector<16xf32>,
        tpu.vector_store_idx %arg9[%parallel_loop3A_628, %broadcast_in_dim3A_57, %parallel_loop3A_631, %add3A_51], %parallel_loop3A_646 : memref<4x8x8x128xf32, #tpu.memory_space<vmem>>[vector<16xi32>, vector<16xi32>, vector<16xi32>, vector<16xi32>], vector<16xf32>,
        %parallel_loop3A_647 = tpu.vector_load_idx %arg7[%broadcast_in_dim3A_57, %add3A_54, %parallel_loop3A_625] : memref<8x128x32xf32, #tpu.memory_space<vmem>>[vector<16xi32>, vector<16xi32>, vector<16xi32>], vector<16xf32>,
        tpu.vector_store_idx %arg9[%parallel_loop3A_628, %broadcast_in_dim3A_57, %parallel_loop3A_631, %add3A_54], %parallel_loop3A_647 : memref<4x8x8x128xf32, #tpu.memory_space<vmem>>[vector<16xi32>, vector<16xi32>, vector<16xi32>, vector<16xi32>], vector<16xf32>,
        %parallel_loop3A_648 = tpu.vector_load_idx %arg7[%broadcast_in_dim3A_59, %add3A_33, %parallel_loop3A_625] : memref<8x128x32xf32, #tpu.memory_space<vmem>>[vector<16xi32>, vector<16xi32>, vector<16xi32>], vector<16xf32>,
        tpu.vector_store_idx %arg9[%parallel_loop3A_628, %broadcast_in_dim3A_59, %parallel_loop3A_631, %add3A_33], %parallel_loop3A_648 : memref<4x8x8x128xf32, #tpu.memory_space<vmem>>[vector<16xi32>, vector<16xi32>, vector<16xi32>, vector<16xi32>], vector<16xf32>,
        %parallel_loop3A_649 = tpu.vector_load_idx %arg7[%broadcast_in_dim3A_59, %add3A_36, %parallel_loop3A_625] : memref<8x128x32xf32, #tpu.memory_space<vmem>>[vector<16xi32>, vector<16xi32>, vector<16xi32>], vector<16xf32>,
        tpu.vector_store_idx %arg9[%parallel_loop3A_628, %broadcast_in_dim3A_59, %parallel_loop3A_631, %add3A_36], %parallel_loop3A_649 : memref<4x8x8x128xf32, #tpu.memory_space<vmem>>[vector<16xi32>, vector<16xi32>, vector<16xi32>, vector<16xi32>], vector<16xf32>,
        %parallel_loop3A_650 = tpu.vector_load_idx %arg7[%broadcast_in_dim3A_59, %add3A_39, %parallel_loop3A_625] : memref<8x128x32xf32, #tpu.memory_space<vmem>>[vector<16xi32>, vector<16xi32>, vector<16xi32>], vector<16xf32>,
        tpu.vector_store_idx %arg9[%parallel_loop3A_628, %broadcast_in_dim3A_59, %parallel_loop3A_631, %add3A_39], %parallel_loop3A_650 : memref<4x8x8x128xf32, #tpu.memory_space<vmem>>[vector<16xi32>, vector<16xi32>, vector<16xi32>, vector<16xi32>], vector<16xf32>,
        %parallel_loop3A_651 = tpu.vector_load_idx %arg7[%broadcast_in_dim3A_59, %add3A_42, %parallel_loop3A_625] : memref<8x128x32xf32, #tpu.memory_space<vmem>>[vector<16xi32>, vector<16xi32>, vector<16xi32>], vector<16xf32>,
        tpu.vector_store_idx %arg9[%parallel_loop3A_628, %broadcast_in_dim3A_59, %parallel_loop3A_631, %add3A_42], %parallel_loop3A_651 : memref<4x8x8x128xf32, #tpu.memory_space<vmem>>[vector<16xi32>, vector<16xi32>, vector<16xi32>, vector<16xi32>], vector<16xf32>,
        %parallel_loop3A_652 = tpu.vector_load_idx %arg7[%broadcast_in_dim3A_59, %add3A_45, %parallel_loop3A_625] : memref<8x128x32xf32, #tpu.memory_space<vmem>>[vector<16xi32>, vector<16xi32>, vector<16xi32>], vector<16xf32>,
        tpu.vector_store_idx %arg9[%parallel_loop3A_628, %broadcast_in_dim3A_59, %parallel_loop3A_631, %add3A_45], %parallel_loop3A_652 : memref<4x8x8x128xf32, #tpu.memory_space<vmem>>[vector<16xi32>, vector<16xi32>, vector<16xi32>, vector<16xi32>], vector<16xf32>,
        %parallel_loop3A_653 = tpu.vector_load_idx %arg7[%broadcast_in_dim3A_59, %add3A_48, %parallel_loop3A_625] : memref<8x128x32xf32, #tpu.memory_space<vmem>>[vector<16xi32>, vector<16xi32>, vector<16xi32>], vector<16xf32>,
        tpu.vector_store_idx %arg9[%parallel_loop3A_628, %broadcast_in_dim3A_59, %parallel_loop3A_631, %add3A_48], %parallel_loop3A_653 : memref<4x8x8x128xf32, #tpu.memory_space<vmem>>[vector<16xi32>, vector<16xi32>, vector<16xi32>, vector<16xi32>], vector<16xf32>,
        %parallel_loop3A_654 = tpu.vector_load_idx %arg7[%broadcast_in_dim3A_59, %add3A_51, %parallel_loop3A_625] : memref<8x128x32xf32, #tpu.memory_space<vmem>>[vector<16xi32>, vector<16xi32>, vector<16xi32>], vector<16xf32>,
        tpu.vector_store_idx %arg9[%parallel_loop3A_628, %broadcast_in_dim3A_59, %parallel_loop3A_631, %add3A_51], %parallel_loop3A_654 : memref<4x8x8x128xf32, #tpu.memory_space<vmem>>[vector<16xi32>, vector<16xi32>, vector<16xi32>, vector<16xi32>], vector<16xf32>,
        %parallel_loop3A_655 = tpu.vector_load_idx %arg7[%broadcast_in_dim3A_59, %add3A_54, %parallel_loop3A_625] : memref<8x128x32xf32, #tpu.memory_space<vmem>>[vector<16xi32>, vector<16xi32>, vector<16xi32>], vector<16xf32>,
        tpu.vector_store_idx %arg9[%parallel_loop3A_628, %broadcast_in_dim3A_59, %parallel_loop3A_631, %add3A_54], %parallel_loop3A_655 : memref<4x8x8x128xf32, #tpu.memory_space<vmem>>[vector<16xi32>, vector<16xi32>, vector<16xi32>, vector<16xi32>], vector<16xf32>,
        %parallel_loop3A_656 = tpu.vector_load_idx %arg7[%broadcast_in_dim3A_61, %add3A_33, %parallel_loop3A_625] : memref<8x128x32xf32, #tpu.memory_space<vmem>>[vector<16xi32>, vector<16xi32>, vector<16xi32>], vector<16xf32>,
        tpu.vector_store_idx %arg9[%parallel_loop3A_628, %broadcast_in_dim3A_61, %parallel_loop3A_631, %add3A_33], %parallel_loop3A_656 : memref<4x8x8x128xf32, #tpu.memory_space<vmem>>[vector<16xi32>, vector<16xi32>, vector<16xi32>, vector<16xi32>], vector<16xf32>,
        %parallel_loop3A_657 = tpu.vector_load_idx %arg7[%broadcast_in_dim3A_61, %add3A_36, %parallel_loop3A_625] : memref<8x128x32xf32, #tpu.memory_space<vmem>>[vector<16xi32>, vector<16xi32>, vector<16xi32>], vector<16xf32>,
        tpu.vector_store_idx %arg9[%parallel_loop3A_628, %broadcast_in_dim3A_61, %parallel_loop3A_631, %add3A_36], %parallel_loop3A_657 : memref<4x8x8x128xf32, #tpu.memory_space<vmem>>[vector<16xi32>, vector<16xi32>, vector<16xi32>, vector<16xi32>], vector<16xf32>,
        %parallel_loop3A_658 = tpu.vector_load_idx %arg7[%broadcast_in_dim3A_61, %add3A_39, %parallel_loop3A_625] : memref<8x128x32xf32, #tpu.memory_space<vmem>>[vector<16xi32>, vector<16xi32>, vector<16xi32>], vector<16xf32>,
        tpu.vector_store_idx %arg9[%parallel_loop3A_628, %broadcast_in_dim3A_61, %parallel_loop3A_631, %add3A_39], %parallel_loop3A_658 : memref<4x8x8x128xf32, #tpu.memory_space<vmem>>[vector<16xi32>, vector<16xi32>, vector<16xi32>, vector<16xi32>], vector<16xf32>,
        %parallel_loop3A_659 = tpu.vector_load_idx %arg7[%broadcast_in_dim3A_61, %add3A_42, %parallel_loop3A_625] : memref<8x128x32xf32, #tpu.memory_space<vmem>>[vector<16xi32>, vector<16xi32>, vector<16xi32>], vector<16xf32>,
        tpu.vector_store_idx %arg9[%parallel_loop3A_628, %broadcast_in_dim3A_61, %parallel_loop3A_631, %add3A_42], %parallel_loop3A_659 : memref<4x8x8x128xf32, #tpu.memory_space<vmem>>[vector<16xi32>, vector<16xi32>, vector<16xi32>, vector<16xi32>], vector<16xf32>,
        %parallel_loop3A_660 = tpu.vector_load_idx %arg7[%broadcast_in_dim3A_61, %add3A_45, %parallel_loop3A_625] : memref<8x128x32xf32, #tpu.memory_space<vmem>>[vector<16xi32>, vector<16xi32>, vector<16xi32>], vector<16xf32>,
        tpu.vector_store_idx %arg9[%parallel_loop3A_628, %broadcast_in_dim3A_61, %parallel_loop3A_631, %add3A_45], %parallel_loop3A_660 : memref<4x8x8x128xf32, #tpu.memory_space<vmem>>[vector<16xi32>, vector<16xi32>, vector<16xi32>, vector<16xi32>], vector<16xf32>,
        %parallel_loop3A_661 = tpu.vector_load_idx %arg7[%broadcast_in_dim3A_61, %add3A_48, %parallel_loop3A_625] : memref<8x128x32xf32, #tpu.memory_space<vmem>>[vector<16xi32>, vector<16xi32>, vector<16xi32>], vector<16xf32>,
        tpu.vector_store_idx %arg9[%parallel_loop3A_628, %broadcast_in_dim3A_61, %parallel_loop3A_631, %add3A_48], %parallel_loop3A_661 : memref<4x8x8x128xf32, #tpu.memory_space<vmem>>[vector<16xi32>, vector<16xi32>, vector<16xi32>, vector<16xi32>], vector<16xf32>,
        %parallel_loop3A_662 = tpu.vector_load_idx %arg7[%broadcast_in_dim3A_61, %add3A_51, %parallel_loop3A_625] : memref<8x128x32xf32, #tpu.memory_space<vmem>>[vector<16xi32>, vector<16xi32>, vector<16xi32>], vector<16xf32>,
        tpu.vector_store_idx %arg9[%parallel_loop3A_628, %broadcast_in_dim3A_61, %parallel_loop3A_631, %add3A_51], %parallel_loop3A_662 : memref<4x8x8x128xf32, #tpu.memory_space<vmem>>[vector<16xi32>, vector<16xi32>, vector<16xi32>, vector<16xi32>], vector<16xf32>,
        %parallel_loop3A_663 = tpu.vector_load_idx %arg7[%broadcast_in_dim3A_61, %add3A_54, %parallel_loop3A_625] : memref<8x128x32xf32, #tpu.memory_space<vmem>>[vector<16xi32>, vector<16xi32>, vector<16xi32>], vector<16xf32>,
        tpu.vector_store_idx %arg9[%parallel_loop3A_628, %broadcast_in_dim3A_61, %parallel_loop3A_631, %add3A_54], %parallel_loop3A_663 : memref<4x8x8x128xf32, #tpu.memory_space<vmem>>[vector<16xi32>, vector<16xi32>, vector<16xi32>, vector<16xi32>], vector<16xf32>,
        %parallel_loop3A_664 = tpu.vector_load_idx %arg7[%broadcast_in_dim3A_63, %add3A_33, %parallel_loop3A_625] : memref<8x128x32xf32, #tpu.memory_space<vmem>>[vector<16xi32>, vector<16xi32>, vector<16xi32>], vector<16xf32>,
        tpu.vector_store_idx %arg9[%parallel_loop3A_628, %broadcast_in_dim3A_63, %parallel_loop3A_631, %add3A_33], %parallel_loop3A_664 : memref<4x8x8x128xf32, #tpu.memory_space<vmem>>[vector<16xi32>, vector<16xi32>, vector<16xi32>, vector<16xi32>], vector<16xf32>,
        %parallel_loop3A_665 = tpu.vector_load_idx %arg7[%broadcast_in_dim3A_63, %add3A_36, %parallel_loop3A_625] : memref<8x128x32xf32, #tpu.memory_space<vmem>>[vector<16xi32>, vector<16xi32>, vector<16xi32>], vector<16xf32>,
        tpu.vector_store_idx %arg9[%parallel_loop3A_628, %broadcast_in_dim3A_63, %parallel_loop3A_631, %add3A_36], %parallel_loop3A_665 : memref<4x8x8x128xf32, #tpu.memory_space<vmem>>[vector<16xi32>, vector<16xi32>, vector<16xi32>, vector<16xi32>], vector<16xf32>,
        %parallel_loop3A_666 = tpu.vector_load_idx %arg7[%broadcast_in_dim3A_63, %add3A_39, %parallel_loop3A_625] : memref<8x128x32xf32, #tpu.memory_space<vmem>>[vector<16xi32>, vector<16xi32>, vector<16xi32>], vector<16xf32>,
        tpu.vector_store_idx %arg9[%parallel_loop3A_628, %broadcast_in_dim3A_63, %parallel_loop3A_631, %add3A_39], %parallel_loop3A_666 : memref<4x8x8x128xf32, #tpu.memory_space<vmem>>[vector<16xi32>, vector<16xi32>, vector<16xi32>, vector<16xi32>], vector<16xf32>,
        %parallel_loop3A_667 = tpu.vector_load_idx %arg7[%broadcast_in_dim3A_63, %add3A_42, %parallel_loop3A_625] : memref<8x128x32xf32, #tpu.memory_space<vmem>>[vector<16xi32>, vector<16xi32>, vector<16xi32>], vector<16xf32>,
        tpu.vector_store_idx %arg9[%parallel_loop3A_628, %broadcast_in_dim3A_63, %parallel_loop3A_631, %add3A_42], %parallel_loop3A_667 : memref<4x8x8x128xf32, #tpu.memory_space<vmem>>[vector<16xi32>, vector<16xi32>, vector<16xi32>, vector<16xi32>], vector<16xf32>,
        %parallel_loop3A_668 = tpu.vector_load_idx %arg7[%broadcast_in_dim3A_63, %add3A_45, %parallel_loop3A_625] : memref<8x128x32xf32, #tpu.memory_space<vmem>>[vector<16xi32>, vector<16xi32>, vector<16xi32>], vector<16xf32>,
        tpu.vector_store_idx %arg9[%parallel_loop3A_628, %broadcast_in_dim3A_63, %parallel_loop3A_631, %add3A_45], %parallel_loop3A_668 : memref<4x8x8x128xf32, #tpu.memory_space<vmem>>[vector<16xi32>, vector<16xi32>, vector<16xi32>, vector<16xi32>], vector<16xf32>,
        %parallel_loop3A_669 = tpu.vector_load_idx %arg7[%broadcast_in_dim3A_63, %add3A_48, %parallel_loop3A_625] : memref<8x128x32xf32, #tpu.memory_space<vmem>>[vector<16xi32>, vector<16xi32>, vector<16xi32>], vector<16xf32>,
        tpu.vector_store_idx %arg9[%parallel_loop3A_628, %broadcast_in_dim3A_63, %parallel_loop3A_631, %add3A_48], %parallel_loop3A_669 : memref<4x8x8x128xf32, #tpu.memory_space<vmem>>[vector<16xi32>, vector<16xi32>, vector<16xi32>, vector<16xi32>], vector<16xf32>,
        %parallel_loop3A_670 = tpu.vector_load_idx %arg7[%broadcast_in_dim3A_63, %add3A_51, %parallel_loop3A_625] : memref<8x128x32xf32, #tpu.memory_space<vmem>>[vector<16xi32>, vector<16xi32>, vector<16xi32>], vector<16xf32>,
        tpu.vector_store_idx %arg9[%parallel_loop3A_628, %broadcast_in_dim3A_63, %parallel_loop3A_631, %add3A_51], %parallel_loop3A_670 : memref<4x8x8x128xf32, #tpu.memory_space<vmem>>[vector<16xi32>, vector<16xi32>, vector<16xi32>, vector<16xi32>], vector<16xf32>,
        %parallel_loop3A_671 = tpu.vector_load_idx %arg7[%broadcast_in_dim3A_63, %add3A_54, %parallel_loop3A_625] : memref<8x128x32xf32, #tpu.memory_space<vmem>>[vector<16xi32>, vector<16xi32>, vector<16xi32>], vector<16xf32>,
        tpu.vector_store_idx %arg9[%parallel_loop3A_628, %broadcast_in_dim3A_63, %parallel_loop3A_631, %add3A_54], %parallel_loop3A_671 : memref<4x8x8x128xf32, #tpu.memory_space<vmem>>[vector<16xi32>, vector<16xi32>, vector<16xi32>, vector<16xi32>], vector<16xf32>,
        %parallel_loop3A_672 = tpu.vector_load_idx %arg7[%broadcast_in_dim3A_65, %add3A_33, %parallel_loop3A_625] : memref<8x128x32xf32, #tpu.memory_space<vmem>>[vector<16xi32>, vector<16xi32>, vector<16xi32>], vector<16xf32>,
        tpu.vector_store_idx %arg9[%parallel_loop3A_628, %broadcast_in_dim3A_65, %parallel_loop3A_631, %add3A_33], %parallel_loop3A_672 : memref<4x8x8x128xf32, #tpu.memory_space<vmem>>[vector<16xi32>, vector<16xi32>, vector<16xi32>, vector<16xi32>], vector<16xf32>,
        %parallel_loop3A_673 = tpu.vector_load_idx %arg7[%broadcast_in_dim3A_65, %add3A_36, %parallel_loop3A_625] : memref<8x128x32xf32, #tpu.memory_space<vmem>>[vector<16xi32>, vector<16xi32>, vector<16xi32>], vector<16xf32>,
        tpu.vector_store_idx %arg9[%parallel_loop3A_628, %broadcast_in_dim3A_65, %parallel_loop3A_631, %add3A_36], %parallel_loop3A_673 : memref<4x8x8x128xf32, #tpu.memory_space<vmem>>[vector<16xi32>, vector<16xi32>, vector<16xi32>, vector<16xi32>], vector<16xf32>,
        %parallel_loop3A_674 = tpu.vector_load_idx %arg7[%broadcast_in_dim3A_65, %add3A_39, %parallel_loop3A_625] : memref<8x128x32xf32, #tpu.memory_space<vmem>>[vector<16xi32>, vector<16xi32>, vector<16xi32>], vector<16xf32>,
        tpu.vector_store_idx %arg9[%parallel_loop3A_628, %broadcast_in_dim3A_65, %parallel_loop3A_631, %add3A_39], %parallel_loop3A_674 : memref<4x8x8x128xf32, #tpu.memory_space<vmem>>[vector<16xi32>, vector<16xi32>, vector<16xi32>, vector<16xi32>], vector<16xf32>,
        %parallel_loop3A_675 = tpu.vector_load_idx %arg7[%broadcast_in_dim3A_65, %add3A_42, %parallel_loop3A_625] : memref<8x128x32xf32, #tpu.memory_space<vmem>>[vector<16xi32>, vector<16xi32>, vector<16xi32>], vector<16xf32>,
        tpu.vector_store_idx %arg9[%parallel_loop3A_628, %broadcast_in_dim3A_65, %parallel_loop3A_631, %add3A_42], %parallel_loop3A_675 : memref<4x8x8x128xf32, #tpu.memory_space<vmem>>[vector<16xi32>, vector<16xi32>, vector<16xi32>, vector<16xi32>], vector<16xf32>,
        %parallel_loop3A_676 = tpu.vector_load_idx %arg7[%broadcast_in_dim3A_65, %add3A_45, %parallel_loop3A_625] : memref<8x128x32xf32, #tpu.memory_space<vmem>>[vector<16xi32>, vector<16xi32>, vector<16xi32>], vector<16xf32>,
        tpu.vector_store_idx %arg9[%parallel_loop3A_628, %broadcast_in_dim3A_65, %parallel_loop3A_631, %add3A_45], %parallel_loop3A_676 : memref<4x8x8x128xf32, #tpu.memory_space<vmem>>[vector<16xi32>, vector<16xi32>, vector<16xi32>, vector<16xi32>], vector<16xf32>,
        %parallel_loop3A_677 = tpu.vector_load_idx %arg7[%broadcast_in_dim3A_65, %add3A_48, %parallel_loop3A_625] : memref<8x128x32xf32, #tpu.memory_space<vmem>>[vector<16xi32>, vector<16xi32>, vector<16xi32>], vector<16xf32>,
        tpu.vector_store_idx %arg9[%parallel_loop3A_628, %broadcast_in_dim3A_65, %parallel_loop3A_631, %add3A_48], %parallel_loop3A_677 : memref<4x8x8x128xf32, #tpu.memory_space<vmem>>[vector<16xi32>, vector<16xi32>, vector<16xi32>, vector<16xi32>], vector<16xf32>,
        %parallel_loop3A_678 = tpu.vector_load_idx %arg7[%broadcast_in_dim3A_65, %add3A_51, %parallel_loop3A_625] : memref<8x128x32xf32, #tpu.memory_space<vmem>>[vector<16xi32>, vector<16xi32>, vector<16xi32>], vector<16xf32>,
        tpu.vector_store_idx %arg9[%parallel_loop3A_628, %broadcast_in_dim3A_65, %parallel_loop3A_631, %add3A_51], %parallel_loop3A_678 : memref<4x8x8x128xf32, #tpu.memory_space<vmem>>[vector<16xi32>, vector<16xi32>, vector<16xi32>, vector<16xi32>], vector<16xf32>,
        %parallel_loop3A_679 = tpu.vector_load_idx %arg7[%broadcast_in_dim3A_65, %add3A_54, %parallel_loop3A_625] : memref<8x128x32xf32, #tpu.memory_space<vmem>>[vector<16xi32>, vector<16xi32>, vector<16xi32>], vector<16xf32>,
        tpu.vector_store_idx %arg9[%parallel_loop3A_628, %broadcast_in_dim3A_65, %parallel_loop3A_631, %add3A_54], %parallel_loop3A_679 : memref<4x8x8x128xf32, #tpu.memory_space<vmem>>[vector<16xi32>, vector<16xi32>, vector<16xi32>, vector<16xi32>], vector<16xf32>,
        %parallel_loop3A_680 = tpu.vector_load_idx %arg7[%broadcast_in_dim3A_67, %add3A_33, %parallel_loop3A_625] : memref<8x128x32xf32, #tpu.memory_space<vmem>>[vector<16xi32>, vector<16xi32>, vector<16xi32>], vector<16xf32>,
        tpu.vector_store_idx %arg9[%parallel_loop3A_628, %broadcast_in_dim3A_67, %parallel_loop3A_631, %add3A_33], %parallel_loop3A_680 : memref<4x8x8x128xf32, #tpu.memory_space<vmem>>[vector<16xi32>, vector<16xi32>, vector<16xi32>, vector<16xi32>], vector<16xf32>,
        %parallel_loop3A_681 = tpu.vector_load_idx %arg7[%broadcast_in_dim3A_67, %add3A_36, %parallel_loop3A_625] : memref<8x128x32xf32, #tpu.memory_space<vmem>>[vector<16xi32>, vector<16xi32>, vector<16xi32>], vector<16xf32>,
        tpu.vector_store_idx %arg9[%parallel_loop3A_628, %broadcast_in_dim3A_67, %parallel_loop3A_631, %add3A_36], %parallel_loop3A_681 : memref<4x8x8x128xf32, #tpu.memory_space<vmem>>[vector<16xi32>, vector<16xi32>, vector<16xi32>, vector<16xi32>], vector<16xf32>,
        %parallel_loop3A_682 = tpu.vector_load_idx %arg7[%broadcast_in_dim3A_67, %add3A_39, %parallel_loop3A_625] : memref<8x128x32xf32, #tpu.memory_space<vmem>>[vector<16xi32>, vector<16xi32>, vector<16xi32>], vector<16xf32>,
        tpu.vector_store_idx %arg9[%parallel_loop3A_628, %broadcast_in_dim3A_67, %parallel_loop3A_631, %add3A_39], %parallel_loop3A_682 : memref<4x8x8x128xf32, #tpu.memory_space<vmem>>[vector<16xi32>, vector<16xi32>, vector<16xi32>, vector<16xi32>], vector<16xf32>,
        %parallel_loop3A_683 = tpu.vector_load_idx %arg7[%broadcast_in_dim3A_67, %add3A_42, %parallel_loop3A_625] : memref<8x128x32xf32, #tpu.memory_space<vmem>>[vector<16xi32>, vector<16xi32>, vector<16xi32>], vector<16xf32>,
        tpu.vector_store_idx %arg9[%parallel_loop3A_628, %broadcast_in_dim3A_67, %parallel_loop3A_631, %add3A_42], %parallel_loop3A_683 : memref<4x8x8x128xf32, #tpu.memory_space<vmem>>[vector<16xi32>, vector<16xi32>, vector<16xi32>, vector<16xi32>], vector<16xf32>,
        %parallel_loop3A_684 = tpu.vector_load_idx %arg7[%broadcast_in_dim3A_67, %add3A_45, %parallel_loop3A_625] : memref<8x128x32xf32, #tpu.memory_space<vmem>>[vector<16xi32>, vector<16xi32>, vector<16xi32>], vector<16xf32>,
        tpu.vector_store_idx %arg9[%parallel_loop3A_628, %broadcast_in_dim3A_67, %parallel_loop3A_631, %add3A_45], %parallel_loop3A_684 : memref<4x8x8x128xf32, #tpu.memory_space<vmem>>[vector<16xi32>, vector<16xi32>, vector<16xi32>, vector<16xi32>], vector<16xf32>,
        %parallel_loop3A_685 = tpu.vector_load_idx %arg7[%broadcast_in_dim3A_67, %add3A_48, %parallel_loop3A_625] : memref<8x128x32xf32, #tpu.memory_space<vmem>>[vector<16xi32>, vector<16xi32>, vector<16xi32>], vector<16xf32>,
        tpu.vector_store_idx %arg9[%parallel_loop3A_628, %broadcast_in_dim3A_67, %parallel_loop3A_631, %add3A_48], %parallel_loop3A_685 : memref<4x8x8x128xf32, #tpu.memory_space<vmem>>[vector<16xi32>, vector<16xi32>, vector<16xi32>, vector<16xi32>], vector<16xf32>,
        %parallel_loop3A_686 = tpu.vector_load_idx %arg7[%broadcast_in_dim3A_67, %add3A_51, %parallel_loop3A_625] : memref<8x128x32xf32, #tpu.memory_space<vmem>>[vector<16xi32>, vector<16xi32>, vector<16xi32>], vector<16xf32>,
        tpu.vector_store_idx %arg9[%parallel_loop3A_628, %broadcast_in_dim3A_67, %parallel_loop3A_631, %add3A_51], %parallel_loop3A_686 : memref<4x8x8x128xf32, #tpu.memory_space<vmem>>[vector<16xi32>, vector<16xi32>, vector<16xi32>, vector<16xi32>], vector<16xf32>,
        %parallel_loop3A_687 = tpu.vector_load_idx %arg7[%broadcast_in_dim3A_67, %add3A_54, %parallel_loop3A_625] : memref<8x128x32xf32, #tpu.memory_space<vmem>>[vector<16xi32>, vector<16xi32>, vector<16xi32>], vector<16xf32>,
        tpu.vector_store_idx %arg9[%parallel_loop3A_628, %broadcast_in_dim3A_67, %parallel_loop3A_631, %add3A_54], %parallel_loop3A_687 : memref<4x8x8x128xf32, #tpu.memory_space<vmem>>[vector<16xi32>, vector<16xi32>, vector<16xi32>, vector<16xi32>], vector<16xf32>,
        %parallel_loop3A_688 = tpu.vector_load_idx %arg7[%broadcast_in_dim3A_69, %add3A_33, %parallel_loop3A_625] : memref<8x128x32xf32, #tpu.memory_space<vmem>>[vector<16xi32>, vector<16xi32>, vector<16xi32>], vector<16xf32>,
        tpu.vector_store_idx %arg9[%parallel_loop3A_628, %broadcast_in_dim3A_69, %parallel_loop3A_631, %add3A_33], %parallel_loop3A_688 : memref<4x8x8x128xf32, #tpu.memory_space<vmem>>[vector<16xi32>, vector<16xi32>, vector<16xi32>, vector<16xi32>], vector<16xf32>,
        %parallel_loop3A_689 = tpu.vector_load_idx %arg7[%broadcast_in_dim3A_69, %add3A_36, %parallel_loop3A_625] : memref<8x128x32xf32, #tpu.memory_space<vmem>>[vector<16xi32>, vector<16xi32>, vector<16xi32>], vector<16xf32>,
        tpu.vector_store_idx %arg9[%parallel_loop3A_628, %broadcast_in_dim3A_69, %parallel_loop3A_631, %add3A_36], %parallel_loop3A_689 : memref<4x8x8x128xf32, #tpu.memory_space<vmem>>[vector<16xi32>, vector<16xi32>, vector<16xi32>, vector<16xi32>], vector<16xf32>,
        %parallel_loop3A_690 = tpu.vector_load_idx %arg7[%broadcast_in_dim3A_69, %add3A_39, %parallel_loop3A_625] : memref<8x128x32xf32, #tpu.memory_space<vmem>>[vector<16xi32>, vector<16xi32>, vector<16xi32>], vector<16xf32>,
        tpu.vector_store_idx %arg9[%parallel_loop3A_628, %broadcast_in_dim3A_69, %parallel_loop3A_631, %add3A_39], %parallel_loop3A_690 : memref<4x8x8x128xf32, #tpu.memory_space<vmem>>[vector<16xi32>, vector<16xi32>, vector<16xi32>, vector<16xi32>], vector<16xf32>,
        %parallel_loop3A_691 = tpu.vector_load_idx %arg7[%broadcast_in_dim3A_69, %add3A_42, %parallel_loop3A_625] : memref<8x128x32xf32, #tpu.memory_space<vmem>>[vector<16xi32>, vector<16xi32>, vector<16xi32>], vector<16xf32>,
        tpu.vector_store_idx %arg9[%parallel_loop3A_628, %broadcast_in_dim3A_69, %parallel_loop3A_631, %add3A_42], %parallel_loop3A_691 : memref<4x8x8x128xf32, #tpu.memory_space<vmem>>[vector<16xi32>, vector<16xi32>, vector<16xi32>, vector<16xi32>], vector<16xf32>,
        %parallel_loop3A_692 = tpu.vector_load_idx %arg7[%broadcast_in_dim3A_69, %add3A_45, %parallel_loop3A_625] : memref<8x128x32xf32, #tpu.memory_space<vmem>>[vector<16xi32>, vector<16xi32>, vector<16xi32>], vector<16xf32>,
        tpu.vector_store_idx %arg9[%parallel_loop3A_628, %broadcast_in_dim3A_69, %parallel_loop3A_631, %add3A_45], %parallel_loop3A_692 : memref<4x8x8x128xf32, #tpu.memory_space<vmem>>[vector<16xi32>, vector<16xi32>, vector<16xi32>, vector<16xi32>], vector<16xf32>,
        %parallel_loop3A_693 = tpu.vector_load_idx %arg7[%broadcast_in_dim3A_69, %add3A_48, %parallel_loop3A_625] : memref<8x128x32xf32, #tpu.memory_space<vmem>>[vector<16xi32>, vector<16xi32>, vector<16xi32>], vector<16xf32>,
        tpu.vector_store_idx %arg9[%parallel_loop3A_628, %broadcast_in_dim3A_69, %parallel_loop3A_631, %add3A_48], %parallel_loop3A_693 : memref<4x8x8x128xf32, #tpu.memory_space<vmem>>[vector<16xi32>, vector<16xi32>, vector<16xi32>, vector<16xi32>], vector<16xf32>,
        %parallel_loop3A_694 = tpu.vector_load_idx %arg7[%broadcast_in_dim3A_69, %add3A_51, %parallel_loop3A_625] : memref<8x128x32xf32, #tpu.memory_space<vmem>>[vector<16xi32>, vector<16xi32>, vector<16xi32>], vector<16xf32>,
        tpu.vector_store_idx %arg9[%parallel_loop3A_628, %broadcast_in_dim3A_69, %parallel_loop3A_631, %add3A_51], %parallel_loop3A_694 : memref<4x8x8x128xf32, #tpu.memory_space<vmem>>[vector<16xi32>, vector<16xi32>, vector<16xi32>, vector<16xi32>], vector<16xf32>,
        %parallel_loop3A_695 = tpu.vector_load_idx %arg7[%broadcast_in_dim3A_69, %add3A_54, %parallel_loop3A_625] : memref<8x128x32xf32, #tpu.memory_space<vmem>>[vector<16xi32>, vector<16xi32>, vector<16xi32>], vector<16xf32>,
        tpu.vector_store_idx %arg9[%parallel_loop3A_628, %broadcast_in_dim3A_69, %parallel_loop3A_631, %add3A_54], %parallel_loop3A_695 : memref<4x8x8x128xf32, #tpu.memory_space<vmem>>[vector<16xi32>, vector<16xi32>, vector<16xi32>, vector<16xi32>], vector<16xf32>,
      } {sc.loop_unroll_factor = 4 : i64, sc.parallel_access}
      %mul3A_464 = arith.constant 2 : i32
      %mul3A_465 = arith.muli %mul3A_464, %mul3A_340 : i32
      %add3A_466 = arith.addi %select_n3A_30, %mul3A_465 : i32
      %mul3A_467 = arith.constant 8 : i32
      %mul3A_468 = arith.muli %mul3A_467, %select_n3A_9 : i32
      %dma_start3A_469 = arith.constant 0 : i32
      %dma_start3A_470 = arith.constant 0 : i32
      %dma_start3A_471 = arith.constant 0 : i32
      %dma_start3A_472 = tpu.memref_slice %arg4[%add3A_466, %dma_start3A_469, %mul3A_468, %dma_start3A_470, %dma_start3A_471] : memref<50x4x128x8x128xf32, #tpu.memory_space<hbm>> -> memref<1x4x8x8x128xf32, #tpu.memory_space<hbm>>
      %dma_start3A_473 = tpu.memref_squeeze %dma_start3A_472 : memref<1x4x8x8x128xf32, #tpu.memory_space<hbm>> -> memref<4x8x8x128xf32, #tpu.memory_space<hbm>>
      %dma_start3A_474 = arith.constant 0 : i32
      %dma_start3A_475 = arith.constant 0 : i32
      %dma_start3A_476 = arith.constant 0 : i32
      %dma_start3A_477 = tpu.memref_slice %arg4[%add3A_466, %dma_start3A_474, %mul3A_468, %dma_start3A_475, %dma_start3A_476] : memref<50x4x128x8x128xf32, #tpu.memory_space<hbm>> -> memref<1x4x8x8x128xf32, #tpu.memory_space<hbm>>
      %dma_start3A_478 = tpu.memref_squeeze %dma_start3A_477 : memref<1x4x8x8x128xf32, #tpu.memory_space<hbm>> -> memref<4x8x8x128xf32, #tpu.memory_space<hbm>>
      tpu.enqueue_dma source(%arg9 : memref<4x8x8x128xf32, #tpu.memory_space<vmem>>) target(%dma_start3A_478 : memref<4x8x8x128xf32, #tpu.memory_space<hbm>>) target_semaphore(%arg14 : memref<!tpu.dma_semaphore, #tpu.memory_space<semaphore_mem>>)
      %add3A_479 = arith.constant 1 : i32
      %add3A_480 = arith.addi %mul3A_340, %add3A_479 : i32
      %add3A_481 = arith.constant 1 : i32
      %add3A_482 = arith.addi %mul3A_340, %add3A_481 : i32
      %eq3A_483 = arith.constant 24 : i32
      %eq3A_484 = arith.cmpi eq, %add3A_482, %eq3A_483 : i32
      %not3A_485 = arith.constant true
      %not3A_486 = arith.xori %eq3A_484, %not3A_485 : i1
      %convert_element_type3A_487 = arith.extui %not3A_486 : i1 to i32
      %cond3A_488 = arith.constant 0 : i32
      %cond3A_489 = arith.cmpi ne, %convert_element_type3A_487, %cond3A_488 : i32
      scf.if %cond3A_489 {
        %dma_wait3A_620 = arith.constant 0 : i32
        %dma_wait3A_621 = arith.constant 0 : i32
        %dma_wait3A_622 = tpu.memref_slice %arg2[%dma_wait3A_620, %dma_wait3A_621] : memref<6400x128xi32, #tpu.memory_space<hbm>> -> memref<8x128xi32, #tpu.memory_space<hbm>>
        %dma_wait3A_623 = arith.constant 0 : i32
        %dma_wait3A_624 = arith.constant 0 : i32
        %dma_wait3A_625 = tpu.memref_slice %arg2[%dma_wait3A_623, %dma_wait3A_624] : memref<6400x128xi32, #tpu.memory_space<hbm>> -> memref<8x128xi32, #tpu.memory_space<hbm>>
        tpu.wait_dma2 semaphore(%arg10 : memref<!tpu.dma_semaphore, #tpu.memory_space<semaphore_mem>>) src(%dma_wait3A_625 : memref<8x128xi32, #tpu.memory_space<hbm>>) dst(%arg5 : memref<8x128xi32, #tpu.memory_space<vmem>>)
        %dma_start3A_626 = arith.constant 0 : i32
        %dma_start3A_627 = arith.constant 0 : i32
        %dma_start3A_628 = arith.constant 0 : i32
        %dma_start3A_629 = arith.constant 0 : i32
        %dma_start3A_630 = tpu.memref_slice %arg7[%dma_start3A_627, %dma_start3A_628, %dma_start3A_629] : memref<8x128x32xf32, #tpu.memory_space<vmem>> -> memref<1x128x32xf32, #tpu.memory_space<vmem>>
        %dma_start3A_631 = tpu.memref_squeeze %dma_start3A_630 : memref<1x128x32xf32, #tpu.memory_space<vmem>> -> memref<128x32xf32, #tpu.memory_space<vmem>>
        %dma_start3A_632 = arith.constant 0 : i32
        %dma_start3A_633 = tpu.memref_slice %arg5[%dma_start3A_626, %dma_start3A_632] : memref<8x128xi32, #tpu.memory_space<vmem>> -> memref<1x128xi32, #tpu.memory_space<vmem>>
        %dma_start3A_634 = tpu.memref_squeeze %dma_start3A_633 : memref<1x128xi32, #tpu.memory_space<vmem>> -> memref<128xi32, #tpu.memory_space<vmem>>
        %dma_start3A_635 = arith.constant 0 : i32
        %dma_start3A_636 = arith.constant 0 : i32
        %dma_start3A_637 = tpu.memref_slice %arg3[%dma_start3A_635, %dma_start3A_636] : memref<1000000x32xf32, #tpu.memory_space<hbm>> -> memref<1000000x32xf32, #tpu.memory_space<hbm>>
        tpu.enqueue_indirect_dma source(%dma_start3A_637 : memref<1000000x32xf32, #tpu.memory_space<hbm>>) target(%dma_start3A_631 : memref<128x32xf32, #tpu.memory_space<vmem>>) offsets(%dma_start3A_634 : memref<128xi32, #tpu.memory_space<vmem>>) semaphore(%arg12 : memref<!tpu.dma_semaphore, #tpu.memory_space<semaphore_mem>>)
        %dma_start3A_638 = arith.constant 1 : i32
        %dma_start3A_639 = arith.constant 1 : i32
        %dma_start3A_640 = arith.constant 0 : i32
        %dma_start3A_641 = arith.constant 0 : i32
        %dma_start3A_642 = tpu.memref_slice %arg7[%dma_start3A_639, %dma_start3A_640, %dma_start3A_641] : memref<8x128x32xf32, #tpu.memory_space<vmem>> -> memref<1x128x32xf32, #tpu.memory_space<vmem>>
        %dma_start3A_643 = tpu.memref_squeeze %dma_start3A_642 : memref<1x128x32xf32, #tpu.memory_space<vmem>> -> memref<128x32xf32, #tpu.memory_space<vmem>>
        %dma_start3A_644 = arith.constant 0 : i32
        %dma_start3A_645 = tpu.memref_slice %arg5[%dma_start3A_638, %dma_start3A_644] : memref<8x128xi32, #tpu.memory_space<vmem>> -> memref<1x128xi32, #tpu.memory_space<vmem>>
        %dma_start3A_646 = tpu.memref_squeeze %dma_start3A_645 : memref<1x128xi32, #tpu.memory_space<vmem>> -> memref<128xi32, #tpu.memory_space<vmem>>
        %dma_start3A_647 = arith.constant 0 : i32
        %dma_start3A_648 = arith.constant 0 : i32
        %dma_start3A_649 = tpu.memref_slice %arg3[%dma_start3A_647, %dma_start3A_648] : memref<1000000x32xf32, #tpu.memory_space<hbm>> -> memref<1000000x32xf32, #tpu.memory_space<hbm>>
        tpu.enqueue_indirect_dma source(%dma_start3A_649 : memref<1000000x32xf32, #tpu.memory_space<hbm>>) target(%dma_start3A_643 : memref<128x32xf32, #tpu.memory_space<vmem>>) offsets(%dma_start3A_646 : memref<128xi32, #tpu.memory_space<vmem>>) semaphore(%arg12 : memref<!tpu.dma_semaphore, #tpu.memory_space<semaphore_mem>>)
        %dma_start3A_650 = arith.constant 2 : i32
        %dma_start3A_651 = arith.constant 2 : i32
        %dma_start3A_652 = arith.constant 0 : i32
        %dma_start3A_653 = arith.constant 0 : i32
        %dma_start3A_654 = tpu.memref_slice %arg7[%dma_start3A_651, %dma_start3A_652, %dma_start3A_653] : memref<8x128x32xf32, #tpu.memory_space<vmem>> -> memref<1x128x32xf32, #tpu.memory_space<vmem>>
        %dma_start3A_655 = tpu.memref_squeeze %dma_start3A_654 : memref<1x128x32xf32, #tpu.memory_space<vmem>> -> memref<128x32xf32, #tpu.memory_space<vmem>>
        %dma_start3A_656 = arith.constant 0 : i32
        %dma_start3A_657 = tpu.memref_slice %arg5[%dma_start3A_650, %dma_start3A_656] : memref<8x128xi32, #tpu.memory_space<vmem>> -> memref<1x128xi32, #tpu.memory_space<vmem>>
        %dma_start3A_658 = tpu.memref_squeeze %dma_start3A_657 : memref<1x128xi32, #tpu.memory_space<vmem>> -> memref<128xi32, #tpu.memory_space<vmem>>
        %dma_start3A_659 = arith.constant 0 : i32
        %dma_start3A_660 = arith.constant 0 : i32
        %dma_start3A_661 = tpu.memref_slice %arg3[%dma_start3A_659, %dma_start3A_660] : memref<1000000x32xf32, #tpu.memory_space<hbm>> -> memref<1000000x32xf32, #tpu.memory_space<hbm>>
        tpu.enqueue_indirect_dma source(%dma_start3A_661 : memref<1000000x32xf32, #tpu.memory_space<hbm>>) target(%dma_start3A_655 : memref<128x32xf32, #tpu.memory_space<vmem>>) offsets(%dma_start3A_658 : memref<128xi32, #tpu.memory_space<vmem>>) semaphore(%arg12 : memref<!tpu.dma_semaphore, #tpu.memory_space<semaphore_mem>>)
        %dma_start3A_662 = arith.constant 3 : i32
        %dma_start3A_663 = arith.constant 3 : i32
        %dma_start3A_664 = arith.constant 0 : i32
        %dma_start3A_665 = arith.constant 0 : i32
        %dma_start3A_666 = tpu.memref_slice %arg7[%dma_start3A_663, %dma_start3A_664, %dma_start3A_665] : memref<8x128x32xf32, #tpu.memory_space<vmem>> -> memref<1x128x32xf32, #tpu.memory_space<vmem>>
        %dma_start3A_667 = tpu.memref_squeeze %dma_start3A_666 : memref<1x128x32xf32, #tpu.memory_space<vmem>> -> memref<128x32xf32, #tpu.memory_space<vmem>>
        %dma_start3A_668 = arith.constant 0 : i32
        %dma_start3A_669 = tpu.memref_slice %arg5[%dma_start3A_662, %dma_start3A_668] : memref<8x128xi32, #tpu.memory_space<vmem>> -> memref<1x128xi32, #tpu.memory_space<vmem>>
        %dma_start3A_670 = tpu.memref_squeeze %dma_start3A_669 : memref<1x128xi32, #tpu.memory_space<vmem>> -> memref<128xi32, #tpu.memory_space<vmem>>
        %dma_start3A_671 = arith.constant 0 : i32
        %dma_start3A_672 = arith.constant 0 : i32
        %dma_start3A_673 = tpu.memref_slice %arg3[%dma_start3A_671, %dma_start3A_672] : memref<1000000x32xf32, #tpu.memory_space<hbm>> -> memref<1000000x32xf32, #tpu.memory_space<hbm>>
        tpu.enqueue_indirect_dma source(%dma_start3A_673 : memref<1000000x32xf32, #tpu.memory_space<hbm>>) target(%dma_start3A_667 : memref<128x32xf32, #tpu.memory_space<vmem>>) offsets(%dma_start3A_670 : memref<128xi32, #tpu.memory_space<vmem>>) semaphore(%arg12 : memref<!tpu.dma_semaphore, #tpu.memory_space<semaphore_mem>>)
        %dma_start3A_674 = arith.constant 4 : i32
        %dma_start3A_675 = arith.constant 4 : i32
        %dma_start3A_676 = arith.constant 0 : i32
        %dma_start3A_677 = arith.constant 0 : i32
        %dma_start3A_678 = tpu.memref_slice %arg7[%dma_start3A_675, %dma_start3A_676, %dma_start3A_677] : memref<8x128x32xf32, #tpu.memory_space<vmem>> -> memref<1x128x32xf32, #tpu.memory_space<vmem>>
        %dma_start3A_679 = tpu.memref_squeeze %dma_start3A_678 : memref<1x128x32xf32, #tpu.memory_space<vmem>> -> memref<128x32xf32, #tpu.memory_space<vmem>>
        %dma_start3A_680 = arith.constant 0 : i32
        %dma_start3A_681 = tpu.memref_slice %arg5[%dma_start3A_674, %dma_start3A_680] : memref<8x128xi32, #tpu.memory_space<vmem>> -> memref<1x128xi32, #tpu.memory_space<vmem>>
        %dma_start3A_682 = tpu.memref_squeeze %dma_start3A_681 : memref<1x128xi32, #tpu.memory_space<vmem>> -> memref<128xi32, #tpu.memory_space<vmem>>
        %dma_start3A_683 = arith.constant 0 : i32
        %dma_start3A_684 = arith.constant 0 : i32
        %dma_start3A_685 = tpu.memref_slice %arg3[%dma_start3A_683, %dma_start3A_684] : memref<1000000x32xf32, #tpu.memory_space<hbm>> -> memref<1000000x32xf32, #tpu.memory_space<hbm>>
        tpu.enqueue_indirect_dma source(%dma_start3A_685 : memref<1000000x32xf32, #tpu.memory_space<hbm>>) target(%dma_start3A_679 : memref<128x32xf32, #tpu.memory_space<vmem>>) offsets(%dma_start3A_682 : memref<128xi32, #tpu.memory_space<vmem>>) semaphore(%arg12 : memref<!tpu.dma_semaphore, #tpu.memory_space<semaphore_mem>>)
        %dma_start3A_686 = arith.constant 5 : i32
        %dma_start3A_687 = arith.constant 5 : i32
        %dma_start3A_688 = arith.constant 0 : i32
        %dma_start3A_689 = arith.constant 0 : i32
        %dma_start3A_690 = tpu.memref_slice %arg7[%dma_start3A_687, %dma_start3A_688, %dma_start3A_689] : memref<8x128x32xf32, #tpu.memory_space<vmem>> -> memref<1x128x32xf32, #tpu.memory_space<vmem>>
        %dma_start3A_691 = tpu.memref_squeeze %dma_start3A_690 : memref<1x128x32xf32, #tpu.memory_space<vmem>> -> memref<128x32xf32, #tpu.memory_space<vmem>>
        %dma_start3A_692 = arith.constant 0 : i32
        %dma_start3A_693 = tpu.memref_slice %arg5[%dma_start3A_686, %dma_start3A_692] : memref<8x128xi32, #tpu.memory_space<vmem>> -> memref<1x128xi32, #tpu.memory_space<vmem>>
        %dma_start3A_694 = tpu.memref_squeeze %dma_start3A_693 : memref<1x128xi32, #tpu.memory_space<vmem>> -> memref<128xi32, #tpu.memory_space<vmem>>
        %dma_start3A_695 = arith.constant 0 : i32
        %dma_start3A_696 = arith.constant 0 : i32
        %dma_start3A_697 = tpu.memref_slice %arg3[%dma_start3A_695, %dma_start3A_696] : memref<1000000x32xf32, #tpu.memory_space<hbm>> -> memref<1000000x32xf32, #tpu.memory_space<hbm>>
        tpu.enqueue_indirect_dma source(%dma_start3A_697 : memref<1000000x32xf32, #tpu.memory_space<hbm>>) target(%dma_start3A_691 : memref<128x32xf32, #tpu.memory_space<vmem>>) offsets(%dma_start3A_694 : memref<128xi32, #tpu.memory_space<vmem>>) semaphore(%arg12 : memref<!tpu.dma_semaphore, #tpu.memory_space<semaphore_mem>>)
        %dma_start3A_698 = arith.constant 6 : i32
        %dma_start3A_699 = arith.constant 6 : i32
        %dma_start3A_700 = arith.constant 0 : i32
        %dma_start3A_701 = arith.constant 0 : i32
        %dma_start3A_702 = tpu.memref_slice %arg7[%dma_start3A_699, %dma_start3A_700, %dma_start3A_701] : memref<8x128x32xf32, #tpu.memory_space<vmem>> -> memref<1x128x32xf32, #tpu.memory_space<vmem>>
        %dma_start3A_703 = tpu.memref_squeeze %dma_start3A_702 : memref<1x128x32xf32, #tpu.memory_space<vmem>> -> memref<128x32xf32, #tpu.memory_space<vmem>>
        %dma_start3A_704 = arith.constant 0 : i32
        %dma_start3A_705 = tpu.memref_slice %arg5[%dma_start3A_698, %dma_start3A_704] : memref<8x128xi32, #tpu.memory_space<vmem>> -> memref<1x128xi32, #tpu.memory_space<vmem>>
        %dma_start3A_706 = tpu.memref_squeeze %dma_start3A_705 : memref<1x128xi32, #tpu.memory_space<vmem>> -> memref<128xi32, #tpu.memory_space<vmem>>
        %dma_start3A_707 = arith.constant 0 : i32
        %dma_start3A_708 = arith.constant 0 : i32
        %dma_start3A_709 = tpu.memref_slice %arg3[%dma_start3A_707, %dma_start3A_708] : memref<1000000x32xf32, #tpu.memory_space<hbm>> -> memref<1000000x32xf32, #tpu.memory_space<hbm>>
        tpu.enqueue_indirect_dma source(%dma_start3A_709 : memref<1000000x32xf32, #tpu.memory_space<hbm>>) target(%dma_start3A_703 : memref<128x32xf32, #tpu.memory_space<vmem>>) offsets(%dma_start3A_706 : memref<128xi32, #tpu.memory_space<vmem>>) semaphore(%arg12 : memref<!tpu.dma_semaphore, #tpu.memory_space<semaphore_mem>>)
        %dma_start3A_710 = arith.constant 7 : i32
        %dma_start3A_711 = arith.constant 7 : i32
        %dma_start3A_712 = arith.constant 0 : i32
        %dma_start3A_713 = arith.constant 0 : i32
        %dma_start3A_714 = tpu.memref_slice %arg7[%dma_start3A_711, %dma_start3A_712, %dma_start3A_713] : memref<8x128x32xf32, #tpu.memory_space<vmem>> -> memref<1x128x32xf32, #tpu.memory_space<vmem>>
        %dma_start3A_715 = tpu.memref_squeeze %dma_start3A_714 : memref<1x128x32xf32, #tpu.memory_space<vmem>> -> memref<128x32xf32, #tpu.memory_space<vmem>>
        %dma_start3A_716 = arith.constant 0 : i32
        %dma_start3A_717 = tpu.memref_slice %arg5[%dma_start3A_710, %dma_start3A_716] : memref<8x128xi32, #tpu.memory_space<vmem>> -> memref<1x128xi32, #tpu.memory_space<vmem>>
        %dma_start3A_718 = tpu.memref_squeeze %dma_start3A_717 : memref<1x128xi32, #tpu.memory_space<vmem>> -> memref<128xi32, #tpu.memory_space<vmem>>
        %dma_start3A_719 = arith.constant 0 : i32
        %dma_start3A_720 = arith.constant 0 : i32
        %dma_start3A_721 = tpu.memref_slice %arg3[%dma_start3A_719, %dma_start3A_720] : memref<1000000x32xf32, #tpu.memory_space<hbm>> -> memref<1000000x32xf32, #tpu.memory_space<hbm>>
        tpu.enqueue_indirect_dma source(%dma_start3A_721 : memref<1000000x32xf32, #tpu.memory_space<hbm>>) target(%dma_start3A_715 : memref<128x32xf32, #tpu.memory_space<vmem>>) offsets(%dma_start3A_718 : memref<128xi32, #tpu.memory_space<vmem>>) semaphore(%arg12 : memref<!tpu.dma_semaphore, #tpu.memory_space<semaphore_mem>>)
      } else {
      }
      %dma_wait3A_490 = arith.constant 0 : i32
      %dma_wait3A_491 = arith.constant 0 : i32
      %dma_wait3A_492 = arith.constant 0 : i32
      %dma_wait3A_493 = arith.constant 0 : i32
      %dma_wait3A_494 = tpu.memref_slice %arg8[%dma_wait3A_491, %dma_wait3A_492, %dma_wait3A_493] : memref<8x128x32xf32, #tpu.memory_space<vmem>> -> memref<1x128x32xf32, #tpu.memory_space<vmem>>
      %dma_wait3A_495 = tpu.memref_squeeze %dma_wait3A_494 : memref<1x128x32xf32, #tpu.memory_space<vmem>> -> memref<128x32xf32, #tpu.memory_space<vmem>>
      %dma_wait3A_496 = arith.constant 0 : i32
      %dma_wait3A_497 = tpu.memref_slice %arg6[%dma_wait3A_490, %dma_wait3A_496] : memref<8x128xi32, #tpu.memory_space<vmem>> -> memref<1x128xi32, #tpu.memory_space<vmem>>
      %dma_wait3A_498 = tpu.memref_squeeze %dma_wait3A_497 : memref<1x128xi32, #tpu.memory_space<vmem>> -> memref<128xi32, #tpu.memory_space<vmem>>
      %dma_wait3A_499 = arith.constant 0 : i32
      %dma_wait3A_500 = arith.constant 0 : i32
      %dma_wait3A_501 = tpu.memref_slice %arg3[%dma_wait3A_499, %dma_wait3A_500] : memref<1000000x32xf32, #tpu.memory_space<hbm>> -> memref<1000000x32xf32, #tpu.memory_space<hbm>>
      tpu.wait_indirect_dma semaphore(%arg13 : memref<!tpu.dma_semaphore, #tpu.memory_space<semaphore_mem>>) src(%dma_wait3A_501 : memref<1000000x32xf32, #tpu.memory_space<hbm>>) dst(%dma_wait3A_495 : memref<128x32xf32, #tpu.memory_space<vmem>>)
      %dma_wait3A_502 = arith.constant 1 : i32
      %dma_wait3A_503 = arith.constant 1 : i32
      %dma_wait3A_504 = arith.constant 0 : i32
      %dma_wait3A_505 = arith.constant 0 : i32
      %dma_wait3A_506 = tpu.memref_slice %arg8[%dma_wait3A_503, %dma_wait3A_504, %dma_wait3A_505] : memref<8x128x32xf32, #tpu.memory_space<vmem>> -> memref<1x128x32xf32, #tpu.memory_space<vmem>>
      %dma_wait3A_507 = tpu.memref_squeeze %dma_wait3A_506 : memref<1x128x32xf32, #tpu.memory_space<vmem>> -> memref<128x32xf32, #tpu.memory_space<vmem>>
      %dma_wait3A_508 = arith.constant 0 : i32
      %dma_wait3A_509 = tpu.memref_slice %arg6[%dma_wait3A_502, %dma_wait3A_508] : memref<8x128xi32, #tpu.memory_space<vmem>> -> memref<1x128xi32, #tpu.memory_space<vmem>>
      %dma_wait3A_510 = tpu.memref_squeeze %dma_wait3A_509 : memref<1x128xi32, #tpu.memory_space<vmem>> -> memref<128xi32, #tpu.memory_space<vmem>>
      %dma_wait3A_511 = arith.constant 0 : i32
      %dma_wait3A_512 = arith.constant 0 : i32
      %dma_wait3A_513 = tpu.memref_slice %arg3[%dma_wait3A_511, %dma_wait3A_512] : memref<1000000x32xf32, #tpu.memory_space<hbm>> -> memref<1000000x32xf32, #tpu.memory_space<hbm>>
      tpu.wait_indirect_dma semaphore(%arg13 : memref<!tpu.dma_semaphore, #tpu.memory_space<semaphore_mem>>) src(%dma_wait3A_513 : memref<1000000x32xf32, #tpu.memory_space<hbm>>) dst(%dma_wait3A_507 : memref<128x32xf32, #tpu.memory_space<vmem>>)
      %dma_wait3A_514 = arith.constant 2 : i32
      %dma_wait3A_515 = arith.constant 2 : i32
      %dma_wait3A_516 = arith.constant 0 : i32
      %dma_wait3A_517 = arith.constant 0 : i32
      %dma_wait3A_518 = tpu.memref_slice %arg8[%dma_wait3A_515, %dma_wait3A_516, %dma_wait3A_517] : memref<8x128x32xf32, #tpu.memory_space<vmem>> -> memref<1x128x32xf32, #tpu.memory_space<vmem>>
      %dma_wait3A_519 = tpu.memref_squeeze %dma_wait3A_518 : memref<1x128x32xf32, #tpu.memory_space<vmem>> -> memref<128x32xf32, #tpu.memory_space<vmem>>
      %dma_wait3A_520 = arith.constant 0 : i32
      %dma_wait3A_521 = tpu.memref_slice %arg6[%dma_wait3A_514, %dma_wait3A_520] : memref<8x128xi32, #tpu.memory_space<vmem>> -> memref<1x128xi32, #tpu.memory_space<vmem>>
      %dma_wait3A_522 = tpu.memref_squeeze %dma_wait3A_521 : memref<1x128xi32, #tpu.memory_space<vmem>> -> memref<128xi32, #tpu.memory_space<vmem>>
      %dma_wait3A_523 = arith.constant 0 : i32
      %dma_wait3A_524 = arith.constant 0 : i32
      %dma_wait3A_525 = tpu.memref_slice %arg3[%dma_wait3A_523, %dma_wait3A_524] : memref<1000000x32xf32, #tpu.memory_space<hbm>> -> memref<1000000x32xf32, #tpu.memory_space<hbm>>
      tpu.wait_indirect_dma semaphore(%arg13 : memref<!tpu.dma_semaphore, #tpu.memory_space<semaphore_mem>>) src(%dma_wait3A_525 : memref<1000000x32xf32, #tpu.memory_space<hbm>>) dst(%dma_wait3A_519 : memref<128x32xf32, #tpu.memory_space<vmem>>)
      %dma_wait3A_526 = arith.constant 3 : i32
      %dma_wait3A_527 = arith.constant 3 : i32
      %dma_wait3A_528 = arith.constant 0 : i32
      %dma_wait3A_529 = arith.constant 0 : i32
      %dma_wait3A_530 = tpu.memref_slice %arg8[%dma_wait3A_527, %dma_wait3A_528, %dma_wait3A_529] : memref<8x128x32xf32, #tpu.memory_space<vmem>> -> memref<1x128x32xf32, #tpu.memory_space<vmem>>
      %dma_wait3A_531 = tpu.memref_squeeze %dma_wait3A_530 : memref<1x128x32xf32, #tpu.memory_space<vmem>> -> memref<128x32xf32, #tpu.memory_space<vmem>>
      %dma_wait3A_532 = arith.constant 0 : i32
      %dma_wait3A_533 = tpu.memref_slice %arg6[%dma_wait3A_526, %dma_wait3A_532] : memref<8x128xi32, #tpu.memory_space<vmem>> -> memref<1x128xi32, #tpu.memory_space<vmem>>
      %dma_wait3A_534 = tpu.memref_squeeze %dma_wait3A_533 : memref<1x128xi32, #tpu.memory_space<vmem>> -> memref<128xi32, #tpu.memory_space<vmem>>
      %dma_wait3A_535 = arith.constant 0 : i32
      %dma_wait3A_536 = arith.constant 0 : i32
      %dma_wait3A_537 = tpu.memref_slice %arg3[%dma_wait3A_535, %dma_wait3A_536] : memref<1000000x32xf32, #tpu.memory_space<hbm>> -> memref<1000000x32xf32, #tpu.memory_space<hbm>>
      tpu.wait_indirect_dma semaphore(%arg13 : memref<!tpu.dma_semaphore, #tpu.memory_space<semaphore_mem>>) src(%dma_wait3A_537 : memref<1000000x32xf32, #tpu.memory_space<hbm>>) dst(%dma_wait3A_531 : memref<128x32xf32, #tpu.memory_space<vmem>>)
      %dma_wait3A_538 = arith.constant 4 : i32
      %dma_wait3A_539 = arith.constant 4 : i32
      %dma_wait3A_540 = arith.constant 0 : i32
      %dma_wait3A_541 = arith.constant 0 : i32
      %dma_wait3A_542 = tpu.memref_slice %arg8[%dma_wait3A_539, %dma_wait3A_540, %dma_wait3A_541] : memref<8x128x32xf32, #tpu.memory_space<vmem>> -> memref<1x128x32xf32, #tpu.memory_space<vmem>>
      %dma_wait3A_543 = tpu.memref_squeeze %dma_wait3A_542 : memref<1x128x32xf32, #tpu.memory_space<vmem>> -> memref<128x32xf32, #tpu.memory_space<vmem>>
      %dma_wait3A_544 = arith.constant 0 : i32
      %dma_wait3A_545 = tpu.memref_slice %arg6[%dma_wait3A_538, %dma_wait3A_544] : memref<8x128xi32, #tpu.memory_space<vmem>> -> memref<1x128xi32, #tpu.memory_space<vmem>>
      %dma_wait3A_546 = tpu.memref_squeeze %dma_wait3A_545 : memref<1x128xi32, #tpu.memory_space<vmem>> -> memref<128xi32, #tpu.memory_space<vmem>>
      %dma_wait3A_547 = arith.constant 0 : i32
      %dma_wait3A_548 = arith.constant 0 : i32
      %dma_wait3A_549 = tpu.memref_slice %arg3[%dma_wait3A_547, %dma_wait3A_548] : memref<1000000x32xf32, #tpu.memory_space<hbm>> -> memref<1000000x32xf32, #tpu.memory_space<hbm>>
      tpu.wait_indirect_dma semaphore(%arg13 : memref<!tpu.dma_semaphore, #tpu.memory_space<semaphore_mem>>) src(%dma_wait3A_549 : memref<1000000x32xf32, #tpu.memory_space<hbm>>) dst(%dma_wait3A_543 : memref<128x32xf32, #tpu.memory_space<vmem>>)
      %dma_wait3A_550 = arith.constant 5 : i32
      %dma_wait3A_551 = arith.constant 5 : i32
      %dma_wait3A_552 = arith.constant 0 : i32
      %dma_wait3A_553 = arith.constant 0 : i32
      %dma_wait3A_554 = tpu.memref_slice %arg8[%dma_wait3A_551, %dma_wait3A_552, %dma_wait3A_553] : memref<8x128x32xf32, #tpu.memory_space<vmem>> -> memref<1x128x32xf32, #tpu.memory_space<vmem>>
      %dma_wait3A_555 = tpu.memref_squeeze %dma_wait3A_554 : memref<1x128x32xf32, #tpu.memory_space<vmem>> -> memref<128x32xf32, #tpu.memory_space<vmem>>
      %dma_wait3A_556 = arith.constant 0 : i32
      %dma_wait3A_557 = tpu.memref_slice %arg6[%dma_wait3A_550, %dma_wait3A_556] : memref<8x128xi32, #tpu.memory_space<vmem>> -> memref<1x128xi32, #tpu.memory_space<vmem>>
      %dma_wait3A_558 = tpu.memref_squeeze %dma_wait3A_557 : memref<1x128xi32, #tpu.memory_space<vmem>> -> memref<128xi32, #tpu.memory_space<vmem>>
      %dma_wait3A_559 = arith.constant 0 : i32
      %dma_wait3A_560 = arith.constant 0 : i32
      %dma_wait3A_561 = tpu.memref_slice %arg3[%dma_wait3A_559, %dma_wait3A_560] : memref<1000000x32xf32, #tpu.memory_space<hbm>> -> memref<1000000x32xf32, #tpu.memory_space<hbm>>
      tpu.wait_indirect_dma semaphore(%arg13 : memref<!tpu.dma_semaphore, #tpu.memory_space<semaphore_mem>>) src(%dma_wait3A_561 : memref<1000000x32xf32, #tpu.memory_space<hbm>>) dst(%dma_wait3A_555 : memref<128x32xf32, #tpu.memory_space<vmem>>)
      %dma_wait3A_562 = arith.constant 6 : i32
      %dma_wait3A_563 = arith.constant 6 : i32
      %dma_wait3A_564 = arith.constant 0 : i32
      %dma_wait3A_565 = arith.constant 0 : i32
      %dma_wait3A_566 = tpu.memref_slice %arg8[%dma_wait3A_563, %dma_wait3A_564, %dma_wait3A_565] : memref<8x128x32xf32, #tpu.memory_space<vmem>> -> memref<1x128x32xf32, #tpu.memory_space<vmem>>
      %dma_wait3A_567 = tpu.memref_squeeze %dma_wait3A_566 : memref<1x128x32xf32, #tpu.memory_space<vmem>> -> memref<128x32xf32, #tpu.memory_space<vmem>>
      %dma_wait3A_568 = arith.constant 0 : i32
      %dma_wait3A_569 = tpu.memref_slice %arg6[%dma_wait3A_562, %dma_wait3A_568] : memref<8x128xi32, #tpu.memory_space<vmem>> -> memref<1x128xi32, #tpu.memory_space<vmem>>
      %dma_wait3A_570 = tpu.memref_squeeze %dma_wait3A_569 : memref<1x128xi32, #tpu.memory_space<vmem>> -> memref<128xi32, #tpu.memory_space<vmem>>
      %dma_wait3A_571 = arith.constant 0 : i32
      %dma_wait3A_572 = arith.constant 0 : i32
      %dma_wait3A_573 = tpu.memref_slice %arg3[%dma_wait3A_571, %dma_wait3A_572] : memref<1000000x32xf32, #tpu.memory_space<hbm>> -> memref<1000000x32xf32, #tpu.memory_space<hbm>>
      tpu.wait_indirect_dma semaphore(%arg13 : memref<!tpu.dma_semaphore, #tpu.memory_space<semaphore_mem>>) src(%dma_wait3A_573 : memref<1000000x32xf32, #tpu.memory_space<hbm>>) dst(%dma_wait3A_567 : memref<128x32xf32, #tpu.memory_space<vmem>>)
      %dma_wait3A_574 = arith.constant 7 : i32
      %dma_wait3A_575 = arith.constant 7 : i32
      %dma_wait3A_576 = arith.constant 0 : i32
      %dma_wait3A_577 = arith.constant 0 : i32
      %dma_wait3A_578 = tpu.memref_slice %arg8[%dma_wait3A_575, %dma_wait3A_576, %dma_wait3A_577] : memref<8x128x32xf32, #tpu.memory_space<vmem>> -> memref<1x128x32xf32, #tpu.memory_space<vmem>>
      %dma_wait3A_579 = tpu.memref_squeeze %dma_wait3A_578 : memref<1x128x32xf32, #tpu.memory_space<vmem>> -> memref<128x32xf32, #tpu.memory_space<vmem>>
      %dma_wait3A_580 = arith.constant 0 : i32
      %dma_wait3A_581 = tpu.memref_slice %arg6[%dma_wait3A_574, %dma_wait3A_580] : memref<8x128xi32, #tpu.memory_space<vmem>> -> memref<1x128xi32, #tpu.memory_space<vmem>>
      %dma_wait3A_582 = tpu.memref_squeeze %dma_wait3A_581 : memref<1x128xi32, #tpu.memory_space<vmem>> -> memref<128xi32, #tpu.memory_space<vmem>>
      %dma_wait3A_583 = arith.constant 0 : i32
      %dma_wait3A_584 = arith.constant 0 : i32
      %dma_wait3A_585 = tpu.memref_slice %arg3[%dma_wait3A_583, %dma_wait3A_584] : memref<1000000x32xf32, #tpu.memory_space<hbm>> -> memref<1000000x32xf32, #tpu.memory_space<hbm>>
      tpu.wait_indirect_dma semaphore(%arg13 : memref<!tpu.dma_semaphore, #tpu.memory_space<semaphore_mem>>) src(%dma_wait3A_585 : memref<1000000x32xf32, #tpu.memory_space<hbm>>) dst(%dma_wait3A_579 : memref<128x32xf32, #tpu.memory_space<vmem>>)
      %not3A_586 = arith.constant true
      %not3A_587 = arith.xori %eq3A_484, %not3A_586 : i1
      %add3A_588 = arith.constant 2 : i32
      %add3A_589 = arith.addi %add3A_480, %add3A_588 : i32
      %lt3A_590 = arith.constant 25 : i32
      %lt3A_591 = arith.cmpi slt, %add3A_589, %lt3A_590 : i32
      %and3A_592 = arith.andi %not3A_587, %lt3A_591 : i1
      %convert_element_type3A_593 = arith.extui %and3A_592 : i1 to i32
      %cond3A_594 = arith.constant 0 : i32
      %cond3A_595 = arith.cmpi ne, %convert_element_type3A_593, %cond3A_594 : i32
      scf.if %cond3A_595 {
        %add3A_620 = arith.constant 2 : i32
        %add3A_621 = arith.addi %add3A_480, %add3A_620 : i32
        %mul3A_622 = arith.constant 2 : i32
        %mul3A_623 = arith.muli %mul3A_622, %add3A_621 : i32
        %add3A_624 = arith.addi %select_n3A_30, %mul3A_623 : i32
        %mul3A_625 = arith.constant 128 : i32
        %mul3A_626 = arith.muli %mul3A_625, %add3A_624 : i32
        %mul3A_627 = arith.constant 8 : i32
        %mul3A_628 = arith.muli %mul3A_627, %select_n3A_9 : i32
        %add3A_629 = arith.addi %mul3A_626, %mul3A_628 : i32
        %dma_start3A_630 = arith.constant 0 : i32
        %dma_start3A_631 = tpu.memref_slice %arg2[%add3A_629, %dma_start3A_630] : memref<6400x128xi32, #tpu.memory_space<hbm>> -> memref<8x128xi32, #tpu.memory_space<hbm>>
        %dma_start3A_632 = arith.constant 0 : i32
        %dma_start3A_633 = tpu.memref_slice %arg2[%add3A_629, %dma_start3A_632] : memref<6400x128xi32, #tpu.memory_space<hbm>> -> memref<8x128xi32, #tpu.memory_space<hbm>>
        tpu.enqueue_dma source(%dma_start3A_633 : memref<8x128xi32, #tpu.memory_space<hbm>>) target(%arg6 : memref<8x128xi32, #tpu.memory_space<vmem>>) target_semaphore(%arg11 : memref<!tpu.dma_semaphore, #tpu.memory_space<semaphore_mem>>)
      } else {
      }
      %not3A_596 = arith.constant false
      %not3A_597 = arith.constant true
      %not3A_598 = arith.xori %not3A_596, %not3A_597 : i1
      %convert_element_type3A_599 = arith.extui %not3A_598 : i1 to i32
      %cond3A_600 = arith.constant 0 : i32
      %cond3A_601 = arith.cmpi ne, %convert_element_type3A_599, %cond3A_600 : i32
      scf.if %cond3A_601 {
        %mul3A_620 = arith.constant 8 : i32
        %mul3A_621 = arith.muli %mul3A_620, %select_n3A_9 : i32
        %dma_wait3A_622 = arith.constant 0 : i32
        %dma_wait3A_623 = arith.constant 0 : i32
        %dma_wait3A_624 = arith.constant 0 : i32
        %dma_wait3A_625 = tpu.memref_slice %arg4[%select_n3A_30, %dma_wait3A_622, %mul3A_621, %dma_wait3A_623, %dma_wait3A_624] : memref<50x4x128x8x128xf32, #tpu.memory_space<hbm>> -> memref<1x4x8x8x128xf32, #tpu.memory_space<hbm>>
        %dma_wait3A_626 = tpu.memref_squeeze %dma_wait3A_625 : memref<1x4x8x8x128xf32, #tpu.memory_space<hbm>> -> memref<4x8x8x128xf32, #tpu.memory_space<hbm>>
        %dma_wait3A_627 = arith.constant 0 : i32
        %dma_wait3A_628 = arith.constant 0 : i32
        %dma_wait3A_629 = arith.constant 0 : i32
        %dma_wait3A_630 = tpu.memref_slice %arg4[%select_n3A_30, %dma_wait3A_627, %mul3A_621, %dma_wait3A_628, %dma_wait3A_629] : memref<50x4x128x8x128xf32, #tpu.memory_space<hbm>> -> memref<1x4x8x8x128xf32, #tpu.memory_space<hbm>>
        %dma_wait3A_631 = tpu.memref_squeeze %dma_wait3A_630 : memref<1x4x8x8x128xf32, #tpu.memory_space<hbm>> -> memref<4x8x8x128xf32, #tpu.memory_space<hbm>>
        tpu.wait_dma2 semaphore(%arg14 : memref<!tpu.dma_semaphore, #tpu.memory_space<semaphore_mem>>) src(%arg9 : memref<4x8x8x128xf32, #tpu.memory_space<vmem>>) dst(%dma_wait3A_631 : memref<4x8x8x128xf32, #tpu.memory_space<hbm>>)
      } else {
      }
      %parallel_loop3A_602 = arith.constant 0 : i32
      %parallel_loop3A_603 = arith.constant 32 : i32
      %parallel_loop3A_604 = arith.constant 1 : i32
      scf.for %parallel_loop3A_620 = %parallel_loop3A_602 to %parallel_loop3A_603 step %parallel_loop3A_604  : i32 {
        %parallel_loop3A_621 = vector.broadcast %parallel_loop3A_620 : i32 to vector<16xi32>
        %parallel_loop3A_622 = arith.addi %parallel_loop3A_621, %iota3A : vector<16xi32>
        %parallel_loop3A_623 = arith.constant 31 : i32
        %parallel_loop3A_624 = vector.broadcast %parallel_loop3A_623 : i32 to vector<16xi32>
        %parallel_loop3A_625 = arith.andi %parallel_loop3A_622, %parallel_loop3A_624 : vector<16xi32>
        %parallel_loop3A_626 = arith.constant 3 : i32
        %parallel_loop3A_627 = vector.broadcast %parallel_loop3A_626 : i32 to vector<16xi32>
        %parallel_loop3A_628 = arith.shrsi %parallel_loop3A_625, %parallel_loop3A_627 : vector<16xi32>
        %parallel_loop3A_629 = arith.constant 7 : i32
        %parallel_loop3A_630 = vector.broadcast %parallel_loop3A_629 : i32 to vector<16xi32>
        %parallel_loop3A_631 = arith.andi %parallel_loop3A_625, %parallel_loop3A_630 : vector<16xi32>
        %parallel_loop3A_632 = tpu.vector_load_idx %arg8[%broadcast_in_dim3A_55, %add3A_33, %parallel_loop3A_625] : memref<8x128x32xf32, #tpu.memory_space<vmem>>[vector<16xi32>, vector<16xi32>, vector<16xi32>], vector<16xf32>,
        tpu.vector_store_idx %arg9[%parallel_loop3A_628, %broadcast_in_dim3A_55, %parallel_loop3A_631, %add3A_33], %parallel_loop3A_632 : memref<4x8x8x128xf32, #tpu.memory_space<vmem>>[vector<16xi32>, vector<16xi32>, vector<16xi32>, vector<16xi32>], vector<16xf32>,
        %parallel_loop3A_633 = tpu.vector_load_idx %arg8[%broadcast_in_dim3A_55, %add3A_36, %parallel_loop3A_625] : memref<8x128x32xf32, #tpu.memory_space<vmem>>[vector<16xi32>, vector<16xi32>, vector<16xi32>], vector<16xf32>,
        tpu.vector_store_idx %arg9[%parallel_loop3A_628, %broadcast_in_dim3A_55, %parallel_loop3A_631, %add3A_36], %parallel_loop3A_633 : memref<4x8x8x128xf32, #tpu.memory_space<vmem>>[vector<16xi32>, vector<16xi32>, vector<16xi32>, vector<16xi32>], vector<16xf32>,
        %parallel_loop3A_634 = tpu.vector_load_idx %arg8[%broadcast_in_dim3A_55, %add3A_39, %parallel_loop3A_625] : memref<8x128x32xf32, #tpu.memory_space<vmem>>[vector<16xi32>, vector<16xi32>, vector<16xi32>], vector<16xf32>,
        tpu.vector_store_idx %arg9[%parallel_loop3A_628, %broadcast_in_dim3A_55, %parallel_loop3A_631, %add3A_39], %parallel_loop3A_634 : memref<4x8x8x128xf32, #tpu.memory_space<vmem>>[vector<16xi32>, vector<16xi32>, vector<16xi32>, vector<16xi32>], vector<16xf32>,
        %parallel_loop3A_635 = tpu.vector_load_idx %arg8[%broadcast_in_dim3A_55, %add3A_42, %parallel_loop3A_625] : memref<8x128x32xf32, #tpu.memory_space<vmem>>[vector<16xi32>, vector<16xi32>, vector<16xi32>], vector<16xf32>,
        tpu.vector_store_idx %arg9[%parallel_loop3A_628, %broadcast_in_dim3A_55, %parallel_loop3A_631, %add3A_42], %parallel_loop3A_635 : memref<4x8x8x128xf32, #tpu.memory_space<vmem>>[vector<16xi32>, vector<16xi32>, vector<16xi32>, vector<16xi32>], vector<16xf32>,
        %parallel_loop3A_636 = tpu.vector_load_idx %arg8[%broadcast_in_dim3A_55, %add3A_45, %parallel_loop3A_625] : memref<8x128x32xf32, #tpu.memory_space<vmem>>[vector<16xi32>, vector<16xi32>, vector<16xi32>], vector<16xf32>,
        tpu.vector_store_idx %arg9[%parallel_loop3A_628, %broadcast_in_dim3A_55, %parallel_loop3A_631, %add3A_45], %parallel_loop3A_636 : memref<4x8x8x128xf32, #tpu.memory_space<vmem>>[vector<16xi32>, vector<16xi32>, vector<16xi32>, vector<16xi32>], vector<16xf32>,
        %parallel_loop3A_637 = tpu.vector_load_idx %arg8[%broadcast_in_dim3A_55, %add3A_48, %parallel_loop3A_625] : memref<8x128x32xf32, #tpu.memory_space<vmem>>[vector<16xi32>, vector<16xi32>, vector<16xi32>], vector<16xf32>,
        tpu.vector_store_idx %arg9[%parallel_loop3A_628, %broadcast_in_dim3A_55, %parallel_loop3A_631, %add3A_48], %parallel_loop3A_637 : memref<4x8x8x128xf32, #tpu.memory_space<vmem>>[vector<16xi32>, vector<16xi32>, vector<16xi32>, vector<16xi32>], vector<16xf32>,
        %parallel_loop3A_638 = tpu.vector_load_idx %arg8[%broadcast_in_dim3A_55, %add3A_51, %parallel_loop3A_625] : memref<8x128x32xf32, #tpu.memory_space<vmem>>[vector<16xi32>, vector<16xi32>, vector<16xi32>], vector<16xf32>,
        tpu.vector_store_idx %arg9[%parallel_loop3A_628, %broadcast_in_dim3A_55, %parallel_loop3A_631, %add3A_51], %parallel_loop3A_638 : memref<4x8x8x128xf32, #tpu.memory_space<vmem>>[vector<16xi32>, vector<16xi32>, vector<16xi32>, vector<16xi32>], vector<16xf32>,
        %parallel_loop3A_639 = tpu.vector_load_idx %arg8[%broadcast_in_dim3A_55, %add3A_54, %parallel_loop3A_625] : memref<8x128x32xf32, #tpu.memory_space<vmem>>[vector<16xi32>, vector<16xi32>, vector<16xi32>], vector<16xf32>,
        tpu.vector_store_idx %arg9[%parallel_loop3A_628, %broadcast_in_dim3A_55, %parallel_loop3A_631, %add3A_54], %parallel_loop3A_639 : memref<4x8x8x128xf32, #tpu.memory_space<vmem>>[vector<16xi32>, vector<16xi32>, vector<16xi32>, vector<16xi32>], vector<16xf32>,
        %parallel_loop3A_640 = tpu.vector_load_idx %arg8[%broadcast_in_dim3A_57, %add3A_33, %parallel_loop3A_625] : memref<8x128x32xf32, #tpu.memory_space<vmem>>[vector<16xi32>, vector<16xi32>, vector<16xi32>], vector<16xf32>,
        tpu.vector_store_idx %arg9[%parallel_loop3A_628, %broadcast_in_dim3A_57, %parallel_loop3A_631, %add3A_33], %parallel_loop3A_640 : memref<4x8x8x128xf32, #tpu.memory_space<vmem>>[vector<16xi32>, vector<16xi32>, vector<16xi32>, vector<16xi32>], vector<16xf32>,
        %parallel_loop3A_641 = tpu.vector_load_idx %arg8[%broadcast_in_dim3A_57, %add3A_36, %parallel_loop3A_625] : memref<8x128x32xf32, #tpu.memory_space<vmem>>[vector<16xi32>, vector<16xi32>, vector<16xi32>], vector<16xf32>,
        tpu.vector_store_idx %arg9[%parallel_loop3A_628, %broadcast_in_dim3A_57, %parallel_loop3A_631, %add3A_36], %parallel_loop3A_641 : memref<4x8x8x128xf32, #tpu.memory_space<vmem>>[vector<16xi32>, vector<16xi32>, vector<16xi32>, vector<16xi32>], vector<16xf32>,
        %parallel_loop3A_642 = tpu.vector_load_idx %arg8[%broadcast_in_dim3A_57, %add3A_39, %parallel_loop3A_625] : memref<8x128x32xf32, #tpu.memory_space<vmem>>[vector<16xi32>, vector<16xi32>, vector<16xi32>], vector<16xf32>,
        tpu.vector_store_idx %arg9[%parallel_loop3A_628, %broadcast_in_dim3A_57, %parallel_loop3A_631, %add3A_39], %parallel_loop3A_642 : memref<4x8x8x128xf32, #tpu.memory_space<vmem>>[vector<16xi32>, vector<16xi32>, vector<16xi32>, vector<16xi32>], vector<16xf32>,
        %parallel_loop3A_643 = tpu.vector_load_idx %arg8[%broadcast_in_dim3A_57, %add3A_42, %parallel_loop3A_625] : memref<8x128x32xf32, #tpu.memory_space<vmem>>[vector<16xi32>, vector<16xi32>, vector<16xi32>], vector<16xf32>,
        tpu.vector_store_idx %arg9[%parallel_loop3A_628, %broadcast_in_dim3A_57, %parallel_loop3A_631, %add3A_42], %parallel_loop3A_643 : memref<4x8x8x128xf32, #tpu.memory_space<vmem>>[vector<16xi32>, vector<16xi32>, vector<16xi32>, vector<16xi32>], vector<16xf32>,
        %parallel_loop3A_644 = tpu.vector_load_idx %arg8[%broadcast_in_dim3A_57, %add3A_45, %parallel_loop3A_625] : memref<8x128x32xf32, #tpu.memory_space<vmem>>[vector<16xi32>, vector<16xi32>, vector<16xi32>], vector<16xf32>,
        tpu.vector_store_idx %arg9[%parallel_loop3A_628, %broadcast_in_dim3A_57, %parallel_loop3A_631, %add3A_45], %parallel_loop3A_644 : memref<4x8x8x128xf32, #tpu.memory_space<vmem>>[vector<16xi32>, vector<16xi32>, vector<16xi32>, vector<16xi32>], vector<16xf32>,
        %parallel_loop3A_645 = tpu.vector_load_idx %arg8[%broadcast_in_dim3A_57, %add3A_48, %parallel_loop3A_625] : memref<8x128x32xf32, #tpu.memory_space<vmem>>[vector<16xi32>, vector<16xi32>, vector<16xi32>], vector<16xf32>,
        tpu.vector_store_idx %arg9[%parallel_loop3A_628, %broadcast_in_dim3A_57, %parallel_loop3A_631, %add3A_48], %parallel_loop3A_645 : memref<4x8x8x128xf32, #tpu.memory_space<vmem>>[vector<16xi32>, vector<16xi32>, vector<16xi32>, vector<16xi32>], vector<16xf32>,
        %parallel_loop3A_646 = tpu.vector_load_idx %arg8[%broadcast_in_dim3A_57, %add3A_51, %parallel_loop3A_625] : memref<8x128x32xf32, #tpu.memory_space<vmem>>[vector<16xi32>, vector<16xi32>, vector<16xi32>], vector<16xf32>,
        tpu.vector_store_idx %arg9[%parallel_loop3A_628, %broadcast_in_dim3A_57, %parallel_loop3A_631, %add3A_51], %parallel_loop3A_646 : memref<4x8x8x128xf32, #tpu.memory_space<vmem>>[vector<16xi32>, vector<16xi32>, vector<16xi32>, vector<16xi32>], vector<16xf32>,
        %parallel_loop3A_647 = tpu.vector_load_idx %arg8[%broadcast_in_dim3A_57, %add3A_54, %parallel_loop3A_625] : memref<8x128x32xf32, #tpu.memory_space<vmem>>[vector<16xi32>, vector<16xi32>, vector<16xi32>], vector<16xf32>,
        tpu.vector_store_idx %arg9[%parallel_loop3A_628, %broadcast_in_dim3A_57, %parallel_loop3A_631, %add3A_54], %parallel_loop3A_647 : memref<4x8x8x128xf32, #tpu.memory_space<vmem>>[vector<16xi32>, vector<16xi32>, vector<16xi32>, vector<16xi32>], vector<16xf32>,
        %parallel_loop3A_648 = tpu.vector_load_idx %arg8[%broadcast_in_dim3A_59, %add3A_33, %parallel_loop3A_625] : memref<8x128x32xf32, #tpu.memory_space<vmem>>[vector<16xi32>, vector<16xi32>, vector<16xi32>], vector<16xf32>,
        tpu.vector_store_idx %arg9[%parallel_loop3A_628, %broadcast_in_dim3A_59, %parallel_loop3A_631, %add3A_33], %parallel_loop3A_648 : memref<4x8x8x128xf32, #tpu.memory_space<vmem>>[vector<16xi32>, vector<16xi32>, vector<16xi32>, vector<16xi32>], vector<16xf32>,
        %parallel_loop3A_649 = tpu.vector_load_idx %arg8[%broadcast_in_dim3A_59, %add3A_36, %parallel_loop3A_625] : memref<8x128x32xf32, #tpu.memory_space<vmem>>[vector<16xi32>, vector<16xi32>, vector<16xi32>], vector<16xf32>,
        tpu.vector_store_idx %arg9[%parallel_loop3A_628, %broadcast_in_dim3A_59, %parallel_loop3A_631, %add3A_36], %parallel_loop3A_649 : memref<4x8x8x128xf32, #tpu.memory_space<vmem>>[vector<16xi32>, vector<16xi32>, vector<16xi32>, vector<16xi32>], vector<16xf32>,
        %parallel_loop3A_650 = tpu.vector_load_idx %arg8[%broadcast_in_dim3A_59, %add3A_39, %parallel_loop3A_625] : memref<8x128x32xf32, #tpu.memory_space<vmem>>[vector<16xi32>, vector<16xi32>, vector<16xi32>], vector<16xf32>,
        tpu.vector_store_idx %arg9[%parallel_loop3A_628, %broadcast_in_dim3A_59, %parallel_loop3A_631, %add3A_39], %parallel_loop3A_650 : memref<4x8x8x128xf32, #tpu.memory_space<vmem>>[vector<16xi32>, vector<16xi32>, vector<16xi32>, vector<16xi32>], vector<16xf32>,
        %parallel_loop3A_651 = tpu.vector_load_idx %arg8[%broadcast_in_dim3A_59, %add3A_42, %parallel_loop3A_625] : memref<8x128x32xf32, #tpu.memory_space<vmem>>[vector<16xi32>, vector<16xi32>, vector<16xi32>], vector<16xf32>,
        tpu.vector_store_idx %arg9[%parallel_loop3A_628, %broadcast_in_dim3A_59, %parallel_loop3A_631, %add3A_42], %parallel_loop3A_651 : memref<4x8x8x128xf32, #tpu.memory_space<vmem>>[vector<16xi32>, vector<16xi32>, vector<16xi32>, vector<16xi32>], vector<16xf32>,
        %parallel_loop3A_652 = tpu.vector_load_idx %arg8[%broadcast_in_dim3A_59, %add3A_45, %parallel_loop3A_625] : memref<8x128x32xf32, #tpu.memory_space<vmem>>[vector<16xi32>, vector<16xi32>, vector<16xi32>], vector<16xf32>,
        tpu.vector_store_idx %arg9[%parallel_loop3A_628, %broadcast_in_dim3A_59, %parallel_loop3A_631, %add3A_45], %parallel_loop3A_652 : memref<4x8x8x128xf32, #tpu.memory_space<vmem>>[vector<16xi32>, vector<16xi32>, vector<16xi32>, vector<16xi32>], vector<16xf32>,
        %parallel_loop3A_653 = tpu.vector_load_idx %arg8[%broadcast_in_dim3A_59, %add3A_48, %parallel_loop3A_625] : memref<8x128x32xf32, #tpu.memory_space<vmem>>[vector<16xi32>, vector<16xi32>, vector<16xi32>], vector<16xf32>,
        tpu.vector_store_idx %arg9[%parallel_loop3A_628, %broadcast_in_dim3A_59, %parallel_loop3A_631, %add3A_48], %parallel_loop3A_653 : memref<4x8x8x128xf32, #tpu.memory_space<vmem>>[vector<16xi32>, vector<16xi32>, vector<16xi32>, vector<16xi32>], vector<16xf32>,
        %parallel_loop3A_654 = tpu.vector_load_idx %arg8[%broadcast_in_dim3A_59, %add3A_51, %parallel_loop3A_625] : memref<8x128x32xf32, #tpu.memory_space<vmem>>[vector<16xi32>, vector<16xi32>, vector<16xi32>], vector<16xf32>,
        tpu.vector_store_idx %arg9[%parallel_loop3A_628, %broadcast_in_dim3A_59, %parallel_loop3A_631, %add3A_51], %parallel_loop3A_654 : memref<4x8x8x128xf32, #tpu.memory_space<vmem>>[vector<16xi32>, vector<16xi32>, vector<16xi32>, vector<16xi32>], vector<16xf32>,
        %parallel_loop3A_655 = tpu.vector_load_idx %arg8[%broadcast_in_dim3A_59, %add3A_54, %parallel_loop3A_625] : memref<8x128x32xf32, #tpu.memory_space<vmem>>[vector<16xi32>, vector<16xi32>, vector<16xi32>], vector<16xf32>,
        tpu.vector_store_idx %arg9[%parallel_loop3A_628, %broadcast_in_dim3A_59, %parallel_loop3A_631, %add3A_54], %parallel_loop3A_655 : memref<4x8x8x128xf32, #tpu.memory_space<vmem>>[vector<16xi32>, vector<16xi32>, vector<16xi32>, vector<16xi32>], vector<16xf32>,
        %parallel_loop3A_656 = tpu.vector_load_idx %arg8[%broadcast_in_dim3A_61, %add3A_33, %parallel_loop3A_625] : memref<8x128x32xf32, #tpu.memory_space<vmem>>[vector<16xi32>, vector<16xi32>, vector<16xi32>], vector<16xf32>,
        tpu.vector_store_idx %arg9[%parallel_loop3A_628, %broadcast_in_dim3A_61, %parallel_loop3A_631, %add3A_33], %parallel_loop3A_656 : memref<4x8x8x128xf32, #tpu.memory_space<vmem>>[vector<16xi32>, vector<16xi32>, vector<16xi32>, vector<16xi32>], vector<16xf32>,
        %parallel_loop3A_657 = tpu.vector_load_idx %arg8[%broadcast_in_dim3A_61, %add3A_36, %parallel_loop3A_625] : memref<8x128x32xf32, #tpu.memory_space<vmem>>[vector<16xi32>, vector<16xi32>, vector<16xi32>], vector<16xf32>,
        tpu.vector_store_idx %arg9[%parallel_loop3A_628, %broadcast_in_dim3A_61, %parallel_loop3A_631, %add3A_36], %parallel_loop3A_657 : memref<4x8x8x128xf32, #tpu.memory_space<vmem>>[vector<16xi32>, vector<16xi32>, vector<16xi32>, vector<16xi32>], vector<16xf32>,
        %parallel_loop3A_658 = tpu.vector_load_idx %arg8[%broadcast_in_dim3A_61, %add3A_39, %parallel_loop3A_625] : memref<8x128x32xf32, #tpu.memory_space<vmem>>[vector<16xi32>, vector<16xi32>, vector<16xi32>], vector<16xf32>,
        tpu.vector_store_idx %arg9[%parallel_loop3A_628, %broadcast_in_dim3A_61, %parallel_loop3A_631, %add3A_39], %parallel_loop3A_658 : memref<4x8x8x128xf32, #tpu.memory_space<vmem>>[vector<16xi32>, vector<16xi32>, vector<16xi32>, vector<16xi32>], vector<16xf32>,
        %parallel_loop3A_659 = tpu.vector_load_idx %arg8[%broadcast_in_dim3A_61, %add3A_42, %parallel_loop3A_625] : memref<8x128x32xf32, #tpu.memory_space<vmem>>[vector<16xi32>, vector<16xi32>, vector<16xi32>], vector<16xf32>,
        tpu.vector_store_idx %arg9[%parallel_loop3A_628, %broadcast_in_dim3A_61, %parallel_loop3A_631, %add3A_42], %parallel_loop3A_659 : memref<4x8x8x128xf32, #tpu.memory_space<vmem>>[vector<16xi32>, vector<16xi32>, vector<16xi32>, vector<16xi32>], vector<16xf32>,
        %parallel_loop3A_660 = tpu.vector_load_idx %arg8[%broadcast_in_dim3A_61, %add3A_45, %parallel_loop3A_625] : memref<8x128x32xf32, #tpu.memory_space<vmem>>[vector<16xi32>, vector<16xi32>, vector<16xi32>], vector<16xf32>,
        tpu.vector_store_idx %arg9[%parallel_loop3A_628, %broadcast_in_dim3A_61, %parallel_loop3A_631, %add3A_45], %parallel_loop3A_660 : memref<4x8x8x128xf32, #tpu.memory_space<vmem>>[vector<16xi32>, vector<16xi32>, vector<16xi32>, vector<16xi32>], vector<16xf32>,
        %parallel_loop3A_661 = tpu.vector_load_idx %arg8[%broadcast_in_dim3A_61, %add3A_48, %parallel_loop3A_625] : memref<8x128x32xf32, #tpu.memory_space<vmem>>[vector<16xi32>, vector<16xi32>, vector<16xi32>], vector<16xf32>,
        tpu.vector_store_idx %arg9[%parallel_loop3A_628, %broadcast_in_dim3A_61, %parallel_loop3A_631, %add3A_48], %parallel_loop3A_661 : memref<4x8x8x128xf32, #tpu.memory_space<vmem>>[vector<16xi32>, vector<16xi32>, vector<16xi32>, vector<16xi32>], vector<16xf32>,
        %parallel_loop3A_662 = tpu.vector_load_idx %arg8[%broadcast_in_dim3A_61, %add3A_51, %parallel_loop3A_625] : memref<8x128x32xf32, #tpu.memory_space<vmem>>[vector<16xi32>, vector<16xi32>, vector<16xi32>], vector<16xf32>,
        tpu.vector_store_idx %arg9[%parallel_loop3A_628, %broadcast_in_dim3A_61, %parallel_loop3A_631, %add3A_51], %parallel_loop3A_662 : memref<4x8x8x128xf32, #tpu.memory_space<vmem>>[vector<16xi32>, vector<16xi32>, vector<16xi32>, vector<16xi32>], vector<16xf32>,
        %parallel_loop3A_663 = tpu.vector_load_idx %arg8[%broadcast_in_dim3A_61, %add3A_54, %parallel_loop3A_625] : memref<8x128x32xf32, #tpu.memory_space<vmem>>[vector<16xi32>, vector<16xi32>, vector<16xi32>], vector<16xf32>,
        tpu.vector_store_idx %arg9[%parallel_loop3A_628, %broadcast_in_dim3A_61, %parallel_loop3A_631, %add3A_54], %parallel_loop3A_663 : memref<4x8x8x128xf32, #tpu.memory_space<vmem>>[vector<16xi32>, vector<16xi32>, vector<16xi32>, vector<16xi32>], vector<16xf32>,
        %parallel_loop3A_664 = tpu.vector_load_idx %arg8[%broadcast_in_dim3A_63, %add3A_33, %parallel_loop3A_625] : memref<8x128x32xf32, #tpu.memory_space<vmem>>[vector<16xi32>, vector<16xi32>, vector<16xi32>], vector<16xf32>,
        tpu.vector_store_idx %arg9[%parallel_loop3A_628, %broadcast_in_dim3A_63, %parallel_loop3A_631, %add3A_33], %parallel_loop3A_664 : memref<4x8x8x128xf32, #tpu.memory_space<vmem>>[vector<16xi32>, vector<16xi32>, vector<16xi32>, vector<16xi32>], vector<16xf32>,
        %parallel_loop3A_665 = tpu.vector_load_idx %arg8[%broadcast_in_dim3A_63, %add3A_36, %parallel_loop3A_625] : memref<8x128x32xf32, #tpu.memory_space<vmem>>[vector<16xi32>, vector<16xi32>, vector<16xi32>], vector<16xf32>,
        tpu.vector_store_idx %arg9[%parallel_loop3A_628, %broadcast_in_dim3A_63, %parallel_loop3A_631, %add3A_36], %parallel_loop3A_665 : memref<4x8x8x128xf32, #tpu.memory_space<vmem>>[vector<16xi32>, vector<16xi32>, vector<16xi32>, vector<16xi32>], vector<16xf32>,
        %parallel_loop3A_666 = tpu.vector_load_idx %arg8[%broadcast_in_dim3A_63, %add3A_39, %parallel_loop3A_625] : memref<8x128x32xf32, #tpu.memory_space<vmem>>[vector<16xi32>, vector<16xi32>, vector<16xi32>], vector<16xf32>,
        tpu.vector_store_idx %arg9[%parallel_loop3A_628, %broadcast_in_dim3A_63, %parallel_loop3A_631, %add3A_39], %parallel_loop3A_666 : memref<4x8x8x128xf32, #tpu.memory_space<vmem>>[vector<16xi32>, vector<16xi32>, vector<16xi32>, vector<16xi32>], vector<16xf32>,
        %parallel_loop3A_667 = tpu.vector_load_idx %arg8[%broadcast_in_dim3A_63, %add3A_42, %parallel_loop3A_625] : memref<8x128x32xf32, #tpu.memory_space<vmem>>[vector<16xi32>, vector<16xi32>, vector<16xi32>], vector<16xf32>,
        tpu.vector_store_idx %arg9[%parallel_loop3A_628, %broadcast_in_dim3A_63, %parallel_loop3A_631, %add3A_42], %parallel_loop3A_667 : memref<4x8x8x128xf32, #tpu.memory_space<vmem>>[vector<16xi32>, vector<16xi32>, vector<16xi32>, vector<16xi32>], vector<16xf32>,
        %parallel_loop3A_668 = tpu.vector_load_idx %arg8[%broadcast_in_dim3A_63, %add3A_45, %parallel_loop3A_625] : memref<8x128x32xf32, #tpu.memory_space<vmem>>[vector<16xi32>, vector<16xi32>, vector<16xi32>], vector<16xf32>,
        tpu.vector_store_idx %arg9[%parallel_loop3A_628, %broadcast_in_dim3A_63, %parallel_loop3A_631, %add3A_45], %parallel_loop3A_668 : memref<4x8x8x128xf32, #tpu.memory_space<vmem>>[vector<16xi32>, vector<16xi32>, vector<16xi32>, vector<16xi32>], vector<16xf32>,
        %parallel_loop3A_669 = tpu.vector_load_idx %arg8[%broadcast_in_dim3A_63, %add3A_48, %parallel_loop3A_625] : memref<8x128x32xf32, #tpu.memory_space<vmem>>[vector<16xi32>, vector<16xi32>, vector<16xi32>], vector<16xf32>,
        tpu.vector_store_idx %arg9[%parallel_loop3A_628, %broadcast_in_dim3A_63, %parallel_loop3A_631, %add3A_48], %parallel_loop3A_669 : memref<4x8x8x128xf32, #tpu.memory_space<vmem>>[vector<16xi32>, vector<16xi32>, vector<16xi32>, vector<16xi32>], vector<16xf32>,
        %parallel_loop3A_670 = tpu.vector_load_idx %arg8[%broadcast_in_dim3A_63, %add3A_51, %parallel_loop3A_625] : memref<8x128x32xf32, #tpu.memory_space<vmem>>[vector<16xi32>, vector<16xi32>, vector<16xi32>], vector<16xf32>,
        tpu.vector_store_idx %arg9[%parallel_loop3A_628, %broadcast_in_dim3A_63, %parallel_loop3A_631, %add3A_51], %parallel_loop3A_670 : memref<4x8x8x128xf32, #tpu.memory_space<vmem>>[vector<16xi32>, vector<16xi32>, vector<16xi32>, vector<16xi32>], vector<16xf32>,
        %parallel_loop3A_671 = tpu.vector_load_idx %arg8[%broadcast_in_dim3A_63, %add3A_54, %parallel_loop3A_625] : memref<8x128x32xf32, #tpu.memory_space<vmem>>[vector<16xi32>, vector<16xi32>, vector<16xi32>], vector<16xf32>,
        tpu.vector_store_idx %arg9[%parallel_loop3A_628, %broadcast_in_dim3A_63, %parallel_loop3A_631, %add3A_54], %parallel_loop3A_671 : memref<4x8x8x128xf32, #tpu.memory_space<vmem>>[vector<16xi32>, vector<16xi32>, vector<16xi32>, vector<16xi32>], vector<16xf32>,
        %parallel_loop3A_672 = tpu.vector_load_idx %arg8[%broadcast_in_dim3A_65, %add3A_33, %parallel_loop3A_625] : memref<8x128x32xf32, #tpu.memory_space<vmem>>[vector<16xi32>, vector<16xi32>, vector<16xi32>], vector<16xf32>,
        tpu.vector_store_idx %arg9[%parallel_loop3A_628, %broadcast_in_dim3A_65, %parallel_loop3A_631, %add3A_33], %parallel_loop3A_672 : memref<4x8x8x128xf32, #tpu.memory_space<vmem>>[vector<16xi32>, vector<16xi32>, vector<16xi32>, vector<16xi32>], vector<16xf32>,
        %parallel_loop3A_673 = tpu.vector_load_idx %arg8[%broadcast_in_dim3A_65, %add3A_36, %parallel_loop3A_625] : memref<8x128x32xf32, #tpu.memory_space<vmem>>[vector<16xi32>, vector<16xi32>, vector<16xi32>], vector<16xf32>,
        tpu.vector_store_idx %arg9[%parallel_loop3A_628, %broadcast_in_dim3A_65, %parallel_loop3A_631, %add3A_36], %parallel_loop3A_673 : memref<4x8x8x128xf32, #tpu.memory_space<vmem>>[vector<16xi32>, vector<16xi32>, vector<16xi32>, vector<16xi32>], vector<16xf32>,
        %parallel_loop3A_674 = tpu.vector_load_idx %arg8[%broadcast_in_dim3A_65, %add3A_39, %parallel_loop3A_625] : memref<8x128x32xf32, #tpu.memory_space<vmem>>[vector<16xi32>, vector<16xi32>, vector<16xi32>], vector<16xf32>,
        tpu.vector_store_idx %arg9[%parallel_loop3A_628, %broadcast_in_dim3A_65, %parallel_loop3A_631, %add3A_39], %parallel_loop3A_674 : memref<4x8x8x128xf32, #tpu.memory_space<vmem>>[vector<16xi32>, vector<16xi32>, vector<16xi32>, vector<16xi32>], vector<16xf32>,
        %parallel_loop3A_675 = tpu.vector_load_idx %arg8[%broadcast_in_dim3A_65, %add3A_42, %parallel_loop3A_625] : memref<8x128x32xf32, #tpu.memory_space<vmem>>[vector<16xi32>, vector<16xi32>, vector<16xi32>], vector<16xf32>,
        tpu.vector_store_idx %arg9[%parallel_loop3A_628, %broadcast_in_dim3A_65, %parallel_loop3A_631, %add3A_42], %parallel_loop3A_675 : memref<4x8x8x128xf32, #tpu.memory_space<vmem>>[vector<16xi32>, vector<16xi32>, vector<16xi32>, vector<16xi32>], vector<16xf32>,
        %parallel_loop3A_676 = tpu.vector_load_idx %arg8[%broadcast_in_dim3A_65, %add3A_45, %parallel_loop3A_625] : memref<8x128x32xf32, #tpu.memory_space<vmem>>[vector<16xi32>, vector<16xi32>, vector<16xi32>], vector<16xf32>,
        tpu.vector_store_idx %arg9[%parallel_loop3A_628, %broadcast_in_dim3A_65, %parallel_loop3A_631, %add3A_45], %parallel_loop3A_676 : memref<4x8x8x128xf32, #tpu.memory_space<vmem>>[vector<16xi32>, vector<16xi32>, vector<16xi32>, vector<16xi32>], vector<16xf32>,
        %parallel_loop3A_677 = tpu.vector_load_idx %arg8[%broadcast_in_dim3A_65, %add3A_48, %parallel_loop3A_625] : memref<8x128x32xf32, #tpu.memory_space<vmem>>[vector<16xi32>, vector<16xi32>, vector<16xi32>], vector<16xf32>,
        tpu.vector_store_idx %arg9[%parallel_loop3A_628, %broadcast_in_dim3A_65, %parallel_loop3A_631, %add3A_48], %parallel_loop3A_677 : memref<4x8x8x128xf32, #tpu.memory_space<vmem>>[vector<16xi32>, vector<16xi32>, vector<16xi32>, vector<16xi32>], vector<16xf32>,
        %parallel_loop3A_678 = tpu.vector_load_idx %arg8[%broadcast_in_dim3A_65, %add3A_51, %parallel_loop3A_625] : memref<8x128x32xf32, #tpu.memory_space<vmem>>[vector<16xi32>, vector<16xi32>, vector<16xi32>], vector<16xf32>,
        tpu.vector_store_idx %arg9[%parallel_loop3A_628, %broadcast_in_dim3A_65, %parallel_loop3A_631, %add3A_51], %parallel_loop3A_678 : memref<4x8x8x128xf32, #tpu.memory_space<vmem>>[vector<16xi32>, vector<16xi32>, vector<16xi32>, vector<16xi32>], vector<16xf32>,
        %parallel_loop3A_679 = tpu.vector_load_idx %arg8[%broadcast_in_dim3A_65, %add3A_54, %parallel_loop3A_625] : memref<8x128x32xf32, #tpu.memory_space<vmem>>[vector<16xi32>, vector<16xi32>, vector<16xi32>], vector<16xf32>,
        tpu.vector_store_idx %arg9[%parallel_loop3A_628, %broadcast_in_dim3A_65, %parallel_loop3A_631, %add3A_54], %parallel_loop3A_679 : memref<4x8x8x128xf32, #tpu.memory_space<vmem>>[vector<16xi32>, vector<16xi32>, vector<16xi32>, vector<16xi32>], vector<16xf32>,
        %parallel_loop3A_680 = tpu.vector_load_idx %arg8[%broadcast_in_dim3A_67, %add3A_33, %parallel_loop3A_625] : memref<8x128x32xf32, #tpu.memory_space<vmem>>[vector<16xi32>, vector<16xi32>, vector<16xi32>], vector<16xf32>,
        tpu.vector_store_idx %arg9[%parallel_loop3A_628, %broadcast_in_dim3A_67, %parallel_loop3A_631, %add3A_33], %parallel_loop3A_680 : memref<4x8x8x128xf32, #tpu.memory_space<vmem>>[vector<16xi32>, vector<16xi32>, vector<16xi32>, vector<16xi32>], vector<16xf32>,
        %parallel_loop3A_681 = tpu.vector_load_idx %arg8[%broadcast_in_dim3A_67, %add3A_36, %parallel_loop3A_625] : memref<8x128x32xf32, #tpu.memory_space<vmem>>[vector<16xi32>, vector<16xi32>, vector<16xi32>], vector<16xf32>,
        tpu.vector_store_idx %arg9[%parallel_loop3A_628, %broadcast_in_dim3A_67, %parallel_loop3A_631, %add3A_36], %parallel_loop3A_681 : memref<4x8x8x128xf32, #tpu.memory_space<vmem>>[vector<16xi32>, vector<16xi32>, vector<16xi32>, vector<16xi32>], vector<16xf32>,
        %parallel_loop3A_682 = tpu.vector_load_idx %arg8[%broadcast_in_dim3A_67, %add3A_39, %parallel_loop3A_625] : memref<8x128x32xf32, #tpu.memory_space<vmem>>[vector<16xi32>, vector<16xi32>, vector<16xi32>], vector<16xf32>,
        tpu.vector_store_idx %arg9[%parallel_loop3A_628, %broadcast_in_dim3A_67, %parallel_loop3A_631, %add3A_39], %parallel_loop3A_682 : memref<4x8x8x128xf32, #tpu.memory_space<vmem>>[vector<16xi32>, vector<16xi32>, vector<16xi32>, vector<16xi32>], vector<16xf32>,
        %parallel_loop3A_683 = tpu.vector_load_idx %arg8[%broadcast_in_dim3A_67, %add3A_42, %parallel_loop3A_625] : memref<8x128x32xf32, #tpu.memory_space<vmem>>[vector<16xi32>, vector<16xi32>, vector<16xi32>], vector<16xf32>,
        tpu.vector_store_idx %arg9[%parallel_loop3A_628, %broadcast_in_dim3A_67, %parallel_loop3A_631, %add3A_42], %parallel_loop3A_683 : memref<4x8x8x128xf32, #tpu.memory_space<vmem>>[vector<16xi32>, vector<16xi32>, vector<16xi32>, vector<16xi32>], vector<16xf32>,
        %parallel_loop3A_684 = tpu.vector_load_idx %arg8[%broadcast_in_dim3A_67, %add3A_45, %parallel_loop3A_625] : memref<8x128x32xf32, #tpu.memory_space<vmem>>[vector<16xi32>, vector<16xi32>, vector<16xi32>], vector<16xf32>,
        tpu.vector_store_idx %arg9[%parallel_loop3A_628, %broadcast_in_dim3A_67, %parallel_loop3A_631, %add3A_45], %parallel_loop3A_684 : memref<4x8x8x128xf32, #tpu.memory_space<vmem>>[vector<16xi32>, vector<16xi32>, vector<16xi32>, vector<16xi32>], vector<16xf32>,
        %parallel_loop3A_685 = tpu.vector_load_idx %arg8[%broadcast_in_dim3A_67, %add3A_48, %parallel_loop3A_625] : memref<8x128x32xf32, #tpu.memory_space<vmem>>[vector<16xi32>, vector<16xi32>, vector<16xi32>], vector<16xf32>,
        tpu.vector_store_idx %arg9[%parallel_loop3A_628, %broadcast_in_dim3A_67, %parallel_loop3A_631, %add3A_48], %parallel_loop3A_685 : memref<4x8x8x128xf32, #tpu.memory_space<vmem>>[vector<16xi32>, vector<16xi32>, vector<16xi32>, vector<16xi32>], vector<16xf32>,
        %parallel_loop3A_686 = tpu.vector_load_idx %arg8[%broadcast_in_dim3A_67, %add3A_51, %parallel_loop3A_625] : memref<8x128x32xf32, #tpu.memory_space<vmem>>[vector<16xi32>, vector<16xi32>, vector<16xi32>], vector<16xf32>,
        tpu.vector_store_idx %arg9[%parallel_loop3A_628, %broadcast_in_dim3A_67, %parallel_loop3A_631, %add3A_51], %parallel_loop3A_686 : memref<4x8x8x128xf32, #tpu.memory_space<vmem>>[vector<16xi32>, vector<16xi32>, vector<16xi32>, vector<16xi32>], vector<16xf32>,
        %parallel_loop3A_687 = tpu.vector_load_idx %arg8[%broadcast_in_dim3A_67, %add3A_54, %parallel_loop3A_625] : memref<8x128x32xf32, #tpu.memory_space<vmem>>[vector<16xi32>, vector<16xi32>, vector<16xi32>], vector<16xf32>,
        tpu.vector_store_idx %arg9[%parallel_loop3A_628, %broadcast_in_dim3A_67, %parallel_loop3A_631, %add3A_54], %parallel_loop3A_687 : memref<4x8x8x128xf32, #tpu.memory_space<vmem>>[vector<16xi32>, vector<16xi32>, vector<16xi32>, vector<16xi32>], vector<16xf32>,
        %parallel_loop3A_688 = tpu.vector_load_idx %arg8[%broadcast_in_dim3A_69, %add3A_33, %parallel_loop3A_625] : memref<8x128x32xf32, #tpu.memory_space<vmem>>[vector<16xi32>, vector<16xi32>, vector<16xi32>], vector<16xf32>,
        tpu.vector_store_idx %arg9[%parallel_loop3A_628, %broadcast_in_dim3A_69, %parallel_loop3A_631, %add3A_33], %parallel_loop3A_688 : memref<4x8x8x128xf32, #tpu.memory_space<vmem>>[vector<16xi32>, vector<16xi32>, vector<16xi32>, vector<16xi32>], vector<16xf32>,
        %parallel_loop3A_689 = tpu.vector_load_idx %arg8[%broadcast_in_dim3A_69, %add3A_36, %parallel_loop3A_625] : memref<8x128x32xf32, #tpu.memory_space<vmem>>[vector<16xi32>, vector<16xi32>, vector<16xi32>], vector<16xf32>,
        tpu.vector_store_idx %arg9[%parallel_loop3A_628, %broadcast_in_dim3A_69, %parallel_loop3A_631, %add3A_36], %parallel_loop3A_689 : memref<4x8x8x128xf32, #tpu.memory_space<vmem>>[vector<16xi32>, vector<16xi32>, vector<16xi32>, vector<16xi32>], vector<16xf32>,
        %parallel_loop3A_690 = tpu.vector_load_idx %arg8[%broadcast_in_dim3A_69, %add3A_39, %parallel_loop3A_625] : memref<8x128x32xf32, #tpu.memory_space<vmem>>[vector<16xi32>, vector<16xi32>, vector<16xi32>], vector<16xf32>,
        tpu.vector_store_idx %arg9[%parallel_loop3A_628, %broadcast_in_dim3A_69, %parallel_loop3A_631, %add3A_39], %parallel_loop3A_690 : memref<4x8x8x128xf32, #tpu.memory_space<vmem>>[vector<16xi32>, vector<16xi32>, vector<16xi32>, vector<16xi32>], vector<16xf32>,
        %parallel_loop3A_691 = tpu.vector_load_idx %arg8[%broadcast_in_dim3A_69, %add3A_42, %parallel_loop3A_625] : memref<8x128x32xf32, #tpu.memory_space<vmem>>[vector<16xi32>, vector<16xi32>, vector<16xi32>], vector<16xf32>,
        tpu.vector_store_idx %arg9[%parallel_loop3A_628, %broadcast_in_dim3A_69, %parallel_loop3A_631, %add3A_42], %parallel_loop3A_691 : memref<4x8x8x128xf32, #tpu.memory_space<vmem>>[vector<16xi32>, vector<16xi32>, vector<16xi32>, vector<16xi32>], vector<16xf32>,
        %parallel_loop3A_692 = tpu.vector_load_idx %arg8[%broadcast_in_dim3A_69, %add3A_45, %parallel_loop3A_625] : memref<8x128x32xf32, #tpu.memory_space<vmem>>[vector<16xi32>, vector<16xi32>, vector<16xi32>], vector<16xf32>,
        tpu.vector_store_idx %arg9[%parallel_loop3A_628, %broadcast_in_dim3A_69, %parallel_loop3A_631, %add3A_45], %parallel_loop3A_692 : memref<4x8x8x128xf32, #tpu.memory_space<vmem>>[vector<16xi32>, vector<16xi32>, vector<16xi32>, vector<16xi32>], vector<16xf32>,
        %parallel_loop3A_693 = tpu.vector_load_idx %arg8[%broadcast_in_dim3A_69, %add3A_48, %parallel_loop3A_625] : memref<8x128x32xf32, #tpu.memory_space<vmem>>[vector<16xi32>, vector<16xi32>, vector<16xi32>], vector<16xf32>,
        tpu.vector_store_idx %arg9[%parallel_loop3A_628, %broadcast_in_dim3A_69, %parallel_loop3A_631, %add3A_48], %parallel_loop3A_693 : memref<4x8x8x128xf32, #tpu.memory_space<vmem>>[vector<16xi32>, vector<16xi32>, vector<16xi32>, vector<16xi32>], vector<16xf32>,
        %parallel_loop3A_694 = tpu.vector_load_idx %arg8[%broadcast_in_dim3A_69, %add3A_51, %parallel_loop3A_625] : memref<8x128x32xf32, #tpu.memory_space<vmem>>[vector<16xi32>, vector<16xi32>, vector<16xi32>], vector<16xf32>,
        tpu.vector_store_idx %arg9[%parallel_loop3A_628, %broadcast_in_dim3A_69, %parallel_loop3A_631, %add3A_51], %parallel_loop3A_694 : memref<4x8x8x128xf32, #tpu.memory_space<vmem>>[vector<16xi32>, vector<16xi32>, vector<16xi32>, vector<16xi32>], vector<16xf32>,
        %parallel_loop3A_695 = tpu.vector_load_idx %arg8[%broadcast_in_dim3A_69, %add3A_54, %parallel_loop3A_625] : memref<8x128x32xf32, #tpu.memory_space<vmem>>[vector<16xi32>, vector<16xi32>, vector<16xi32>], vector<16xf32>,
        tpu.vector_store_idx %arg9[%parallel_loop3A_628, %broadcast_in_dim3A_69, %parallel_loop3A_631, %add3A_54], %parallel_loop3A_695 : memref<4x8x8x128xf32, #tpu.memory_space<vmem>>[vector<16xi32>, vector<16xi32>, vector<16xi32>, vector<16xi32>], vector<16xf32>,
      } {sc.loop_unroll_factor = 4 : i64, sc.parallel_access}
      %mul3A_605 = arith.constant 2 : i32
      %mul3A_606 = arith.muli %mul3A_605, %add3A_480 : i32
      %add3A_607 = arith.addi %select_n3A_30, %mul3A_606 : i32
      %mul3A_608 = arith.constant 8 : i32
      %mul3A_609 = arith.muli %mul3A_608, %select_n3A_9 : i32
      %dma_start3A_610 = arith.constant 0 : i32
      %dma_start3A_611 = arith.constant 0 : i32
      %dma_start3A_612 = arith.constant 0 : i32
      %dma_start3A_613 = tpu.memref_slice %arg4[%add3A_607, %dma_start3A_610, %mul3A_609, %dma_start3A_611, %dma_start3A_612] : memref<50x4x128x8x128xf32, #tpu.memory_space<hbm>> -> memref<1x4x8x8x128xf32, #tpu.memory_space<hbm>>
      %dma_start3A_614 = tpu.memref_squeeze %dma_start3A_613 : memref<1x4x8x8x128xf32, #tpu.memory_space<hbm>> -> memref<4x8x8x128xf32, #tpu.memory_space<hbm>>
      %dma_start3A_615 = arith.constant 0 : i32
      %dma_start3A_616 = arith.constant 0 : i32
      %dma_start3A_617 = arith.constant 0 : i32
      %dma_start3A_618 = tpu.memref_slice %arg4[%add3A_607, %dma_start3A_615, %mul3A_609, %dma_start3A_616, %dma_start3A_617] : memref<50x4x128x8x128xf32, #tpu.memory_space<hbm>> -> memref<1x4x8x8x128xf32, #tpu.memory_space<hbm>>
      %dma_start3A_619 = tpu.memref_squeeze %dma_start3A_618 : memref<1x4x8x8x128xf32, #tpu.memory_space<hbm>> -> memref<4x8x8x128xf32, #tpu.memory_space<hbm>>
      tpu.enqueue_dma source(%arg9 : memref<4x8x8x128xf32, #tpu.memory_space<vmem>>) target(%dma_start3A_619 : memref<4x8x8x128xf32, #tpu.memory_space<hbm>>) target_semaphore(%arg14 : memref<!tpu.dma_semaphore, #tpu.memory_space<semaphore_mem>>)
    }
    %scan3A_196 = arith.constant 12 : i32
    %not3A = arith.constant true
    %not3A_197 = arith.constant true
    %not3A_198 = arith.xori %not3A, %not3A_197 : i1
    %convert_element_type3A = arith.extui %not3A_198 : i1 to i32
    %cond3A = arith.constant 0 : i32
    %cond3A_199 = arith.cmpi ne, %convert_element_type3A, %cond3A : i32
    scf.if %cond3A_199 {
      %dma_wait3A_338 = arith.constant 0 : i32
      %dma_wait3A_339 = arith.constant 0 : i32
      %dma_wait3A_340 = tpu.memref_slice %arg2[%dma_wait3A_338, %dma_wait3A_339] : memref<6400x128xi32, #tpu.memory_space<hbm>> -> memref<8x128xi32, #tpu.memory_space<hbm>>
      %dma_wait3A_341 = arith.constant 0 : i32
      %dma_wait3A_342 = arith.constant 0 : i32
      %dma_wait3A_343 = tpu.memref_slice %arg2[%dma_wait3A_341, %dma_wait3A_342] : memref<6400x128xi32, #tpu.memory_space<hbm>> -> memref<8x128xi32, #tpu.memory_space<hbm>>
      tpu.wait_dma2 semaphore(%arg11 : memref<!tpu.dma_semaphore, #tpu.memory_space<semaphore_mem>>) src(%dma_wait3A_343 : memref<8x128xi32, #tpu.memory_space<hbm>>) dst(%arg6 : memref<8x128xi32, #tpu.memory_space<vmem>>)
      %dma_start3A_344 = arith.constant 0 : i32
      %dma_start3A_345 = arith.constant 0 : i32
      %dma_start3A_346 = arith.constant 0 : i32
      %dma_start3A_347 = arith.constant 0 : i32
      %dma_start3A_348 = tpu.memref_slice %arg8[%dma_start3A_345, %dma_start3A_346, %dma_start3A_347] : memref<8x128x32xf32, #tpu.memory_space<vmem>> -> memref<1x128x32xf32, #tpu.memory_space<vmem>>
      %dma_start3A_349 = tpu.memref_squeeze %dma_start3A_348 : memref<1x128x32xf32, #tpu.memory_space<vmem>> -> memref<128x32xf32, #tpu.memory_space<vmem>>
      %dma_start3A_350 = arith.constant 0 : i32
      %dma_start3A_351 = tpu.memref_slice %arg6[%dma_start3A_344, %dma_start3A_350] : memref<8x128xi32, #tpu.memory_space<vmem>> -> memref<1x128xi32, #tpu.memory_space<vmem>>
      %dma_start3A_352 = tpu.memref_squeeze %dma_start3A_351 : memref<1x128xi32, #tpu.memory_space<vmem>> -> memref<128xi32, #tpu.memory_space<vmem>>
      %dma_start3A_353 = arith.constant 0 : i32
      %dma_start3A_354 = arith.constant 0 : i32
      %dma_start3A_355 = tpu.memref_slice %arg3[%dma_start3A_353, %dma_start3A_354] : memref<1000000x32xf32, #tpu.memory_space<hbm>> -> memref<1000000x32xf32, #tpu.memory_space<hbm>>
      tpu.enqueue_indirect_dma source(%dma_start3A_355 : memref<1000000x32xf32, #tpu.memory_space<hbm>>) target(%dma_start3A_349 : memref<128x32xf32, #tpu.memory_space<vmem>>) offsets(%dma_start3A_352 : memref<128xi32, #tpu.memory_space<vmem>>) semaphore(%arg13 : memref<!tpu.dma_semaphore, #tpu.memory_space<semaphore_mem>>)
      %dma_start3A_356 = arith.constant 1 : i32
      %dma_start3A_357 = arith.constant 1 : i32
      %dma_start3A_358 = arith.constant 0 : i32
      %dma_start3A_359 = arith.constant 0 : i32
      %dma_start3A_360 = tpu.memref_slice %arg8[%dma_start3A_357, %dma_start3A_358, %dma_start3A_359] : memref<8x128x32xf32, #tpu.memory_space<vmem>> -> memref<1x128x32xf32, #tpu.memory_space<vmem>>
      %dma_start3A_361 = tpu.memref_squeeze %dma_start3A_360 : memref<1x128x32xf32, #tpu.memory_space<vmem>> -> memref<128x32xf32, #tpu.memory_space<vmem>>
      %dma_start3A_362 = arith.constant 0 : i32
      %dma_start3A_363 = tpu.memref_slice %arg6[%dma_start3A_356, %dma_start3A_362] : memref<8x128xi32, #tpu.memory_space<vmem>> -> memref<1x128xi32, #tpu.memory_space<vmem>>
      %dma_start3A_364 = tpu.memref_squeeze %dma_start3A_363 : memref<1x128xi32, #tpu.memory_space<vmem>> -> memref<128xi32, #tpu.memory_space<vmem>>
      %dma_start3A_365 = arith.constant 0 : i32
      %dma_start3A_366 = arith.constant 0 : i32
      %dma_start3A_367 = tpu.memref_slice %arg3[%dma_start3A_365, %dma_start3A_366] : memref<1000000x32xf32, #tpu.memory_space<hbm>> -> memref<1000000x32xf32, #tpu.memory_space<hbm>>
      tpu.enqueue_indirect_dma source(%dma_start3A_367 : memref<1000000x32xf32, #tpu.memory_space<hbm>>) target(%dma_start3A_361 : memref<128x32xf32, #tpu.memory_space<vmem>>) offsets(%dma_start3A_364 : memref<128xi32, #tpu.memory_space<vmem>>) semaphore(%arg13 : memref<!tpu.dma_semaphore, #tpu.memory_space<semaphore_mem>>)
      %dma_start3A_368 = arith.constant 2 : i32
      %dma_start3A_369 = arith.constant 2 : i32
      %dma_start3A_370 = arith.constant 0 : i32
      %dma_start3A_371 = arith.constant 0 : i32
      %dma_start3A_372 = tpu.memref_slice %arg8[%dma_start3A_369, %dma_start3A_370, %dma_start3A_371] : memref<8x128x32xf32, #tpu.memory_space<vmem>> -> memref<1x128x32xf32, #tpu.memory_space<vmem>>
      %dma_start3A_373 = tpu.memref_squeeze %dma_start3A_372 : memref<1x128x32xf32, #tpu.memory_space<vmem>> -> memref<128x32xf32, #tpu.memory_space<vmem>>
      %dma_start3A_374 = arith.constant 0 : i32
      %dma_start3A_375 = tpu.memref_slice %arg6[%dma_start3A_368, %dma_start3A_374] : memref<8x128xi32, #tpu.memory_space<vmem>> -> memref<1x128xi32, #tpu.memory_space<vmem>>
      %dma_start3A_376 = tpu.memref_squeeze %dma_start3A_375 : memref<1x128xi32, #tpu.memory_space<vmem>> -> memref<128xi32, #tpu.memory_space<vmem>>
      %dma_start3A_377 = arith.constant 0 : i32
      %dma_start3A_378 = arith.constant 0 : i32
      %dma_start3A_379 = tpu.memref_slice %arg3[%dma_start3A_377, %dma_start3A_378] : memref<1000000x32xf32, #tpu.memory_space<hbm>> -> memref<1000000x32xf32, #tpu.memory_space<hbm>>
      tpu.enqueue_indirect_dma source(%dma_start3A_379 : memref<1000000x32xf32, #tpu.memory_space<hbm>>) target(%dma_start3A_373 : memref<128x32xf32, #tpu.memory_space<vmem>>) offsets(%dma_start3A_376 : memref<128xi32, #tpu.memory_space<vmem>>) semaphore(%arg13 : memref<!tpu.dma_semaphore, #tpu.memory_space<semaphore_mem>>)
      %dma_start3A_380 = arith.constant 3 : i32
      %dma_start3A_381 = arith.constant 3 : i32
      %dma_start3A_382 = arith.constant 0 : i32
      %dma_start3A_383 = arith.constant 0 : i32
      %dma_start3A_384 = tpu.memref_slice %arg8[%dma_start3A_381, %dma_start3A_382, %dma_start3A_383] : memref<8x128x32xf32, #tpu.memory_space<vmem>> -> memref<1x128x32xf32, #tpu.memory_space<vmem>>
      %dma_start3A_385 = tpu.memref_squeeze %dma_start3A_384 : memref<1x128x32xf32, #tpu.memory_space<vmem>> -> memref<128x32xf32, #tpu.memory_space<vmem>>
      %dma_start3A_386 = arith.constant 0 : i32
      %dma_start3A_387 = tpu.memref_slice %arg6[%dma_start3A_380, %dma_start3A_386] : memref<8x128xi32, #tpu.memory_space<vmem>> -> memref<1x128xi32, #tpu.memory_space<vmem>>
      %dma_start3A_388 = tpu.memref_squeeze %dma_start3A_387 : memref<1x128xi32, #tpu.memory_space<vmem>> -> memref<128xi32, #tpu.memory_space<vmem>>
      %dma_start3A_389 = arith.constant 0 : i32
      %dma_start3A_390 = arith.constant 0 : i32
      %dma_start3A_391 = tpu.memref_slice %arg3[%dma_start3A_389, %dma_start3A_390] : memref<1000000x32xf32, #tpu.memory_space<hbm>> -> memref<1000000x32xf32, #tpu.memory_space<hbm>>
      tpu.enqueue_indirect_dma source(%dma_start3A_391 : memref<1000000x32xf32, #tpu.memory_space<hbm>>) target(%dma_start3A_385 : memref<128x32xf32, #tpu.memory_space<vmem>>) offsets(%dma_start3A_388 : memref<128xi32, #tpu.memory_space<vmem>>) semaphore(%arg13 : memref<!tpu.dma_semaphore, #tpu.memory_space<semaphore_mem>>)
      %dma_start3A_392 = arith.constant 4 : i32
      %dma_start3A_393 = arith.constant 4 : i32
      %dma_start3A_394 = arith.constant 0 : i32
      %dma_start3A_395 = arith.constant 0 : i32
      %dma_start3A_396 = tpu.memref_slice %arg8[%dma_start3A_393, %dma_start3A_394, %dma_start3A_395] : memref<8x128x32xf32, #tpu.memory_space<vmem>> -> memref<1x128x32xf32, #tpu.memory_space<vmem>>
      %dma_start3A_397 = tpu.memref_squeeze %dma_start3A_396 : memref<1x128x32xf32, #tpu.memory_space<vmem>> -> memref<128x32xf32, #tpu.memory_space<vmem>>
      %dma_start3A_398 = arith.constant 0 : i32
      %dma_start3A_399 = tpu.memref_slice %arg6[%dma_start3A_392, %dma_start3A_398] : memref<8x128xi32, #tpu.memory_space<vmem>> -> memref<1x128xi32, #tpu.memory_space<vmem>>
      %dma_start3A_400 = tpu.memref_squeeze %dma_start3A_399 : memref<1x128xi32, #tpu.memory_space<vmem>> -> memref<128xi32, #tpu.memory_space<vmem>>
      %dma_start3A_401 = arith.constant 0 : i32
      %dma_start3A_402 = arith.constant 0 : i32
      %dma_start3A_403 = tpu.memref_slice %arg3[%dma_start3A_401, %dma_start3A_402] : memref<1000000x32xf32, #tpu.memory_space<hbm>> -> memref<1000000x32xf32, #tpu.memory_space<hbm>>
      tpu.enqueue_indirect_dma source(%dma_start3A_403 : memref<1000000x32xf32, #tpu.memory_space<hbm>>) target(%dma_start3A_397 : memref<128x32xf32, #tpu.memory_space<vmem>>) offsets(%dma_start3A_400 : memref<128xi32, #tpu.memory_space<vmem>>) semaphore(%arg13 : memref<!tpu.dma_semaphore, #tpu.memory_space<semaphore_mem>>)
      %dma_start3A_404 = arith.constant 5 : i32
      %dma_start3A_405 = arith.constant 5 : i32
      %dma_start3A_406 = arith.constant 0 : i32
      %dma_start3A_407 = arith.constant 0 : i32
      %dma_start3A_408 = tpu.memref_slice %arg8[%dma_start3A_405, %dma_start3A_406, %dma_start3A_407] : memref<8x128x32xf32, #tpu.memory_space<vmem>> -> memref<1x128x32xf32, #tpu.memory_space<vmem>>
      %dma_start3A_409 = tpu.memref_squeeze %dma_start3A_408 : memref<1x128x32xf32, #tpu.memory_space<vmem>> -> memref<128x32xf32, #tpu.memory_space<vmem>>
      %dma_start3A_410 = arith.constant 0 : i32
      %dma_start3A_411 = tpu.memref_slice %arg6[%dma_start3A_404, %dma_start3A_410] : memref<8x128xi32, #tpu.memory_space<vmem>> -> memref<1x128xi32, #tpu.memory_space<vmem>>
      %dma_start3A_412 = tpu.memref_squeeze %dma_start3A_411 : memref<1x128xi32, #tpu.memory_space<vmem>> -> memref<128xi32, #tpu.memory_space<vmem>>
      %dma_start3A_413 = arith.constant 0 : i32
      %dma_start3A_414 = arith.constant 0 : i32
      %dma_start3A_415 = tpu.memref_slice %arg3[%dma_start3A_413, %dma_start3A_414] : memref<1000000x32xf32, #tpu.memory_space<hbm>> -> memref<1000000x32xf32, #tpu.memory_space<hbm>>
      tpu.enqueue_indirect_dma source(%dma_start3A_415 : memref<1000000x32xf32, #tpu.memory_space<hbm>>) target(%dma_start3A_409 : memref<128x32xf32, #tpu.memory_space<vmem>>) offsets(%dma_start3A_412 : memref<128xi32, #tpu.memory_space<vmem>>) semaphore(%arg13 : memref<!tpu.dma_semaphore, #tpu.memory_space<semaphore_mem>>)
      %dma_start3A_416 = arith.constant 6 : i32
      %dma_start3A_417 = arith.constant 6 : i32
      %dma_start3A_418 = arith.constant 0 : i32
      %dma_start3A_419 = arith.constant 0 : i32
      %dma_start3A_420 = tpu.memref_slice %arg8[%dma_start3A_417, %dma_start3A_418, %dma_start3A_419] : memref<8x128x32xf32, #tpu.memory_space<vmem>> -> memref<1x128x32xf32, #tpu.memory_space<vmem>>
      %dma_start3A_421 = tpu.memref_squeeze %dma_start3A_420 : memref<1x128x32xf32, #tpu.memory_space<vmem>> -> memref<128x32xf32, #tpu.memory_space<vmem>>
      %dma_start3A_422 = arith.constant 0 : i32
      %dma_start3A_423 = tpu.memref_slice %arg6[%dma_start3A_416, %dma_start3A_422] : memref<8x128xi32, #tpu.memory_space<vmem>> -> memref<1x128xi32, #tpu.memory_space<vmem>>
      %dma_start3A_424 = tpu.memref_squeeze %dma_start3A_423 : memref<1x128xi32, #tpu.memory_space<vmem>> -> memref<128xi32, #tpu.memory_space<vmem>>
      %dma_start3A_425 = arith.constant 0 : i32
      %dma_start3A_426 = arith.constant 0 : i32
      %dma_start3A_427 = tpu.memref_slice %arg3[%dma_start3A_425, %dma_start3A_426] : memref<1000000x32xf32, #tpu.memory_space<hbm>> -> memref<1000000x32xf32, #tpu.memory_space<hbm>>
      tpu.enqueue_indirect_dma source(%dma_start3A_427 : memref<1000000x32xf32, #tpu.memory_space<hbm>>) target(%dma_start3A_421 : memref<128x32xf32, #tpu.memory_space<vmem>>) offsets(%dma_start3A_424 : memref<128xi32, #tpu.memory_space<vmem>>) semaphore(%arg13 : memref<!tpu.dma_semaphore, #tpu.memory_space<semaphore_mem>>)
      %dma_start3A_428 = arith.constant 7 : i32
      %dma_start3A_429 = arith.constant 7 : i32
      %dma_start3A_430 = arith.constant 0 : i32
      %dma_start3A_431 = arith.constant 0 : i32
      %dma_start3A_432 = tpu.memref_slice %arg8[%dma_start3A_429, %dma_start3A_430, %dma_start3A_431] : memref<8x128x32xf32, #tpu.memory_space<vmem>> -> memref<1x128x32xf32, #tpu.memory_space<vmem>>
      %dma_start3A_433 = tpu.memref_squeeze %dma_start3A_432 : memref<1x128x32xf32, #tpu.memory_space<vmem>> -> memref<128x32xf32, #tpu.memory_space<vmem>>
      %dma_start3A_434 = arith.constant 0 : i32
      %dma_start3A_435 = tpu.memref_slice %arg6[%dma_start3A_428, %dma_start3A_434] : memref<8x128xi32, #tpu.memory_space<vmem>> -> memref<1x128xi32, #tpu.memory_space<vmem>>
      %dma_start3A_436 = tpu.memref_squeeze %dma_start3A_435 : memref<1x128xi32, #tpu.memory_space<vmem>> -> memref<128xi32, #tpu.memory_space<vmem>>
      %dma_start3A_437 = arith.constant 0 : i32
      %dma_start3A_438 = arith.constant 0 : i32
      %dma_start3A_439 = tpu.memref_slice %arg3[%dma_start3A_437, %dma_start3A_438] : memref<1000000x32xf32, #tpu.memory_space<hbm>> -> memref<1000000x32xf32, #tpu.memory_space<hbm>>
      tpu.enqueue_indirect_dma source(%dma_start3A_439 : memref<1000000x32xf32, #tpu.memory_space<hbm>>) target(%dma_start3A_433 : memref<128x32xf32, #tpu.memory_space<vmem>>) offsets(%dma_start3A_436 : memref<128xi32, #tpu.memory_space<vmem>>) semaphore(%arg13 : memref<!tpu.dma_semaphore, #tpu.memory_space<semaphore_mem>>)
    } else {
    }
    %dma_wait3A_200 = arith.constant 0 : i32
    %dma_wait3A_201 = arith.constant 0 : i32
    %dma_wait3A_202 = arith.constant 0 : i32
    %dma_wait3A_203 = arith.constant 0 : i32
    %dma_wait3A_204 = tpu.memref_slice %arg7[%dma_wait3A_201, %dma_wait3A_202, %dma_wait3A_203] : memref<8x128x32xf32, #tpu.memory_space<vmem>> -> memref<1x128x32xf32, #tpu.memory_space<vmem>>
    %dma_wait3A_205 = tpu.memref_squeeze %dma_wait3A_204 : memref<1x128x32xf32, #tpu.memory_space<vmem>> -> memref<128x32xf32, #tpu.memory_space<vmem>>
    %dma_wait3A_206 = arith.constant 0 : i32
    %dma_wait3A_207 = tpu.memref_slice %arg5[%dma_wait3A_200, %dma_wait3A_206] : memref<8x128xi32, #tpu.memory_space<vmem>> -> memref<1x128xi32, #tpu.memory_space<vmem>>
    %dma_wait3A_208 = tpu.memref_squeeze %dma_wait3A_207 : memref<1x128xi32, #tpu.memory_space<vmem>> -> memref<128xi32, #tpu.memory_space<vmem>>
    %dma_wait3A_209 = arith.constant 0 : i32
    %dma_wait3A_210 = arith.constant 0 : i32
    %dma_wait3A_211 = tpu.memref_slice %arg3[%dma_wait3A_209, %dma_wait3A_210] : memref<1000000x32xf32, #tpu.memory_space<hbm>> -> memref<1000000x32xf32, #tpu.memory_space<hbm>>
    tpu.wait_indirect_dma semaphore(%arg12 : memref<!tpu.dma_semaphore, #tpu.memory_space<semaphore_mem>>) src(%dma_wait3A_211 : memref<1000000x32xf32, #tpu.memory_space<hbm>>) dst(%dma_wait3A_205 : memref<128x32xf32, #tpu.memory_space<vmem>>)
    %dma_wait3A_212 = arith.constant 1 : i32
    %dma_wait3A_213 = arith.constant 1 : i32
    %dma_wait3A_214 = arith.constant 0 : i32
    %dma_wait3A_215 = arith.constant 0 : i32
    %dma_wait3A_216 = tpu.memref_slice %arg7[%dma_wait3A_213, %dma_wait3A_214, %dma_wait3A_215] : memref<8x128x32xf32, #tpu.memory_space<vmem>> -> memref<1x128x32xf32, #tpu.memory_space<vmem>>
    %dma_wait3A_217 = tpu.memref_squeeze %dma_wait3A_216 : memref<1x128x32xf32, #tpu.memory_space<vmem>> -> memref<128x32xf32, #tpu.memory_space<vmem>>
    %dma_wait3A_218 = arith.constant 0 : i32
    %dma_wait3A_219 = tpu.memref_slice %arg5[%dma_wait3A_212, %dma_wait3A_218] : memref<8x128xi32, #tpu.memory_space<vmem>> -> memref<1x128xi32, #tpu.memory_space<vmem>>
    %dma_wait3A_220 = tpu.memref_squeeze %dma_wait3A_219 : memref<1x128xi32, #tpu.memory_space<vmem>> -> memref<128xi32, #tpu.memory_space<vmem>>
    %dma_wait3A_221 = arith.constant 0 : i32
    %dma_wait3A_222 = arith.constant 0 : i32
    %dma_wait3A_223 = tpu.memref_slice %arg3[%dma_wait3A_221, %dma_wait3A_222] : memref<1000000x32xf32, #tpu.memory_space<hbm>> -> memref<1000000x32xf32, #tpu.memory_space<hbm>>
    tpu.wait_indirect_dma semaphore(%arg12 : memref<!tpu.dma_semaphore, #tpu.memory_space<semaphore_mem>>) src(%dma_wait3A_223 : memref<1000000x32xf32, #tpu.memory_space<hbm>>) dst(%dma_wait3A_217 : memref<128x32xf32, #tpu.memory_space<vmem>>)
    %dma_wait3A_224 = arith.constant 2 : i32
    %dma_wait3A_225 = arith.constant 2 : i32
    %dma_wait3A_226 = arith.constant 0 : i32
    %dma_wait3A_227 = arith.constant 0 : i32
    %dma_wait3A_228 = tpu.memref_slice %arg7[%dma_wait3A_225, %dma_wait3A_226, %dma_wait3A_227] : memref<8x128x32xf32, #tpu.memory_space<vmem>> -> memref<1x128x32xf32, #tpu.memory_space<vmem>>
    %dma_wait3A_229 = tpu.memref_squeeze %dma_wait3A_228 : memref<1x128x32xf32, #tpu.memory_space<vmem>> -> memref<128x32xf32, #tpu.memory_space<vmem>>
    %dma_wait3A_230 = arith.constant 0 : i32
    %dma_wait3A_231 = tpu.memref_slice %arg5[%dma_wait3A_224, %dma_wait3A_230] : memref<8x128xi32, #tpu.memory_space<vmem>> -> memref<1x128xi32, #tpu.memory_space<vmem>>
    %dma_wait3A_232 = tpu.memref_squeeze %dma_wait3A_231 : memref<1x128xi32, #tpu.memory_space<vmem>> -> memref<128xi32, #tpu.memory_space<vmem>>
    %dma_wait3A_233 = arith.constant 0 : i32
    %dma_wait3A_234 = arith.constant 0 : i32
    %dma_wait3A_235 = tpu.memref_slice %arg3[%dma_wait3A_233, %dma_wait3A_234] : memref<1000000x32xf32, #tpu.memory_space<hbm>> -> memref<1000000x32xf32, #tpu.memory_space<hbm>>
    tpu.wait_indirect_dma semaphore(%arg12 : memref<!tpu.dma_semaphore, #tpu.memory_space<semaphore_mem>>) src(%dma_wait3A_235 : memref<1000000x32xf32, #tpu.memory_space<hbm>>) dst(%dma_wait3A_229 : memref<128x32xf32, #tpu.memory_space<vmem>>)
    %dma_wait3A_236 = arith.constant 3 : i32
    %dma_wait3A_237 = arith.constant 3 : i32
    %dma_wait3A_238 = arith.constant 0 : i32
    %dma_wait3A_239 = arith.constant 0 : i32
    %dma_wait3A_240 = tpu.memref_slice %arg7[%dma_wait3A_237, %dma_wait3A_238, %dma_wait3A_239] : memref<8x128x32xf32, #tpu.memory_space<vmem>> -> memref<1x128x32xf32, #tpu.memory_space<vmem>>
    %dma_wait3A_241 = tpu.memref_squeeze %dma_wait3A_240 : memref<1x128x32xf32, #tpu.memory_space<vmem>> -> memref<128x32xf32, #tpu.memory_space<vmem>>
    %dma_wait3A_242 = arith.constant 0 : i32
    %dma_wait3A_243 = tpu.memref_slice %arg5[%dma_wait3A_236, %dma_wait3A_242] : memref<8x128xi32, #tpu.memory_space<vmem>> -> memref<1x128xi32, #tpu.memory_space<vmem>>
    %dma_wait3A_244 = tpu.memref_squeeze %dma_wait3A_243 : memref<1x128xi32, #tpu.memory_space<vmem>> -> memref<128xi32, #tpu.memory_space<vmem>>
    %dma_wait3A_245 = arith.constant 0 : i32
    %dma_wait3A_246 = arith.constant 0 : i32
    %dma_wait3A_247 = tpu.memref_slice %arg3[%dma_wait3A_245, %dma_wait3A_246] : memref<1000000x32xf32, #tpu.memory_space<hbm>> -> memref<1000000x32xf32, #tpu.memory_space<hbm>>
    tpu.wait_indirect_dma semaphore(%arg12 : memref<!tpu.dma_semaphore, #tpu.memory_space<semaphore_mem>>) src(%dma_wait3A_247 : memref<1000000x32xf32, #tpu.memory_space<hbm>>) dst(%dma_wait3A_241 : memref<128x32xf32, #tpu.memory_space<vmem>>)
    %dma_wait3A_248 = arith.constant 4 : i32
    %dma_wait3A_249 = arith.constant 4 : i32
    %dma_wait3A_250 = arith.constant 0 : i32
    %dma_wait3A_251 = arith.constant 0 : i32
    %dma_wait3A_252 = tpu.memref_slice %arg7[%dma_wait3A_249, %dma_wait3A_250, %dma_wait3A_251] : memref<8x128x32xf32, #tpu.memory_space<vmem>> -> memref<1x128x32xf32, #tpu.memory_space<vmem>>
    %dma_wait3A_253 = tpu.memref_squeeze %dma_wait3A_252 : memref<1x128x32xf32, #tpu.memory_space<vmem>> -> memref<128x32xf32, #tpu.memory_space<vmem>>
    %dma_wait3A_254 = arith.constant 0 : i32
    %dma_wait3A_255 = tpu.memref_slice %arg5[%dma_wait3A_248, %dma_wait3A_254] : memref<8x128xi32, #tpu.memory_space<vmem>> -> memref<1x128xi32, #tpu.memory_space<vmem>>
    %dma_wait3A_256 = tpu.memref_squeeze %dma_wait3A_255 : memref<1x128xi32, #tpu.memory_space<vmem>> -> memref<128xi32, #tpu.memory_space<vmem>>
    %dma_wait3A_257 = arith.constant 0 : i32
    %dma_wait3A_258 = arith.constant 0 : i32
    %dma_wait3A_259 = tpu.memref_slice %arg3[%dma_wait3A_257, %dma_wait3A_258] : memref<1000000x32xf32, #tpu.memory_space<hbm>> -> memref<1000000x32xf32, #tpu.memory_space<hbm>>
    tpu.wait_indirect_dma semaphore(%arg12 : memref<!tpu.dma_semaphore, #tpu.memory_space<semaphore_mem>>) src(%dma_wait3A_259 : memref<1000000x32xf32, #tpu.memory_space<hbm>>) dst(%dma_wait3A_253 : memref<128x32xf32, #tpu.memory_space<vmem>>)
    %dma_wait3A_260 = arith.constant 5 : i32
    %dma_wait3A_261 = arith.constant 5 : i32
    %dma_wait3A_262 = arith.constant 0 : i32
    %dma_wait3A_263 = arith.constant 0 : i32
    %dma_wait3A_264 = tpu.memref_slice %arg7[%dma_wait3A_261, %dma_wait3A_262, %dma_wait3A_263] : memref<8x128x32xf32, #tpu.memory_space<vmem>> -> memref<1x128x32xf32, #tpu.memory_space<vmem>>
    %dma_wait3A_265 = tpu.memref_squeeze %dma_wait3A_264 : memref<1x128x32xf32, #tpu.memory_space<vmem>> -> memref<128x32xf32, #tpu.memory_space<vmem>>
    %dma_wait3A_266 = arith.constant 0 : i32
    %dma_wait3A_267 = tpu.memref_slice %arg5[%dma_wait3A_260, %dma_wait3A_266] : memref<8x128xi32, #tpu.memory_space<vmem>> -> memref<1x128xi32, #tpu.memory_space<vmem>>
    %dma_wait3A_268 = tpu.memref_squeeze %dma_wait3A_267 : memref<1x128xi32, #tpu.memory_space<vmem>> -> memref<128xi32, #tpu.memory_space<vmem>>
    %dma_wait3A_269 = arith.constant 0 : i32
    %dma_wait3A_270 = arith.constant 0 : i32
    %dma_wait3A_271 = tpu.memref_slice %arg3[%dma_wait3A_269, %dma_wait3A_270] : memref<1000000x32xf32, #tpu.memory_space<hbm>> -> memref<1000000x32xf32, #tpu.memory_space<hbm>>
    tpu.wait_indirect_dma semaphore(%arg12 : memref<!tpu.dma_semaphore, #tpu.memory_space<semaphore_mem>>) src(%dma_wait3A_271 : memref<1000000x32xf32, #tpu.memory_space<hbm>>) dst(%dma_wait3A_265 : memref<128x32xf32, #tpu.memory_space<vmem>>)
    %dma_wait3A_272 = arith.constant 6 : i32
    %dma_wait3A_273 = arith.constant 6 : i32
    %dma_wait3A_274 = arith.constant 0 : i32
    %dma_wait3A_275 = arith.constant 0 : i32
    %dma_wait3A_276 = tpu.memref_slice %arg7[%dma_wait3A_273, %dma_wait3A_274, %dma_wait3A_275] : memref<8x128x32xf32, #tpu.memory_space<vmem>> -> memref<1x128x32xf32, #tpu.memory_space<vmem>>
    %dma_wait3A_277 = tpu.memref_squeeze %dma_wait3A_276 : memref<1x128x32xf32, #tpu.memory_space<vmem>> -> memref<128x32xf32, #tpu.memory_space<vmem>>
    %dma_wait3A_278 = arith.constant 0 : i32
    %dma_wait3A_279 = tpu.memref_slice %arg5[%dma_wait3A_272, %dma_wait3A_278] : memref<8x128xi32, #tpu.memory_space<vmem>> -> memref<1x128xi32, #tpu.memory_space<vmem>>
    %dma_wait3A_280 = tpu.memref_squeeze %dma_wait3A_279 : memref<1x128xi32, #tpu.memory_space<vmem>> -> memref<128xi32, #tpu.memory_space<vmem>>
    %dma_wait3A_281 = arith.constant 0 : i32
    %dma_wait3A_282 = arith.constant 0 : i32
    %dma_wait3A_283 = tpu.memref_slice %arg3[%dma_wait3A_281, %dma_wait3A_282] : memref<1000000x32xf32, #tpu.memory_space<hbm>> -> memref<1000000x32xf32, #tpu.memory_space<hbm>>
    tpu.wait_indirect_dma semaphore(%arg12 : memref<!tpu.dma_semaphore, #tpu.memory_space<semaphore_mem>>) src(%dma_wait3A_283 : memref<1000000x32xf32, #tpu.memory_space<hbm>>) dst(%dma_wait3A_277 : memref<128x32xf32, #tpu.memory_space<vmem>>)
    %dma_wait3A_284 = arith.constant 7 : i32
    %dma_wait3A_285 = arith.constant 7 : i32
    %dma_wait3A_286 = arith.constant 0 : i32
    %dma_wait3A_287 = arith.constant 0 : i32
    %dma_wait3A_288 = tpu.memref_slice %arg7[%dma_wait3A_285, %dma_wait3A_286, %dma_wait3A_287] : memref<8x128x32xf32, #tpu.memory_space<vmem>> -> memref<1x128x32xf32, #tpu.memory_space<vmem>>
    %dma_wait3A_289 = tpu.memref_squeeze %dma_wait3A_288 : memref<1x128x32xf32, #tpu.memory_space<vmem>> -> memref<128x32xf32, #tpu.memory_space<vmem>>
    %dma_wait3A_290 = arith.constant 0 : i32
    %dma_wait3A_291 = tpu.memref_slice %arg5[%dma_wait3A_284, %dma_wait3A_290] : memref<8x128xi32, #tpu.memory_space<vmem>> -> memref<1x128xi32, #tpu.memory_space<vmem>>
    %dma_wait3A_292 = tpu.memref_squeeze %dma_wait3A_291 : memref<1x128xi32, #tpu.memory_space<vmem>> -> memref<128xi32, #tpu.memory_space<vmem>>
    %dma_wait3A_293 = arith.constant 0 : i32
    %dma_wait3A_294 = arith.constant 0 : i32
    %dma_wait3A_295 = tpu.memref_slice %arg3[%dma_wait3A_293, %dma_wait3A_294] : memref<1000000x32xf32, #tpu.memory_space<hbm>> -> memref<1000000x32xf32, #tpu.memory_space<hbm>>
    tpu.wait_indirect_dma semaphore(%arg12 : memref<!tpu.dma_semaphore, #tpu.memory_space<semaphore_mem>>) src(%dma_wait3A_295 : memref<1000000x32xf32, #tpu.memory_space<hbm>>) dst(%dma_wait3A_289 : memref<128x32xf32, #tpu.memory_space<vmem>>)
    %not3A_296 = arith.constant true
    %not3A_297 = arith.constant true
    %not3A_298 = arith.xori %not3A_296, %not3A_297 : i1
    %and3A_299 = arith.constant false
    %and3A_300 = arith.andi %not3A_298, %and3A_299 : i1
    %convert_element_type3A_301 = arith.extui %and3A_300 : i1 to i32
    %cond3A_302 = arith.constant 0 : i32
    %cond3A_303 = arith.cmpi ne, %convert_element_type3A_301, %cond3A_302 : i32
    scf.if %cond3A_303 {
      %add3A_338 = arith.constant 52 : i32
      %add3A_339 = arith.addi %select_n3A_30, %add3A_338 : i32
      %mul3A_340 = arith.constant 128 : i32
      %mul3A_341 = arith.muli %mul3A_340, %add3A_339 : i32
      %mul3A_342 = arith.constant 8 : i32
      %mul3A_343 = arith.muli %mul3A_342, %select_n3A_9 : i32
      %add3A_344 = arith.addi %mul3A_341, %mul3A_343 : i32
      %dma_start3A_345 = arith.constant 0 : i32
      %dma_start3A_346 = tpu.memref_slice %arg2[%add3A_344, %dma_start3A_345] : memref<6400x128xi32, #tpu.memory_space<hbm>> -> memref<8x128xi32, #tpu.memory_space<hbm>>
      %dma_start3A_347 = arith.constant 0 : i32
      %dma_start3A_348 = tpu.memref_slice %arg2[%add3A_344, %dma_start3A_347] : memref<6400x128xi32, #tpu.memory_space<hbm>> -> memref<8x128xi32, #tpu.memory_space<hbm>>
      tpu.enqueue_dma source(%dma_start3A_348 : memref<8x128xi32, #tpu.memory_space<hbm>>) target(%arg5 : memref<8x128xi32, #tpu.memory_space<vmem>>) target_semaphore(%arg10 : memref<!tpu.dma_semaphore, #tpu.memory_space<semaphore_mem>>)
    } else {
    }
    %not3A_304 = arith.constant false
    %not3A_305 = arith.constant true
    %not3A_306 = arith.xori %not3A_304, %not3A_305 : i1
    %convert_element_type3A_307 = arith.extui %not3A_306 : i1 to i32
    %cond3A_308 = arith.constant 0 : i32
    %cond3A_309 = arith.cmpi ne, %convert_element_type3A_307, %cond3A_308 : i32
    scf.if %cond3A_309 {
      %mul3A_338 = arith.constant 8 : i32
      %mul3A_339 = arith.muli %mul3A_338, %select_n3A_9 : i32
      %dma_wait3A_340 = arith.constant 0 : i32
      %dma_wait3A_341 = arith.constant 0 : i32
      %dma_wait3A_342 = arith.constant 0 : i32
      %dma_wait3A_343 = tpu.memref_slice %arg4[%select_n3A_30, %dma_wait3A_340, %mul3A_339, %dma_wait3A_341, %dma_wait3A_342] : memref<50x4x128x8x128xf32, #tpu.memory_space<hbm>> -> memref<1x4x8x8x128xf32, #tpu.memory_space<hbm>>
      %dma_wait3A_344 = tpu.memref_squeeze %dma_wait3A_343 : memref<1x4x8x8x128xf32, #tpu.memory_space<hbm>> -> memref<4x8x8x128xf32, #tpu.memory_space<hbm>>
      %dma_wait3A_345 = arith.constant 0 : i32
      %dma_wait3A_346 = arith.constant 0 : i32
      %dma_wait3A_347 = arith.constant 0 : i32
      %dma_wait3A_348 = tpu.memref_slice %arg4[%select_n3A_30, %dma_wait3A_345, %mul3A_339, %dma_wait3A_346, %dma_wait3A_347] : memref<50x4x128x8x128xf32, #tpu.memory_space<hbm>> -> memref<1x4x8x8x128xf32, #tpu.memory_space<hbm>>
      %dma_wait3A_349 = tpu.memref_squeeze %dma_wait3A_348 : memref<1x4x8x8x128xf32, #tpu.memory_space<hbm>> -> memref<4x8x8x128xf32, #tpu.memory_space<hbm>>
      tpu.wait_dma2 semaphore(%arg14 : memref<!tpu.dma_semaphore, #tpu.memory_space<semaphore_mem>>) src(%arg9 : memref<4x8x8x128xf32, #tpu.memory_space<vmem>>) dst(%dma_wait3A_349 : memref<4x8x8x128xf32, #tpu.memory_space<hbm>>)
    } else {
    }
    %parallel_loop3A = arith.constant 0 : i32
    %parallel_loop3A_310 = arith.constant 32 : i32
    %parallel_loop3A_311 = arith.constant 1 : i32
    scf.for %parallel_loop3A_338 = %parallel_loop3A to %parallel_loop3A_310 step %parallel_loop3A_311  : i32 {
      %parallel_loop3A_339 = vector.broadcast %parallel_loop3A_338 : i32 to vector<16xi32>
      %parallel_loop3A_340 = arith.addi %parallel_loop3A_339, %iota3A : vector<16xi32>
      %parallel_loop3A_341 = arith.constant 31 : i32
      %parallel_loop3A_342 = vector.broadcast %parallel_loop3A_341 : i32 to vector<16xi32>
      %parallel_loop3A_343 = arith.andi %parallel_loop3A_340, %parallel_loop3A_342 : vector<16xi32>
      %parallel_loop3A_344 = arith.constant 3 : i32
      %parallel_loop3A_345 = vector.broadcast %parallel_loop3A_344 : i32 to vector<16xi32>
      %parallel_loop3A_346 = arith.shrsi %parallel_loop3A_343, %parallel_loop3A_345 : vector<16xi32>
      %parallel_loop3A_347 = arith.constant 7 : i32
      %parallel_loop3A_348 = vector.broadcast %parallel_loop3A_347 : i32 to vector<16xi32>
      %parallel_loop3A_349 = arith.andi %parallel_loop3A_343, %parallel_loop3A_348 : vector<16xi32>
      %parallel_loop3A_350 = tpu.vector_load_idx %arg7[%broadcast_in_dim3A_55, %add3A_33, %parallel_loop3A_343] : memref<8x128x32xf32, #tpu.memory_space<vmem>>[vector<16xi32>, vector<16xi32>, vector<16xi32>], vector<16xf32>,
      tpu.vector_store_idx %arg9[%parallel_loop3A_346, %broadcast_in_dim3A_55, %parallel_loop3A_349, %add3A_33], %parallel_loop3A_350 : memref<4x8x8x128xf32, #tpu.memory_space<vmem>>[vector<16xi32>, vector<16xi32>, vector<16xi32>, vector<16xi32>], vector<16xf32>,
      %parallel_loop3A_351 = tpu.vector_load_idx %arg7[%broadcast_in_dim3A_55, %add3A_36, %parallel_loop3A_343] : memref<8x128x32xf32, #tpu.memory_space<vmem>>[vector<16xi32>, vector<16xi32>, vector<16xi32>], vector<16xf32>,
      tpu.vector_store_idx %arg9[%parallel_loop3A_346, %broadcast_in_dim3A_55, %parallel_loop3A_349, %add3A_36], %parallel_loop3A_351 : memref<4x8x8x128xf32, #tpu.memory_space<vmem>>[vector<16xi32>, vector<16xi32>, vector<16xi32>, vector<16xi32>], vector<16xf32>,
      %parallel_loop3A_352 = tpu.vector_load_idx %arg7[%broadcast_in_dim3A_55, %add3A_39, %parallel_loop3A_343] : memref<8x128x32xf32, #tpu.memory_space<vmem>>[vector<16xi32>, vector<16xi32>, vector<16xi32>], vector<16xf32>,
      tpu.vector_store_idx %arg9[%parallel_loop3A_346, %broadcast_in_dim3A_55, %parallel_loop3A_349, %add3A_39], %parallel_loop3A_352 : memref<4x8x8x128xf32, #tpu.memory_space<vmem>>[vector<16xi32>, vector<16xi32>, vector<16xi32>, vector<16xi32>], vector<16xf32>,
      %parallel_loop3A_353 = tpu.vector_load_idx %arg7[%broadcast_in_dim3A_55, %add3A_42, %parallel_loop3A_343] : memref<8x128x32xf32, #tpu.memory_space<vmem>>[vector<16xi32>, vector<16xi32>, vector<16xi32>], vector<16xf32>,
      tpu.vector_store_idx %arg9[%parallel_loop3A_346, %broadcast_in_dim3A_55, %parallel_loop3A_349, %add3A_42], %parallel_loop3A_353 : memref<4x8x8x128xf32, #tpu.memory_space<vmem>>[vector<16xi32>, vector<16xi32>, vector<16xi32>, vector<16xi32>], vector<16xf32>,
      %parallel_loop3A_354 = tpu.vector_load_idx %arg7[%broadcast_in_dim3A_55, %add3A_45, %parallel_loop3A_343] : memref<8x128x32xf32, #tpu.memory_space<vmem>>[vector<16xi32>, vector<16xi32>, vector<16xi32>], vector<16xf32>,
      tpu.vector_store_idx %arg9[%parallel_loop3A_346, %broadcast_in_dim3A_55, %parallel_loop3A_349, %add3A_45], %parallel_loop3A_354 : memref<4x8x8x128xf32, #tpu.memory_space<vmem>>[vector<16xi32>, vector<16xi32>, vector<16xi32>, vector<16xi32>], vector<16xf32>,
      %parallel_loop3A_355 = tpu.vector_load_idx %arg7[%broadcast_in_dim3A_55, %add3A_48, %parallel_loop3A_343] : memref<8x128x32xf32, #tpu.memory_space<vmem>>[vector<16xi32>, vector<16xi32>, vector<16xi32>], vector<16xf32>,
      tpu.vector_store_idx %arg9[%parallel_loop3A_346, %broadcast_in_dim3A_55, %parallel_loop3A_349, %add3A_48], %parallel_loop3A_355 : memref<4x8x8x128xf32, #tpu.memory_space<vmem>>[vector<16xi32>, vector<16xi32>, vector<16xi32>, vector<16xi32>], vector<16xf32>,
      %parallel_loop3A_356 = tpu.vector_load_idx %arg7[%broadcast_in_dim3A_55, %add3A_51, %parallel_loop3A_343] : memref<8x128x32xf32, #tpu.memory_space<vmem>>[vector<16xi32>, vector<16xi32>, vector<16xi32>], vector<16xf32>,
      tpu.vector_store_idx %arg9[%parallel_loop3A_346, %broadcast_in_dim3A_55, %parallel_loop3A_349, %add3A_51], %parallel_loop3A_356 : memref<4x8x8x128xf32, #tpu.memory_space<vmem>>[vector<16xi32>, vector<16xi32>, vector<16xi32>, vector<16xi32>], vector<16xf32>,
      %parallel_loop3A_357 = tpu.vector_load_idx %arg7[%broadcast_in_dim3A_55, %add3A_54, %parallel_loop3A_343] : memref<8x128x32xf32, #tpu.memory_space<vmem>>[vector<16xi32>, vector<16xi32>, vector<16xi32>], vector<16xf32>,
      tpu.vector_store_idx %arg9[%parallel_loop3A_346, %broadcast_in_dim3A_55, %parallel_loop3A_349, %add3A_54], %parallel_loop3A_357 : memref<4x8x8x128xf32, #tpu.memory_space<vmem>>[vector<16xi32>, vector<16xi32>, vector<16xi32>, vector<16xi32>], vector<16xf32>,
      %parallel_loop3A_358 = tpu.vector_load_idx %arg7[%broadcast_in_dim3A_57, %add3A_33, %parallel_loop3A_343] : memref<8x128x32xf32, #tpu.memory_space<vmem>>[vector<16xi32>, vector<16xi32>, vector<16xi32>], vector<16xf32>,
      tpu.vector_store_idx %arg9[%parallel_loop3A_346, %broadcast_in_dim3A_57, %parallel_loop3A_349, %add3A_33], %parallel_loop3A_358 : memref<4x8x8x128xf32, #tpu.memory_space<vmem>>[vector<16xi32>, vector<16xi32>, vector<16xi32>, vector<16xi32>], vector<16xf32>,
      %parallel_loop3A_359 = tpu.vector_load_idx %arg7[%broadcast_in_dim3A_57, %add3A_36, %parallel_loop3A_343] : memref<8x128x32xf32, #tpu.memory_space<vmem>>[vector<16xi32>, vector<16xi32>, vector<16xi32>], vector<16xf32>,
      tpu.vector_store_idx %arg9[%parallel_loop3A_346, %broadcast_in_dim3A_57, %parallel_loop3A_349, %add3A_36], %parallel_loop3A_359 : memref<4x8x8x128xf32, #tpu.memory_space<vmem>>[vector<16xi32>, vector<16xi32>, vector<16xi32>, vector<16xi32>], vector<16xf32>,
      %parallel_loop3A_360 = tpu.vector_load_idx %arg7[%broadcast_in_dim3A_57, %add3A_39, %parallel_loop3A_343] : memref<8x128x32xf32, #tpu.memory_space<vmem>>[vector<16xi32>, vector<16xi32>, vector<16xi32>], vector<16xf32>,
      tpu.vector_store_idx %arg9[%parallel_loop3A_346, %broadcast_in_dim3A_57, %parallel_loop3A_349, %add3A_39], %parallel_loop3A_360 : memref<4x8x8x128xf32, #tpu.memory_space<vmem>>[vector<16xi32>, vector<16xi32>, vector<16xi32>, vector<16xi32>], vector<16xf32>,
      %parallel_loop3A_361 = tpu.vector_load_idx %arg7[%broadcast_in_dim3A_57, %add3A_42, %parallel_loop3A_343] : memref<8x128x32xf32, #tpu.memory_space<vmem>>[vector<16xi32>, vector<16xi32>, vector<16xi32>], vector<16xf32>,
      tpu.vector_store_idx %arg9[%parallel_loop3A_346, %broadcast_in_dim3A_57, %parallel_loop3A_349, %add3A_42], %parallel_loop3A_361 : memref<4x8x8x128xf32, #tpu.memory_space<vmem>>[vector<16xi32>, vector<16xi32>, vector<16xi32>, vector<16xi32>], vector<16xf32>,
      %parallel_loop3A_362 = tpu.vector_load_idx %arg7[%broadcast_in_dim3A_57, %add3A_45, %parallel_loop3A_343] : memref<8x128x32xf32, #tpu.memory_space<vmem>>[vector<16xi32>, vector<16xi32>, vector<16xi32>], vector<16xf32>,
      tpu.vector_store_idx %arg9[%parallel_loop3A_346, %broadcast_in_dim3A_57, %parallel_loop3A_349, %add3A_45], %parallel_loop3A_362 : memref<4x8x8x128xf32, #tpu.memory_space<vmem>>[vector<16xi32>, vector<16xi32>, vector<16xi32>, vector<16xi32>], vector<16xf32>,
      %parallel_loop3A_363 = tpu.vector_load_idx %arg7[%broadcast_in_dim3A_57, %add3A_48, %parallel_loop3A_343] : memref<8x128x32xf32, #tpu.memory_space<vmem>>[vector<16xi32>, vector<16xi32>, vector<16xi32>], vector<16xf32>,
      tpu.vector_store_idx %arg9[%parallel_loop3A_346, %broadcast_in_dim3A_57, %parallel_loop3A_349, %add3A_48], %parallel_loop3A_363 : memref<4x8x8x128xf32, #tpu.memory_space<vmem>>[vector<16xi32>, vector<16xi32>, vector<16xi32>, vector<16xi32>], vector<16xf32>,
      %parallel_loop3A_364 = tpu.vector_load_idx %arg7[%broadcast_in_dim3A_57, %add3A_51, %parallel_loop3A_343] : memref<8x128x32xf32, #tpu.memory_space<vmem>>[vector<16xi32>, vector<16xi32>, vector<16xi32>], vector<16xf32>,
      tpu.vector_store_idx %arg9[%parallel_loop3A_346, %broadcast_in_dim3A_57, %parallel_loop3A_349, %add3A_51], %parallel_loop3A_364 : memref<4x8x8x128xf32, #tpu.memory_space<vmem>>[vector<16xi32>, vector<16xi32>, vector<16xi32>, vector<16xi32>], vector<16xf32>,
      %parallel_loop3A_365 = tpu.vector_load_idx %arg7[%broadcast_in_dim3A_57, %add3A_54, %parallel_loop3A_343] : memref<8x128x32xf32, #tpu.memory_space<vmem>>[vector<16xi32>, vector<16xi32>, vector<16xi32>], vector<16xf32>,
      tpu.vector_store_idx %arg9[%parallel_loop3A_346, %broadcast_in_dim3A_57, %parallel_loop3A_349, %add3A_54], %parallel_loop3A_365 : memref<4x8x8x128xf32, #tpu.memory_space<vmem>>[vector<16xi32>, vector<16xi32>, vector<16xi32>, vector<16xi32>], vector<16xf32>,
      %parallel_loop3A_366 = tpu.vector_load_idx %arg7[%broadcast_in_dim3A_59, %add3A_33, %parallel_loop3A_343] : memref<8x128x32xf32, #tpu.memory_space<vmem>>[vector<16xi32>, vector<16xi32>, vector<16xi32>], vector<16xf32>,
      tpu.vector_store_idx %arg9[%parallel_loop3A_346, %broadcast_in_dim3A_59, %parallel_loop3A_349, %add3A_33], %parallel_loop3A_366 : memref<4x8x8x128xf32, #tpu.memory_space<vmem>>[vector<16xi32>, vector<16xi32>, vector<16xi32>, vector<16xi32>], vector<16xf32>,
      %parallel_loop3A_367 = tpu.vector_load_idx %arg7[%broadcast_in_dim3A_59, %add3A_36, %parallel_loop3A_343] : memref<8x128x32xf32, #tpu.memory_space<vmem>>[vector<16xi32>, vector<16xi32>, vector<16xi32>], vector<16xf32>,
      tpu.vector_store_idx %arg9[%parallel_loop3A_346, %broadcast_in_dim3A_59, %parallel_loop3A_349, %add3A_36], %parallel_loop3A_367 : memref<4x8x8x128xf32, #tpu.memory_space<vmem>>[vector<16xi32>, vector<16xi32>, vector<16xi32>, vector<16xi32>], vector<16xf32>,
      %parallel_loop3A_368 = tpu.vector_load_idx %arg7[%broadcast_in_dim3A_59, %add3A_39, %parallel_loop3A_343] : memref<8x128x32xf32, #tpu.memory_space<vmem>>[vector<16xi32>, vector<16xi32>, vector<16xi32>], vector<16xf32>,
      tpu.vector_store_idx %arg9[%parallel_loop3A_346, %broadcast_in_dim3A_59, %parallel_loop3A_349, %add3A_39], %parallel_loop3A_368 : memref<4x8x8x128xf32, #tpu.memory_space<vmem>>[vector<16xi32>, vector<16xi32>, vector<16xi32>, vector<16xi32>], vector<16xf32>,
      %parallel_loop3A_369 = tpu.vector_load_idx %arg7[%broadcast_in_dim3A_59, %add3A_42, %parallel_loop3A_343] : memref<8x128x32xf32, #tpu.memory_space<vmem>>[vector<16xi32>, vector<16xi32>, vector<16xi32>], vector<16xf32>,
      tpu.vector_store_idx %arg9[%parallel_loop3A_346, %broadcast_in_dim3A_59, %parallel_loop3A_349, %add3A_42], %parallel_loop3A_369 : memref<4x8x8x128xf32, #tpu.memory_space<vmem>>[vector<16xi32>, vector<16xi32>, vector<16xi32>, vector<16xi32>], vector<16xf32>,
      %parallel_loop3A_370 = tpu.vector_load_idx %arg7[%broadcast_in_dim3A_59, %add3A_45, %parallel_loop3A_343] : memref<8x128x32xf32, #tpu.memory_space<vmem>>[vector<16xi32>, vector<16xi32>, vector<16xi32>], vector<16xf32>,
      tpu.vector_store_idx %arg9[%parallel_loop3A_346, %broadcast_in_dim3A_59, %parallel_loop3A_349, %add3A_45], %parallel_loop3A_370 : memref<4x8x8x128xf32, #tpu.memory_space<vmem>>[vector<16xi32>, vector<16xi32>, vector<16xi32>, vector<16xi32>], vector<16xf32>,
      %parallel_loop3A_371 = tpu.vector_load_idx %arg7[%broadcast_in_dim3A_59, %add3A_48, %parallel_loop3A_343] : memref<8x128x32xf32, #tpu.memory_space<vmem>>[vector<16xi32>, vector<16xi32>, vector<16xi32>], vector<16xf32>,
      tpu.vector_store_idx %arg9[%parallel_loop3A_346, %broadcast_in_dim3A_59, %parallel_loop3A_349, %add3A_48], %parallel_loop3A_371 : memref<4x8x8x128xf32, #tpu.memory_space<vmem>>[vector<16xi32>, vector<16xi32>, vector<16xi32>, vector<16xi32>], vector<16xf32>,
      %parallel_loop3A_372 = tpu.vector_load_idx %arg7[%broadcast_in_dim3A_59, %add3A_51, %parallel_loop3A_343] : memref<8x128x32xf32, #tpu.memory_space<vmem>>[vector<16xi32>, vector<16xi32>, vector<16xi32>], vector<16xf32>,
      tpu.vector_store_idx %arg9[%parallel_loop3A_346, %broadcast_in_dim3A_59, %parallel_loop3A_349, %add3A_51], %parallel_loop3A_372 : memref<4x8x8x128xf32, #tpu.memory_space<vmem>>[vector<16xi32>, vector<16xi32>, vector<16xi32>, vector<16xi32>], vector<16xf32>,
      %parallel_loop3A_373 = tpu.vector_load_idx %arg7[%broadcast_in_dim3A_59, %add3A_54, %parallel_loop3A_343] : memref<8x128x32xf32, #tpu.memory_space<vmem>>[vector<16xi32>, vector<16xi32>, vector<16xi32>], vector<16xf32>,
      tpu.vector_store_idx %arg9[%parallel_loop3A_346, %broadcast_in_dim3A_59, %parallel_loop3A_349, %add3A_54], %parallel_loop3A_373 : memref<4x8x8x128xf32, #tpu.memory_space<vmem>>[vector<16xi32>, vector<16xi32>, vector<16xi32>, vector<16xi32>], vector<16xf32>,
      %parallel_loop3A_374 = tpu.vector_load_idx %arg7[%broadcast_in_dim3A_61, %add3A_33, %parallel_loop3A_343] : memref<8x128x32xf32, #tpu.memory_space<vmem>>[vector<16xi32>, vector<16xi32>, vector<16xi32>], vector<16xf32>,
      tpu.vector_store_idx %arg9[%parallel_loop3A_346, %broadcast_in_dim3A_61, %parallel_loop3A_349, %add3A_33], %parallel_loop3A_374 : memref<4x8x8x128xf32, #tpu.memory_space<vmem>>[vector<16xi32>, vector<16xi32>, vector<16xi32>, vector<16xi32>], vector<16xf32>,
      %parallel_loop3A_375 = tpu.vector_load_idx %arg7[%broadcast_in_dim3A_61, %add3A_36, %parallel_loop3A_343] : memref<8x128x32xf32, #tpu.memory_space<vmem>>[vector<16xi32>, vector<16xi32>, vector<16xi32>], vector<16xf32>,
      tpu.vector_store_idx %arg9[%parallel_loop3A_346, %broadcast_in_dim3A_61, %parallel_loop3A_349, %add3A_36], %parallel_loop3A_375 : memref<4x8x8x128xf32, #tpu.memory_space<vmem>>[vector<16xi32>, vector<16xi32>, vector<16xi32>, vector<16xi32>], vector<16xf32>,
      %parallel_loop3A_376 = tpu.vector_load_idx %arg7[%broadcast_in_dim3A_61, %add3A_39, %parallel_loop3A_343] : memref<8x128x32xf32, #tpu.memory_space<vmem>>[vector<16xi32>, vector<16xi32>, vector<16xi32>], vector<16xf32>,
      tpu.vector_store_idx %arg9[%parallel_loop3A_346, %broadcast_in_dim3A_61, %parallel_loop3A_349, %add3A_39], %parallel_loop3A_376 : memref<4x8x8x128xf32, #tpu.memory_space<vmem>>[vector<16xi32>, vector<16xi32>, vector<16xi32>, vector<16xi32>], vector<16xf32>,
      %parallel_loop3A_377 = tpu.vector_load_idx %arg7[%broadcast_in_dim3A_61, %add3A_42, %parallel_loop3A_343] : memref<8x128x32xf32, #tpu.memory_space<vmem>>[vector<16xi32>, vector<16xi32>, vector<16xi32>], vector<16xf32>,
      tpu.vector_store_idx %arg9[%parallel_loop3A_346, %broadcast_in_dim3A_61, %parallel_loop3A_349, %add3A_42], %parallel_loop3A_377 : memref<4x8x8x128xf32, #tpu.memory_space<vmem>>[vector<16xi32>, vector<16xi32>, vector<16xi32>, vector<16xi32>], vector<16xf32>,
      %parallel_loop3A_378 = tpu.vector_load_idx %arg7[%broadcast_in_dim3A_61, %add3A_45, %parallel_loop3A_343] : memref<8x128x32xf32, #tpu.memory_space<vmem>>[vector<16xi32>, vector<16xi32>, vector<16xi32>], vector<16xf32>,
      tpu.vector_store_idx %arg9[%parallel_loop3A_346, %broadcast_in_dim3A_61, %parallel_loop3A_349, %add3A_45], %parallel_loop3A_378 : memref<4x8x8x128xf32, #tpu.memory_space<vmem>>[vector<16xi32>, vector<16xi32>, vector<16xi32>, vector<16xi32>], vector<16xf32>,
      %parallel_loop3A_379 = tpu.vector_load_idx %arg7[%broadcast_in_dim3A_61, %add3A_48, %parallel_loop3A_343] : memref<8x128x32xf32, #tpu.memory_space<vmem>>[vector<16xi32>, vector<16xi32>, vector<16xi32>], vector<16xf32>,
      tpu.vector_store_idx %arg9[%parallel_loop3A_346, %broadcast_in_dim3A_61, %parallel_loop3A_349, %add3A_48], %parallel_loop3A_379 : memref<4x8x8x128xf32, #tpu.memory_space<vmem>>[vector<16xi32>, vector<16xi32>, vector<16xi32>, vector<16xi32>], vector<16xf32>,
      %parallel_loop3A_380 = tpu.vector_load_idx %arg7[%broadcast_in_dim3A_61, %add3A_51, %parallel_loop3A_343] : memref<8x128x32xf32, #tpu.memory_space<vmem>>[vector<16xi32>, vector<16xi32>, vector<16xi32>], vector<16xf32>,
      tpu.vector_store_idx %arg9[%parallel_loop3A_346, %broadcast_in_dim3A_61, %parallel_loop3A_349, %add3A_51], %parallel_loop3A_380 : memref<4x8x8x128xf32, #tpu.memory_space<vmem>>[vector<16xi32>, vector<16xi32>, vector<16xi32>, vector<16xi32>], vector<16xf32>,
      %parallel_loop3A_381 = tpu.vector_load_idx %arg7[%broadcast_in_dim3A_61, %add3A_54, %parallel_loop3A_343] : memref<8x128x32xf32, #tpu.memory_space<vmem>>[vector<16xi32>, vector<16xi32>, vector<16xi32>], vector<16xf32>,
      tpu.vector_store_idx %arg9[%parallel_loop3A_346, %broadcast_in_dim3A_61, %parallel_loop3A_349, %add3A_54], %parallel_loop3A_381 : memref<4x8x8x128xf32, #tpu.memory_space<vmem>>[vector<16xi32>, vector<16xi32>, vector<16xi32>, vector<16xi32>], vector<16xf32>,
      %parallel_loop3A_382 = tpu.vector_load_idx %arg7[%broadcast_in_dim3A_63, %add3A_33, %parallel_loop3A_343] : memref<8x128x32xf32, #tpu.memory_space<vmem>>[vector<16xi32>, vector<16xi32>, vector<16xi32>], vector<16xf32>,
      tpu.vector_store_idx %arg9[%parallel_loop3A_346, %broadcast_in_dim3A_63, %parallel_loop3A_349, %add3A_33], %parallel_loop3A_382 : memref<4x8x8x128xf32, #tpu.memory_space<vmem>>[vector<16xi32>, vector<16xi32>, vector<16xi32>, vector<16xi32>], vector<16xf32>,
      %parallel_loop3A_383 = tpu.vector_load_idx %arg7[%broadcast_in_dim3A_63, %add3A_36, %parallel_loop3A_343] : memref<8x128x32xf32, #tpu.memory_space<vmem>>[vector<16xi32>, vector<16xi32>, vector<16xi32>], vector<16xf32>,
      tpu.vector_store_idx %arg9[%parallel_loop3A_346, %broadcast_in_dim3A_63, %parallel_loop3A_349, %add3A_36], %parallel_loop3A_383 : memref<4x8x8x128xf32, #tpu.memory_space<vmem>>[vector<16xi32>, vector<16xi32>, vector<16xi32>, vector<16xi32>], vector<16xf32>,
      %parallel_loop3A_384 = tpu.vector_load_idx %arg7[%broadcast_in_dim3A_63, %add3A_39, %parallel_loop3A_343] : memref<8x128x32xf32, #tpu.memory_space<vmem>>[vector<16xi32>, vector<16xi32>, vector<16xi32>], vector<16xf32>,
      tpu.vector_store_idx %arg9[%parallel_loop3A_346, %broadcast_in_dim3A_63, %parallel_loop3A_349, %add3A_39], %parallel_loop3A_384 : memref<4x8x8x128xf32, #tpu.memory_space<vmem>>[vector<16xi32>, vector<16xi32>, vector<16xi32>, vector<16xi32>], vector<16xf32>,
      %parallel_loop3A_385 = tpu.vector_load_idx %arg7[%broadcast_in_dim3A_63, %add3A_42, %parallel_loop3A_343] : memref<8x128x32xf32, #tpu.memory_space<vmem>>[vector<16xi32>, vector<16xi32>, vector<16xi32>], vector<16xf32>,
      tpu.vector_store_idx %arg9[%parallel_loop3A_346, %broadcast_in_dim3A_63, %parallel_loop3A_349, %add3A_42], %parallel_loop3A_385 : memref<4x8x8x128xf32, #tpu.memory_space<vmem>>[vector<16xi32>, vector<16xi32>, vector<16xi32>, vector<16xi32>], vector<16xf32>,
      %parallel_loop3A_386 = tpu.vector_load_idx %arg7[%broadcast_in_dim3A_63, %add3A_45, %parallel_loop3A_343] : memref<8x128x32xf32, #tpu.memory_space<vmem>>[vector<16xi32>, vector<16xi32>, vector<16xi32>], vector<16xf32>,
      tpu.vector_store_idx %arg9[%parallel_loop3A_346, %broadcast_in_dim3A_63, %parallel_loop3A_349, %add3A_45], %parallel_loop3A_386 : memref<4x8x8x128xf32, #tpu.memory_space<vmem>>[vector<16xi32>, vector<16xi32>, vector<16xi32>, vector<16xi32>], vector<16xf32>,
      %parallel_loop3A_387 = tpu.vector_load_idx %arg7[%broadcast_in_dim3A_63, %add3A_48, %parallel_loop3A_343] : memref<8x128x32xf32, #tpu.memory_space<vmem>>[vector<16xi32>, vector<16xi32>, vector<16xi32>], vector<16xf32>,
      tpu.vector_store_idx %arg9[%parallel_loop3A_346, %broadcast_in_dim3A_63, %parallel_loop3A_349, %add3A_48], %parallel_loop3A_387 : memref<4x8x8x128xf32, #tpu.memory_space<vmem>>[vector<16xi32>, vector<16xi32>, vector<16xi32>, vector<16xi32>], vector<16xf32>,
      %parallel_loop3A_388 = tpu.vector_load_idx %arg7[%broadcast_in_dim3A_63, %add3A_51, %parallel_loop3A_343] : memref<8x128x32xf32, #tpu.memory_space<vmem>>[vector<16xi32>, vector<16xi32>, vector<16xi32>], vector<16xf32>,
      tpu.vector_store_idx %arg9[%parallel_loop3A_346, %broadcast_in_dim3A_63, %parallel_loop3A_349, %add3A_51], %parallel_loop3A_388 : memref<4x8x8x128xf32, #tpu.memory_space<vmem>>[vector<16xi32>, vector<16xi32>, vector<16xi32>, vector<16xi32>], vector<16xf32>,
      %parallel_loop3A_389 = tpu.vector_load_idx %arg7[%broadcast_in_dim3A_63, %add3A_54, %parallel_loop3A_343] : memref<8x128x32xf32, #tpu.memory_space<vmem>>[vector<16xi32>, vector<16xi32>, vector<16xi32>], vector<16xf32>,
      tpu.vector_store_idx %arg9[%parallel_loop3A_346, %broadcast_in_dim3A_63, %parallel_loop3A_349, %add3A_54], %parallel_loop3A_389 : memref<4x8x8x128xf32, #tpu.memory_space<vmem>>[vector<16xi32>, vector<16xi32>, vector<16xi32>, vector<16xi32>], vector<16xf32>,
      %parallel_loop3A_390 = tpu.vector_load_idx %arg7[%broadcast_in_dim3A_65, %add3A_33, %parallel_loop3A_343] : memref<8x128x32xf32, #tpu.memory_space<vmem>>[vector<16xi32>, vector<16xi32>, vector<16xi32>], vector<16xf32>,
      tpu.vector_store_idx %arg9[%parallel_loop3A_346, %broadcast_in_dim3A_65, %parallel_loop3A_349, %add3A_33], %parallel_loop3A_390 : memref<4x8x8x128xf32, #tpu.memory_space<vmem>>[vector<16xi32>, vector<16xi32>, vector<16xi32>, vector<16xi32>], vector<16xf32>,
      %parallel_loop3A_391 = tpu.vector_load_idx %arg7[%broadcast_in_dim3A_65, %add3A_36, %parallel_loop3A_343] : memref<8x128x32xf32, #tpu.memory_space<vmem>>[vector<16xi32>, vector<16xi32>, vector<16xi32>], vector<16xf32>,
      tpu.vector_store_idx %arg9[%parallel_loop3A_346, %broadcast_in_dim3A_65, %parallel_loop3A_349, %add3A_36], %parallel_loop3A_391 : memref<4x8x8x128xf32, #tpu.memory_space<vmem>>[vector<16xi32>, vector<16xi32>, vector<16xi32>, vector<16xi32>], vector<16xf32>,
      %parallel_loop3A_392 = tpu.vector_load_idx %arg7[%broadcast_in_dim3A_65, %add3A_39, %parallel_loop3A_343] : memref<8x128x32xf32, #tpu.memory_space<vmem>>[vector<16xi32>, vector<16xi32>, vector<16xi32>], vector<16xf32>,
      tpu.vector_store_idx %arg9[%parallel_loop3A_346, %broadcast_in_dim3A_65, %parallel_loop3A_349, %add3A_39], %parallel_loop3A_392 : memref<4x8x8x128xf32, #tpu.memory_space<vmem>>[vector<16xi32>, vector<16xi32>, vector<16xi32>, vector<16xi32>], vector<16xf32>,
      %parallel_loop3A_393 = tpu.vector_load_idx %arg7[%broadcast_in_dim3A_65, %add3A_42, %parallel_loop3A_343] : memref<8x128x32xf32, #tpu.memory_space<vmem>>[vector<16xi32>, vector<16xi32>, vector<16xi32>], vector<16xf32>,
      tpu.vector_store_idx %arg9[%parallel_loop3A_346, %broadcast_in_dim3A_65, %parallel_loop3A_349, %add3A_42], %parallel_loop3A_393 : memref<4x8x8x128xf32, #tpu.memory_space<vmem>>[vector<16xi32>, vector<16xi32>, vector<16xi32>, vector<16xi32>], vector<16xf32>,
      %parallel_loop3A_394 = tpu.vector_load_idx %arg7[%broadcast_in_dim3A_65, %add3A_45, %parallel_loop3A_343] : memref<8x128x32xf32, #tpu.memory_space<vmem>>[vector<16xi32>, vector<16xi32>, vector<16xi32>], vector<16xf32>,
      tpu.vector_store_idx %arg9[%parallel_loop3A_346, %broadcast_in_dim3A_65, %parallel_loop3A_349, %add3A_45], %parallel_loop3A_394 : memref<4x8x8x128xf32, #tpu.memory_space<vmem>>[vector<16xi32>, vector<16xi32>, vector<16xi32>, vector<16xi32>], vector<16xf32>,
      %parallel_loop3A_395 = tpu.vector_load_idx %arg7[%broadcast_in_dim3A_65, %add3A_48, %parallel_loop3A_343] : memref<8x128x32xf32, #tpu.memory_space<vmem>>[vector<16xi32>, vector<16xi32>, vector<16xi32>], vector<16xf32>,
      tpu.vector_store_idx %arg9[%parallel_loop3A_346, %broadcast_in_dim3A_65, %parallel_loop3A_349, %add3A_48], %parallel_loop3A_395 : memref<4x8x8x128xf32, #tpu.memory_space<vmem>>[vector<16xi32>, vector<16xi32>, vector<16xi32>, vector<16xi32>], vector<16xf32>,
      %parallel_loop3A_396 = tpu.vector_load_idx %arg7[%broadcast_in_dim3A_65, %add3A_51, %parallel_loop3A_343] : memref<8x128x32xf32, #tpu.memory_space<vmem>>[vector<16xi32>, vector<16xi32>, vector<16xi32>], vector<16xf32>,
      tpu.vector_store_idx %arg9[%parallel_loop3A_346, %broadcast_in_dim3A_65, %parallel_loop3A_349, %add3A_51], %parallel_loop3A_396 : memref<4x8x8x128xf32, #tpu.memory_space<vmem>>[vector<16xi32>, vector<16xi32>, vector<16xi32>, vector<16xi32>], vector<16xf32>,
      %parallel_loop3A_397 = tpu.vector_load_idx %arg7[%broadcast_in_dim3A_65, %add3A_54, %parallel_loop3A_343] : memref<8x128x32xf32, #tpu.memory_space<vmem>>[vector<16xi32>, vector<16xi32>, vector<16xi32>], vector<16xf32>,
      tpu.vector_store_idx %arg9[%parallel_loop3A_346, %broadcast_in_dim3A_65, %parallel_loop3A_349, %add3A_54], %parallel_loop3A_397 : memref<4x8x8x128xf32, #tpu.memory_space<vmem>>[vector<16xi32>, vector<16xi32>, vector<16xi32>, vector<16xi32>], vector<16xf32>,
      %parallel_loop3A_398 = tpu.vector_load_idx %arg7[%broadcast_in_dim3A_67, %add3A_33, %parallel_loop3A_343] : memref<8x128x32xf32, #tpu.memory_space<vmem>>[vector<16xi32>, vector<16xi32>, vector<16xi32>], vector<16xf32>,
      tpu.vector_store_idx %arg9[%parallel_loop3A_346, %broadcast_in_dim3A_67, %parallel_loop3A_349, %add3A_33], %parallel_loop3A_398 : memref<4x8x8x128xf32, #tpu.memory_space<vmem>>[vector<16xi32>, vector<16xi32>, vector<16xi32>, vector<16xi32>], vector<16xf32>,
      %parallel_loop3A_399 = tpu.vector_load_idx %arg7[%broadcast_in_dim3A_67, %add3A_36, %parallel_loop3A_343] : memref<8x128x32xf32, #tpu.memory_space<vmem>>[vector<16xi32>, vector<16xi32>, vector<16xi32>], vector<16xf32>,
      tpu.vector_store_idx %arg9[%parallel_loop3A_346, %broadcast_in_dim3A_67, %parallel_loop3A_349, %add3A_36], %parallel_loop3A_399 : memref<4x8x8x128xf32, #tpu.memory_space<vmem>>[vector<16xi32>, vector<16xi32>, vector<16xi32>, vector<16xi32>], vector<16xf32>,
      %parallel_loop3A_400 = tpu.vector_load_idx %arg7[%broadcast_in_dim3A_67, %add3A_39, %parallel_loop3A_343] : memref<8x128x32xf32, #tpu.memory_space<vmem>>[vector<16xi32>, vector<16xi32>, vector<16xi32>], vector<16xf32>,
      tpu.vector_store_idx %arg9[%parallel_loop3A_346, %broadcast_in_dim3A_67, %parallel_loop3A_349, %add3A_39], %parallel_loop3A_400 : memref<4x8x8x128xf32, #tpu.memory_space<vmem>>[vector<16xi32>, vector<16xi32>, vector<16xi32>, vector<16xi32>], vector<16xf32>,
      %parallel_loop3A_401 = tpu.vector_load_idx %arg7[%broadcast_in_dim3A_67, %add3A_42, %parallel_loop3A_343] : memref<8x128x32xf32, #tpu.memory_space<vmem>>[vector<16xi32>, vector<16xi32>, vector<16xi32>], vector<16xf32>,
      tpu.vector_store_idx %arg9[%parallel_loop3A_346, %broadcast_in_dim3A_67, %parallel_loop3A_349, %add3A_42], %parallel_loop3A_401 : memref<4x8x8x128xf32, #tpu.memory_space<vmem>>[vector<16xi32>, vector<16xi32>, vector<16xi32>, vector<16xi32>], vector<16xf32>,
      %parallel_loop3A_402 = tpu.vector_load_idx %arg7[%broadcast_in_dim3A_67, %add3A_45, %parallel_loop3A_343] : memref<8x128x32xf32, #tpu.memory_space<vmem>>[vector<16xi32>, vector<16xi32>, vector<16xi32>], vector<16xf32>,
      tpu.vector_store_idx %arg9[%parallel_loop3A_346, %broadcast_in_dim3A_67, %parallel_loop3A_349, %add3A_45], %parallel_loop3A_402 : memref<4x8x8x128xf32, #tpu.memory_space<vmem>>[vector<16xi32>, vector<16xi32>, vector<16xi32>, vector<16xi32>], vector<16xf32>,
      %parallel_loop3A_403 = tpu.vector_load_idx %arg7[%broadcast_in_dim3A_67, %add3A_48, %parallel_loop3A_343] : memref<8x128x32xf32, #tpu.memory_space<vmem>>[vector<16xi32>, vector<16xi32>, vector<16xi32>], vector<16xf32>,
      tpu.vector_store_idx %arg9[%parallel_loop3A_346, %broadcast_in_dim3A_67, %parallel_loop3A_349, %add3A_48], %parallel_loop3A_403 : memref<4x8x8x128xf32, #tpu.memory_space<vmem>>[vector<16xi32>, vector<16xi32>, vector<16xi32>, vector<16xi32>], vector<16xf32>,
      %parallel_loop3A_404 = tpu.vector_load_idx %arg7[%broadcast_in_dim3A_67, %add3A_51, %parallel_loop3A_343] : memref<8x128x32xf32, #tpu.memory_space<vmem>>[vector<16xi32>, vector<16xi32>, vector<16xi32>], vector<16xf32>,
      tpu.vector_store_idx %arg9[%parallel_loop3A_346, %broadcast_in_dim3A_67, %parallel_loop3A_349, %add3A_51], %parallel_loop3A_404 : memref<4x8x8x128xf32, #tpu.memory_space<vmem>>[vector<16xi32>, vector<16xi32>, vector<16xi32>, vector<16xi32>], vector<16xf32>,
      %parallel_loop3A_405 = tpu.vector_load_idx %arg7[%broadcast_in_dim3A_67, %add3A_54, %parallel_loop3A_343] : memref<8x128x32xf32, #tpu.memory_space<vmem>>[vector<16xi32>, vector<16xi32>, vector<16xi32>], vector<16xf32>,
      tpu.vector_store_idx %arg9[%parallel_loop3A_346, %broadcast_in_dim3A_67, %parallel_loop3A_349, %add3A_54], %parallel_loop3A_405 : memref<4x8x8x128xf32, #tpu.memory_space<vmem>>[vector<16xi32>, vector<16xi32>, vector<16xi32>, vector<16xi32>], vector<16xf32>,
      %parallel_loop3A_406 = tpu.vector_load_idx %arg7[%broadcast_in_dim3A_69, %add3A_33, %parallel_loop3A_343] : memref<8x128x32xf32, #tpu.memory_space<vmem>>[vector<16xi32>, vector<16xi32>, vector<16xi32>], vector<16xf32>,
      tpu.vector_store_idx %arg9[%parallel_loop3A_346, %broadcast_in_dim3A_69, %parallel_loop3A_349, %add3A_33], %parallel_loop3A_406 : memref<4x8x8x128xf32, #tpu.memory_space<vmem>>[vector<16xi32>, vector<16xi32>, vector<16xi32>, vector<16xi32>], vector<16xf32>,
      %parallel_loop3A_407 = tpu.vector_load_idx %arg7[%broadcast_in_dim3A_69, %add3A_36, %parallel_loop3A_343] : memref<8x128x32xf32, #tpu.memory_space<vmem>>[vector<16xi32>, vector<16xi32>, vector<16xi32>], vector<16xf32>,
      tpu.vector_store_idx %arg9[%parallel_loop3A_346, %broadcast_in_dim3A_69, %parallel_loop3A_349, %add3A_36], %parallel_loop3A_407 : memref<4x8x8x128xf32, #tpu.memory_space<vmem>>[vector<16xi32>, vector<16xi32>, vector<16xi32>, vector<16xi32>], vector<16xf32>,
      %parallel_loop3A_408 = tpu.vector_load_idx %arg7[%broadcast_in_dim3A_69, %add3A_39, %parallel_loop3A_343] : memref<8x128x32xf32, #tpu.memory_space<vmem>>[vector<16xi32>, vector<16xi32>, vector<16xi32>], vector<16xf32>,
      tpu.vector_store_idx %arg9[%parallel_loop3A_346, %broadcast_in_dim3A_69, %parallel_loop3A_349, %add3A_39], %parallel_loop3A_408 : memref<4x8x8x128xf32, #tpu.memory_space<vmem>>[vector<16xi32>, vector<16xi32>, vector<16xi32>, vector<16xi32>], vector<16xf32>,
      %parallel_loop3A_409 = tpu.vector_load_idx %arg7[%broadcast_in_dim3A_69, %add3A_42, %parallel_loop3A_343] : memref<8x128x32xf32, #tpu.memory_space<vmem>>[vector<16xi32>, vector<16xi32>, vector<16xi32>], vector<16xf32>,
      tpu.vector_store_idx %arg9[%parallel_loop3A_346, %broadcast_in_dim3A_69, %parallel_loop3A_349, %add3A_42], %parallel_loop3A_409 : memref<4x8x8x128xf32, #tpu.memory_space<vmem>>[vector<16xi32>, vector<16xi32>, vector<16xi32>, vector<16xi32>], vector<16xf32>,
      %parallel_loop3A_410 = tpu.vector_load_idx %arg7[%broadcast_in_dim3A_69, %add3A_45, %parallel_loop3A_343] : memref<8x128x32xf32, #tpu.memory_space<vmem>>[vector<16xi32>, vector<16xi32>, vector<16xi32>], vector<16xf32>,
      tpu.vector_store_idx %arg9[%parallel_loop3A_346, %broadcast_in_dim3A_69, %parallel_loop3A_349, %add3A_45], %parallel_loop3A_410 : memref<4x8x8x128xf32, #tpu.memory_space<vmem>>[vector<16xi32>, vector<16xi32>, vector<16xi32>, vector<16xi32>], vector<16xf32>,
      %parallel_loop3A_411 = tpu.vector_load_idx %arg7[%broadcast_in_dim3A_69, %add3A_48, %parallel_loop3A_343] : memref<8x128x32xf32, #tpu.memory_space<vmem>>[vector<16xi32>, vector<16xi32>, vector<16xi32>], vector<16xf32>,
      tpu.vector_store_idx %arg9[%parallel_loop3A_346, %broadcast_in_dim3A_69, %parallel_loop3A_349, %add3A_48], %parallel_loop3A_411 : memref<4x8x8x128xf32, #tpu.memory_space<vmem>>[vector<16xi32>, vector<16xi32>, vector<16xi32>, vector<16xi32>], vector<16xf32>,
      %parallel_loop3A_412 = tpu.vector_load_idx %arg7[%broadcast_in_dim3A_69, %add3A_51, %parallel_loop3A_343] : memref<8x128x32xf32, #tpu.memory_space<vmem>>[vector<16xi32>, vector<16xi32>, vector<16xi32>], vector<16xf32>,
      tpu.vector_store_idx %arg9[%parallel_loop3A_346, %broadcast_in_dim3A_69, %parallel_loop3A_349, %add3A_51], %parallel_loop3A_412 : memref<4x8x8x128xf32, #tpu.memory_space<vmem>>[vector<16xi32>, vector<16xi32>, vector<16xi32>, vector<16xi32>], vector<16xf32>,
      %parallel_loop3A_413 = tpu.vector_load_idx %arg7[%broadcast_in_dim3A_69, %add3A_54, %parallel_loop3A_343] : memref<8x128x32xf32, #tpu.memory_space<vmem>>[vector<16xi32>, vector<16xi32>, vector<16xi32>], vector<16xf32>,
      tpu.vector_store_idx %arg9[%parallel_loop3A_346, %broadcast_in_dim3A_69, %parallel_loop3A_349, %add3A_54], %parallel_loop3A_413 : memref<4x8x8x128xf32, #tpu.memory_space<vmem>>[vector<16xi32>, vector<16xi32>, vector<16xi32>, vector<16xi32>], vector<16xf32>,
    } {sc.loop_unroll_factor = 4 : i64, sc.parallel_access}
    %add3A_312 = arith.constant 48 : i32
    %add3A_313 = arith.addi %select_n3A_30, %add3A_312 : i32
    %mul3A_314 = arith.constant 8 : i32
    %mul3A_315 = arith.muli %mul3A_314, %select_n3A_9 : i32
    %dma_start3A_316 = arith.constant 0 : i32
    %dma_start3A_317 = arith.constant 0 : i32
    %dma_start3A_318 = arith.constant 0 : i32
    %dma_start3A_319 = tpu.memref_slice %arg4[%add3A_313, %dma_start3A_316, %mul3A_315, %dma_start3A_317, %dma_start3A_318] : memref<50x4x128x8x128xf32, #tpu.memory_space<hbm>> -> memref<1x4x8x8x128xf32, #tpu.memory_space<hbm>>
    %dma_start3A_320 = tpu.memref_squeeze %dma_start3A_319 : memref<1x4x8x8x128xf32, #tpu.memory_space<hbm>> -> memref<4x8x8x128xf32, #tpu.memory_space<hbm>>
    %dma_start3A_321 = arith.constant 0 : i32
    %dma_start3A_322 = arith.constant 0 : i32
    %dma_start3A_323 = arith.constant 0 : i32
    %dma_start3A_324 = tpu.memref_slice %arg4[%add3A_313, %dma_start3A_321, %mul3A_315, %dma_start3A_322, %dma_start3A_323] : memref<50x4x128x8x128xf32, #tpu.memory_space<hbm>> -> memref<1x4x8x8x128xf32, #tpu.memory_space<hbm>>
    %dma_start3A_325 = tpu.memref_squeeze %dma_start3A_324 : memref<1x4x8x8x128xf32, #tpu.memory_space<hbm>> -> memref<4x8x8x128xf32, #tpu.memory_space<hbm>>
    tpu.enqueue_dma source(%arg9 : memref<4x8x8x128xf32, #tpu.memory_space<vmem>>) target(%dma_start3A_325 : memref<4x8x8x128xf32, #tpu.memory_space<hbm>>) target_semaphore(%arg14 : memref<!tpu.dma_semaphore, #tpu.memory_space<semaphore_mem>>)
    %mul3A_326 = arith.constant 8 : i32
    %mul3A_327 = arith.muli %mul3A_326, %select_n3A_9 : i32
    %dma_wait3A_328 = arith.constant 0 : i32
    %dma_wait3A_329 = arith.constant 0 : i32
    %dma_wait3A_330 = arith.constant 0 : i32
    %dma_wait3A_331 = tpu.memref_slice %arg4[%select_n3A_30, %dma_wait3A_328, %mul3A_327, %dma_wait3A_329, %dma_wait3A_330] : memref<50x4x128x8x128xf32, #tpu.memory_space<hbm>> -> memref<1x4x8x8x128xf32, #tpu.memory_space<hbm>>
    %dma_wait3A_332 = tpu.memref_squeeze %dma_wait3A_331 : memref<1x4x8x8x128xf32, #tpu.memory_space<hbm>> -> memref<4x8x8x128xf32, #tpu.memory_space<hbm>>
    %dma_wait3A_333 = arith.constant 0 : i32
    %dma_wait3A_334 = arith.constant 0 : i32
    %dma_wait3A_335 = arith.constant 0 : i32
    %dma_wait3A_336 = tpu.memref_slice %arg4[%select_n3A_30, %dma_wait3A_333, %mul3A_327, %dma_wait3A_334, %dma_wait3A_335] : memref<50x4x128x8x128xf32, #tpu.memory_space<hbm>> -> memref<1x4x8x8x128xf32, #tpu.memory_space<hbm>>
    %dma_wait3A_337 = tpu.memref_squeeze %dma_wait3A_336 : memref<1x4x8x8x128xf32, #tpu.memory_space<hbm>> -> memref<4x8x8x128xf32, #tpu.memory_space<hbm>>
    tpu.wait_dma2 semaphore(%arg14 : memref<!tpu.dma_semaphore, #tpu.memory_space<semaphore_mem>>) src(%arg9 : memref<4x8x8x128xf32, #tpu.memory_space<vmem>>) dst(%dma_wait3A_337 : memref<4x8x8x128xf32, #tpu.memory_space<hbm>>)
    return
  }
}

module attributes {stable_mosaic.version = 14 : i64} {
  func.func @body(%arg0: i32, %arg1: memref<32x8192xf32, #tpu.memory_space<vmem>>, %arg2: memref<2048x128xf32, #tpu.memory_space<vmem>>) attributes {dimension_semantics = [#tpu.dimension_semantics<arbitrary>], iteration_bounds = array<i64: 123>, scalar_prefetch = 0 : i64, scratch_operands = 0 : i64, tpu.core_type = #tpu.core_type<tc>, window_params = [{transform_indices = @transform_0, window_bounds = array<i64: 32, 8192>}, {transform_indices = @transform_1, window_bounds = array<i64: 2048, 128>}]} {
    %get3A = arith.constant 0 : index
    %get3A_0 = arith.constant 0 : index
    %get3A_1 = vector.load %arg1[%get3A, %get3A_0] : memref<32x8192xf32, #tpu.memory_space<vmem>>, vector<32x8192xf32>
    %transpose3A = tpu.transpose %get3A_1, [1, 0] : vector<32x8192xf32> -> vector<8192x32xf32>
    %reshape3A = vector.shape_cast %transpose3A : vector<8192x32xf32> to vector<2048x4x32xf32>
    %slice3A = vector.extract_strided_slice %reshape3A {offsets = [0, 0, 0], sizes = [2048, 1, 32], strides = [1, 1, 1]} : vector<2048x4x32xf32> to vector<2048x1x32xf32>
    %squeeze3A = vector.shape_cast %slice3A : vector<2048x1x32xf32> to vector<2048x32xf32>
    %swap3A = arith.constant 0 : index
    %swap3A_2 = arith.constant 0 : index
    %swap3A_3 = vector.load %arg2[%swap3A, %swap3A_2] : memref<2048x128xf32, #tpu.memory_space<vmem>>, vector<2048x32xf32>
    tpu.vector_store %arg2[%swap3A, %swap3A_2], %squeeze3A {strides = array<i32>} : memref<2048x128xf32, #tpu.memory_space<vmem>>, vector<2048x32xf32>,
    %slice3A_4 = vector.extract_strided_slice %reshape3A {offsets = [0, 1, 0], sizes = [2048, 1, 32], strides = [1, 1, 1]} : vector<2048x4x32xf32> to vector<2048x1x32xf32>
    %squeeze3A_5 = vector.shape_cast %slice3A_4 : vector<2048x1x32xf32> to vector<2048x32xf32>
    %swap3A_6 = arith.constant 0 : index
    %swap3A_7 = arith.constant 32 : index
    %swap3A_8 = vector.load %arg2[%swap3A_6, %swap3A_7] : memref<2048x128xf32, #tpu.memory_space<vmem>>, vector<2048x32xf32>
    tpu.vector_store %arg2[%swap3A_6, %swap3A_7], %squeeze3A_5 {strides = array<i32>} : memref<2048x128xf32, #tpu.memory_space<vmem>>, vector<2048x32xf32>,
    %slice3A_9 = vector.extract_strided_slice %reshape3A {offsets = [0, 2, 0], sizes = [2048, 1, 32], strides = [1, 1, 1]} : vector<2048x4x32xf32> to vector<2048x1x32xf32>
    %squeeze3A_10 = vector.shape_cast %slice3A_9 : vector<2048x1x32xf32> to vector<2048x32xf32>
    %swap3A_11 = arith.constant 0 : index
    %swap3A_12 = arith.constant 64 : index
    %swap3A_13 = vector.load %arg2[%swap3A_11, %swap3A_12] : memref<2048x128xf32, #tpu.memory_space<vmem>>, vector<2048x32xf32>
    tpu.vector_store %arg2[%swap3A_11, %swap3A_12], %squeeze3A_10 {strides = array<i32>} : memref<2048x128xf32, #tpu.memory_space<vmem>>, vector<2048x32xf32>,
    %slice3A_14 = vector.extract_strided_slice %reshape3A {offsets = [0, 3, 0], sizes = [2048, 1, 32], strides = [1, 1, 1]} : vector<2048x4x32xf32> to vector<2048x1x32xf32>
    %squeeze3A_15 = vector.shape_cast %slice3A_14 : vector<2048x1x32xf32> to vector<2048x32xf32>
    %swap3A_16 = arith.constant 0 : index
    %swap3A_17 = arith.constant 96 : index
    %swap3A_18 = vector.load %arg2[%swap3A_16, %swap3A_17] : memref<2048x128xf32, #tpu.memory_space<vmem>>, vector<2048x32xf32>
    tpu.vector_store %arg2[%swap3A_16, %swap3A_17], %squeeze3A_15 {strides = array<i32>} : memref<2048x128xf32, #tpu.memory_space<vmem>>, vector<2048x32xf32>,
    return
  }
  func.func @transform_0(%arg0: i32) -> (i32, i32) {
    %c0_i32 = arith.constant 0 : i32
    %c0_i32_0 = arith.constant 0 : i32
    return %c0_i32, %arg0 : i32, i32
  }
  func.func @transform_1(%arg0: i32) -> (i32, i32) {
    %c0_i32 = arith.constant 0 : i32
    %c0_i32_0 = arith.constant 0 : i32
    return %arg0, %c0_i32 : i32, i32
  }
}

</mosaic_0001>

<sc_bundles>
// kernel: kernel.4.cloned.1.call-start
scs
__scs_entry_jumppad:
0x0: {  	(pc) =	sbr.rel $0x88, $3  }
0x1: {  	(tag) =	ssettag $0x0;
	lr =	simm.s32 $0x1  }
0x2: {  	[smem:$0x3F9F] =	sst lr;
	_ =	strace $0xD0000000  }
0x3: {  	_ = 	snop  }
0x4: {  	_ = 	snop  }
0x5: {  	_ = 	snop  }
0x6: {  	_ = 	snop  }
0x7: {  	_ = 	snop  }
__scs_overlays_trampoline_lowered:
0x8: {  	[smem:$0x3FAE] =	sst s0  }
0x9: {  	[smem:$0x3FAF] =	sst s1  }
0xa: {  	[smem:$0x3FB0] =	sst s2  }
0xb: {  	[smem:$0x3FB1] =	sst s3  }
0xc: {  	[smem:$0x3FB2] =	sst s4  }
0xd: {  	[smem:$0x3FB3] =	sst s5  }
0xe: {  	[smem:$0x3FB4] =	sst s6  }
0xf: {  	[smem:$0x3FB5] =	sst s7  }
0x10: {  	[smem:$0x3FB6] =	sst s8  }
0x11: {  	[smem:$0x3FB7] =	sst s9;
	s0 =	simm.s32 @!p0 $0x0  }
0x12: {  	s1 =	sld [smem:$0x3F9D];
	s0 =	simm.s32 @p0 $0x1  }
0x13: {  	[smem:$0x3FB8] =	sst s0;
	s0 =	simm.s32 @!p1 $0x0  }
0x14: {  	s2 =	sld [smem:$0x3F9C];
	s0 =	simm.s32 @p1 $0x1  }
0x15: {  	[smem:$0x3FB9] =	sst s0;
	s0 =	simm.s32 @!p2 $0x0  }
0x16: {  	s3 =	sld [smem:$0x3FDB];
	s0 =	simm.s32 @p2 $0x1  }
0x17: {  	s4 =	simm.s32 $0x1BF5;
	[smem:$0x3FBB] =	sst s0  }
0x18: {  	s0 =	sld [smem:$0x3F9E];
	_ =	swait.ge [sflag:s4], $0x0  }
0x19: {  	s7 =	sld [smem:$0x3F9F]  }
0x1a: {  	s8 =	sadd.s32 $0xFFFFE003, lr  }
0x1b: {  	s9 =	sadd.s32 $0xFFFFFEF7, lr;
	s5 =	simm.s32 $0xFFFFFFFF;
	p2 =	slt.u32 s8, $0xFFFFF086  }
0x1c: {  	p1 =	slt.u32 s9, $0xF7A;
	s5 =	simm.s32 @!p2 $0x0  }
0x1d: {  	s5 =	simm.s32 @p1 $0x1;
	p0 =	seq.s32 s7, s2  }
0x1e: {  	s7 =	smul.u32 @!p0 $0xF7A, s2;
	p2 =	seq.s32 @!p0 s5, $0x0  }
0x1f: {  	s9 =	smul.u32 $0xF7A, s1;
	s8 =	simm.s32 @!p0 $0x1BF5;
	p2 =	por !p2, p0  }
0x20: {  	[sflag:s8] =	ssyncset.s32 @!p0 $0xFFFFF086;
	s6 =	sadd.s32 @!p0 s3, s7;
	s7 =	simm.s32 @!p0 $0x108  }
0x21: {  	s3 =	sadd.s32 s3, s9;
	s6 =	sadd.s32 @!p0 $0x88, s6;
	s7 =	simm.s32 @p2 $0x1082  }
0x22: {  	[simem:s7], [sflag:s8] =	dma.local @!p0 [hbm:s6], $0xF7A  }
0x23: {  	s9 =	sor.u32 $0xD0000000, s2;
	s6 =	simm.s32 $0x108;
	_ =	swait.ge @!p0 [sflag:s8], $0x0  }
0x24: {  	s3 =	sadd.s32 $0x88, s3;
	s6 =	simm.s32 @!p1 $0x1082;
	[sflag:s4] =	ssyncset.s32 $0xFFFFF086  }
0x25: {  	[simem:s6], [sflag:s4] =	dma.local [hbm:s3], $0xF7A  }
0x26: {  	[smem:$0x3F9F] =	sst s1;
	(tag) =	ssettag s2;
	_ =	strace s9  }
0x27: {  	s1 =	sld [smem:$0x3FAF]  }
0x28: {  	s2 =	sld [smem:$0x3FB0]  }
0x29: {  	s4 =	sld [smem:$0x3FB2]  }
0x2a: {  	p0 =	seq.s32 s5, $0x0;
	s5 =	sld [smem:$0x3FB3]  }
0x2b: {  	s6 =	sld [smem:$0x3FB4]  }
0x2c: {  	s7 =	sld [smem:$0x3FB5]  }
0x2d: {  	s3 =	simm.s32 $0x108;
	s8 =	sld [smem:$0x3FB6]  }
0x2e: {  	s3 =	simm.s32 @!p0 $0x1082;
	s9 =	sld [smem:$0x3FB7]  }
0x2f: {  	lr =	sadd.s32 s0, s3;
	s0 =	sld [smem:$0x3FAE]  }
0x30: {  	s3 =	sld [smem:$0x3FB1]  }
0x31: {  	[smem:$0x3FBA] =	sst s10  }
0x32: {  	s10 =	sld [smem:$0x3FB8];
	_ =	sdelay $0x3  }
0x33: {  	p0 =	seq.s32 s10, $0x1;
	s10 =	sld [smem:$0x3FBA];
	_ =	sdelay $0x3  }
0x34: {  	[smem:$0x3FBA] =	sst s10  }
0x35: {  	s10 =	sld [smem:$0x3FB9];
	_ =	sdelay $0x3  }
0x36: {  	p1 =	seq.s32 s10, $0x1;
	s10 =	sld [smem:$0x3FBA];
	_ =	sdelay $0x3  }
0x37: {  	[smem:$0x3FBA] =	sst s10  }
0x38: {  	s10 =	sld [smem:$0x3FBB]  }
0x39: {  	_ = 	snop;
	(pc) =	sbr.ind lr, $3  }
0x3a: {  	_ = 	snop  }
0x3b: {  	_ = 	snop  }
0x3c: {  	p2 =	seq.s32 s10, $0x1;
	s10 =	sld [smem:$0x3FBA]  }
0x3d: {  	_ =	shalt  }
0x3e: {  	_ =	shalt  }
0x3f: {  	_ =	shalt  }
0x40: {  	_ =	shalt  }
0x41: {  	_ =	shalt  }
0x42: {  	_ =	shalt  }
0x43: {  	_ =	shalt  }
0x44: {  	_ =	shalt  }
0x45: {  	_ =	shalt  }
0x46: {  	_ =	shalt  }
0x47: {  	_ =	shalt  }
0x48: {  	_ =	shalt  }
0x49: {  	_ =	shalt  }
0x4a: {  	_ =	shalt  }
0x4b: {  	_ =	shalt  }
0x4c: {  	_ =	shalt  }
0x4d: {  	_ =	shalt  }
0x4e: {  	_ =	shalt  }
0x4f: {  	_ =	shalt  }
0x50: {  	_ =	shalt  }
0x51: {  	_ =	shalt  }
0x52: {  	_ =	shalt  }
0x53: {  	_ =	shalt  }
0x54: {  	_ =	shalt  }
0x55: {  	_ =	shalt  }
0x56: {  	_ =	shalt  }
0x57: {  	_ =	shalt  }
0x58: {  	_ =	shalt  }
0x59: {  	_ =	shalt  }
0x5a: {  	_ =	shalt  }
0x5b: {  	_ =	shalt  }
0x5c: {  	_ =	shalt  }
0x5d: {  	_ =	shalt  }
0x5e: {  	_ =	shalt  }
0x5f: {  	_ =	shalt  }
0x60: {  	_ =	shalt  }
0x61: {  	_ =	shalt  }
0x62: {  	_ =	shalt  }
0x63: {  	_ =	shalt  }
0x64: {  	_ =	shalt  }
0x65: {  	_ =	shalt  }
0x66: {  	_ =	shalt  }
0x67: {  	_ =	shalt  }
0x68: {  	_ =	shalt  }
0x69: {  	_ =	shalt  }
0x6a: {  	_ =	shalt  }
0x6b: {  	_ =	shalt  }
0x6c: {  	_ =	shalt  }
0x6d: {  	_ =	shalt  }
0x6e: {  	_ =	shalt  }
0x6f: {  	_ =	shalt  }
0x70: {  	_ =	shalt  }
0x71: {  	_ =	shalt  }
0x72: {  	_ =	shalt  }
0x73: {  	_ =	shalt  }
0x74: {  	_ =	shalt  }
0x75: {  	_ =	shalt  }
0x76: {  	_ =	shalt  }
0x77: {  	_ =	shalt  }
0x78: {  	_ =	shalt  }
0x79: {  	_ =	shalt  }
0x7a: {  	_ =	shalt  }
0x7b: {  	_ =	shalt  }
0x7c: {  	_ =	shalt  }
0x7d: {  	_ =	shalt  }
0x7e: {  	_ =	shalt  }
0x7f: {  	_ =	shalt  }
0x80: {  	_ =	shalt  }
0x81: {  	_ =	shalt  }
0x82: {  	_ =	shalt  }
0x83: {  	_ =	shalt  }
0x84: {  	_ =	shalt  }
0x85: {  	_ =	shalt  }
0x86: {  	_ =	shalt  }
0x87: {  	_ =	shalt  }
.Lfunc_end0:
.L_simem_size_0:
called_computation_lowered:
.L_overlay_start_0:
0x88: {  	s2 =	sld [smem:$0x3FD9]  }
0x89: {  	s3 =	sld [smem:$0x3FFE];
	_ =	sdelay $0x1  }
0x8a: {  	s1 =	srdreg.scid  }
0x8b: {  	s0 =	sand.u32 $0x1, s1  }
0x8c: {  	s17 =	sshll.u32 s0, $0xA;
	s2 =	sadd.s32 s3, s2  }
0x8d: {  	s2 =	sadd.s32 s2, s17  }
0x8e: {  	[smem:$0x3FC6] =	sst s2  }
0x8f: {  	_ = 	snop  }
0x90: {  	s2 =	sld [smem:$0x3FD0];
	(tm) =	ssettm $0x1  }
0x91: {  	s18 =	sld [smem:$0x3FFB];
	_ =	sdelay $0x3  }
0x92: {  	_ =	strace s18  }
0x93: {  	s3 =	sld [smem:$0x3FFC];
	_ =	sdelay $0x3  }
0x94: {  	_ =	strace s3  }
0x95: {  	s3 =	sld [smem:$0x3FFD];
	_ =	sdelay $0x3  }
0x96: {  	_ =	strace s3  }
0x97: {  	_ =	strace $0x8FFFFFFF  }
0x98: {  	s19 =	sld [smem:$0x3FDB];
	_ =	sdelay $0x1  }
0x99: {  	s4 =	simm.s32 $_scs_section_size  }
0x9a: {  	s5 =	simm.s32 $_size__tile_overlayer_lowered;
	s6 =	simm.s32 $_tile_overlayer_lowered  }
0x9b: {  	s22 =	simm.s32 $0x1BFF;
	s21 =	sshll.u32 s6, $0x1;
	s3 =	sadd.s32 s4, s19  }
0x9c: {  	s7 =	simm.s32 $0x0;
	s20 =	sshll.u32 s5, $0x1;
	s5 =	sadd.s32 s21, s3  }
0x9d: {  	[timem:s7], [sflag:s22] =	dma.local [hbm:s5], s20  }
0x9e: {  	_ =	swait.ge [sflag:s22], s20  }
0x9f: {  	s4 =	ssub.s32 $0x0, s20;
	[sflag:s22] =	ssyncset.done $0x0  }
0xa0: {  	[sflag:s22] =	ssyncadd.s32 s4;
	_ =	sdelay $0x1  }
0xa1: {  	s23 =	simm.s32 $0x1B8B  }
0xa2: {  	_ =	swait.ge [sflag:s23], $0x1  }
0xa3: {  	[sflag:s23] =	ssyncset.done $0x0  }
0xa4: {  	s25 =	simm.s32 $0x1B8E;
	s24 =	sld [smem:$0x3FFE];
	[sflag:s23] =	ssyncadd.s32 $0xFFFFFFFF  }
0xa5: {  	s26 =	simm.s32 $execute0_lowered;
	[smem:$0x3FD2] =	sst s25  }
0xa6: {  	s5 =	sshll.u32 s26, $0x1;
	_ =	strace $0x80000046;
	[dreg:$0x1] =	wrdreg $0xFFFFFFFF  }
0xa7: {  	s28 =	simm.s32 $_size_execute0_lowered;
	s3 =	sadd.s32 s3, s5;
	[dreg:$0x0] =	wrdreg $0x0  }
0xa8: {  	s5 =	sshll.u32 s28, $0x1;
	[dreg:$0x2] =	wrdreg s3  }
0xa9: {  	[dreg:$0x3] =	wrdreg s5  }
0xaa: {  	[dreg:$0x4] =	wrdreg $0xC0  }
0xab: {  	_ =	task [dreg:s7], $0x5FFFF  }
0xac: {  	[dreg:$0x1] =	wrdreg $0xFFFFFFFF  }
0xad: {  	[dreg:$0x0] =	wrdreg $0x60  }
0xae: {  	[dreg:$0x2] =	wrdreg s24  }
0xaf: {  	[dreg:$0x3] =	wrdreg s2  }
0xb0: {  	[dreg:$0x4] =	wrdreg $0x9  }
0xb1: {  	_ =	task.clear_ibuf [dreg:s7], $0x5FFFF;
	_ =	strace $0x90000046  }
0xb2: {  	s29 =	simm.s32 $0x9;
	_ =	strace $0x80000048  }
0xb3: {  	_ =	swait.ge [sflag:s29], $0x1  }
0xb4: {  	[sflag:s29] =	ssyncadd.s32 $0xFFFFFFFF  }
0xb5: {  	_ =	strace $0x90000048  }
0xb6: {  	_ =	sfence  }
0xb7: {  	s30 =	sld [smem:$0x0];
	_ =	sdelay $0x2  }
0xb8: {  	s31 =	sshll.u32 s1, $0xD;
	s1 =	sshrl.u32 s1, $0x2  }
0xb9: {  	s3 =	sand.u32 $0x4000, s31;
	s1 =	sadd.s32 s1, s30  }
0xba: {  	s0 =	sor.u32 s3, s0;
	s1 =	sshll.u32 s1, $0x11  }
0xbb: {  	s0 =	sor.u32 s1, s0  }
0xbc: {  	s0 =	sadd.s32 $0x8F2B, s0  }
0xbd: {  	[sflag:s0] =	ssyncadd.remote.s32 $0x1  }
0xbe: {  	_ =	sfence.sel $0xFFFF  }
0xbf: {  	[dreg:$0x0] =	wrdreg $0xFFFFFFFF;
	(pc) =	sbr.abs _section_cstart, $3  }
0xc0: {  	[dreg:$0x1] =	wrdreg $0xFFFFFFFF  }
0xc1: {  	_ =	task.clear_ibuf [dreg:s7], $0x2FFFF;
	_ =	strace $0x9FFFFFFF  }
0xc2: {  	(tm) =	ssettm $0x7FFFFFFF  }
0xc3: {  	_ =	shalt  }
tec
execute0_lowered:
.L_overlay_start_1:
0x0: {  	(tag) =	ssettag $0x1  }
0x1: {  	s0 =	rddreg [dreg:$0x0];
	s3 =	simm.s32 $0x0;
	v0 =	vlaneseq.u32  }
0x2: {  	[smem:$0x7FF] =	sst s3;
	v2 =	vor.u32 $0x60, v0  }
0x3: {  	s2 =	rddreg [dreg:$0x1];
	v22 =	vor.u32 $0x10, v0;
	_ =	strace $0x80000047;
	[tilespmem:$0x1FC20] =	vst v2  }
0x4: {  	v21 =	vor.u32 $0x20, v0;
	[tilespmem:$0x1FF60] =	vst v22  }
0x5: {  	v10 =	vor.u32 $0x30, v0;
	[tilespmem:$0x1FF80] =	vst v21  }
0x6: {  	v1 =	vmul.u32 $0x20, v0;
	v12 =	vor.u32 $0x40, v0;
	[tilespmem:$0x1FFA0] =	vst v10  }
0x7: {  	v14 =	vor.u32 $0x50, v0;
	[tilespmem:$0x1FFC0] =	vst v12  }
0x8: {  	[tilespmem:$0x1FFE0] =	vst v14;
	v2 =	vor.u32 $0xE00, v1  }
0x9: {  	v20 =	vor.u32 $0x200, v1;
	[tilespmem:$0x1FC30] =	vst v2  }
0xa: {  	v23 =	vor.u32 $0x400, v1;
	[tilespmem:$0x1FF50] =	vst v20  }
0xb: {  	v9 =	vor.u32 $0x600, v1;
	[tilespmem:$0x1FF70] =	vst v23  }
0xc: {  	v11 =	vor.u32 $0x800, v1;
	[tilespmem:$0x1FF90] =	vst v9  }
0xd: {  	v13 =	vor.u32 $0xA00, v1;
	[tilespmem:$0x1FFB0] =	vst v11  }
0xe: {  	v15 =	vor.u32 $0xC00, v1;
	[tilespmem:$0x1FFD0] =	vst v13  }
0xf: {  	v2 =	vor.u32 $0x70, v0;
	[tilespmem:$0x1FFF0] =	vst v15  }
0x10: {  	[tilespmem:$0x1FC40] =	vst v2;
	v2 =	vor.u32 $0x1000, v1  }
0x11: {  	[tilespmem:$0x1FC50] =	vst v2;
	v2 =	vor.u32 $0x400, v0  }
0x12: {  	[tilespmem:$0x1FC60] =	vst v2;
	v2 =	vor.u32 $0x1200, v1  }
0x13: {  	[tilespmem:$0x1FC70] =	vst v2;
	v2 =	vor.u32 $0x410, v0  }
0x14: {  	[tilespmem:$0x1FC80] =	vst v2;
	v2 =	vor.u32 $0x1400, v1  }
0x15: {  	[tilespmem:$0x1FC90] =	vst v2;
	v2 =	vor.u32 $0x420, v0  }
0x16: {  	[tilespmem:$0x1FCA0] =	vst v2;
	v2 =	vor.u32 $0x1600, v1  }
0x17: {  	[tilespmem:$0x1FCB0] =	vst v2;
	v2 =	vor.u32 $0x430, v0  }
0x18: {  	[tilespmem:$0x1FCC0] =	vst v2;
	v2 =	vor.u32 $0x1800, v1  }
0x19: {  	[tilespmem:$0x1FCD0] =	vst v2;
	v2 =	vor.u32 $0x440, v0  }
0x1a: {  	[tilespmem:$0x1FCE0] =	vst v2;
	v2 =	vor.u32 $0x1A00, v1  }
0x1b: {  	[tilespmem:$0x1FCF0] =	vst v2;
	v2 =	vor.u32 $0x450, v0  }
0x1c: {  	[tilespmem:$0x1FD00] =	vst v2;
	v2 =	vor.u32 $0x1C00, v1  }
0x1d: {  	[tilespmem:$0x1FD10] =	vst v2;
	v2 =	vor.u32 $0x460, v0  }
0x1e: {  	[tilespmem:$0x1FD20] =	vst v2;
	v2 =	vor.u32 $0x1E00, v1  }
0x1f: {  	[tilespmem:$0x1FD30] =	vst v2;
	v2 =	vor.u32 $0x470, v0  }
0x20: {  	[tilespmem:$0x1FD40] =	vst v2;
	v2 =	vor.u32 $0x2000, v1  }
0x21: {  	[tilespmem:$0x1FD50] =	vst v2;
	v2 =	vor.u32 $0x800, v0  }
0x22: {  	[tilespmem:$0x1FD60] =	vst v2;
	v2 =	vor.u32 $0x2200, v1  }
0x23: {  	[tilespmem:$0x1FD70] =	vst v2;
	v2 =	vor.u32 $0x810, v0  }
0x24: {  	[tilespmem:$0x1FD80] =	vst v2;
	v2 =	vor.u32 $0x2400, v1  }
0x25: {  	[tilespmem:$0x1FD90] =	vst v2;
	v2 =	vor.u32 $0x820, v0  }
0x26: {  	[tilespmem:$0x1FDA0] =	vst v2;
	v2 =	vor.u32 $0x2600, v1  }
0x27: {  	[tilespmem:$0x1FDB0] =	vst v2;
	v2 =	vor.u32 $0x830, v0  }
0x28: {  	[tilespmem:$0x1FDC0] =	vst v2;
	v2 =	vor.u32 $0x2800, v1  }
0x29: {  	[tilespmem:$0x1FDD0] =	vst v2;
	v2 =	vor.u32 $0x840, v0  }
0x2a: {  	[tilespmem:$0x1FDE0] =	vst v2;
	v2 =	vor.u32 $0x2A00, v1  }
0x2b: {  	[tilespmem:$0x1FDF0] =	vst v2;
	v2 =	vor.u32 $0x850, v0  }
0x2c: {  	[tilespmem:$0x1FE00] =	vst v2;
	v2 =	vor.u32 $0x2C00, v1  }
0x2d: {  	s5 =	stileid.u32;
	s1 =	srdreg.scid;
	[tilespmem:$0x1FE10] =	vst v2;
	v2 =	vor.u32 $0x860, v0  }
0x2e: {  	s14 =	simm.s32 $0x1;
	s15 =	simm.s32 $0x80;
	s16 =	simm.s32 $0x800;
	[tilespmem:$0x1FE20] =	vst v2;
	v2 =	vor.u32 $0x2E00, v1  }
0x2f: {  	s28 =	simm.s32 $0x6800;
	s29 =	simm.s32 $0x380;
	s30 =	simm.s32 $0x7800;
	[tilespmem:$0x1FE30] =	vst v2;
	v2 =	vor.u32 $0x870, v0  }
0x30: {  	s31 =	simm.s32 $0x400;
	s12 =	simm.s32 $0x10800;
	s17 =	simm.s32 $0x4;
	[tilespmem:$0x1FE40] =	vst v2;
	v2 =	vor.u32 $0x3000, v1  }
0x31: {  	s18 =	simm.s32 $0x5;
	s4 =	sshll.u32 s5, $0x1;
	s7 =	sshrl.u32 s5, $0x3;
	[tilespmem:$0x1FE50] =	vst v2;
	v2 =	vor.u32 $0xC00, v0  }
0x32: {  	s1 =	sand.u32 $0x1, s1;
	s4 =	sand.u32 $0xE, s4;
	s5 =	sshll.u32 s7, $0xE;
	[tilespmem:$0x1FE60] =	vst v2;
	v2 =	vor.u32 $0x3200, v1  }
0x33: {  	s22 =	sshll.u32 s7, $0xB;
	s11 =	sshll.u32 s7, $0x7;
	s25 =	sshll.u32 s7, $0x10;
	[tilespmem:$0x1FE70] =	vst v2;
	v2 =	vor.u32 $0xC10, v0  }
0x34: {  	s7 =	sshll.u32 s7, $0x13;
	s6 =	sor.u32 s1, s4;
	s1 =	ssub.s32 $0x2, s1;
	[tilespmem:$0x1FE80] =	vst v2;
	v2 =	vor.u32 $0x3400, v1  }
0x35: {  	s4 =	sadd.s32 $0x400, s0;
	s26 =	sadd.s32 s25, s2;
	s25 =	simm.s32 $0x5800;
	[tilespmem:$0x1FE90] =	vst v2;
	v2 =	vor.u32 $0xC20, v0  }
0x36: {  	s9 =	sshll.u32 s6, $0xA;
	s8 =	sshrl.u32 s1, $0x1;
	s21 =	sshll.u32 s6, $0x3;
	[tilespmem:$0x1FEA0] =	vst v2;
	v2 =	vor.u32 $0x3600, v1  }
0x37: {  	s23 =	sshll.u32 s6, $0x7;
	s6 =	sshll.u32 s6, $0xD;
	s10 =	sor.u32 s5, s9;
	[tilespmem:$0x1FEB0] =	vst v2;
	v2 =	vor.u32 $0xC30, v0  }
0x38: {  	s5 =	sadd.s32 $0x19400, s0;
	s19 =	ssub.s32 s1, s8;
	s24 =	sor.u32 s21, s11;
	[tilespmem:$0x1FEC0] =	vst v2;
	v2 =	vor.u32 $0x3800, v1  }
0x39: {  	s11 =	sor.u32 s6, s7;
	s6 =	simm.s32 $0x2000;
	s20 =	sshrl.u32 s10, $0x3;
	[tilespmem:$0x1FED0] =	vst v2;
	v2 =	vor.u32 $0xC40, v0  }
0x3a: {  	s7 =	simm.s32 $0x20000;
	s8 =	sor.u32 $0x200, s24;
	s1 =	sadd.s32 s4, s20;
	[tilespmem:$0x1FEE0] =	vst v2;
	v2 =	vor.u32 $0x3A00, v1  }
0x3b: {  	s0 =	smax.u32 s19, $0x1;
	[dreg:$0x3] =	wrdreg s1;
	s1 =	sadd.s32 s22, s4;
	[tilespmem:$0x1FEF0] =	vst v2;
	v2 =	vor.u32 $0xC50, v0  }
0x3c: {  	s13 =	sor.u32 $0x100000, s11;
	s10 =	simm.s32 $0x3;
	s1 =	sadd.s32 s23, s1;
	[tilespmem:$0x1FF00] =	vst v2;
	v2 =	vor.u32 $0x3C00, v1  }
0x3d: {  	[dreg:$0x6] =	wrdreg s0;
	s0 =	simm.s32 $0x2;
	s1 =	sadd.s32 $0x1000, s1;
	[tilespmem:$0x1FF10] =	vst v2;
	v2 =	vor.u32 $0xC60, v0  }
0x3e: {  	s20 =	simm.s32 $0x0;
	[dreg:$0x4] =	wrdreg s1;
	s1 =	sadd.s32 s9, s26;
	[tilespmem:$0x1FF20] =	vst v2;
	v2 =	vor.u32 $0x3E00, v1  }
0x3f: {  	s9 =	sor.u32 $0x300, s24;
	s24 =	simm.s32 $0x280;
	s1 =	sadd.s32 $0x300000, s1;
	[tilespmem:$0x1FF30] =	vst v2;
	v2 =	vor.u32 $0xC70, v0  }
0x40: {  	s26 =	simm.s32 $0x300;
	[dreg:$0x5] =	wrdreg s1;
	s1 =	simm.s32 $0x8800;
	[tilespmem:$0x1FF40] =	vst v2  }
.LBB2_1:
0x41: {  	[dreg:$0x7] =	wrdreg s20  }
0x42: {  	s19 =	rddreg [dreg:$0x3]  }
0x43: {  	[tilespmem:s3], [sflag:$0x1] =	stream.linear.gather [hbm4b:s19+s3], $0x400, $0x38;
	[tilespmem:$0x18800] =	vst v63  }
0x44: {  	_ =	swait.ge [sflag:s14], $0x400  }
0x45: {  	[sflag:s14] =	ssyncset.done $0x0  }
0x46: {  	[sflag:s14] =	ssyncadd.s32 $0xFFFFFC00  }
0x47: {  	[tilespmem:s16], [sflag:$0x3] =	stream.indirect.gather [hbm4b:s5+s15], $0x20, s3, s15, $0xb8;
	[tilespmem:$0x18800] =	vst v63  }
0x48: {  	s23 =	simm.s32 $0x1800  }
0x49: {  	[tilespmem:s23], [sflag:$0x3] =	stream.indirect.gather [hbm4b:s5+s15], $0x20, s15, s15, $0xb8;
	[tilespmem:$0x18800] =	vst v63  }
0x4a: {  	s20 =	simm.s32 $0x100;
	s21 =	simm.s32 $0x2800  }
0x4b: {  	[tilespmem:s21], [sflag:$0x3] =	stream.indirect.gather [hbm4b:s5+s15], $0x20, s20, s15, $0xb8;
	[tilespmem:$0x18800] =	vst v63  }
0x4c: {  	s22 =	simm.s32 $0x180;
	s23 =	simm.s32 $0x3800  }
0x4d: {  	[tilespmem:s23], [sflag:$0x3] =	stream.indirect.gather [hbm4b:s5+s15], $0x20, s22, s15, $0xb8;
	[tilespmem:$0x18800] =	vst v63  }
0x4e: {  	s21 =	simm.s32 $0x200;
	s22 =	simm.s32 $0x4800  }
0x4f: {  	[tilespmem:s22], [sflag:$0x3] =	stream.indirect.gather [hbm4b:s5+s15], $0x20, s21, s15, $0xb8;
	[tilespmem:$0x18800] =	vst v63  }
0x50: {  	_ = 	snop  }
0x51: {  	[tilespmem:s25], [sflag:$0x3] =	stream.indirect.gather [hbm4b:s5+s15], $0x20, s24, s15, $0xb8;
	[tilespmem:$0x18800] =	vst v63  }
0x52: {  	_ = 	snop  }
0x53: {  	[tilespmem:s28], [sflag:$0x3] =	stream.indirect.gather [hbm4b:s5+s15], $0x20, s26, s15, $0xb8;
	[tilespmem:$0x18800] =	vst v63  }
0x54: {  	_ = 	snop  }
0x55: {  	[tilespmem:s30], [sflag:$0x3] =	stream.indirect.gather [hbm4b:s5+s15], $0x20, s29, s15, $0xb8;
	[tilespmem:$0x18800] =	vst v63  }
0x56: {  	s19 =	simm.s32 $0x0;
	s23 =	rddreg [dreg:$0x4]  }
0x57: {  	[tilespmem:s31], [sflag:$0x2] =	stream.linear.gather [hbm4b:s23+s3], $0x400, $0x38;
	[tilespmem:$0x18800] =	vst v63  }
.LBB2_2:
0x58: {  	_ =	swait.ge [sflag:s0], $0x400  }
0x59: {  	[sflag:s0] =	ssyncset.done $0x0  }
0x5a: {  	[sflag:s0] =	ssyncadd.s32 $0xFFFFFC00  }
0x5b: {  	[tilespmem:s1], [sflag:$0x4] =	stream.indirect.gather [hbm4b:s5+s15], $0x20, s31, s15, $0xb8;
	[tilespmem:$0x18800] =	vst v63  }
0x5c: {  	s20 =	simm.s32 $0x480;
	s21 =	simm.s32 $0x9800  }
0x5d: {  	[tilespmem:s21], [sflag:$0x4] =	stream.indirect.gather [hbm4b:s5+s15], $0x20, s20, s15, $0xb8;
	[tilespmem:$0x18800] =	vst v63  }
0x5e: {  	s22 =	simm.s32 $0x500;
	s23 =	simm.s32 $0xA800  }
0x5f: {  	[tilespmem:s23], [sflag:$0x4] =	stream.indirect.gather [hbm4b:s5+s15], $0x20, s22, s15, $0xb8;
	[tilespmem:$0x18800] =	vst v63  }
0x60: {  	s22 =	simm.s32 $0x580;
	s23 =	simm.s32 $0xB800  }
0x61: {  	[tilespmem:s23], [sflag:$0x4] =	stream.indirect.gather [hbm4b:s5+s15], $0x20, s22, s15, $0xb8;
	[tilespmem:$0x18800] =	vst v63  }
0x62: {  	s22 =	simm.s32 $0x600;
	s23 =	simm.s32 $0xC800  }
0x63: {  	[tilespmem:s23], [sflag:$0x4] =	stream.indirect.gather [hbm4b:s5+s15], $0x20, s22, s15, $0xb8;
	[tilespmem:$0x18800] =	vst v63  }
0x64: {  	s22 =	simm.s32 $0x680;
	s23 =	simm.s32 $0xD800  }
0x65: {  	[tilespmem:s23], [sflag:$0x4] =	stream.indirect.gather [hbm4b:s5+s15], $0x20, s22, s15, $0xb8;
	[tilespmem:$0x18800] =	vst v63  }
0x66: {  	s22 =	simm.s32 $0x700;
	s23 =	simm.s32 $0xE800  }
0x67: {  	[tilespmem:s23], [sflag:$0x4] =	stream.indirect.gather [hbm4b:s5+s15], $0x20, s22, s15, $0xb8;
	[tilespmem:$0x18800] =	vst v63  }
0x68: {  	s21 =	simm.s32 $0x780;
	s22 =	simm.s32 $0xF800  }
0x69: {  	[tilespmem:s22], [sflag:$0x4] =	stream.indirect.gather [hbm4b:s5+s15], $0x20, s21, s15, $0xb8;
	[tilespmem:$0x18800] =	vst v63  }
0x6a: {  	_ =	swait.ge [sflag:s10], $0x1000  }
0x6b: {  	[sflag:s10] =	ssyncset.done $0x0  }
0x6c: {  	[sflag:s10] =	ssyncadd.s32 $0xFFFFF000  }
0x6d: {  	_ =	swait.ge [sflag:s10], $0x1000  }
0x6e: {  	[sflag:s10] =	ssyncset.done $0x0  }
0x6f: {  	[sflag:s10] =	ssyncadd.s32 $0xFFFFF000  }
0x70: {  	_ =	swait.ge [sflag:s10], $0x1000  }
0x71: {  	[sflag:s10] =	ssyncset.done $0x0  }
0x72: {  	[sflag:s10] =	ssyncadd.s32 $0xFFFFF000  }
0x73: {  	_ =	swait.ge [sflag:s10], $0x1000  }
0x74: {  	[sflag:s10] =	ssyncset.done $0x0  }
0x75: {  	[sflag:s10] =	ssyncadd.s32 $0xFFFFF000  }
0x76: {  	_ =	swait.ge [sflag:s10], $0x1000  }
0x77: {  	[sflag:s10] =	ssyncset.done $0x0  }
0x78: {  	[sflag:s10] =	ssyncadd.s32 $0xFFFFF000  }
0x79: {  	_ =	swait.ge [sflag:s10], $0x1000  }
0x7a: {  	[sflag:s10] =	ssyncset.done $0x0  }
0x7b: {  	[sflag:s10] =	ssyncadd.s32 $0xFFFFF000  }
0x7c: {  	_ =	swait.ge [sflag:s10], $0x1000  }
0x7d: {  	s20 =	sshll.u32 s19, $0x9;
	[sflag:s10] =	ssyncset.done $0x0  }
0x7e: {  	s23 =	sadd.s32 s8, s20;
	[sflag:s10] =	ssyncadd.s32 $0xFFFFF000  }
0x7f: {  	s21 =	sshll.u32 s23, $0x4;
	_ =	swait.ge [sflag:s10], $0x1000  }
0x80: {  	s21 =	sand.u32 $0x1FFFFF80, s21;
	[sflag:s10] =	ssyncset.done $0x0  }
0x81: {  	p0 =	seq.s32 s19, $0x0;
	s21 =	sadd.s32 s4, s21;
	[sflag:s10] =	ssyncadd.s32 $0xFFFFF000  }
0x82: {  	[tilespmem:s3], [sflag:$0x1] =	stream.linear.gather [hbm4b:s21+s3], $0x400, $0x38;
	[tilespmem:$0x18800] =	vst v63  }
0x83: {  	s21 =	simm.s32 @!p0 $0x5  }
0x84: {  	_ =	swait.ge @!p0 [sflag:s21], $0x8000  }
0x85: {  	[sflag:s21] =	ssyncset.done @!p0 $0x0  }
0x86: {  	v0 =	vlaneseq.u32;
	[sflag:s21] =	ssyncadd.s32 @!p0 $0xFFFF8000;
	s21 =	simm.s32 $0x0  }
.LBB2_3:
0x87: {  	v2 =	vadd.s32 s21, v0  }
0x88: {  	v3 =	vand.u32 $0x1F, v2  }
0x89: {  	v5 =	vor.u32 v1, v3;
	_ =	sdelay $0x1  }
0x8a: {  	v4 =	vshll.u32 v2, $0xA;
	v2 =	vshll.u32 v2, $0x7  }
0x8b: {  	v4 =	vand.u32 $0x6000, v4;
	v2 =	vand.u32 $0x380, v2  }
0x8c: {  	v4 =	vor.u32 v2, v4  }
0x8d: {  	v2 =	vld.idx.msk [tilespmem:v5+s16+$0x0], $0xffff;
	v5 =	vor.u32 v0, v4  }
0x8e: {  	v6 =	vor.u32 v20, v3;
	_ =	sdelay $0x3  }
0x8f: {  	[tilespmem:v5+s12+$0x0] =	vst.idx.msk $0xffff, v2  }
0x90: {  	v5 =	vor.u32 v22, v4;
	v2 =	vld.idx.msk [tilespmem:v6+s16+$0x0], $0xffff  }
0x91: {  	v50 =	vor.u32 v23, v3;
	_ =	sdelay $0x3  }
0x92: {  	[tilespmem:v5+s12+$0x0] =	vst.idx.msk $0xffff, v2  }
0x93: {  	v5 =	vor.u32 v21, v4;
	v2 =	vld.idx.msk [tilespmem:v50+s16+$0x0], $0xffff  }
0x94: {  	v51 =	vor.u32 v9, v3;
	_ =	sdelay $0x3  }
0x95: {  	[tilespmem:v5+s12+$0x0] =	vst.idx.msk $0xffff, v2  }
0x96: {  	v5 =	vor.u32 v10, v4;
	v2 =	vld.idx.msk [tilespmem:v51+s16+$0x0], $0xffff  }
0x97: {  	v52 =	vor.u32 v11, v3;
	_ =	sdelay $0x3  }
0x98: {  	[tilespmem:v5+s12+$0x0] =	vst.idx.msk $0xffff, v2  }
0x99: {  	v5 =	vor.u32 v12, v4;
	v2 =	vld.idx.msk [tilespmem:v52+s16+$0x0], $0xffff  }
0x9a: {  	v53 =	vor.u32 v13, v3;
	_ =	sdelay $0x3  }
0x9b: {  	s22 =	sadd.s32 $0x1, s21;
	s23 =	sadd.s32 $0x2, s21;
	[tilespmem:v5+s12+$0x0] =	vst.idx.msk $0xffff, v2  }
0x9c: {  	v13 =	vadd.s32 s23, v0;
	s23 =	sadd.s32 $0x3, s21;
	v2 =	vor.u32 v14, v4;
	v5 =	vadd.s32 s22, v0;
	v9 =	vld.idx.msk [tilespmem:v53+s16+$0x0], $0xffff  }
0x9d: {  	v10 =	vor.u32 v15, v3;
	v14 =	vadd.s32 s23, v0;
	v6 =	vand.u32 $0x1F, v5  }
0x9e: {  	v7 =	vshll.u32 v5, $0xA;
	v5 =	vshll.u32 v5, $0x7;
	v11 =	vor.u32 v1, v6  }
0x9f: {  	v12 =	vand.u32 $0x6000, v7;
	v7 =	vand.u32 $0x1F, v13;
	v5 =	vand.u32 $0x380, v5  }
0xa0: {  	v15 =	vor.u32 v1, v7;
	v5 =	vor.u32 v5, v12;
	v12 =	vshll.u32 v13, $0xA  }
0xa1: {  	v8 =	vand.u32 $0x1F, v14;
	[tilespmem:v2+s12+$0x0] =	vst.idx.msk $0xffff, v9;
	v9 =	vand.u32 $0x6000, v12;
	v12 =	vshll.u32 v13, $0x7  }
0xa2: {  	v16 =	vor.u32 v1, v8;
	v2 =	vor.u32 v0, v5;
	v13 =	vld.idx.msk [tilespmem:v10+s16+$0x0], $0xffff;
	v10 =	vand.u32 $0x380, v12  }
0xa3: {  	v12 =	vshll.u32 v14, $0xA;
	v14 =	vshll.u32 v14, $0x7;
	v11 =	vld.idx.msk [tilespmem:v11+s16+$0x0], $0xffff;
	v9 =	vor.u32 v10, v9  }
0xa4: {  	v10 =	vand.u32 $0x6000, v12;
	v12 =	vand.u32 $0x380, v14;
	v14 =	vor.u32 v20, v6  }
0xa5: {  	v15 =	vld.idx.msk [tilespmem:v15+s16+$0x0], $0xffff;
	v17 =	vor.u32 v0, v9  }
0xa6: {  	v10 =	vor.u32 v12, v10;
	v12 =	vor.u32 v20, v7  }
0xa7: {  	v16 =	vld.idx.msk [tilespmem:v16+s16+$0x0], $0xffff;
	v18 =	vor.u32 v0, v10  }
0xa8: {  	v19 =	vor.u32 v20, v8;
	[tilespmem:v2+s12+$0x0] =	vst.idx.msk $0xffff, v11  }
0xa9: {  	v11 =	vor.u32 v22, v5;
	v2 =	vld.idx.msk [tilespmem:v14+s16+$0x0], $0xffff  }
0xaa: {  	v14 =	vor.u32 v23, v6;
	[tilespmem:v17+s12+$0x0] =	vst.idx.msk $0xffff, v15  }
0xab: {  	v15 =	vor.u32 v22, v9;
	v12 =	vld.idx.msk [tilespmem:v12+s16+$0x0], $0xffff  }
0xac: {  	[tilespmem:v18+s12+$0x0] =	vst.idx.msk $0xffff, v16;
	v16 =	vor.u32 v23, v7  }
0xad: {  	v18 =	vor.u32 v22, v10;
	v17 =	vld.idx.msk [tilespmem:v19+s16+$0x0], $0xffff  }
0xae: {  	v19 =	vor.u32 v23, v8;
	[tilespmem:v11+s12+$0x0] =	vst.idx.msk $0xffff, v2  }
0xaf: {  	v2 =	vld.idx.msk [tilespmem:v14+s16+$0x0], $0xffff  }
0xb0: {  	[tilespmem:v15+s12+$0x0] =	vst.idx.msk $0xffff, v12;
	v12 =	vld [tilespmem:$0x1FF90]  }
0xb1: {  	v14 =	vld.idx.msk [tilespmem:v16+s16+$0x0], $0xffff  }
0xb2: {  	v11 =	vor.u32 v21, v5;
	[tilespmem:v18+s12+$0x0] =	vst.idx.msk $0xffff, v17;
	v16 =	vld [tilespmem:$0x1FF90]  }
0xb3: {  	v15 =	vor.u32 v21, v9;
	v17 =	vld.idx.msk [tilespmem:v19+s16+$0x0], $0xffff  }
0xb4: {  	v18 =	vor.u32 v21, v10;
	v19 =	vld [tilespmem:$0x1FF90]  }
0xb5: {  	v12 =	vor.u32 v12, v6;
	_ =	sdelay $0x1  }
0xb6: {  	[tilespmem:v11+s12+$0x0] =	vst.idx.msk $0xffff, v2;
	v11 =	vld [tilespmem:$0x1FFA0];
	v16 =	vor.u32 v16, v7  }
0xb7: {  	[tilespmem:v15+s12+$0x0] =	vst.idx.msk $0xffff, v14;
	v15 =	vld [tilespmem:$0x1FFA0]  }
0xb8: {  	v19 =	vor.u32 v19, v8;
	[tilespmem:v18+s12+$0x0] =	vst.idx.msk $0xffff, v17;
	v18 =	vld [tilespmem:$0x1FFA0]  }
0xb9: {  	v2 =	vld.idx.msk [tilespmem:v12+s16+$0x0], $0xffff  }
0xba: {  	v12 =	vld [tilespmem:$0x1FFB0]  }
0xbb: {  	v14 =	vld.idx.msk [tilespmem:v16+s16+$0x0], $0xffff  }
0xbc: {  	v11 =	vor.u32 v11, v5;
	v16 =	vld [tilespmem:$0x1FFB0]  }
0xbd: {  	v15 =	vor.u32 v15, v9;
	v17 =	vld.idx.msk [tilespmem:v19+s16+$0x0], $0xffff  }
0xbe: {  	v18 =	vor.u32 v18, v10;
	v19 =	vld [tilespmem:$0x1FFB0]  }
0xbf: {  	v12 =	vor.u32 v12, v6;
	_ =	sdelay $0x1  }
0xc0: {  	[tilespmem:v11+s12+$0x0] =	vst.idx.msk $0xffff, v2;
	v11 =	vld [tilespmem:$0x1FFC0];
	v16 =	vor.u32 v16, v7  }
0xc1: {  	[tilespmem:v15+s12+$0x0] =	vst.idx.msk $0xffff, v14;
	v15 =	vld [tilespmem:$0x1FFC0]  }
0xc2: {  	v19 =	vor.u32 v19, v8;
	[tilespmem:v18+s12+$0x0] =	vst.idx.msk $0xffff, v17;
	v18 =	vld [tilespmem:$0x1FFC0]  }
0xc3: {  	v2 =	vld.idx.msk [tilespmem:v12+s16+$0x0], $0xffff  }
0xc4: {  	v12 =	vld [tilespmem:$0x1FFD0]  }
0xc5: {  	v14 =	vld.idx.msk [tilespmem:v16+s16+$0x0], $0xffff  }
0xc6: {  	v11 =	vor.u32 v11, v5;
	v16 =	vld [tilespmem:$0x1FFD0]  }
0xc7: {  	v15 =	vor.u32 v15, v9;
	v17 =	vld.idx.msk [tilespmem:v19+s16+$0x0], $0xffff  }
0xc8: {  	v18 =	vor.u32 v18, v10;
	v19 =	vld [tilespmem:$0x1FFD0]  }
0xc9: {  	v12 =	vor.u32 v12, v6  }
0xca: {  	v21 =	vld [tilespmem:$0x1FC20]  }
0xcb: {  	[tilespmem:v11+s12+$0x0] =	vst.idx.msk $0xffff, v2;
	v11 =	vld [tilespmem:$0x1FFE0];
	v16 =	vor.u32 v16, v7  }
0xcc: {  	[tilespmem:v15+s12+$0x0] =	vst.idx.msk $0xffff, v14;
	v15 =	vld [tilespmem:$0x1FFE0]  }
0xcd: {  	v19 =	vor.u32 v19, v8;
	[tilespmem:v18+s12+$0x0] =	vst.idx.msk $0xffff, v17;
	v18 =	vld [tilespmem:$0x1FFE0]  }
0xce: {  	v2 =	vld.idx.msk [tilespmem:v12+s16+$0x0], $0xffff  }
0xcf: {  	v12 =	vld [tilespmem:$0x1FFF0]  }
0xd0: {  	v14 =	vld.idx.msk [tilespmem:v16+s16+$0x0], $0xffff  }
0xd1: {  	v16 =	vld [tilespmem:$0x1FFF0]  }
0xd2: {  	v17 =	vld.idx.msk [tilespmem:v19+s16+$0x0], $0xffff  }
0xd3: {  	v19 =	vld [tilespmem:$0x1FFF0]  }
0xd4: {  	v20 =	vor.u32 v21, v4  }
0xd5: {  	v11 =	vor.u32 v11, v5  }
0xd6: {  	v15 =	vor.u32 v15, v9;
	v12 =	vor.u32 v12, v6  }
0xd7: {  	v22 =	vld [tilespmem:$0x1FC30];
	v18 =	vor.u32 v18, v10;
	v16 =	vor.u32 v16, v7  }
0xd8: {  	v19 =	vor.u32 v19, v8  }
0xd9: {  	[tilespmem:v20+s12+$0x0] =	vst.idx.msk $0xffff, v13  }
0xda: {  	v20 =	vld [tilespmem:$0x1FC40];
	[tilespmem:v11+s12+$0x0] =	vst.idx.msk $0xffff, v2  }
0xdb: {  	[tilespmem:v15+s12+$0x0] =	vst.idx.msk $0xffff, v14;
	v11 =	vld.idx.msk [tilespmem:v12+s16+$0x0], $0xffff  }
0xdc: {  	v2 =	vor.u32 v22, v3;
	[tilespmem:v18+s12+$0x0] =	vst.idx.msk $0xffff, v17;
	v12 =	vor.u32 v21, v5;
	v15 =	vld.idx.msk [tilespmem:v16+s16+$0x0], $0xffff  }
0xdd: {  	v14 =	vor.u32 v22, v6;
	v18 =	vld.idx.msk [tilespmem:v19+s16+$0x0], $0xffff;
	v19 =	vor.u32 v21, v10  }
0xde: {  	v17 =	vor.u32 v22, v7;
	v16 =	vor.u32 v21, v9;
	v21 =	vor.u32 v22, v8;
	v22 =	vld [tilespmem:$0x1FC50];
	_ =	sdelay $0x1  }
0xdf: {  	v23 =	vld [tilespmem:$0x1FC70]  }
0xe0: {  	v2 =	vld.idx.msk [tilespmem:v2+s16+$0x0], $0xffff;
	[tilespmem:v12+s12+$0x0] =	vst.idx.msk $0xffff, v11  }
0xe1: {  	v13 =	vor.u32 v20, v4;
	v12 =	vld.idx.msk [tilespmem:v14+s16+$0x0], $0xffff;
	[tilespmem:v19+s12+$0x0] =	vst.idx.msk $0xffff, v18  }
0xe2: {  	v14 =	vor.u32 v20, v5;
	[tilespmem:v16+s12+$0x0] =	vst.idx.msk $0xffff, v15;
	v11 =	vor.u32 v22, v3;
	v19 =	vld.idx.msk [tilespmem:v21+s16+$0x0], $0xffff  }
0xe3: {  	v15 =	vor.u32 v22, v6;
	v18 =	vor.u32 v22, v7;
	v21 =	vor.u32 v22, v8;
	v22 =	vld [tilespmem:$0x1FC60]  }
0xe4: {  	v16 =	vld.idx.msk [tilespmem:v17+s16+$0x0], $0xffff;
	v17 =	vor.u32 v20, v9;
	_ =	sdelay $0x1  }
0xe5: {  	v20 =	vor.u32 v20, v10  }
0xe6: {  	[tilespmem:v13+s12+$0x0] =	vst.idx.msk $0xffff, v2  }
0xe7: {  	[tilespmem:v14+s12+$0x0] =	vst.idx.msk $0xffff, v12;
	v2 =	vld.idx.msk [tilespmem:v11+s16+$0x0], $0xffff;
	v11 =	vor.u32 v22, v4  }
0xe8: {  	v12 =	vor.u32 v23, v3;
	v13 =	vld.idx.msk [tilespmem:v15+s16+$0x0], $0xffff;
	[tilespmem:v17+s12+$0x0] =	vst.idx.msk $0xffff, v16;
	v14 =	vor.u32 v22, v5  }
0xe9: {  	v15 =	vor.u32 v23, v6;
	v16 =	vld.idx.msk [tilespmem:v18+s16+$0x0], $0xffff;
	v17 =	vor.u32 v22, v9  }
0xea: {  	[tilespmem:v20+s12+$0x0] =	vst.idx.msk $0xffff, v19;
	v18 =	vor.u32 v23, v7;
	v20 =	vor.u32 v22, v10;
	v22 =	vld [tilespmem:$0x1FC80]  }
0xeb: {  	v19 =	vld.idx.msk [tilespmem:v21+s16+$0x0], $0xffff  }
0xec: {  	v21 =	vor.u32 v23, v8;
	v23 =	vld [tilespmem:$0x1FC90];
	[tilespmem:v11+s12+$0x0] =	vst.idx.msk $0xffff, v2  }
0xed: {  	[tilespmem:v14+s12+$0x0] =	vst.idx.msk $0xffff, v13;
	v2 =	vld.idx.msk [tilespmem:v12+s16+$0x0], $0xffff  }
0xee: {  	[tilespmem:v17+s12+$0x0] =	vst.idx.msk $0xffff, v16;
	v13 =	vld.idx.msk [tilespmem:v15+s16+$0x0], $0xffff  }
0xef: {  	v11 =	vor.u32 v22, v4;
	v14 =	vor.u32 v22, v5;
	v16 =	vld.idx.msk [tilespmem:v18+s16+$0x0], $0xffff  }
0xf0: {  	v17 =	vor.u32 v22, v9;
	[tilespmem:v20+s12+$0x0] =	vst.idx.msk $0xffff, v19;
	v20 =	vor.u32 v22, v10;
	v22 =	vld [tilespmem:$0x1FCA0]  }
0xf1: {  	v12 =	vor.u32 v23, v3;
	v19 =	vld.idx.msk [tilespmem:v21+s16+$0x0], $0xffff  }
0xf2: {  	v15 =	vor.u32 v23, v6;
	v18 =	vor.u32 v23, v7;
	v21 =	vor.u32 v23, v8;
	v23 =	vld [tilespmem:$0x1FCB0];
	_ =	sdelay $0x2  }
0xf3: {  	[tilespmem:v11+s12+$0x0] =	vst.idx.msk $0xffff, v2  }
0xf4: {  	v11 =	vor.u32 v22, v4;
	[tilespmem:v14+s12+$0x0] =	vst.idx.msk $0xffff, v13;
	v2 =	vld.idx.msk [tilespmem:v12+s16+$0x0], $0xffff  }
0xf5: {  	v14 =	vor.u32 v22, v5;
	[tilespmem:v17+s12+$0x0] =	vst.idx.msk $0xffff, v16;
	v12 =	vor.u32 v23, v3;
	v13 =	vld.idx.msk [tilespmem:v15+s16+$0x0], $0xffff  }
0xf6: {  	v17 =	vor.u32 v22, v9;
	v16 =	vld.idx.msk [tilespmem:v18+s16+$0x0], $0xffff  }
0xf7: {  	v15 =	vor.u32 v23, v6;
	[tilespmem:v20+s12+$0x0] =	vst.idx.msk $0xffff, v19;
	v20 =	vor.u32 v22, v10;
	v22 =	vld [tilespmem:$0x1FCC0]  }
0xf8: {  	v19 =	vld.idx.msk [tilespmem:v21+s16+$0x0], $0xffff  }
0xf9: {  	v18 =	vor.u32 v23, v7;
	[tilespmem:v11+s12+$0x0] =	vst.idx.msk $0xffff, v2  }
0xfa: {  	v21 =	vor.u32 v23, v8;
	[tilespmem:v14+s12+$0x0] =	vst.idx.msk $0xffff, v13;
	v2 =	vld.idx.msk [tilespmem:v12+s16+$0x0], $0xffff  }
0xfb: {  	v23 =	vld [tilespmem:$0x1FCD0]  }
0xfc: {  	v11 =	vor.u32 v22, v4;
	v14 =	vor.u32 v22, v5;
	v13 =	vld.idx.msk [tilespmem:v15+s16+$0x0], $0xffff;
	[tilespmem:v17+s12+$0x0] =	vst.idx.msk $0xffff, v16  }
0xfd: {  	v17 =	vor.u32 v22, v9;
	[tilespmem:v20+s12+$0x0] =	vst.idx.msk $0xffff, v19;
	v20 =	vor.u32 v22, v10;
	v22 =	vld [tilespmem:$0x1FCE0]  }
0xfe: {  	v16 =	vld.idx.msk [tilespmem:v18+s16+$0x0], $0xffff  }
0xff: {  	v19 =	vld.idx.msk [tilespmem:v21+s16+$0x0], $0xffff  }
0x100: {  	v12 =	vor.u32 v23, v3  }
0x101: {  	v15 =	vor.u32 v23, v6;
	[tilespmem:v11+s12+$0x0] =	vst.idx.msk $0xffff, v2  }
0x102: {  	v18 =	vor.u32 v23, v7;
	v21 =	vor.u32 v23, v8;
	[tilespmem:v14+s12+$0x0] =	vst.idx.msk $0xffff, v13  }
0x103: {  	v11 =	vor.u32 v22, v4;
	v23 =	vld [tilespmem:$0x1FCF0];
	v14 =	vor.u32 v22, v5;
	[tilespmem:v17+s12+$0x0] =	vst.idx.msk $0xffff, v16  }
0x104: {  	v17 =	vor.u32 v22, v9;
	[tilespmem:v20+s12+$0x0] =	vst.idx.msk $0xffff, v19;
	v20 =	vor.u32 v22, v10;
	v22 =	vld [tilespmem:$0x1FD00]  }
0x105: {  	v2 =	vld.idx.msk [tilespmem:v12+s16+$0x0], $0xffff  }
0x106: {  	v13 =	vld.idx.msk [tilespmem:v15+s16+$0x0], $0xffff  }
0x107: {  	v16 =	vld.idx.msk [tilespmem:v18+s16+$0x0], $0xffff  }
0x108: {  	v19 =	vld.idx.msk [tilespmem:v21+s16+$0x0], $0xffff  }
0x109: {  	v12 =	vor.u32 v23, v3  }
0x10a: {  	v15 =	vor.u32 v23, v6;
	[tilespmem:v11+s12+$0x0] =	vst.idx.msk $0xffff, v2  }
0x10b: {  	v18 =	vor.u32 v23, v7;
	v21 =	vor.u32 v23, v8;
	[tilespmem:v14+s12+$0x0] =	vst.idx.msk $0xffff, v13  }
0x10c: {  	v23 =	vld [tilespmem:$0x1FD10];
	v11 =	vor.u32 v22, v4;
	v14 =	vor.u32 v22, v5;
	[tilespmem:v17+s12+$0x0] =	vst.idx.msk $0xffff, v16  }
0x10d: {  	v17 =	vor.u32 v22, v9;
	[tilespmem:v20+s12+$0x0] =	vst.idx.msk $0xffff, v19;
	v20 =	vor.u32 v22, v10;
	v22 =	vld [tilespmem:$0x1FD20]  }
0x10e: {  	v2 =	vld.idx.msk [tilespmem:v12+s16+$0x0], $0xffff  }
0x10f: {  	v13 =	vld.idx.msk [tilespmem:v15+s16+$0x0], $0xffff  }
0x110: {  	v16 =	vld.idx.msk [tilespmem:v18+s16+$0x0], $0xffff  }
0x111: {  	v19 =	vld.idx.msk [tilespmem:v21+s16+$0x0], $0xffff  }
0x112: {  	v12 =	vor.u32 v23, v3  }
0x113: {  	v15 =	vor.u32 v23, v6;
	[tilespmem:v11+s12+$0x0] =	vst.idx.msk $0xffff, v2  }
0x114: {  	v18 =	vor.u32 v23, v7;
	v21 =	vor.u32 v23, v8;
	[tilespmem:v14+s12+$0x0] =	vst.idx.msk $0xffff, v13  }
0x115: {  	v23 =	vld [tilespmem:$0x1FD30];
	v11 =	vor.u32 v22, v4;
	v14 =	vor.u32 v22, v5;
	[tilespmem:v17+s12+$0x0] =	vst.idx.msk $0xffff, v16  }
0x116: {  	v17 =	vor.u32 v22, v9;
	[tilespmem:v20+s12+$0x0] =	vst.idx.msk $0xffff, v19;
	v20 =	vor.u32 v22, v10;
	v22 =	vld [tilespmem:$0x1FD40]  }
0x117: {  	v2 =	vld.idx.msk [tilespmem:v12+s16+$0x0], $0xffff  }
0x118: {  	v13 =	vld.idx.msk [tilespmem:v15+s16+$0x0], $0xffff  }
0x119: {  	v16 =	vld.idx.msk [tilespmem:v18+s16+$0x0], $0xffff  }
0x11a: {  	v19 =	vld.idx.msk [tilespmem:v21+s16+$0x0], $0xffff  }
0x11b: {  	v12 =	vor.u32 v23, v3  }
0x11c: {  	v15 =	vor.u32 v23, v6;
	[tilespmem:v11+s12+$0x0] =	vst.idx.msk $0xffff, v2  }
0x11d: {  	v18 =	vor.u32 v23, v7;
	v21 =	vor.u32 v23, v8;
	[tilespmem:v14+s12+$0x0] =	vst.idx.msk $0xffff, v13  }
0x11e: {  	v23 =	vld [tilespmem:$0x1FD50];
	v11 =	vor.u32 v22, v4;
	v14 =	vor.u32 v22, v5;
	[tilespmem:v17+s12+$0x0] =	vst.idx.msk $0xffff, v16  }
0x11f: {  	v17 =	vor.u32 v22, v9;
	[tilespmem:v20+s12+$0x0] =	vst.idx.msk $0xffff, v19;
	v20 =	vor.u32 v22, v10;
	v22 =	vld [tilespmem:$0x1FD60]  }
0x120: {  	v2 =	vld.idx.msk [tilespmem:v12+s16+$0x0], $0xffff  }
0x121: {  	v13 =	vld.idx.msk [tilespmem:v15+s16+$0x0], $0xffff  }
0x122: {  	v16 =	vld.idx.msk [tilespmem:v18+s16+$0x0], $0xffff  }
0x123: {  	v19 =	vld.idx.msk [tilespmem:v21+s16+$0x0], $0xffff  }
0x124: {  	v12 =	vor.u32 v23, v3  }
0x125: {  	v15 =	vor.u32 v23, v6;
	[tilespmem:v11+s12+$0x0] =	vst.idx.msk $0xffff, v2  }
0x126: {  	v18 =	vor.u32 v23, v7;
	v21 =	vor.u32 v23, v8;
	[tilespmem:v14+s12+$0x0] =	vst.idx.msk $0xffff, v13  }
0x127: {  	v23 =	vld [tilespmem:$0x1FD70];
	v11 =	vor.u32 v22, v4;
	v14 =	vor.u32 v22, v5;
	[tilespmem:v17+s12+$0x0] =	vst.idx.msk $0xffff, v16  }
0x128: {  	v17 =	vor.u32 v22, v9;
	[tilespmem:v20+s12+$0x0] =	vst.idx.msk $0xffff, v19;
	v20 =	vor.u32 v22, v10;
	v22 =	vld [tilespmem:$0x1FD80]  }
0x129: {  	v2 =	vld.idx.msk [tilespmem:v12+s16+$0x0], $0xffff  }
0x12a: {  	v13 =	vld.idx.msk [tilespmem:v15+s16+$0x0], $0xffff  }
0x12b: {  	v16 =	vld.idx.msk [tilespmem:v18+s16+$0x0], $0xffff  }
0x12c: {  	v19 =	vld.idx.msk [tilespmem:v21+s16+$0x0], $0xffff  }
0x12d: {  	v12 =	vor.u32 v23, v3  }
0x12e: {  	v15 =	vor.u32 v23, v6;
	[tilespmem:v11+s12+$0x0] =	vst.idx.msk $0xffff, v2  }
0x12f: {  	v18 =	vor.u32 v23, v7;
	v21 =	vor.u32 v23, v8;
	[tilespmem:v14+s12+$0x0] =	vst.idx.msk $0xffff, v13  }
0x130: {  	v23 =	vld [tilespmem:$0x1FD90];
	v11 =	vor.u32 v22, v4;
	v14 =	vor.u32 v22, v5;
	[tilespmem:v17+s12+$0x0] =	vst.idx.msk $0xffff, v16  }
0x131: {  	v17 =	vor.u32 v22, v9;
	[tilespmem:v20+s12+$0x0] =	vst.idx.msk $0xffff, v19;
	v20 =	vor.u32 v22, v10;
	v22 =	vld [tilespmem:$0x1FDA0]  }
0x132: {  	v2 =	vld.idx.msk [tilespmem:v12+s16+$0x0], $0xffff  }
0x133: {  	v13 =	vld.idx.msk [tilespmem:v15+s16+$0x0], $0xffff  }
0x134: {  	v16 =	vld.idx.msk [tilespmem:v18+s16+$0x0], $0xffff  }
0x135: {  	v19 =	vld.idx.msk [tilespmem:v21+s16+$0x0], $0xffff  }
0x136: {  	v12 =	vor.u32 v23, v3  }
0x137: {  	v15 =	vor.u32 v23, v6;
	[tilespmem:v11+s12+$0x0] =	vst.idx.msk $0xffff, v2  }
0x138: {  	v18 =	vor.u32 v23, v7;
	v21 =	vor.u32 v23, v8;
	[tilespmem:v14+s12+$0x0] =	vst.idx.msk $0xffff, v13  }
0x139: {  	v23 =	vld [tilespmem:$0x1FDB0];
	v11 =	vor.u32 v22, v4;
	v14 =	vor.u32 v22, v5;
	[tilespmem:v17+s12+$0x0] =	vst.idx.msk $0xffff, v16  }
0x13a: {  	v17 =	vor.u32 v22, v9;
	[tilespmem:v20+s12+$0x0] =	vst.idx.msk $0xffff, v19;
	v20 =	vor.u32 v22, v10;
	v22 =	vld [tilespmem:$0x1FDC0]  }
0x13b: {  	v2 =	vld.idx.msk [tilespmem:v12+s16+$0x0], $0xffff  }
0x13c: {  	v13 =	vld.idx.msk [tilespmem:v15+s16+$0x0], $0xffff  }
0x13d: {  	v16 =	vld.idx.msk [tilespmem:v18+s16+$0x0], $0xffff  }
0x13e: {  	v19 =	vld.idx.msk [tilespmem:v21+s16+$0x0], $0xffff  }
0x13f: {  	v12 =	vor.u32 v23, v3  }
0x140: {  	v15 =	vor.u32 v23, v6;
	[tilespmem:v11+s12+$0x0] =	vst.idx.msk $0xffff, v2  }
0x141: {  	v18 =	vor.u32 v23, v7;
	v21 =	vor.u32 v23, v8;
	[tilespmem:v14+s12+$0x0] =	vst.idx.msk $0xffff, v13  }
0x142: {  	v23 =	vld [tilespmem:$0x1FDD0];
	v11 =	vor.u32 v22, v4;
	v14 =	vor.u32 v22, v5;
	[tilespmem:v17+s12+$0x0] =	vst.idx.msk $0xffff, v16  }
0x143: {  	v17 =	vor.u32 v22, v9;
	[tilespmem:v20+s12+$0x0] =	vst.idx.msk $0xffff, v19;
	v20 =	vor.u32 v22, v10;
	v22 =	vld [tilespmem:$0x1FDE0]  }
0x144: {  	v2 =	vld.idx.msk [tilespmem:v12+s16+$0x0], $0xffff  }
0x145: {  	v13 =	vld.idx.msk [tilespmem:v15+s16+$0x0], $0xffff  }
0x146: {  	v16 =	vld.idx.msk [tilespmem:v18+s16+$0x0], $0xffff  }
0x147: {  	v19 =	vld.idx.msk [tilespmem:v21+s16+$0x0], $0xffff  }
0x148: {  	v12 =	vor.u32 v23, v3  }
0x149: {  	v15 =	vor.u32 v23, v6;
	[tilespmem:v11+s12+$0x0] =	vst.idx.msk $0xffff, v2  }
0x14a: {  	v18 =	vor.u32 v23, v7;
	v21 =	vor.u32 v23, v8;
	[tilespmem:v14+s12+$0x0] =	vst.idx.msk $0xffff, v13  }
0x14b: {  	v23 =	vld [tilespmem:$0x1FDF0];
	v11 =	vor.u32 v22, v4;
	v14 =	vor.u32 v22, v5;
	[tilespmem:v17+s12+$0x0] =	vst.idx.msk $0xffff, v16  }
0x14c: {  	v17 =	vor.u32 v22, v9;
	[tilespmem:v20+s12+$0x0] =	vst.idx.msk $0xffff, v19;
	v20 =	vor.u32 v22, v10;
	v22 =	vld [tilespmem:$0x1FE00]  }
0x14d: {  	v2 =	vld.idx.msk [tilespmem:v12+s16+$0x0], $0xffff  }
0x14e: {  	v13 =	vld.idx.msk [tilespmem:v15+s16+$0x0], $0xffff  }
0x14f: {  	v16 =	vld.idx.msk [tilespmem:v18+s16+$0x0], $0xffff  }
0x150: {  	v19 =	vld.idx.msk [tilespmem:v21+s16+$0x0], $0xffff  }
0x151: {  	v12 =	vor.u32 v23, v3  }
0x152: {  	v15 =	vor.u32 v23, v6;
	[tilespmem:v11+s12+$0x0] =	vst.idx.msk $0xffff, v2  }
0x153: {  	v18 =	vor.u32 v23, v7;
	v21 =	vor.u32 v23, v8;
	[tilespmem:v14+s12+$0x0] =	vst.idx.msk $0xffff, v13  }
0x154: {  	v23 =	vld [tilespmem:$0x1FE10];
	v11 =	vor.u32 v22, v4;
	v14 =	vor.u32 v22, v5;
	[tilespmem:v17+s12+$0x0] =	vst.idx.msk $0xffff, v16  }
0x155: {  	v17 =	vor.u32 v22, v9;
	[tilespmem:v20+s12+$0x0] =	vst.idx.msk $0xffff, v19;
	v20 =	vor.u32 v22, v10;
	v22 =	vld [tilespmem:$0x1FE20]  }
0x156: {  	v2 =	vld.idx.msk [tilespmem:v12+s16+$0x0], $0xffff  }
0x157: {  	v13 =	vld.idx.msk [tilespmem:v15+s16+$0x0], $0xffff  }
0x158: {  	v16 =	vld.idx.msk [tilespmem:v18+s16+$0x0], $0xffff  }
0x159: {  	v19 =	vld.idx.msk [tilespmem:v21+s16+$0x0], $0xffff  }
0x15a: {  	v12 =	vor.u32 v23, v3  }
0x15b: {  	v15 =	vor.u32 v23, v6;
	[tilespmem:v11+s12+$0x0] =	vst.idx.msk $0xffff, v2  }
0x15c: {  	v18 =	vor.u32 v23, v7;
	v21 =	vor.u32 v23, v8;
	[tilespmem:v14+s12+$0x0] =	vst.idx.msk $0xffff, v13  }
0x15d: {  	v23 =	vld [tilespmem:$0x1FE30];
	v11 =	vor.u32 v22, v4;
	v14 =	vor.u32 v22, v5;
	[tilespmem:v17+s12+$0x0] =	vst.idx.msk $0xffff, v16  }
0x15e: {  	v17 =	vor.u32 v22, v9;
	[tilespmem:v20+s12+$0x0] =	vst.idx.msk $0xffff, v19;
	v20 =	vor.u32 v22, v10;
	v22 =	vld [tilespmem:$0x1FE40]  }
0x15f: {  	v2 =	vld.idx.msk [tilespmem:v12+s16+$0x0], $0xffff  }
0x160: {  	v13 =	vld.idx.msk [tilespmem:v15+s16+$0x0], $0xffff  }
0x161: {  	v16 =	vld.idx.msk [tilespmem:v18+s16+$0x0], $0xffff  }
0x162: {  	v19 =	vld.idx.msk [tilespmem:v21+s16+$0x0], $0xffff  }
0x163: {  	v12 =	vor.u32 v23, v3  }
0x164: {  	v15 =	vor.u32 v23, v6;
	[tilespmem:v11+s12+$0x0] =	vst.idx.msk $0xffff, v2  }
0x165: {  	v18 =	vor.u32 v23, v7;
	v21 =	vor.u32 v23, v8;
	[tilespmem:v14+s12+$0x0] =	vst.idx.msk $0xffff, v13  }
0x166: {  	v23 =	vld [tilespmem:$0x1FE50];
	v11 =	vor.u32 v22, v4;
	v14 =	vor.u32 v22, v5;
	[tilespmem:v17+s12+$0x0] =	vst.idx.msk $0xffff, v16  }
0x167: {  	v17 =	vor.u32 v22, v9;
	[tilespmem:v20+s12+$0x0] =	vst.idx.msk $0xffff, v19;
	v20 =	vor.u32 v22, v10;
	v22 =	vld [tilespmem:$0x1FE60]  }
0x168: {  	v2 =	vld.idx.msk [tilespmem:v12+s16+$0x0], $0xffff  }
0x169: {  	v13 =	vld.idx.msk [tilespmem:v15+s16+$0x0], $0xffff  }
0x16a: {  	v16 =	vld.idx.msk [tilespmem:v18+s16+$0x0], $0xffff  }
0x16b: {  	v19 =	vld.idx.msk [tilespmem:v21+s16+$0x0], $0xffff  }
0x16c: {  	v12 =	vor.u32 v23, v3  }
0x16d: {  	v15 =	vor.u32 v23, v6;
	[tilespmem:v11+s12+$0x0] =	vst.idx.msk $0xffff, v2  }
0x16e: {  	v18 =	vor.u32 v23, v7;
	v21 =	vor.u32 v23, v8;
	[tilespmem:v14+s12+$0x0] =	vst.idx.msk $0xffff, v13  }
0x16f: {  	v23 =	vld [tilespmem:$0x1FE70];
	v11 =	vor.u32 v22, v4;
	v14 =	vor.u32 v22, v5;
	[tilespmem:v17+s12+$0x0] =	vst.idx.msk $0xffff, v16  }
0x170: {  	v17 =	vor.u32 v22, v9;
	[tilespmem:v20+s12+$0x0] =	vst.idx.msk $0xffff, v19;
	v20 =	vor.u32 v22, v10;
	v22 =	vld [tilespmem:$0x1FE80]  }
0x171: {  	v2 =	vld.idx.msk [tilespmem:v12+s16+$0x0], $0xffff  }
0x172: {  	v13 =	vld.idx.msk [tilespmem:v15+s16+$0x0], $0xffff  }
0x173: {  	v16 =	vld.idx.msk [tilespmem:v18+s16+$0x0], $0xffff  }
0x174: {  	v19 =	vld.idx.msk [tilespmem:v21+s16+$0x0], $0xffff  }
0x175: {  	v12 =	vor.u32 v23, v3  }
0x176: {  	v15 =	vor.u32 v23, v6;
	[tilespmem:v11+s12+$0x0] =	vst.idx.msk $0xffff, v2  }
0x177: {  	v18 =	vor.u32 v23, v7;
	v21 =	vor.u32 v23, v8;
	[tilespmem:v14+s12+$0x0] =	vst.idx.msk $0xffff, v13  }
0x178: {  	v23 =	vld [tilespmem:$0x1FE90];
	v11 =	vor.u32 v22, v4;
	v14 =	vor.u32 v22, v5;
	[tilespmem:v17+s12+$0x0] =	vst.idx.msk $0xffff, v16  }
0x179: {  	v17 =	vor.u32 v22, v9;
	[tilespmem:v20+s12+$0x0] =	vst.idx.msk $0xffff, v19;
	v20 =	vor.u32 v22, v10;
	v22 =	vld [tilespmem:$0x1FEA0]  }
0x17a: {  	v2 =	vld.idx.msk [tilespmem:v12+s16+$0x0], $0xffff  }
0x17b: {  	v13 =	vld.idx.msk [tilespmem:v15+s16+$0x0], $0xffff  }
0x17c: {  	v16 =	vld.idx.msk [tilespmem:v18+s16+$0x0], $0xffff  }
0x17d: {  	v19 =	vld.idx.msk [tilespmem:v21+s16+$0x0], $0xffff  }
0x17e: {  	v12 =	vor.u32 v23, v3  }
0x17f: {  	v15 =	vor.u32 v23, v6;
	[tilespmem:v11+s12+$0x0] =	vst.idx.msk $0xffff, v2  }
0x180: {  	v18 =	vor.u32 v23, v7;
	v21 =	vor.u32 v23, v8;
	[tilespmem:v14+s12+$0x0] =	vst.idx.msk $0xffff, v13  }
0x181: {  	v23 =	vld [tilespmem:$0x1FEB0];
	v11 =	vor.u32 v22, v4;
	v14 =	vor.u32 v22, v5;
	[tilespmem:v17+s12+$0x0] =	vst.idx.msk $0xffff, v16  }
0x182: {  	v17 =	vor.u32 v22, v9;
	[tilespmem:v20+s12+$0x0] =	vst.idx.msk $0xffff, v19;
	v20 =	vor.u32 v22, v10;
	v22 =	vld [tilespmem:$0x1FEC0]  }
0x183: {  	v2 =	vld.idx.msk [tilespmem:v12+s16+$0x0], $0xffff  }
0x184: {  	v13 =	vld.idx.msk [tilespmem:v15+s16+$0x0], $0xffff  }
0x185: {  	v16 =	vld.idx.msk [tilespmem:v18+s16+$0x0], $0xffff  }
0x186: {  	v19 =	vld.idx.msk [tilespmem:v21+s16+$0x0], $0xffff  }
0x187: {  	v12 =	vor.u32 v23, v3  }
0x188: {  	v15 =	vor.u32 v23, v6;
	[tilespmem:v11+s12+$0x0] =	vst.idx.msk $0xffff, v2  }
0x189: {  	v18 =	vor.u32 v23, v7;
	v21 =	vor.u32 v23, v8;
	[tilespmem:v14+s12+$0x0] =	vst.idx.msk $0xffff, v13  }
0x18a: {  	v23 =	vld [tilespmem:$0x1FED0];
	v11 =	vor.u32 v22, v4;
	v14 =	vor.u32 v22, v5;
	[tilespmem:v17+s12+$0x0] =	vst.idx.msk $0xffff, v16  }
0x18b: {  	v17 =	vor.u32 v22, v9;
	[tilespmem:v20+s12+$0x0] =	vst.idx.msk $0xffff, v19;
	v20 =	vor.u32 v22, v10;
	v22 =	vld [tilespmem:$0x1FEE0]  }
0x18c: {  	v2 =	vld.idx.msk [tilespmem:v12+s16+$0x0], $0xffff  }
0x18d: {  	v13 =	vld.idx.msk [tilespmem:v15+s16+$0x0], $0xffff  }
0x18e: {  	v16 =	vld.idx.msk [tilespmem:v18+s16+$0x0], $0xffff  }
0x18f: {  	v19 =	vld.idx.msk [tilespmem:v21+s16+$0x0], $0xffff  }
0x190: {  	v12 =	vor.u32 v23, v3  }
0x191: {  	v15 =	vor.u32 v23, v6;
	[tilespmem:v11+s12+$0x0] =	vst.idx.msk $0xffff, v2  }
0x192: {  	v18 =	vor.u32 v23, v7;
	v21 =	vor.u32 v23, v8;
	[tilespmem:v14+s12+$0x0] =	vst.idx.msk $0xffff, v13  }
0x193: {  	v23 =	vld [tilespmem:$0x1FEF0];
	v11 =	vor.u32 v22, v4;
	v14 =	vor.u32 v22, v5;
	[tilespmem:v17+s12+$0x0] =	vst.idx.msk $0xffff, v16  }
0x194: {  	v17 =	vor.u32 v22, v9;
	[tilespmem:v20+s12+$0x0] =	vst.idx.msk $0xffff, v19;
	v20 =	vor.u32 v22, v10;
	v22 =	vld [tilespmem:$0x1FF00]  }
0x195: {  	v2 =	vld.idx.msk [tilespmem:v12+s16+$0x0], $0xffff  }
0x196: {  	v13 =	vld.idx.msk [tilespmem:v15+s16+$0x0], $0xffff  }
0x197: {  	v16 =	vld.idx.msk [tilespmem:v18+s16+$0x0], $0xffff  }
0x198: {  	v19 =	vld.idx.msk [tilespmem:v21+s16+$0x0], $0xffff  }
0x199: {  	v12 =	vor.u32 v23, v3  }
0x19a: {  	v15 =	vor.u32 v23, v6;
	[tilespmem:v11+s12+$0x0] =	vst.idx.msk $0xffff, v2  }
0x19b: {  	v18 =	vor.u32 v23, v7;
	v21 =	vor.u32 v23, v8;
	[tilespmem:v14+s12+$0x0] =	vst.idx.msk $0xffff, v13  }
0x19c: {  	v23 =	vld [tilespmem:$0x1FF10];
	v11 =	vor.u32 v22, v4;
	v14 =	vor.u32 v22, v5;
	[tilespmem:v17+s12+$0x0] =	vst.idx.msk $0xffff, v16  }
0x19d: {  	v17 =	vor.u32 v22, v9;
	[tilespmem:v20+s12+$0x0] =	vst.idx.msk $0xffff, v19;
	v20 =	vor.u32 v22, v10;
	v22 =	vld [tilespmem:$0x1FF20]  }
0x19e: {  	v2 =	vld.idx.msk [tilespmem:v12+s16+$0x0], $0xffff  }
0x19f: {  	v13 =	vld.idx.msk [tilespmem:v15+s16+$0x0], $0xffff  }
0x1a0: {  	v16 =	vld.idx.msk [tilespmem:v18+s16+$0x0], $0xffff  }
0x1a1: {  	v19 =	vld.idx.msk [tilespmem:v21+s16+$0x0], $0xffff  }
0x1a2: {  	v12 =	vor.u32 v23, v3;
	v15 =	vor.u32 v23, v6  }
0x1a3: {  	v18 =	vor.u32 v23, v7;
	v21 =	vor.u32 v23, v8;
	v23 =	vld [tilespmem:$0x1FF30];
	[tilespmem:v11+s12+$0x0] =	vst.idx.msk $0xffff, v2  }
0x1a4: {  	[tilespmem:v14+s12+$0x0] =	vst.idx.msk $0xffff, v13  }
0x1a5: {  	v11 =	vor.u32 v22, v4;
	v14 =	vor.u32 v22, v5;
	[tilespmem:v17+s12+$0x0] =	vst.idx.msk $0xffff, v16  }
0x1a6: {  	v17 =	vor.u32 v22, v9;
	[tilespmem:v20+s12+$0x0] =	vst.idx.msk $0xffff, v19;
	v20 =	vor.u32 v22, v10;
	v22 =	vld [tilespmem:$0x1FF40]  }
0x1a7: {  	v2 =	vld.idx.msk [tilespmem:v12+s16+$0x0], $0xffff  }
0x1a8: {  	v12 =	vor.u32 v23, v3;
	v13 =	vld.idx.msk [tilespmem:v15+s16+$0x0], $0xffff  }
0x1a9: {  	v15 =	vor.u32 v23, v6;
	v16 =	vld.idx.msk [tilespmem:v18+s16+$0x0], $0xffff  }
0x1aa: {  	v18 =	vor.u32 v23, v7;
	v19 =	vld.idx.msk [tilespmem:v21+s16+$0x0], $0xffff  }
0x1ab: {  	v21 =	vor.u32 v23, v8  }
0x1ac: {  	[tilespmem:v11+s12+$0x0] =	vst.idx.msk $0xffff, v2  }
0x1ad: {  	v23 =	vor.u32 $0x4000, v1;
	v11 =	vor.u32 v22, v4;
	[tilespmem:v14+s12+$0x0] =	vst.idx.msk $0xffff, v13;
	v2 =	vld.idx.msk [tilespmem:v12+s16+$0x0], $0xffff  }
0x1ae: {  	v14 =	vor.u32 v22, v5;
	[tilespmem:v17+s12+$0x0] =	vst.idx.msk $0xffff, v16;
	v12 =	vor.u32 v23, v3;
	v13 =	vld.idx.msk [tilespmem:v15+s16+$0x0], $0xffff  }
0x1af: {  	v17 =	vor.u32 v22, v9;
	[tilespmem:v20+s12+$0x0] =	vst.idx.msk $0xffff, v19;
	v15 =	vor.u32 v23, v6;
	v16 =	vld.idx.msk [tilespmem:v18+s16+$0x0], $0xffff  }
0x1b0: {  	v20 =	vor.u32 v22, v10;
	v18 =	vor.u32 v23, v7;
	v19 =	vld.idx.msk [tilespmem:v21+s16+$0x0], $0xffff  }
0x1b1: {  	[tilespmem:$0x1FAA0] =	vst v23;
	v21 =	vor.u32 v23, v8  }
0x1b2: {  	v22 =	vor.u32 $0x1000, v0;
	[tilespmem:v11+s12+$0x0] =	vst.idx.msk $0xffff, v2  }
0x1b3: {  	v23 =	vor.u32 $0x4200, v1;
	v11 =	vor.u32 v22, v4;
	[tilespmem:v14+s12+$0x0] =	vst.idx.msk $0xffff, v13;
	v2 =	vld.idx.msk [tilespmem:v12+s16+$0x0], $0xffff  }
0x1b4: {  	v14 =	vor.u32 v22, v5;
	[tilespmem:v17+s12+$0x0] =	vst.idx.msk $0xffff, v16;
	v12 =	vor.u32 v23, v3;
	v13 =	vld.idx.msk [tilespmem:v15+s16+$0x0], $0xffff  }
0x1b5: {  	v17 =	vor.u32 v22, v9;
	[tilespmem:v20+s12+$0x0] =	vst.idx.msk $0xffff, v19;
	v15 =	vor.u32 v23, v6;
	v16 =	vld.idx.msk [tilespmem:v18+s16+$0x0], $0xffff  }
0x1b6: {  	[tilespmem:$0x1FAB0] =	vst v22;
	v20 =	vor.u32 v22, v10;
	v18 =	vor.u32 v23, v7;
	v19 =	vld.idx.msk [tilespmem:v21+s16+$0x0], $0xffff  }
0x1b7: {  	[tilespmem:$0x1FAC0] =	vst v23;
	v21 =	vor.u32 v23, v8  }
0x1b8: {  	v22 =	vor.u32 $0x1010, v0;
	[tilespmem:v11+s12+$0x0] =	vst.idx.msk $0xffff, v2  }
0x1b9: {  	v23 =	vor.u32 $0x4400, v1;
	v11 =	vor.u32 v22, v4;
	[tilespmem:v14+s12+$0x0] =	vst.idx.msk $0xffff, v13;
	v2 =	vld.idx.msk [tilespmem:v12+s16+$0x0], $0xffff  }
0x1ba: {  	v14 =	vor.u32 v22, v5;
	[tilespmem:v17+s12+$0x0] =	vst.idx.msk $0xffff, v16;
	v12 =	vor.u32 v23, v3;
	v13 =	vld.idx.msk [tilespmem:v15+s16+$0x0], $0xffff  }
0x1bb: {  	v17 =	vor.u32 v22, v9;
	[tilespmem:v20+s12+$0x0] =	vst.idx.msk $0xffff, v19;
	v15 =	vor.u32 v23, v6;
	v16 =	vld.idx.msk [tilespmem:v18+s16+$0x0], $0xffff  }
0x1bc: {  	[tilespmem:$0x1FAD0] =	vst v22;
	v20 =	vor.u32 v22, v10;
	v18 =	vor.u32 v23, v7;
	v19 =	vld.idx.msk [tilespmem:v21+s16+$0x0], $0xffff  }
0x1bd: {  	[tilespmem:$0x1FAE0] =	vst v23;
	v21 =	vor.u32 v23, v8  }
0x1be: {  	v22 =	vor.u32 $0x1020, v0;
	[tilespmem:v11+s12+$0x0] =	vst.idx.msk $0xffff, v2  }
0x1bf: {  	v23 =	vor.u32 $0x4600, v1;
	v11 =	vor.u32 v22, v4;
	[tilespmem:v14+s12+$0x0] =	vst.idx.msk $0xffff, v13;
	v2 =	vld.idx.msk [tilespmem:v12+s16+$0x0], $0xffff  }
0x1c0: {  	v14 =	vor.u32 v22, v5;
	[tilespmem:v17+s12+$0x0] =	vst.idx.msk $0xffff, v16;
	v12 =	vor.u32 v23, v3;
	v13 =	vld.idx.msk [tilespmem:v15+s16+$0x0], $0xffff  }
0x1c1: {  	v17 =	vor.u32 v22, v9;
	[tilespmem:v20+s12+$0x0] =	vst.idx.msk $0xffff, v19;
	v15 =	vor.u32 v23, v6;
	v16 =	vld.idx.msk [tilespmem:v18+s16+$0x0], $0xffff  }
0x1c2: {  	[tilespmem:$0x1FAF0] =	vst v22;
	v20 =	vor.u32 v22, v10;
	v18 =	vor.u32 v23, v7;
	v19 =	vld.idx.msk [tilespmem:v21+s16+$0x0], $0xffff  }
0x1c3: {  	[tilespmem:$0x1FB00] =	vst v23;
	v21 =	vor.u32 v23, v8  }
0x1c4: {  	v22 =	vor.u32 $0x1030, v0;
	[tilespmem:v11+s12+$0x0] =	vst.idx.msk $0xffff, v2  }
0x1c5: {  	v23 =	vor.u32 $0x4800, v1;
	v11 =	vor.u32 v22, v4;
	[tilespmem:v14+s12+$0x0] =	vst.idx.msk $0xffff, v13;
	v2 =	vld.idx.msk [tilespmem:v12+s16+$0x0], $0xffff  }
0x1c6: {  	v14 =	vor.u32 v22, v5;
	[tilespmem:v17+s12+$0x0] =	vst.idx.msk $0xffff, v16;
	v12 =	vor.u32 v23, v3;
	v13 =	vld.idx.msk [tilespmem:v15+s16+$0x0], $0xffff  }
0x1c7: {  	v17 =	vor.u32 v22, v9;
	[tilespmem:v20+s12+$0x0] =	vst.idx.msk $0xffff, v19;
	v15 =	vor.u32 v23, v6;
	v16 =	vld.idx.msk [tilespmem:v18+s16+$0x0], $0xffff  }
0x1c8: {  	[tilespmem:$0x1FB10] =	vst v22;
	v20 =	vor.u32 v22, v10;
	v18 =	vor.u32 v23, v7;
	v19 =	vld.idx.msk [tilespmem:v21+s16+$0x0], $0xffff  }
0x1c9: {  	[tilespmem:$0x1FB20] =	vst v23;
	v21 =	vor.u32 v23, v8  }
0x1ca: {  	v23 =	vor.u32 $0x1040, v0;
	[tilespmem:v11+s12+$0x0] =	vst.idx.msk $0xffff, v2  }
0x1cb: {  	v11 =	vor.u32 v23, v4;
	[tilespmem:v14+s12+$0x0] =	vst.idx.msk $0xffff, v13;
	v2 =	vld.idx.msk [tilespmem:v12+s16+$0x0], $0xffff;
	v12 =	vor.u32 $0x4A00, v1  }
0x1cc: {  	v22 =	vor.u32 v23, v5;
	[tilespmem:v17+s12+$0x0] =	vst.idx.msk $0xffff, v16;
	v15 =	vld.idx.msk [tilespmem:v15+s16+$0x0], $0xffff;
	v14 =	vor.u32 v12, v3  }
0x1cd: {  	[tilespmem:v20+s12+$0x0] =	vst.idx.msk $0xffff, v19;
	v17 =	vld.idx.msk [tilespmem:v18+s16+$0x0], $0xffff;
	v18 =	vor.u32 v23, v9;
	v16 =	vor.u32 v12, v6  }
0x1ce: {  	[tilespmem:$0x1FB30] =	vst v23;
	v20 =	vld.idx.msk [tilespmem:v21+s16+$0x0], $0xffff;
	v21 =	vor.u32 v23, v10;
	v19 =	vor.u32 v12, v7  }
0x1cf: {  	[tilespmem:$0x1FB40] =	vst v12;
	v23 =	vor.u32 v12, v8  }
0x1d0: {  	v12 =	vor.u32 $0x1050, v0;
	[tilespmem:v11+s12+$0x0] =	vst.idx.msk $0xffff, v2  }
0x1d1: {  	v13 =	vor.u32 $0x4C00, v1;
	v11 =	vor.u32 v12, v4;
	[tilespmem:v22+s12+$0x0] =	vst.idx.msk $0xffff, v15;
	v2 =	vld.idx.msk [tilespmem:v14+s16+$0x0], $0xffff  }
0x1d2: {  	v25 =	vor.u32 v12, v5;
	v22 =	vor.u32 v13, v3;
	[tilespmem:v18+s12+$0x0] =	vst.idx.msk $0xffff, v17;
	v24 =	vld.idx.msk [tilespmem:v16+s16+$0x0], $0xffff  }
0x1d3: {  	v17 =	vor.u32 v13, v6;
	[tilespmem:v21+s12+$0x0] =	vst.idx.msk $0xffff, v20;
	v18 =	vld.idx.msk [tilespmem:v19+s16+$0x0], $0xffff;
	v19 =	vor.u32 v12, v9  }
0x1d4: {  	[tilespmem:$0x1FB60] =	vst v13;
	v20 =	vor.u32 v13, v7;
	v21 =	vld.idx.msk [tilespmem:v23+s16+$0x0], $0xffff;
	v23 =	vor.u32 v12, v10  }
0x1d5: {  	v26 =	vor.u32 v13, v8;
	[tilespmem:$0x1FB50] =	vst v12  }
0x1d6: {  	v12 =	vor.u32 $0x1060, v0;
	[tilespmem:v11+s12+$0x0] =	vst.idx.msk $0xffff, v2  }
0x1d7: {  	v13 =	vor.u32 $0x4E00, v1;
	v11 =	vor.u32 v12, v4;
	[tilespmem:v25+s12+$0x0] =	vst.idx.msk $0xffff, v24;
	v2 =	vld.idx.msk [tilespmem:v22+s16+$0x0], $0xffff  }
0x1d8: {  	v25 =	vor.u32 v12, v5;
	[tilespmem:v19+s12+$0x0] =	vst.idx.msk $0xffff, v18;
	v22 =	vor.u32 v13, v3;
	v24 =	vld.idx.msk [tilespmem:v17+s16+$0x0], $0xffff  }
0x1d9: {  	v27 =	vor.u32 v12, v9;
	v19 =	vor.u32 v13, v6;
	[tilespmem:v23+s12+$0x0] =	vst.idx.msk $0xffff, v21;
	v20 =	vld.idx.msk [tilespmem:v20+s16+$0x0], $0xffff  }
0x1da: {  	[tilespmem:$0x1FB80] =	vst v13;
	v21 =	vor.u32 v13, v7;
	v23 =	vld.idx.msk [tilespmem:v26+s16+$0x0], $0xffff;
	v26 =	vor.u32 v12, v10  }
0x1db: {  	v28 =	vor.u32 v13, v8;
	[tilespmem:$0x1FB70] =	vst v12  }
0x1dc: {  	v12 =	vor.u32 $0x1070, v0;
	[tilespmem:v11+s12+$0x0] =	vst.idx.msk $0xffff, v2  }
0x1dd: {  	v13 =	vor.u32 $0x5000, v1;
	v11 =	vor.u32 v12, v4;
	[tilespmem:v25+s12+$0x0] =	vst.idx.msk $0xffff, v24;
	v2 =	vld.idx.msk [tilespmem:v22+s16+$0x0], $0xffff  }
0x1de: {  	v25 =	vor.u32 v12, v5;
	[tilespmem:v27+s12+$0x0] =	vst.idx.msk $0xffff, v20;
	v22 =	vor.u32 v13, v3;
	v24 =	vld.idx.msk [tilespmem:v19+s16+$0x0], $0xffff  }
0x1df: {  	v29 =	vor.u32 v12, v9;
	v27 =	vor.u32 v13, v6;
	[tilespmem:v26+s12+$0x0] =	vst.idx.msk $0xffff, v23;
	v21 =	vld.idx.msk [tilespmem:v21+s16+$0x0], $0xffff  }
0x1e0: {  	[tilespmem:$0x1FB90] =	vst v12;
	v23 =	vor.u32 v13, v7;
	v26 =	vld.idx.msk [tilespmem:v28+s16+$0x0], $0xffff;
	v28 =	vor.u32 v12, v10  }
0x1e1: {  	[tilespmem:$0x1FBA0] =	vst v13;
	v30 =	vor.u32 v13, v8  }
0x1e2: {  	v12 =	vor.u32 $0x1400, v0;
	[tilespmem:v11+s12+$0x0] =	vst.idx.msk $0xffff, v2  }
0x1e3: {  	v13 =	vor.u32 $0x5200, v1;
	v11 =	vor.u32 v12, v4;
	[tilespmem:v25+s12+$0x0] =	vst.idx.msk $0xffff, v24;
	v2 =	vld.idx.msk [tilespmem:v22+s16+$0x0], $0xffff  }
0x1e4: {  	v25 =	vor.u32 v12, v5;
	[tilespmem:v29+s12+$0x0] =	vst.idx.msk $0xffff, v21;
	v22 =	vor.u32 v13, v3;
	v24 =	vld.idx.msk [tilespmem:v27+s16+$0x0], $0xffff  }
0x1e5: {  	v29 =	vor.u32 v12, v9;
	[tilespmem:v28+s12+$0x0] =	vst.idx.msk $0xffff, v26;
	v27 =	vor.u32 v13, v6;
	v23 =	vld.idx.msk [tilespmem:v23+s16+$0x0], $0xffff  }
0x1e6: {  	[tilespmem:$0x1FBB0] =	vst v12;
	v26 =	vor.u32 v13, v7;
	v28 =	vld.idx.msk [tilespmem:v30+s16+$0x0], $0xffff;
	v30 =	vor.u32 v12, v10  }
0x1e7: {  	[tilespmem:$0x1FBC0] =	vst v13;
	v31 =	vor.u32 v13, v8  }
0x1e8: {  	v12 =	vor.u32 $0x1410, v0;
	[tilespmem:v11+s12+$0x0] =	vst.idx.msk $0xffff, v2  }
0x1e9: {  	v13 =	vor.u32 $0x5400, v1;
	v11 =	vor.u32 v12, v4;
	[tilespmem:v25+s12+$0x0] =	vst.idx.msk $0xffff, v24;
	v2 =	vld.idx.msk [tilespmem:v22+s16+$0x0], $0xffff  }
0x1ea: {  	v24 =	vor.u32 v13, v3;
	[tilespmem:v29+s12+$0x0] =	vst.idx.msk $0xffff, v23;
	v25 =	vld.idx.msk [tilespmem:v27+s16+$0x0], $0xffff;
	v27 =	vor.u32 v12, v5  }
0x1eb: {  	v32 =	vor.u32 v12, v9;
	v29 =	vor.u32 v13, v6;
	[tilespmem:v30+s12+$0x0] =	vst.idx.msk $0xffff, v28;
	v26 =	vld.idx.msk [tilespmem:v26+s16+$0x0], $0xffff  }
0x1ec: {  	[tilespmem:$0x1FBD0] =	vst v12;
	v28 =	vor.u32 v13, v7;
	v30 =	vld.idx.msk [tilespmem:v31+s16+$0x0], $0xffff;
	v31 =	vor.u32 v12, v10  }
0x1ed: {  	[tilespmem:$0x1FBE0] =	vst v13;
	v33 =	vor.u32 v13, v8  }
0x1ee: {  	v13 =	vor.u32 $0x1420, v0;
	[tilespmem:v11+s12+$0x0] =	vst.idx.msk $0xffff, v2  }
0x1ef: {  	v12 =	vor.u32 $0x5600, v1;
	v11 =	vor.u32 v13, v4;
	[tilespmem:v27+s12+$0x0] =	vst.idx.msk $0xffff, v25;
	v2 =	vld.idx.msk [tilespmem:v24+s16+$0x0], $0xffff  }
0x1f0: {  	v34 =	vor.u32 v13, v5;
	v27 =	vor.u32 v12, v3;
	[tilespmem:v32+s12+$0x0] =	vst.idx.msk $0xffff, v26;
	v29 =	vld.idx.msk [tilespmem:v29+s16+$0x0], $0xffff  }
0x1f1: {  	v35 =	vor.u32 v13, v9;
	v54 =	vor.u32 v12, v6;
	[tilespmem:v31+s12+$0x0] =	vst.idx.msk $0xffff, v30;
	v28 =	vld.idx.msk [tilespmem:v28+s16+$0x0], $0xffff  }
0x1f2: {  	[tilespmem:$0x1FBF0] =	vst v13;
	v55 =	vor.u32 v13, v10;
	v30 =	vor.u32 v12, v7;
	v31 =	vld.idx.msk [tilespmem:v33+s16+$0x0], $0xffff  }
0x1f3: {  	[tilespmem:$0x1FC00] =	vst v12;
	v36 =	vor.u32 v12, v8  }
0x1f4: {  	v12 =	vor.u32 $0x1430, v0;
	[tilespmem:v11+s12+$0x0] =	vst.idx.msk $0xffff, v2  }
0x1f5: {  	v13 =	vor.u32 $0x5800, v1;
	v11 =	vor.u32 v12, v4;
	[tilespmem:v34+s12+$0x0] =	vst.idx.msk $0xffff, v29;
	v2 =	vld.idx.msk [tilespmem:v27+s16+$0x0], $0xffff  }
0x1f6: {  	v56 =	vor.u32 v12, v5;
	v29 =	vor.u32 v13, v3;
	[tilespmem:v35+s12+$0x0] =	vst.idx.msk $0xffff, v28;
	v32 =	vld.idx.msk [tilespmem:v54+s16+$0x0], $0xffff  }
0x1f7: {  	v57 =	vor.u32 v13, v6;
	v37 =	vor.u32 v12, v9;
	[tilespmem:v55+s12+$0x0] =	vst.idx.msk $0xffff, v31;
	v30 =	vld.idx.msk [tilespmem:v30+s16+$0x0], $0xffff  }
0x1f8: {  	v58 =	vor.u32 v12, v10;
	v31 =	vor.u32 v13, v7;
	v33 =	vld.idx.msk [tilespmem:v36+s16+$0x0], $0xffff  }
0x1f9: {  	[tilespmem:$0x1FC10] =	vst v12;
	v38 =	vor.u32 v13, v8  }
0x1fa: {  	v12 =	vor.u32 $0x1440, v0;
	[tilespmem:v11+s12+$0x0] =	vst.idx.msk $0xffff, v2  }
0x1fb: {  	v26 =	vmov v13;
	v13 =	vor.u32 $0x5A00, v1;
	v11 =	vor.u32 v12, v4;
	[tilespmem:v56+s12+$0x0] =	vst.idx.msk $0xffff, v32;
	v2 =	vld.idx.msk [tilespmem:v29+s16+$0x0], $0xffff  }
0x1fc: {  	v59 =	vor.u32 v13, v3;
	v60 =	vor.u32 v12, v5;
	[tilespmem:v37+s12+$0x0] =	vst.idx.msk $0xffff, v30;
	v34 =	vld.idx.msk [tilespmem:v57+s16+$0x0], $0xffff  }
0x1fd: {  	v61 =	vor.u32 v13, v6;
	v39 =	vor.u32 v12, v9;
	[tilespmem:v58+s12+$0x0] =	vst.idx.msk $0xffff, v33;
	v31 =	vld.idx.msk [tilespmem:v31+s16+$0x0], $0xffff  }
0x1fe: {  	v62 =	vor.u32 v13, v7;
	v63 =	vor.u32 v12, v10;
	v36 =	vld.idx.msk [tilespmem:v38+s16+$0x0], $0xffff  }
0x1ff: {  	v40 =	vor.u32 v13, v8  }
0x200: {  	v27 =	vmov v12;
	v12 =	vor.u32 $0x1450, v0;
	[tilespmem:v11+s12+$0x0] =	vst.idx.msk $0xffff, v2  }
0x201: {  	v28 =	vmov v13;
	v13 =	vor.u32 $0x5C00, v1;
	v11 =	vor.u32 v12, v4;
	[tilespmem:v60+s12+$0x0] =	vst.idx.msk $0xffff, v34;
	v2 =	vld.idx.msk [tilespmem:v59+s16+$0x0], $0xffff  }
0x202: {  	v44 =	vor.u32 v13, v3;
	v45 =	vor.u32 v12, v5;
	[tilespmem:v39+s12+$0x0] =	vst.idx.msk $0xffff, v31;
	v34 =	vld.idx.msk [tilespmem:v61+s16+$0x0], $0xffff  }
0x203: {  	v46 =	vor.u32 v13, v6;
	v47 =	vor.u32 v12, v9;
	[tilespmem:v63+s12+$0x0] =	vst.idx.msk $0xffff, v36;
	v33 =	vld.idx.msk [tilespmem:v62+s16+$0x0], $0xffff  }
0x204: {  	v48 =	vor.u32 v13, v7;
	v49 =	vor.u32 v12, v10;
	v38 =	vld.idx.msk [tilespmem:v40+s16+$0x0], $0xffff  }
0x205: {  	v41 =	vor.u32 v13, v8  }
0x206: {  	v29 =	vmov v12;
	v12 =	vor.u32 $0x1460, v0;
	[tilespmem:v11+s12+$0x0] =	vst.idx.msk $0xffff, v2  }
0x207: {  	v30 =	vmov v13;
	v13 =	vor.u32 $0x5E00, v1;
	v11 =	vor.u32 v12, v4;
	[tilespmem:v45+s12+$0x0] =	vst.idx.msk $0xffff, v34;
	v2 =	vld.idx.msk [tilespmem:v44+s16+$0x0], $0xffff  }
0x208: {  	v50 =	vor.u32 v13, v3;
	v51 =	vor.u32 v12, v5;
	[tilespmem:v47+s12+$0x0] =	vst.idx.msk $0xffff, v33;
	v35 =	vld.idx.msk [tilespmem:v46+s16+$0x0], $0xffff  }
0x209: {  	v52 =	vor.u32 v13, v6;
	v42 =	vor.u32 v12, v9;
	[tilespmem:v49+s12+$0x0] =	vst.idx.msk $0xffff, v38;
	v36 =	vld.idx.msk [tilespmem:v48+s16+$0x0], $0xffff  }
0x20a: {  	v53 =	vor.u32 v13, v7;
	v54 =	vor.u32 v12, v10;
	v40 =	vld.idx.msk [tilespmem:v41+s16+$0x0], $0xffff  }
0x20b: {  	v43 =	vor.u32 v13, v8  }
0x20c: {  	v31 =	vmov v12;
	v12 =	vor.u32 $0x1470, v0;
	[tilespmem:v11+s12+$0x0] =	vst.idx.msk $0xffff, v2  }
0x20d: {  	v32 =	vmov v13;
	v13 =	vor.u32 $0x6000, v1;
	v11 =	vor.u32 v12, v4;
	[tilespmem:v51+s12+$0x0] =	vst.idx.msk $0xffff, v35;
	v2 =	vld.idx.msk [tilespmem:v50+s16+$0x0], $0xffff  }
0x20e: {  	v55 =	vor.u32 v13, v3;
	v44 =	vor.u32 v12, v5;
	[tilespmem:v42+s12+$0x0] =	vst.idx.msk $0xffff, v36;
	v39 =	vld.idx.msk [tilespmem:v52+s16+$0x0], $0xffff  }
0x20f: {  	v56 =	vor.u32 v13, v6;
	v45 =	vor.u32 v12, v9;
	[tilespmem:v54+s12+$0x0] =	vst.idx.msk $0xffff, v40;
	v38 =	vld.idx.msk [tilespmem:v53+s16+$0x0], $0xffff  }
0x210: {  	v57 =	vor.u32 v13, v7;
	v58 =	vor.u32 v12, v10;
	v41 =	vld.idx.msk [tilespmem:v43+s16+$0x0], $0xffff  }
0x211: {  	v46 =	vor.u32 v13, v8  }
0x212: {  	v33 =	vmov v12;
	v12 =	vor.u32 $0x1800, v0;
	[tilespmem:v11+s12+$0x0] =	vst.idx.msk $0xffff, v2  }
0x213: {  	v34 =	vmov v13;
	v13 =	vor.u32 $0x6200, v1;
	v11 =	vor.u32 v12, v4;
	[tilespmem:v44+s12+$0x0] =	vst.idx.msk $0xffff, v39;
	v2 =	vld.idx.msk [tilespmem:v55+s16+$0x0], $0xffff  }
0x214: {  	v59 =	vor.u32 v13, v3;
	v60 =	vor.u32 v12, v5;
	[tilespmem:v45+s12+$0x0] =	vst.idx.msk $0xffff, v38;
	v42 =	vld.idx.msk [tilespmem:v56+s16+$0x0], $0xffff  }
0x215: {  	v61 =	vor.u32 v13, v6;
	v47 =	vor.u32 v12, v9;
	[tilespmem:v58+s12+$0x0] =	vst.idx.msk $0xffff, v41;
	v40 =	vld.idx.msk [tilespmem:v57+s16+$0x0], $0xffff  }
0x216: {  	v62 =	vor.u32 v13, v7;
	v63 =	vor.u32 v12, v10;
	v43 =	vld.idx.msk [tilespmem:v46+s16+$0x0], $0xffff  }
0x217: {  	v48 =	vor.u32 v13, v8  }
0x218: {  	v35 =	vmov v12;
	v12 =	vor.u32 $0x1810, v0;
	[tilespmem:v11+s12+$0x0] =	vst.idx.msk $0xffff, v2  }
0x219: {  	v36 =	vmov v13;
	v13 =	vor.u32 $0x6400, v1;
	v11 =	vor.u32 v12, v4;
	[tilespmem:v60+s12+$0x0] =	vst.idx.msk $0xffff, v42;
	v2 =	vld.idx.msk [tilespmem:v59+s16+$0x0], $0xffff  }
0x21a: {  	v52 =	vor.u32 v13, v3;
	v53 =	vor.u32 v12, v5;
	[tilespmem:v47+s12+$0x0] =	vst.idx.msk $0xffff, v40;
	v44 =	vld.idx.msk [tilespmem:v61+s16+$0x0], $0xffff  }
0x21b: {  	v54 =	vor.u32 v13, v6;
	v49 =	vor.u32 v12, v9;
	[tilespmem:v63+s12+$0x0] =	vst.idx.msk $0xffff, v43;
	v41 =	vld.idx.msk [tilespmem:v62+s16+$0x0], $0xffff  }
0x21c: {  	v55 =	vor.u32 v13, v7;
	v56 =	vor.u32 v12, v10;
	v46 =	vld.idx.msk [tilespmem:v48+s16+$0x0], $0xffff  }
0x21d: {  	v50 =	vor.u32 v13, v8  }
0x21e: {  	v37 =	vmov v12;
	v12 =	vor.u32 $0x1820, v0;
	[tilespmem:v11+s12+$0x0] =	vst.idx.msk $0xffff, v2  }
0x21f: {  	v38 =	vmov v13;
	v13 =	vor.u32 $0x6600, v1;
	v11 =	vor.u32 v12, v4;
	[tilespmem:v53+s12+$0x0] =	vst.idx.msk $0xffff, v44;
	v2 =	vld.idx.msk [tilespmem:v52+s16+$0x0], $0xffff  }
0x220: {  	v57 =	vor.u32 v13, v3;
	v58 =	vor.u32 v12, v5;
	[tilespmem:v49+s12+$0x0] =	vst.idx.msk $0xffff, v41;
	v44 =	vld.idx.msk [tilespmem:v54+s16+$0x0], $0xffff  }
0x221: {  	v59 =	vor.u32 v13, v6;
	v60 =	vor.u32 v12, v9;
	[tilespmem:v56+s12+$0x0] =	vst.idx.msk $0xffff, v46;
	v43 =	vld.idx.msk [tilespmem:v55+s16+$0x0], $0xffff  }
0x222: {  	v61 =	vor.u32 v13, v7;
	v62 =	vor.u32 v12, v10;
	v48 =	vld.idx.msk [tilespmem:v50+s16+$0x0], $0xffff  }
0x223: {  	v51 =	vor.u32 v13, v8  }
0x224: {  	v39 =	vmov v12;
	v12 =	vor.u32 $0x1830, v0;
	[tilespmem:v11+s12+$0x0] =	vst.idx.msk $0xffff, v2  }
0x225: {  	v40 =	vmov v13;
	v13 =	vor.u32 $0x6800, v1;
	v11 =	vor.u32 v12, v4;
	[tilespmem:v58+s12+$0x0] =	vst.idx.msk $0xffff, v44;
	v2 =	vld.idx.msk [tilespmem:v57+s16+$0x0], $0xffff  }
0x226: {  	v63 =	vor.u32 v13, v3;
	v56 =	vor.u32 v12, v5;
	[tilespmem:v60+s12+$0x0] =	vst.idx.msk $0xffff, v43;
	v45 =	vld.idx.msk [tilespmem:v59+s16+$0x0], $0xffff  }
0x227: {  	v52 =	vor.u32 v12, v9;
	[tilespmem:v62+s12+$0x0] =	vst.idx.msk $0xffff, v48;
	v57 =	vor.u32 v13, v6;
	v46 =	vld.idx.msk [tilespmem:v61+s16+$0x0], $0xffff  }
0x228: {  	v58 =	vor.u32 v13, v7;
	v50 =	vld.idx.msk [tilespmem:v51+s16+$0x0], $0xffff;
	v59 =	vor.u32 v12, v10  }
0x229: {  	v53 =	vor.u32 v13, v8  }
0x22a: {  	v41 =	vmov v12;
	v12 =	vor.u32 $0x1840, v0;
	[tilespmem:v11+s12+$0x0] =	vst.idx.msk $0xffff, v2  }
0x22b: {  	v42 =	vmov v13;
	v13 =	vor.u32 $0x6A00, v1;
	v11 =	vor.u32 v12, v4;
	[tilespmem:v56+s12+$0x0] =	vst.idx.msk $0xffff, v45;
	v2 =	vld.idx.msk [tilespmem:v63+s16+$0x0], $0xffff  }
0x22c: {  	v60 =	vor.u32 v13, v3;
	v54 =	vor.u32 v12, v5;
	[tilespmem:v52+s12+$0x0] =	vst.idx.msk $0xffff, v46;
	v49 =	vld.idx.msk [tilespmem:v57+s16+$0x0], $0xffff  }
0x22d: {  	v61 =	vor.u32 v13, v6;
	v55 =	vor.u32 v12, v9;
	[tilespmem:v59+s12+$0x0] =	vst.idx.msk $0xffff, v50;
	v48 =	vld.idx.msk [tilespmem:v58+s16+$0x0], $0xffff  }
0x22e: {  	v62 =	vor.u32 v13, v7;
	v51 =	vld.idx.msk [tilespmem:v53+s16+$0x0], $0xffff;
	v63 =	vor.u32 v12, v10  }
0x22f: {  	v56 =	vor.u32 v13, v8  }
0x230: {  	v43 =	vmov v12;
	v12 =	vor.u32 $0x1850, v0;
	[tilespmem:v11+s12+$0x0] =	vst.idx.msk $0xffff, v2  }
0x231: {  	v44 =	vmov v13;
	v13 =	vor.u32 $0x6C00, v1;
	v11 =	vor.u32 v12, v4;
	[tilespmem:v54+s12+$0x0] =	vst.idx.msk $0xffff, v49;
	v2 =	vld.idx.msk [tilespmem:v60+s16+$0x0], $0xffff  }
0x232: {  	v49 =	vor.u32 v13, v3;
	[tilespmem:v55+s12+$0x0] =	vst.idx.msk $0xffff, v48;
	v52 =	vld.idx.msk [tilespmem:v61+s16+$0x0], $0xffff;
	v60 =	vor.u32 v12, v5  }
0x233: {  	v57 =	vor.u32 v12, v9;
	[tilespmem:v63+s12+$0x0] =	vst.idx.msk $0xffff, v51;
	v61 =	vor.u32 v13, v6;
	v50 =	vld.idx.msk [tilespmem:v62+s16+$0x0], $0xffff  }
0x234: {  	v63 =	vor.u32 v12, v10;
	v62 =	vor.u32 v13, v7;
	v53 =	vld.idx.msk [tilespmem:v56+s16+$0x0], $0xffff  }
0x235: {  	v58 =	vor.u32 v13, v8  }
0x236: {  	v45 =	vmov v12;
	v12 =	vor.u32 $0x1860, v0;
	[tilespmem:v11+s12+$0x0] =	vst.idx.msk $0xffff, v2  }
0x237: {  	v46 =	vmov v13;
	v13 =	vor.u32 $0x6E00, v1;
	[tilespmem:v60+s12+$0x0] =	vst.idx.msk $0xffff, v52;
	v11 =	vor.u32 v12, v4;
	v2 =	vld.idx.msk [tilespmem:v49+s16+$0x0], $0xffff  }
0x238: {  	v54 =	vor.u32 v12, v5;
	[tilespmem:v57+s12+$0x0] =	vst.idx.msk $0xffff, v50;
	v50 =	vor.u32 v13, v3;
	v52 =	vld.idx.msk [tilespmem:v61+s16+$0x0], $0xffff  }
0x239: {  	[tilespmem:v63+s12+$0x0] =	vst.idx.msk $0xffff, v53;
	v60 =	vor.u32 v13, v6;
	v51 =	vld.idx.msk [tilespmem:v62+s16+$0x0], $0xffff;
	v61 =	vor.u32 v12, v9  }
0x23a: {  	v63 =	vor.u32 v12, v10;
	v56 =	vld.idx.msk [tilespmem:v58+s16+$0x0], $0xffff;
	v62 =	vor.u32 v13, v7  }
0x23b: {  	v59 =	vor.u32 v13, v8  }
0x23c: {  	v47 =	vmov v12;
	v12 =	vor.u32 $0x1870, v0;
	[tilespmem:v11+s12+$0x0] =	vst.idx.msk $0xffff, v2  }
0x23d: {  	v48 =	vmov v13;
	v13 =	vor.u32 $0x7000, v1;
	[tilespmem:v54+s12+$0x0] =	vst.idx.msk $0xffff, v52;
	v11 =	vor.u32 v12, v4;
	v2 =	vld.idx.msk [tilespmem:v50+s16+$0x0], $0xffff  }
0x23e: {  	v53 =	vor.u32 v13, v3;
	[tilespmem:v61+s12+$0x0] =	vst.idx.msk $0xffff, v51;
	v54 =	vor.u32 v12, v5;
	v52 =	vld.idx.msk [tilespmem:v60+s16+$0x0], $0xffff  }
0x23f: {  	v57 =	vor.u32 v12, v9;
	[tilespmem:v63+s12+$0x0] =	vst.idx.msk $0xffff, v56;
	v56 =	vor.u32 v13, v6;
	v55 =	vld.idx.msk [tilespmem:v62+s16+$0x0], $0xffff  }
0x240: {  	v58 =	vld.idx.msk [tilespmem:v59+s16+$0x0], $0xffff;
	v59 =	vor.u32 v13, v7;
	v60 =	vor.u32 v12, v10  }
0x241: {  	v61 =	vor.u32 v13, v8  }
0x242: {  	v49 =	vmov v12;
	v12 =	vor.u32 $0x1C00, v0;
	[tilespmem:v11+s12+$0x0] =	vst.idx.msk $0xffff, v2  }
0x243: {  	v50 =	vmov v13;
	v13 =	vor.u32 $0x7200, v1;
	[tilespmem:v54+s12+$0x0] =	vst.idx.msk $0xffff, v52;
	v11 =	vor.u32 v12, v4;
	v2 =	vld.idx.msk [tilespmem:v53+s16+$0x0], $0xffff  }
0x244: {  	[tilespmem:v57+s12+$0x0] =	vst.idx.msk $0xffff, v55;
	v55 =	vor.u32 v13, v3;
	v54 =	vld.idx.msk [tilespmem:v56+s16+$0x0], $0xffff;
	v56 =	vor.u32 v12, v5  }
0x245: {  	[tilespmem:v60+s12+$0x0] =	vst.idx.msk $0xffff, v58;
	v58 =	vor.u32 v13, v6;
	v57 =	vld.idx.msk [tilespmem:v59+s16+$0x0], $0xffff;
	v59 =	vor.u32 v12, v9  }
0x246: {  	v62 =	vor.u32 v12, v10;
	v60 =	vld.idx.msk [tilespmem:v61+s16+$0x0], $0xffff;
	v61 =	vor.u32 v13, v7  }
0x247: {  	v63 =	vor.u32 v13, v8  }
0x248: {  	v51 =	vmov v12;
	v12 =	vor.u32 $0x1C10, v0;
	[tilespmem:v11+s12+$0x0] =	vst.idx.msk $0xffff, v2  }
0x249: {  	v52 =	vmov v13;
	v13 =	vor.u32 $0x7400, v1;
	[tilespmem:v56+s12+$0x0] =	vst.idx.msk $0xffff, v54;
	v11 =	vor.u32 v12, v4;
	v2 =	vld.idx.msk [tilespmem:v55+s16+$0x0], $0xffff  }
0x24a: {  	[tilespmem:v59+s12+$0x0] =	vst.idx.msk $0xffff, v57;
	v57 =	vor.u32 v13, v3;
	v56 =	vld.idx.msk [tilespmem:v58+s16+$0x0], $0xffff;
	v58 =	vor.u32 v12, v5  }
0x24b: {  	[tilespmem:v62+s12+$0x0] =	vst.idx.msk $0xffff, v60;
	v60 =	vor.u32 v13, v6;
	v59 =	vld.idx.msk [tilespmem:v61+s16+$0x0], $0xffff;
	v61 =	vor.u32 v12, v9  }
0x24c: {  	v53 =	vmov v12;
	v62 =	vld.idx.msk [tilespmem:v63+s16+$0x0], $0xffff;
	v63 =	vor.u32 v13, v7;
	v12 =	vor.u32 v12, v10  }
0x24d: {  	v54 =	vmov v13;
	v13 =	vor.u32 v13, v8  }
0x24e: {  	v14 =	vor.u32 $0x1C20, v0;
	[tilespmem:v11+s12+$0x0] =	vst.idx.msk $0xffff, v2  }
0x24f: {  	v15 =	vor.u32 $0x7600, v1;
	[tilespmem:v58+s12+$0x0] =	vst.idx.msk $0xffff, v56;
	v11 =	vor.u32 v14, v4;
	v2 =	vld.idx.msk [tilespmem:v57+s16+$0x0], $0xffff  }
0x250: {  	[tilespmem:v61+s12+$0x0] =	vst.idx.msk $0xffff, v59;
	v59 =	vor.u32 v15, v3;
	v58 =	vld.idx.msk [tilespmem:v60+s16+$0x0], $0xffff;
	v60 =	vor.u32 v14, v5  }
0x251: {  	[tilespmem:v12+s12+$0x0] =	vst.idx.msk $0xffff, v62;
	v61 =	vor.u32 v15, v6;
	v62 =	vor.u32 v14, v9;
	v12 =	vld.idx.msk [tilespmem:v63+s16+$0x0], $0xffff  }
0x252: {  	v55 =	vmov v14;
	v13 =	vld.idx.msk [tilespmem:v13+s16+$0x0], $0xffff;
	v63 =	vor.u32 v15, v7;
	v14 =	vor.u32 v14, v10  }
0x253: {  	v56 =	vmov v15;
	v15 =	vor.u32 v15, v8  }
0x254: {  	v16 =	vor.u32 $0x1C30, v0;
	[tilespmem:v11+s12+$0x0] =	vst.idx.msk $0xffff, v2  }
0x255: {  	v17 =	vor.u32 $0x7800, v1;
	[tilespmem:v60+s12+$0x0] =	vst.idx.msk $0xffff, v58;
	v11 =	vor.u32 v16, v4;
	v2 =	vld.idx.msk [tilespmem:v59+s16+$0x0], $0xffff  }
0x256: {  	[tilespmem:v62+s12+$0x0] =	vst.idx.msk $0xffff, v12;
	v60 =	vor.u32 v17, v3;
	v12 =	vld.idx.msk [tilespmem:v61+s16+$0x0], $0xffff;
	v61 =	vor.u32 v16, v5  }
0x257: {  	[tilespmem:v14+s12+$0x0] =	vst.idx.msk $0xffff, v13;
	v14 =	vor.u32 v17, v6;
	v62 =	vor.u32 v16, v9;
	v13 =	vld.idx.msk [tilespmem:v63+s16+$0x0], $0xffff  }
0x258: {  	v57 =	vmov v16;
	v15 =	vld.idx.msk [tilespmem:v15+s16+$0x0], $0xffff;
	v63 =	vor.u32 v17, v7;
	v16 =	vor.u32 v16, v10  }
0x259: {  	v58 =	vmov v17;
	v17 =	vor.u32 v17, v8  }
0x25a: {  	[tilespmem:v11+s12+$0x0] =	vst.idx.msk $0xffff, v2  }
0x25b: {  	v20 =	vor.u32 $0x7A00, v1;
	v19 =	vor.u32 $0x1C40, v0;
	[tilespmem:v61+s12+$0x0] =	vst.idx.msk $0xffff, v12;
	v2 =	vld.idx.msk [tilespmem:v60+s16+$0x0], $0xffff  }
0x25c: {  	v18 =	vor.u32 v20, v7;
	v11 =	vor.u32 v19, v4;
	[tilespmem:v62+s12+$0x0] =	vst.idx.msk $0xffff, v13;
	v12 =	vld.idx.msk [tilespmem:v14+s16+$0x0], $0xffff  }
0x25d: {  	v13 =	vor.u32 v20, v3;
	[tilespmem:v16+s12+$0x0] =	vst.idx.msk $0xffff, v15;
	v15 =	vld.idx.msk [tilespmem:v63+s16+$0x0], $0xffff;
	v63 =	vor.u32 v19, v9  }
0x25e: {  	v59 =	vmov v19;
	v14 =	vor.u32 v19, v5;
	v17 =	vld.idx.msk [tilespmem:v17+s16+$0x0], $0xffff;
	v19 =	vor.u32 v19, v10  }
0x25f: {  	v16 =	vor.u32 v20, v6;
	v60 =	vmov v20;
	v20 =	vor.u32 v20, v8;
	_ =	sdelay $0x1  }
0x260: {  	[tilespmem:v11+s12+$0x0] =	vst.idx.msk $0xffff, v2  }
0x261: {  	v21 =	vor.u32 $0x1C50, v0;
	[tilespmem:v63+s12+$0x0] =	vst.idx.msk $0xffff, v15;
	v2 =	vld.idx.msk [tilespmem:v13+s16+$0x0], $0xffff  }
0x262: {  	v11 =	vor.u32 v21, v4;
	[tilespmem:v19+s12+$0x0] =	vst.idx.msk $0xffff, v17;
	v15 =	vld.idx.msk [tilespmem:v18+s16+$0x0], $0xffff  }
0x263: {  	v62 =	vor.u32 $0x7C00, v1;
	[tilespmem:v14+s12+$0x0] =	vst.idx.msk $0xffff, v12;
	v18 =	vld.idx.msk [tilespmem:v20+s16+$0x0], $0xffff;
	v20 =	vor.u32 v21, v10  }
0x264: {  	v14 =	vor.u32 v21, v5;
	v12 =	vld.idx.msk [tilespmem:v16+s16+$0x0], $0xffff;
	v13 =	vor.u32 v62, v3  }
0x265: {  	v17 =	vor.u32 v21, v9;
	v16 =	vor.u32 v62, v6  }
0x266: {  	v23 =	vld [tilespmem:$0x1FF70];
	v19 =	vor.u32 v62, v7  }
0x267: {  	v22 =	vld [tilespmem:$0x1FF60];
	v61 =	vmov v21;
	v21 =	vor.u32 v62, v8;
	[tilespmem:v11+s12+$0x0] =	vst.idx.msk $0xffff, v2  }
0x268: {  	v24 =	vmov v62;
	v62 =	vor.u32 $0x1C60, v0;
	[tilespmem:v20+s12+$0x0] =	vst.idx.msk $0xffff, v18;
	v20 =	vld [tilespmem:$0x1FF50]  }
0x269: {  	[tilespmem:v14+s12+$0x0] =	vst.idx.msk $0xffff, v12;
	v12 =	vor.u32 v62, v4;
	v11 =	vld.idx.msk [tilespmem:v13+s16+$0x0], $0xffff  }
0x26a: {  	v2 =	vor.u32 $0x7E00, v1;
	[tilespmem:v17+s12+$0x0] =	vst.idx.msk $0xffff, v15;
	v15 =	vor.u32 v62, v5;
	v14 =	vld.idx.msk [tilespmem:v16+s16+$0x0], $0xffff  }
0x26b: {  	v13 =	vor.u32 v2, v3;
	v16 =	vld.idx.msk [tilespmem:v19+s16+$0x0], $0xffff  }
0x26c: {  	v17 =	vor.u32 v62, v9;
	v6 =	vor.u32 v2, v6;
	v18 =	vld.idx.msk [tilespmem:v21+s16+$0x0], $0xffff  }
0x26d: {  	v7 =	vor.u32 v2, v7;
	v21 =	vld [tilespmem:$0x1FF80];
	v19 =	vor.u32 v62, v10  }
0x26e: {  	v8 =	vor.u32 v2, v8;
	[tilespmem:v12+s12+$0x0] =	vst.idx.msk $0xffff, v11;
	v12 =	vld [tilespmem:$0x1FFC0]  }
0x26f: {  	v3 =	vor.u32 $0x1C70, v0;
	[tilespmem:v15+s12+$0x0] =	vst.idx.msk $0xffff, v14;
	v15 =	vld [tilespmem:$0x1FFF0]  }
0x270: {  	v4 =	vor.u32 v3, v4;
	v11 =	vld.idx.msk [tilespmem:v13+s16+$0x0], $0xffff  }
0x271: {  	v5 =	vor.u32 v3, v5;
	[tilespmem:v17+s12+$0x0] =	vst.idx.msk $0xffff, v16;
	v6 =	vld.idx.msk [tilespmem:v6+s16+$0x0], $0xffff  }
0x272: {  	v9 =	vor.u32 v3, v9;
	[tilespmem:v19+s12+$0x0] =	vst.idx.msk $0xffff, v18;
	v7 =	vld.idx.msk [tilespmem:v7+s16+$0x0], $0xffff  }
0x273: {  	p0 =	slt.u32 s21, $0x1C;
	v10 =	vor.u32 v3, v10;
	v8 =	vld.idx.msk [tilespmem:v8+s16+$0x0], $0xffff  }
.Ltmp0:
0x274: {  	v14 =	vld [tilespmem:$0x1FFE0];
	(pc) =	sbr.rel @p0 .LBB2_3-.Ltmp0, $4  }
0x275: {  	v13 =	vld [tilespmem:$0x1FFD0];
	[tilespmem:v4+s12+$0x0] =	vst.idx.msk $0xffff, v11  }
0x276: {  	v11 =	vld [tilespmem:$0x1FFB0];
	[tilespmem:v5+s12+$0x0] =	vst.idx.msk $0xffff, v6  }
0x277: {  	[tilespmem:v9+s12+$0x0] =	vst.idx.msk $0xffff, v7;
	v9 =	vld [tilespmem:$0x1FF90]  }
0x278: {  	s21 =	sadd.s32 $0x4, s21;
	[tilespmem:v10+s12+$0x0] =	vst.idx.msk $0xffff, v8;
	v10 =	vld [tilespmem:$0x1FFA0]  }
0x279: {  	s21 =	sshll.u32 s19, $0x15  }
0x27a: {  	s22 =	sor.u32 s11, s21  }
0x27b: {  	s22 =	sshrl.u32 s22, $0x3  }
0x27c: {  	s22 =	sadd.s32 s2, s22  }
0x27d: {  	[hbm4b:s22+s6] =	stream.strided.scatter [tilespmem:s12], [sflag:$0x5], $0x8000, s7, s6, $0x38;
	[tilespmem:$0x18800] =	vst v63  }
0x27e: {  	_ =	swait.ge [sflag:s14], $0x400  }
0x27f: {  	[sflag:s14] =	ssyncset.done $0x0  }
0x280: {  	[sflag:s14] =	ssyncadd.s32 $0xFFFFFC00  }
0x281: {  	[tilespmem:s16], [sflag:$0x3] =	stream.indirect.gather [hbm4b:s5+s15], $0x20, s3, s15, $0xb8;
	[tilespmem:$0x18800] =	vst v63  }
0x282: {  	s23 =	simm.s32 $0x1800  }
0x283: {  	[tilespmem:s23], [sflag:$0x3] =	stream.indirect.gather [hbm4b:s5+s15], $0x20, s15, s15, $0xb8;
	[tilespmem:$0x18800] =	vst v63  }
0x284: {  	s22 =	simm.s32 $0x100;
	s23 =	simm.s32 $0x2800  }
0x285: {  	[tilespmem:s23], [sflag:$0x3] =	stream.indirect.gather [hbm4b:s5+s15], $0x20, s22, s15, $0xb8;
	[tilespmem:$0x18800] =	vst v63  }
0x286: {  	s22 =	simm.s32 $0x180;
	s23 =	simm.s32 $0x3800  }
0x287: {  	[tilespmem:s23], [sflag:$0x3] =	stream.indirect.gather [hbm4b:s5+s15], $0x20, s22, s15, $0xb8;
	[tilespmem:$0x18800] =	vst v63  }
0x288: {  	s22 =	simm.s32 $0x200;
	s23 =	simm.s32 $0x4800  }
0x289: {  	[tilespmem:s23], [sflag:$0x3] =	stream.indirect.gather [hbm4b:s5+s15], $0x20, s22, s15, $0xb8;
	[tilespmem:$0x18800] =	vst v63  }
0x28a: {  	_ = 	snop  }
0x28b: {  	[tilespmem:s25], [sflag:$0x3] =	stream.indirect.gather [hbm4b:s5+s15], $0x20, s24, s15, $0xb8;
	[tilespmem:$0x18800] =	vst v63  }
0x28c: {  	_ = 	snop  }
0x28d: {  	[tilespmem:s28], [sflag:$0x3] =	stream.indirect.gather [hbm4b:s5+s15], $0x20, s26, s15, $0xb8;
	[tilespmem:$0x18800] =	vst v63  }
0x28e: {  	_ = 	snop  }
0x28f: {  	[tilespmem:s30], [sflag:$0x3] =	stream.indirect.gather [hbm4b:s5+s15], $0x20, s29, s15, $0xb8;
	[tilespmem:$0x18800] =	vst v63  }
0x290: {  	_ =	swait.ge [sflag:s17], $0x1000  }
0x291: {  	[sflag:s17] =	ssyncset.done $0x0  }
0x292: {  	[sflag:s17] =	ssyncadd.s32 $0xFFFFF000  }
0x293: {  	_ =	swait.ge [sflag:s17], $0x1000  }
0x294: {  	[sflag:s17] =	ssyncset.done $0x0  }
0x295: {  	[sflag:s17] =	ssyncadd.s32 $0xFFFFF000  }
0x296: {  	_ =	swait.ge [sflag:s17], $0x1000  }
0x297: {  	[sflag:s17] =	ssyncset.done $0x0  }
0x298: {  	[sflag:s17] =	ssyncadd.s32 $0xFFFFF000  }
0x299: {  	_ =	swait.ge [sflag:s17], $0x1000  }
0x29a: {  	[sflag:s17] =	ssyncset.done $0x0  }
0x29b: {  	[sflag:s17] =	ssyncadd.s32 $0xFFFFF000  }
0x29c: {  	_ =	swait.ge [sflag:s17], $0x1000  }
0x29d: {  	[sflag:s17] =	ssyncset.done $0x0  }
0x29e: {  	[sflag:s17] =	ssyncadd.s32 $0xFFFFF000  }
0x29f: {  	_ =	swait.ge [sflag:s17], $0x1000  }
0x2a0: {  	[sflag:s17] =	ssyncset.done $0x0  }
0x2a1: {  	[sflag:s17] =	ssyncadd.s32 $0xFFFFF000  }
0x2a2: {  	p0 =	seq.s32 s19, $0xB;
	_ =	swait.ge [sflag:s17], $0x1000  }
0x2a3: {  	s20 =	sadd.s32 @!p0 s9, s20;
	[sflag:s17] =	ssyncset.done $0x0  }
0x2a4: {  	s20 =	sshll.u32 @!p0 s20, $0x4;
	[sflag:s17] =	ssyncadd.s32 $0xFFFFF000  }
0x2a5: {  	s20 =	sand.u32 @!p0 $0x1FFFFF80, s20;
	_ =	swait.ge [sflag:s17], $0x1000  }
0x2a6: {  	s20 =	sadd.s32 @!p0 s4, s20;
	[sflag:s17] =	ssyncset.done $0x0  }
0x2a7: {  	s22 =	simm.s32 @!p0 $0x0;
	s23 =	simm.s32 @!p0 $0x400;
	[sflag:s17] =	ssyncadd.s32 $0xFFFFF000  }
0x2a8: {  	[tilespmem:s23], [sflag:$0x2] =	stream.linear.gather @!p0 [hbm4b:s20+s22], $0x400, $0x38;
	[tilespmem:$0x18800] =	vst v63  }
0x2a9: {  	_ =	swait.ge [sflag:s18], $0x8000  }
0x2aa: {  	[tilespmem:$0x1FA70] =	vst v3  }
0x2ab: {  	[sflag:s18] =	ssyncset.done $0x0;
	[tilespmem:$0x1FA80] =	vst v2  }
0x2ac: {  	s20 =	simm.s32 $0x0;
	[tilespmem:$0x1FA90] =	vst v62;
	[sflag:s18] =	ssyncadd.s32 $0xFFFF8000  }
.LBB2_5:
0x2ad: {  	v4 =	vadd.s32 s20, v0  }
0x2ae: {  	v5 =	vand.u32 $0x1F, v4  }
0x2af: {  	v6 =	vor.u32 v1, v5;
	_ =	sdelay $0x1  }
0x2b0: {  	v7 =	vshll.u32 v4, $0xA;
	v4 =	vshll.u32 v4, $0x7  }
0x2b1: {  	v7 =	vand.u32 $0x6000, v7;
	v4 =	vand.u32 $0x380, v4  }
0x2b2: {  	v4 =	vor.u32 v4, v7  }
0x2b3: {  	v7 =	vor.u32 v0, v4;
	v6 =	vld.idx.msk [tilespmem:v6+s1+$0x0], $0xffff  }
0x2b4: {  	v8 =	vor.u32 v20, v5;
	_ =	sdelay $0x3  }
0x2b5: {  	[tilespmem:v7+s12+$0x0] =	vst.idx.msk $0xffff, v6  }
0x2b6: {  	v63 =	vor.u32 v22, v4;
	v6 =	vld.idx.msk [tilespmem:v8+s1+$0x0], $0xffff  }
0x2b7: {  	v8 =	vor.u32 v23, v5;
	_ =	sdelay $0x3  }
0x2b8: {  	[tilespmem:v63+s12+$0x0] =	vst.idx.msk $0xffff, v6  }
0x2b9: {  	v62 =	vor.u32 v21, v4;
	v6 =	vld.idx.msk [tilespmem:v8+s1+$0x0], $0xffff  }
0x2ba: {  	v8 =	vor.u32 v9, v5;
	_ =	sdelay $0x3  }
0x2bb: {  	[tilespmem:v62+s12+$0x0] =	vst.idx.msk $0xffff, v6  }
0x2bc: {  	v63 =	vor.u32 v10, v4;
	v6 =	vld.idx.msk [tilespmem:v8+s1+$0x0], $0xffff  }
0x2bd: {  	v8 =	vor.u32 v11, v5;
	_ =	sdelay $0x3  }
0x2be: {  	[tilespmem:v63+s12+$0x0] =	vst.idx.msk $0xffff, v6  }
0x2bf: {  	v62 =	vor.u32 v12, v4;
	v6 =	vld.idx.msk [tilespmem:v8+s1+$0x0], $0xffff  }
0x2c0: {  	v8 =	vor.u32 v13, v5;
	_ =	sdelay $0x2  }
0x2c1: {  	s22 =	sadd.s32 $0x1, s20  }
0x2c2: {  	s23 =	sadd.s32 $0x2, s20;
	v10 =	vor.u32 v14, v4;
	v63 =	vadd.s32 s22, v0;
	[tilespmem:v62+s12+$0x0] =	vst.idx.msk $0xffff, v6  }
0x2c3: {  	v12 =	vor.u32 v15, v5;
	v15 =	vadd.s32 s23, v0;
	s23 =	sadd.s32 $0x3, s20;
	v7 =	vand.u32 $0x1F, v63;
	v11 =	vld.idx.msk [tilespmem:v8+s1+$0x0], $0xffff  }
0x2c4: {  	v16 =	vadd.s32 s23, v0;
	v13 =	vor.u32 v1, v7;
	v8 =	vshll.u32 v63, $0xA  }
0x2c5: {  	v6 =	vshll.u32 v63, $0x7;
	v14 =	vand.u32 $0x6000, v8;
	v8 =	vand.u32 $0x1F, v15  }
0x2c6: {  	v9 =	vand.u32 $0x1F, v16;
	v6 =	vand.u32 $0x380, v6;
	v17 =	vor.u32 v1, v8  }
0x2c7: {  	v18 =	vor.u32 v1, v9;
	v6 =	vor.u32 v6, v14  }
0x2c8: {  	v14 =	vshll.u32 v15, $0xA;
	v19 =	vor.u32 v0, v6;
	[tilespmem:v10+s12+$0x0] =	vst.idx.msk $0xffff, v11;
	v11 =	vshll.u32 v15, $0x7  }
0x2c9: {  	v21 =	vld [tilespmem:$0x1FF50];
	v10 =	vand.u32 $0x6000, v14;
	v14 =	vshll.u32 v16, $0xA;
	v11 =	vand.u32 $0x380, v11  }
0x2ca: {  	v13 =	vld.idx.msk [tilespmem:v13+s1+$0x0], $0xffff;
	v15 =	vshll.u32 v16, $0x7;
	v10 =	vor.u32 v11, v10;
	v11 =	vand.u32 $0x6000, v14  }
0x2cb: {  	v14 =	vand.u32 $0x380, v15;
	v15 =	vor.u32 v20, v7;
	v16 =	vld.idx.msk [tilespmem:v17+s1+$0x0], $0xffff;
	v17 =	vor.u32 v0, v10  }
0x2cc: {  	v11 =	vor.u32 v14, v11;
	v14 =	vor.u32 v20, v8;
	_ =	sdelay $0x1  }
0x2cd: {  	v18 =	vld.idx.msk [tilespmem:v18+s1+$0x0], $0xffff;
	v20 =	vor.u32 v0, v11  }
0x2ce: {  	v21 =	vor.u32 v21, v9;
	[tilespmem:v19+s12+$0x0] =	vst.idx.msk $0xffff, v13  }
0x2cf: {  	v13 =	vld.idx.msk [tilespmem:v15+s1+$0x0], $0xffff;
	v15 =	vor.u32 v22, v6;
	[tilespmem:v17+s12+$0x0] =	vst.idx.msk $0xffff, v16  }
0x2d0: {  	v17 =	vor.u32 v22, v10;
	v14 =	vld.idx.msk [tilespmem:v14+s1+$0x0], $0xffff  }
0x2d1: {  	v16 =	vor.u32 v23, v7  }
0x2d2: {  	[tilespmem:v20+s12+$0x0] =	vst.idx.msk $0xffff, v18  }
0x2d3: {  	v18 =	vor.u32 v23, v8;
	v19 =	vld.idx.msk [tilespmem:v21+s1+$0x0], $0xffff  }
0x2d4: {  	[tilespmem:v15+s12+$0x0] =	vst.idx.msk $0xffff, v13;
	v15 =	vld [tilespmem:$0x1FF80]  }
0x2d5: {  	v20 =	vor.u32 v22, v11;
	[tilespmem:v17+s12+$0x0] =	vst.idx.msk $0xffff, v14;
	v14 =	vld [tilespmem:$0x1FF90]  }
0x2d6: {  	v21 =	vor.u32 v23, v9;
	v13 =	vld.idx.msk [tilespmem:v16+s1+$0x0], $0xffff  }
0x2d7: {  	v17 =	vld [tilespmem:$0x1FF80]  }
0x2d8: {  	v16 =	vld.idx.msk [tilespmem:v18+s1+$0x0], $0xffff  }
0x2d9: {  	v18 =	vld [tilespmem:$0x1FF90];
	v15 =	vor.u32 v15, v6  }
0x2da: {  	[tilespmem:v20+s12+$0x0] =	vst.idx.msk $0xffff, v19;
	v20 =	vld [tilespmem:$0x1FF80];
	v14 =	vor.u32 v14, v7  }
0x2db: {  	v19 =	vld.idx.msk [tilespmem:v21+s1+$0x0], $0xffff  }
0x2dc: {  	v21 =	vld [tilespmem:$0x1FF90];
	v17 =	vor.u32 v17, v10;
	_ =	sdelay $0x1  }
0x2dd: {  	v18 =	vor.u32 v18, v8;
	[tilespmem:v15+s12+$0x0] =	vst.idx.msk $0xffff, v13  }
0x2de: {  	v13 =	vld.idx.msk [tilespmem:v14+s1+$0x0], $0xffff  }
0x2df: {  	v20 =	vor.u32 v20, v11;
	v14 =	vld [tilespmem:$0x1FFA0]  }
0x2e0: {  	v21 =	vor.u32 v21, v9;
	[tilespmem:v17+s12+$0x0] =	vst.idx.msk $0xffff, v16;
	v17 =	vld [tilespmem:$0x1FFA0]  }
0x2e1: {  	v15 =	vld [tilespmem:$0x1FFB0]  }
0x2e2: {  	v16 =	vld.idx.msk [tilespmem:v18+s1+$0x0], $0xffff  }
0x2e3: {  	v18 =	vld [tilespmem:$0x1FFB0]  }
0x2e4: {  	[tilespmem:v20+s12+$0x0] =	vst.idx.msk $0xffff, v19;
	v20 =	vld [tilespmem:$0x1FFA0];
	v14 =	vor.u32 v14, v6  }
0x2e5: {  	v19 =	vld.idx.msk [tilespmem:v21+s1+$0x0], $0xffff;
	v17 =	vor.u32 v17, v10  }
0x2e6: {  	v21 =	vld [tilespmem:$0x1FFB0];
	v15 =	vor.u32 v15, v7;
	_ =	sdelay $0x1  }
0x2e7: {  	v18 =	vor.u32 v18, v8  }
0x2e8: {  	[tilespmem:v14+s12+$0x0] =	vst.idx.msk $0xffff, v13;
	v14 =	vld [tilespmem:$0x1FFC0]  }
0x2e9: {  	v20 =	vor.u32 v20, v11;
	[tilespmem:v17+s12+$0x0] =	vst.idx.msk $0xffff, v16;
	v17 =	vld [tilespmem:$0x1FFC0]  }
0x2ea: {  	v21 =	vor.u32 v21, v9;
	v13 =	vld.idx.msk [tilespmem:v15+s1+$0x0], $0xffff  }
0x2eb: {  	v15 =	vld [tilespmem:$0x1FFD0]  }
0x2ec: {  	v16 =	vld.idx.msk [tilespmem:v18+s1+$0x0], $0xffff  }
0x2ed: {  	v18 =	vld [tilespmem:$0x1FFD0]  }
0x2ee: {  	[tilespmem:v20+s12+$0x0] =	vst.idx.msk $0xffff, v19;
	v20 =	vld [tilespmem:$0x1FFC0];
	v14 =	vor.u32 v14, v6  }
0x2ef: {  	v19 =	vld.idx.msk [tilespmem:v21+s1+$0x0], $0xffff;
	v17 =	vor.u32 v17, v10  }
0x2f0: {  	v21 =	vld [tilespmem:$0x1FFD0];
	v15 =	vor.u32 v15, v7;
	_ =	sdelay $0x1  }
0x2f1: {  	v18 =	vor.u32 v18, v8  }
0x2f2: {  	[tilespmem:v14+s12+$0x0] =	vst.idx.msk $0xffff, v13;
	v14 =	vld [tilespmem:$0x1FFE0]  }
0x2f3: {  	v20 =	vor.u32 v20, v11;
	[tilespmem:v17+s12+$0x0] =	vst.idx.msk $0xffff, v16;
	v17 =	vld [tilespmem:$0x1FFE0]  }
0x2f4: {  	v21 =	vor.u32 v21, v9;
	v13 =	vld.idx.msk [tilespmem:v15+s1+$0x0], $0xffff  }
0x2f5: {  	v15 =	vld [tilespmem:$0x1FFF0]  }
0x2f6: {  	v16 =	vld.idx.msk [tilespmem:v18+s1+$0x0], $0xffff  }
0x2f7: {  	v18 =	vld [tilespmem:$0x1FFF0]  }
0x2f8: {  	[tilespmem:v20+s12+$0x0] =	vst.idx.msk $0xffff, v19;
	v20 =	vld [tilespmem:$0x1FFE0]  }
0x2f9: {  	v19 =	vld.idx.msk [tilespmem:v21+s1+$0x0], $0xffff  }
0x2fa: {  	v21 =	vld [tilespmem:$0x1FFF0];
	_ =	sdelay $0x1  }
0x2fb: {  	v14 =	vor.u32 v14, v6  }
0x2fc: {  	v23 =	vld [tilespmem:$0x1FC20];
	v17 =	vor.u32 v17, v10;
	v15 =	vor.u32 v15, v7  }
0x2fd: {  	v63 =	vmov v24;
	v24 =	vld [tilespmem:$0x1FC30];
	v18 =	vor.u32 v18, v8;
	v20 =	vor.u32 v20, v11  }
0x2fe: {  	v21 =	vor.u32 v21, v9  }
0x2ff: {  	v3 =	vld [tilespmem:$0x1FC40]  }
0x300: {  	v12 =	vld.idx.msk [tilespmem:v12+s1+$0x0], $0xffff;
	[tilespmem:v14+s12+$0x0] =	vst.idx.msk $0xffff, v13  }
0x301: {  	v22 =	vor.u32 v23, v4;
	[tilespmem:v17+s12+$0x0] =	vst.idx.msk $0xffff, v16;
	v14 =	vld.idx.msk [tilespmem:v15+s1+$0x0], $0xffff  }
0x302: {  	v13 =	vor.u32 v24, v5;
	v15 =	vor.u32 v23, v6;
	v17 =	vld.idx.msk [tilespmem:v18+s1+$0x0], $0xffff;
	[tilespmem:v20+s12+$0x0] =	vst.idx.msk $0xffff, v19  }
0x303: {  	v16 =	vor.u32 v24, v7;
	v18 =	vor.u32 v23, v10;
	v20 =	vld.idx.msk [tilespmem:v21+s1+$0x0], $0xffff  }
0x304: {  	v19 =	vor.u32 v24, v8;
	v21 =	vor.u32 v23, v11;
	v23 =	vor.u32 v24, v9;
	v24 =	vld [tilespmem:$0x1FC50];
	_ =	sdelay $0x1  }
0x305: {  	[tilespmem:v22+s12+$0x0] =	vst.idx.msk $0xffff, v12  }
0x306: {  	v12 =	vld.idx.msk [tilespmem:v13+s1+$0x0], $0xffff;
	[tilespmem:v15+s12+$0x0] =	vst.idx.msk $0xffff, v14  }
0x307: {  	[tilespmem:v18+s12+$0x0] =	vst.idx.msk $0xffff, v17;
	v15 =	vld.idx.msk [tilespmem:v16+s1+$0x0], $0xffff  }
0x308: {  	v22 =	vor.u32 v3, v11;
	v13 =	vor.u32 v3, v4;
	v14 =	vor.u32 v24, v5;
	v18 =	vld.idx.msk [tilespmem:v19+s1+$0x0], $0xffff  }
0x309: {  	v16 =	vor.u32 v3, v6;
	v19 =	vor.u32 v3, v10;
	[tilespmem:v21+s12+$0x0] =	vst.idx.msk $0xffff, v20;
	v3 =	vld [tilespmem:$0x1FC60]  }
0x30a: {  	v17 =	vor.u32 v24, v7;
	v21 =	vld.idx.msk [tilespmem:v23+s1+$0x0], $0xffff  }
0x30b: {  	v20 =	vor.u32 v24, v8;
	v23 =	vor.u32 v24, v9;
	v24 =	vld [tilespmem:$0x1FC70];
	_ =	sdelay $0x1  }
0x30c: {  	[tilespmem:v13+s12+$0x0] =	vst.idx.msk $0xffff, v12  }
0x30d: {  	v12 =	vld.idx.msk [tilespmem:v14+s1+$0x0], $0xffff;
	[tilespmem:v16+s12+$0x0] =	vst.idx.msk $0xffff, v15  }
0x30e: {  	v13 =	vor.u32 v3, v4;
	[tilespmem:v19+s12+$0x0] =	vst.idx.msk $0xffff, v18;
	v15 =	vld.idx.msk [tilespmem:v17+s1+$0x0], $0xffff  }
0x30f: {  	v16 =	vor.u32 v3, v6;
	v19 =	vor.u32 v3, v10;
	v14 =	vor.u32 v24, v5;
	v18 =	vld.idx.msk [tilespmem:v20+s1+$0x0], $0xffff  }
0x310: {  	v17 =	vor.u32 v24, v7;
	[tilespmem:v22+s12+$0x0] =	vst.idx.msk $0xffff, v21;
	v22 =	vor.u32 v3, v11;
	v3 =	vld [tilespmem:$0x1FC80]  }
0x311: {  	v20 =	vor.u32 v24, v8;
	v21 =	vld.idx.msk [tilespmem:v23+s1+$0x0], $0xffff  }
0x312: {  	v23 =	vor.u32 v24, v9;
	v24 =	vld [tilespmem:$0x1FC90]  }
0x313: {  	[tilespmem:v13+s12+$0x0] =	vst.idx.msk $0xffff, v12  }
0x314: {  	v12 =	vld.idx.msk [tilespmem:v14+s1+$0x0], $0xffff;
	[tilespmem:v16+s12+$0x0] =	vst.idx.msk $0xffff, v15  }
0x315: {  	v62 =	vmov v61;
	v61 =	vmov v60;
	[tilespmem:v19+s12+$0x0] =	vst.idx.msk $0xffff, v18;
	v15 =	vld.idx.msk [tilespmem:v17+s1+$0x0], $0xffff  }
0x316: {  	v13 =	vor.u32 v3, v4;
	v16 =	vor.u32 v3, v6;
	v19 =	vor.u32 v3, v10;
	v18 =	vld.idx.msk [tilespmem:v20+s1+$0x0], $0xffff  }
0x317: {  	v60 =	vmov v59;
	v14 =	vor.u32 v24, v5;
	[tilespmem:v22+s12+$0x0] =	vst.idx.msk $0xffff, v21;
	v22 =	vor.u32 v3, v11;
	v3 =	vld [tilespmem:$0x1FCA0]  }
0x318: {  	v59 =	vmovc v58;
	v58 =	vmovc v57;
	v57 =	vmov v56;
	v56 =	vmov v55;
	v17 =	vor.u32 v24, v7;
	v21 =	vld.idx.msk [tilespmem:v23+s1+$0x0], $0xffff  }
0x319: {  	v55 =	vmovc v54;
	v54 =	vmovc v53;
	v53 =	vmov v52;
	v20 =	vor.u32 v24, v8;
	v23 =	vor.u32 v24, v9;
	v24 =	vld [tilespmem:$0x1FCB0]  }
0x31a: {  	v52 =	vmovc v51;
	v51 =	vmovc v50;
	v50 =	vmov v49;
	v49 =	vmov v48;
	v48 =	vmov v47  }
0x31b: {  	v25 =	vld [tilespmem:$0x1FC00];
	v47 =	vmovc v46;
	v46 =	vmovc v45;
	v45 =	vmov v44;
	v44 =	vmov v43;
	v43 =	vmov v42;
	[tilespmem:v13+s12+$0x0] =	vst.idx.msk $0xffff, v12  }
0x31c: {  	v42 =	vmovc v41;
	v41 =	vmov v40;
	v40 =	vmov v39;
	v39 =	vmov v38;
	v12 =	vld.idx.msk [tilespmem:v14+s1+$0x0], $0xffff;
	[tilespmem:v16+s12+$0x0] =	vst.idx.msk $0xffff, v15  }
0x31d: {  	v38 =	vmov v37;
	v37 =	vmov v36;
	v13 =	vor.u32 v3, v4;
	[tilespmem:v19+s12+$0x0] =	vst.idx.msk $0xffff, v18;
	v15 =	vld.idx.msk [tilespmem:v17+s1+$0x0], $0xffff  }
0x31e: {  	v16 =	vor.u32 v3, v6;
	v19 =	vor.u32 v3, v10;
	v14 =	vor.u32 v24, v5;
	v18 =	vld.idx.msk [tilespmem:v20+s1+$0x0], $0xffff  }
0x31f: {  	v36 =	vmov v35;
	v17 =	vor.u32 v24, v7;
	[tilespmem:v22+s12+$0x0] =	vst.idx.msk $0xffff, v21;
	v22 =	vor.u32 v3, v11;
	v3 =	vld [tilespmem:$0x1FCC0]  }
0x320: {  	v35 =	vmovc v34;
	v34 =	vmovc v33;
	v33 =	vmov v32;
	v32 =	vmov v31;
	v31 =	vmov v30;
	v21 =	vld.idx.msk [tilespmem:v23+s1+$0x0], $0xffff  }
0x321: {  	v30 =	vmovc v29;
	v29 =	vmovc v28;
	v28 =	vmov v27;
	v27 =	vmov v26;
	v26 =	vld [tilespmem:$0x1FC10];
	v20 =	vor.u32 v24, v8  }
0x322: {  	v23 =	vor.u32 v24, v9;
	v24 =	vld [tilespmem:$0x1FCD0];
	[tilespmem:v13+s12+$0x0] =	vst.idx.msk $0xffff, v12  }
0x323: {  	v12 =	vld.idx.msk [tilespmem:v14+s1+$0x0], $0xffff;
	[tilespmem:v16+s12+$0x0] =	vst.idx.msk $0xffff, v15  }
0x324: {  	v13 =	vor.u32 v3, v4;
	v16 =	vor.u32 v3, v6;
	v15 =	vld.idx.msk [tilespmem:v17+s1+$0x0], $0xffff;
	[tilespmem:v19+s12+$0x0] =	vst.idx.msk $0xffff, v18  }
0x325: {  	v19 =	vor.u32 v3, v10;
	[tilespmem:v22+s12+$0x0] =	vst.idx.msk $0xffff, v21;
	v22 =	vor.u32 v3, v11;
	v3 =	vld [tilespmem:$0x1FCE0]  }
0x326: {  	v18 =	vld.idx.msk [tilespmem:v20+s1+$0x0], $0xffff  }
0x327: {  	v14 =	vor.u32 v24, v5;
	v21 =	vld.idx.msk [tilespmem:v23+s1+$0x0], $0xffff  }
0x328: {  	v17 =	vor.u32 v24, v7;
	v20 =	vor.u32 v24, v8;
	v23 =	vor.u32 v24, v9;
	v24 =	vld [tilespmem:$0x1FCF0];
	_ =	sdelay $0x2  }
0x329: {  	[tilespmem:v13+s12+$0x0] =	vst.idx.msk $0xffff, v12  }
0x32a: {  	v12 =	vld.idx.msk [tilespmem:v14+s1+$0x0], $0xffff;
	v13 =	vor.u32 v3, v4;
	[tilespmem:v16+s12+$0x0] =	vst.idx.msk $0xffff, v15  }
0x32b: {  	v16 =	vor.u32 v3, v6;
	v14 =	vor.u32 v24, v5;
	v15 =	vld.idx.msk [tilespmem:v17+s1+$0x0], $0xffff;
	[tilespmem:v19+s12+$0x0] =	vst.idx.msk $0xffff, v18  }
0x32c: {  	v19 =	vor.u32 v3, v10;
	[tilespmem:v22+s12+$0x0] =	vst.idx.msk $0xffff, v21;
	v22 =	vor.u32 v3, v11;
	v3 =	vld [tilespmem:$0x1FD00]  }
0x32d: {  	v17 =	vor.u32 v24, v7;
	v18 =	vld.idx.msk [tilespmem:v20+s1+$0x0], $0xffff  }
0x32e: {  	v21 =	vld.idx.msk [tilespmem:v23+s1+$0x0], $0xffff  }
0x32f: {  	v20 =	vor.u32 v24, v8;
	v23 =	vor.u32 v24, v9;
	v24 =	vld [tilespmem:$0x1FD10]  }
0x330: {  	[tilespmem:v13+s12+$0x0] =	vst.idx.msk $0xffff, v12  }
0x331: {  	v12 =	vld.idx.msk [tilespmem:v14+s1+$0x0], $0xffff;
	[tilespmem:v16+s12+$0x0] =	vst.idx.msk $0xffff, v15  }
0x332: {  	v13 =	vor.u32 v3, v4;
	v16 =	vor.u32 v3, v6;
	v15 =	vld.idx.msk [tilespmem:v17+s1+$0x0], $0xffff;
	[tilespmem:v19+s12+$0x0] =	vst.idx.msk $0xffff, v18  }
0x333: {  	v19 =	vor.u32 v3, v10;
	[tilespmem:v22+s12+$0x0] =	vst.idx.msk $0xffff, v21;
	v22 =	vor.u32 v3, v11;
	v3 =	vld [tilespmem:$0x1FD20]  }
0x334: {  	v14 =	vor.u32 v24, v5;
	v18 =	vld.idx.msk [tilespmem:v20+s1+$0x0], $0xffff  }
0x335: {  	v17 =	vor.u32 v24, v7;
	v21 =	vld.idx.msk [tilespmem:v23+s1+$0x0], $0xffff  }
0x336: {  	v20 =	vor.u32 v24, v8;
	v23 =	vor.u32 v24, v9;
	v24 =	vld [tilespmem:$0x1FD30];
	_ =	sdelay $0x1  }
0x337: {  	[tilespmem:v13+s12+$0x0] =	vst.idx.msk $0xffff, v12  }
0x338: {  	v12 =	vld.idx.msk [tilespmem:v14+s1+$0x0], $0xffff;
	[tilespmem:v16+s12+$0x0] =	vst.idx.msk $0xffff, v15  }
0x339: {  	v13 =	vor.u32 v3, v4;
	v15 =	vld.idx.msk [tilespmem:v17+s1+$0x0], $0xffff;
	[tilespmem:v19+s12+$0x0] =	vst.idx.msk $0xffff, v18  }
0x33a: {  	v16 =	vor.u32 v3, v6;
	v14 =	vor.u32 v24, v5;
	[tilespmem:v22+s12+$0x0] =	vst.idx.msk $0xffff, v21;
	v18 =	vld.idx.msk [tilespmem:v20+s1+$0x0], $0xffff  }
0x33b: {  	v17 =	vor.u32 v24, v7;
	v19 =	vor.u32 v3, v10;
	v21 =	vld.idx.msk [tilespmem:v23+s1+$0x0], $0xffff  }
0x33c: {  	v22 =	vor.u32 v3, v11;
	v20 =	vor.u32 v24, v8;
	v23 =	vor.u32 v24, v9;
	v24 =	vld [tilespmem:$0x1FD40]  }
0x33d: {  	v2 =	vld [tilespmem:$0x1FD50]  }
0x33e: {  	[tilespmem:v13+s12+$0x0] =	vst.idx.msk $0xffff, v12  }
0x33f: {  	v12 =	vld.idx.msk [tilespmem:v14+s1+$0x0], $0xffff;
	[tilespmem:v16+s12+$0x0] =	vst.idx.msk $0xffff, v15  }
0x340: {  	v15 =	vld.idx.msk [tilespmem:v17+s1+$0x0], $0xffff;
	[tilespmem:v19+s12+$0x0] =	vst.idx.msk $0xffff, v18  }
0x341: {  	v13 =	vor.u32 v24, v4;
	[tilespmem:v22+s12+$0x0] =	vst.idx.msk $0xffff, v21;
	v18 =	vld.idx.msk [tilespmem:v20+s1+$0x0], $0xffff  }
0x342: {  	v14 =	vor.u32 v2, v5;
	v16 =	vor.u32 v24, v6;
	v17 =	vor.u32 v2, v7;
	v21 =	vld.idx.msk [tilespmem:v23+s1+$0x0], $0xffff  }
0x343: {  	v19 =	vor.u32 v24, v10;
	v20 =	vor.u32 v2, v8;
	v23 =	vor.u32 v2, v9;
	v2 =	vld [tilespmem:$0x1FD60]  }
0x344: {  	v22 =	vor.u32 v24, v11;
	_ =	sdelay $0x1  }
0x345: {  	v24 =	vld [tilespmem:$0x1FD70];
	[tilespmem:v13+s12+$0x0] =	vst.idx.msk $0xffff, v12  }
0x346: {  	[tilespmem:v16+s12+$0x0] =	vst.idx.msk $0xffff, v15;
	v12 =	vld.idx.msk [tilespmem:v14+s1+$0x0], $0xffff  }
0x347: {  	v13 =	vor.u32 v2, v4;
	v15 =	vld.idx.msk [tilespmem:v17+s1+$0x0], $0xffff;
	v16 =	vor.u32 v2, v6;
	[tilespmem:v19+s12+$0x0] =	vst.idx.msk $0xffff, v18  }
0x348: {  	v19 =	vor.u32 v2, v10;
	[tilespmem:v22+s12+$0x0] =	vst.idx.msk $0xffff, v21;
	v22 =	vor.u32 v2, v11;
	v2 =	vld [tilespmem:$0x1FD80]  }
0x349: {  	v18 =	vld.idx.msk [tilespmem:v20+s1+$0x0], $0xffff  }
0x34a: {  	v14 =	vor.u32 v24, v5;
	v21 =	vld.idx.msk [tilespmem:v23+s1+$0x0], $0xffff  }
0x34b: {  	v17 =	vor.u32 v24, v7;
	v20 =	vor.u32 v24, v8;
	v23 =	vor.u32 v24, v9;
	v24 =	vld [tilespmem:$0x1FD90];
	_ =	sdelay $0x2  }
0x34c: {  	[tilespmem:v13+s12+$0x0] =	vst.idx.msk $0xffff, v12  }
0x34d: {  	v13 =	vor.u32 v2, v4;
	[tilespmem:v16+s12+$0x0] =	vst.idx.msk $0xffff, v15;
	v12 =	vld.idx.msk [tilespmem:v14+s1+$0x0], $0xffff  }
0x34e: {  	v16 =	vor.u32 v2, v6;
	v14 =	vor.u32 v24, v5;
	v15 =	vld.idx.msk [tilespmem:v17+s1+$0x0], $0xffff;
	[tilespmem:v19+s12+$0x0] =	vst.idx.msk $0xffff, v18  }
0x34f: {  	v19 =	vor.u32 v2, v10;
	[tilespmem:v22+s12+$0x0] =	vst.idx.msk $0xffff, v21;
	v22 =	vor.u32 v2, v11;
	v2 =	vld [tilespmem:$0x1FDA0]  }
0x350: {  	v17 =	vor.u32 v24, v7;
	v18 =	vld.idx.msk [tilespmem:v20+s1+$0x0], $0xffff  }
0x351: {  	v21 =	vld.idx.msk [tilespmem:v23+s1+$0x0], $0xffff  }
0x352: {  	v20 =	vor.u32 v24, v8  }
0x353: {  	v23 =	vor.u32 v24, v9;
	v24 =	vld [tilespmem:$0x1FDB0];
	[tilespmem:v13+s12+$0x0] =	vst.idx.msk $0xffff, v12  }
0x354: {  	[tilespmem:v16+s12+$0x0] =	vst.idx.msk $0xffff, v15;
	v12 =	vld.idx.msk [tilespmem:v14+s1+$0x0], $0xffff  }
0x355: {  	v13 =	vor.u32 v2, v4;
	v16 =	vor.u32 v2, v6;
	v15 =	vld.idx.msk [tilespmem:v17+s1+$0x0], $0xffff;
	[tilespmem:v19+s12+$0x0] =	vst.idx.msk $0xffff, v18  }
0x356: {  	v19 =	vor.u32 v2, v10;
	[tilespmem:v22+s12+$0x0] =	vst.idx.msk $0xffff, v21;
	v22 =	vor.u32 v2, v11;
	v2 =	vld [tilespmem:$0x1FDC0]  }
0x357: {  	v18 =	vld.idx.msk [tilespmem:v20+s1+$0x0], $0xffff  }
0x358: {  	v14 =	vor.u32 v24, v5;
	v21 =	vld.idx.msk [tilespmem:v23+s1+$0x0], $0xffff  }
0x359: {  	v17 =	vor.u32 v24, v7;
	v20 =	vor.u32 v24, v8;
	v23 =	vor.u32 v24, v9;
	v24 =	vld [tilespmem:$0x1FDD0];
	_ =	sdelay $0x2  }
0x35a: {  	[tilespmem:v13+s12+$0x0] =	vst.idx.msk $0xffff, v12  }
0x35b: {  	v13 =	vor.u32 v2, v4;
	[tilespmem:v16+s12+$0x0] =	vst.idx.msk $0xffff, v15;
	v12 =	vld.idx.msk [tilespmem:v14+s1+$0x0], $0xffff  }
0x35c: {  	v16 =	vor.u32 v2, v6;
	v14 =	vor.u32 v24, v5;
	v15 =	vld.idx.msk [tilespmem:v17+s1+$0x0], $0xffff;
	[tilespmem:v19+s12+$0x0] =	vst.idx.msk $0xffff, v18  }
0x35d: {  	v19 =	vor.u32 v2, v10;
	[tilespmem:v22+s12+$0x0] =	vst.idx.msk $0xffff, v21;
	v22 =	vor.u32 v2, v11;
	v2 =	vld [tilespmem:$0x1FDE0]  }
0x35e: {  	v17 =	vor.u32 v24, v7;
	v18 =	vld.idx.msk [tilespmem:v20+s1+$0x0], $0xffff  }
0x35f: {  	v21 =	vld.idx.msk [tilespmem:v23+s1+$0x0], $0xffff  }
0x360: {  	v20 =	vor.u32 v24, v8  }
0x361: {  	v23 =	vor.u32 v24, v9;
	v24 =	vld [tilespmem:$0x1FDF0];
	[tilespmem:v13+s12+$0x0] =	vst.idx.msk $0xffff, v12  }
0x362: {  	[tilespmem:v16+s12+$0x0] =	vst.idx.msk $0xffff, v15;
	v12 =	vld.idx.msk [tilespmem:v14+s1+$0x0], $0xffff  }
0x363: {  	v13 =	vor.u32 v2, v4;
	v16 =	vor.u32 v2, v6;
	v15 =	vld.idx.msk [tilespmem:v17+s1+$0x0], $0xffff;
	[tilespmem:v19+s12+$0x0] =	vst.idx.msk $0xffff, v18  }
0x364: {  	v19 =	vor.u32 v2, v10;
	[tilespmem:v22+s12+$0x0] =	vst.idx.msk $0xffff, v21;
	v22 =	vor.u32 v2, v11;
	v2 =	vld [tilespmem:$0x1FE00]  }
0x365: {  	v18 =	vld.idx.msk [tilespmem:v20+s1+$0x0], $0xffff  }
0x366: {  	v14 =	vor.u32 v24, v5;
	v21 =	vld.idx.msk [tilespmem:v23+s1+$0x0], $0xffff  }
0x367: {  	v17 =	vor.u32 v24, v7;
	v20 =	vor.u32 v24, v8;
	v23 =	vor.u32 v24, v9;
	v24 =	vld [tilespmem:$0x1FE10];
	_ =	sdelay $0x2  }
0x368: {  	[tilespmem:v13+s12+$0x0] =	vst.idx.msk $0xffff, v12  }
0x369: {  	v13 =	vor.u32 v2, v4;
	[tilespmem:v16+s12+$0x0] =	vst.idx.msk $0xffff, v15;
	v12 =	vld.idx.msk [tilespmem:v14+s1+$0x0], $0xffff  }
0x36a: {  	v16 =	vor.u32 v2, v6;
	v14 =	vor.u32 v24, v5;
	v15 =	vld.idx.msk [tilespmem:v17+s1+$0x0], $0xffff;
	[tilespmem:v19+s12+$0x0] =	vst.idx.msk $0xffff, v18  }
0x36b: {  	v19 =	vor.u32 v2, v10;
	[tilespmem:v22+s12+$0x0] =	vst.idx.msk $0xffff, v21;
	v22 =	vor.u32 v2, v11;
	v2 =	vld [tilespmem:$0x1FE20]  }
0x36c: {  	v17 =	vor.u32 v24, v7;
	v18 =	vld.idx.msk [tilespmem:v20+s1+$0x0], $0xffff  }
0x36d: {  	v21 =	vld.idx.msk [tilespmem:v23+s1+$0x0], $0xffff  }
0x36e: {  	v20 =	vor.u32 v24, v8  }
0x36f: {  	v23 =	vor.u32 v24, v9;
	v24 =	vld [tilespmem:$0x1FE30];
	[tilespmem:v13+s12+$0x0] =	vst.idx.msk $0xffff, v12  }
0x370: {  	[tilespmem:v16+s12+$0x0] =	vst.idx.msk $0xffff, v15;
	v12 =	vld.idx.msk [tilespmem:v14+s1+$0x0], $0xffff  }
0x371: {  	v13 =	vor.u32 v2, v4;
	v16 =	vor.u32 v2, v6;
	v15 =	vld.idx.msk [tilespmem:v17+s1+$0x0], $0xffff;
	[tilespmem:v19+s12+$0x0] =	vst.idx.msk $0xffff, v18  }
0x372: {  	v19 =	vor.u32 v2, v10;
	[tilespmem:v22+s12+$0x0] =	vst.idx.msk $0xffff, v21;
	v22 =	vor.u32 v2, v11;
	v2 =	vld [tilespmem:$0x1FE40]  }
0x373: {  	v18 =	vld.idx.msk [tilespmem:v20+s1+$0x0], $0xffff  }
0x374: {  	v14 =	vor.u32 v24, v5;
	v21 =	vld.idx.msk [tilespmem:v23+s1+$0x0], $0xffff  }
0x375: {  	v17 =	vor.u32 v24, v7;
	v20 =	vor.u32 v24, v8;
	v23 =	vor.u32 v24, v9;
	v24 =	vld [tilespmem:$0x1FE50];
	_ =	sdelay $0x2  }
0x376: {  	[tilespmem:v13+s12+$0x0] =	vst.idx.msk $0xffff, v12  }
0x377: {  	v13 =	vor.u32 v2, v4;
	[tilespmem:v16+s12+$0x0] =	vst.idx.msk $0xffff, v15;
	v12 =	vld.idx.msk [tilespmem:v14+s1+$0x0], $0xffff  }
0x378: {  	v16 =	vor.u32 v2, v6;
	v14 =	vor.u32 v24, v5;
	v15 =	vld.idx.msk [tilespmem:v17+s1+$0x0], $0xffff;
	[tilespmem:v19+s12+$0x0] =	vst.idx.msk $0xffff, v18  }
0x379: {  	v19 =	vor.u32 v2, v10;
	[tilespmem:v22+s12+$0x0] =	vst.idx.msk $0xffff, v21;
	v22 =	vor.u32 v2, v11;
	v2 =	vld [tilespmem:$0x1FE60]  }
0x37a: {  	v17 =	vor.u32 v24, v7;
	v18 =	vld.idx.msk [tilespmem:v20+s1+$0x0], $0xffff  }
0x37b: {  	v21 =	vld.idx.msk [tilespmem:v23+s1+$0x0], $0xffff  }
0x37c: {  	v20 =	vor.u32 v24, v8  }
0x37d: {  	v23 =	vor.u32 v24, v9;
	v24 =	vld [tilespmem:$0x1FE70];
	[tilespmem:v13+s12+$0x0] =	vst.idx.msk $0xffff, v12  }
0x37e: {  	[tilespmem:v16+s12+$0x0] =	vst.idx.msk $0xffff, v15;
	v12 =	vld.idx.msk [tilespmem:v14+s1+$0x0], $0xffff  }
0x37f: {  	v13 =	vor.u32 v2, v4;
	v16 =	vor.u32 v2, v6;
	v15 =	vld.idx.msk [tilespmem:v17+s1+$0x0], $0xffff;
	[tilespmem:v19+s12+$0x0] =	vst.idx.msk $0xffff, v18  }
0x380: {  	v19 =	vor.u32 v2, v10;
	[tilespmem:v22+s12+$0x0] =	vst.idx.msk $0xffff, v21;
	v22 =	vor.u32 v2, v11;
	v2 =	vld [tilespmem:$0x1FE80]  }
0x381: {  	v18 =	vld.idx.msk [tilespmem:v20+s1+$0x0], $0xffff  }
0x382: {  	v14 =	vor.u32 v24, v5;
	v21 =	vld.idx.msk [tilespmem:v23+s1+$0x0], $0xffff  }
0x383: {  	v17 =	vor.u32 v24, v7;
	v20 =	vor.u32 v24, v8;
	v23 =	vor.u32 v24, v9;
	v24 =	vld [tilespmem:$0x1FE90];
	_ =	sdelay $0x2  }
0x384: {  	[tilespmem:v13+s12+$0x0] =	vst.idx.msk $0xffff, v12  }
0x385: {  	v13 =	vor.u32 v2, v4;
	[tilespmem:v16+s12+$0x0] =	vst.idx.msk $0xffff, v15;
	v12 =	vld.idx.msk [tilespmem:v14+s1+$0x0], $0xffff  }
0x386: {  	v16 =	vor.u32 v2, v6;
	v14 =	vor.u32 v24, v5;
	v15 =	vld.idx.msk [tilespmem:v17+s1+$0x0], $0xffff;
	[tilespmem:v19+s12+$0x0] =	vst.idx.msk $0xffff, v18  }
0x387: {  	v19 =	vor.u32 v2, v10;
	[tilespmem:v22+s12+$0x0] =	vst.idx.msk $0xffff, v21;
	v22 =	vor.u32 v2, v11;
	v2 =	vld [tilespmem:$0x1FEA0]  }
0x388: {  	v17 =	vor.u32 v24, v7;
	v18 =	vld.idx.msk [tilespmem:v20+s1+$0x0], $0xffff  }
0x389: {  	v21 =	vld.idx.msk [tilespmem:v23+s1+$0x0], $0xffff  }
0x38a: {  	v20 =	vor.u32 v24, v8  }
0x38b: {  	v23 =	vor.u32 v24, v9;
	v24 =	vld [tilespmem:$0x1FEB0];
	[tilespmem:v13+s12+$0x0] =	vst.idx.msk $0xffff, v12  }
0x38c: {  	[tilespmem:v16+s12+$0x0] =	vst.idx.msk $0xffff, v15;
	v12 =	vld.idx.msk [tilespmem:v14+s1+$0x0], $0xffff  }
0x38d: {  	v13 =	vor.u32 v2, v4;
	v16 =	vor.u32 v2, v6;
	v15 =	vld.idx.msk [tilespmem:v17+s1+$0x0], $0xffff;
	[tilespmem:v19+s12+$0x0] =	vst.idx.msk $0xffff, v18  }
0x38e: {  	v19 =	vor.u32 v2, v10;
	[tilespmem:v22+s12+$0x0] =	vst.idx.msk $0xffff, v21;
	v22 =	vor.u32 v2, v11;
	v2 =	vld [tilespmem:$0x1FEC0]  }
0x38f: {  	v18 =	vld.idx.msk [tilespmem:v20+s1+$0x0], $0xffff  }
0x390: {  	v14 =	vor.u32 v24, v5;
	v21 =	vld.idx.msk [tilespmem:v23+s1+$0x0], $0xffff  }
0x391: {  	v17 =	vor.u32 v24, v7;
	v20 =	vor.u32 v24, v8;
	v23 =	vor.u32 v24, v9;
	v24 =	vld [tilespmem:$0x1FED0];
	_ =	sdelay $0x2  }
0x392: {  	[tilespmem:v13+s12+$0x0] =	vst.idx.msk $0xffff, v12  }
0x393: {  	v13 =	vor.u32 v2, v4;
	[tilespmem:v16+s12+$0x0] =	vst.idx.msk $0xffff, v15;
	v12 =	vld.idx.msk [tilespmem:v14+s1+$0x0], $0xffff  }
0x394: {  	v16 =	vor.u32 v2, v6;
	v14 =	vor.u32 v24, v5;
	v15 =	vld.idx.msk [tilespmem:v17+s1+$0x0], $0xffff;
	[tilespmem:v19+s12+$0x0] =	vst.idx.msk $0xffff, v18  }
0x395: {  	v19 =	vor.u32 v2, v10;
	[tilespmem:v22+s12+$0x0] =	vst.idx.msk $0xffff, v21;
	v22 =	vor.u32 v2, v11;
	v2 =	vld [tilespmem:$0x1FEE0]  }
0x396: {  	v17 =	vor.u32 v24, v7;
	v18 =	vld.idx.msk [tilespmem:v20+s1+$0x0], $0xffff  }
0x397: {  	v21 =	vld.idx.msk [tilespmem:v23+s1+$0x0], $0xffff  }
0x398: {  	v20 =	vor.u32 v24, v8  }
0x399: {  	v23 =	vor.u32 v24, v9;
	v24 =	vld [tilespmem:$0x1FEF0];
	[tilespmem:v13+s12+$0x0] =	vst.idx.msk $0xffff, v12  }
0x39a: {  	[tilespmem:v16+s12+$0x0] =	vst.idx.msk $0xffff, v15;
	v12 =	vld.idx.msk [tilespmem:v14+s1+$0x0], $0xffff  }
0x39b: {  	v13 =	vor.u32 v2, v4;
	v16 =	vor.u32 v2, v6;
	v15 =	vld.idx.msk [tilespmem:v17+s1+$0x0], $0xffff;
	[tilespmem:v19+s12+$0x0] =	vst.idx.msk $0xffff, v18  }
0x39c: {  	v19 =	vor.u32 v2, v10;
	[tilespmem:v22+s12+$0x0] =	vst.idx.msk $0xffff, v21;
	v22 =	vor.u32 v2, v11;
	v2 =	vld [tilespmem:$0x1FF00]  }
0x39d: {  	v18 =	vld.idx.msk [tilespmem:v20+s1+$0x0], $0xffff  }
0x39e: {  	v14 =	vor.u32 v24, v5;
	v21 =	vld.idx.msk [tilespmem:v23+s1+$0x0], $0xffff  }
0x39f: {  	v17 =	vor.u32 v24, v7;
	v20 =	vor.u32 v24, v8;
	v23 =	vor.u32 v24, v9;
	v24 =	vld [tilespmem:$0x1FF10];
	_ =	sdelay $0x2  }
0x3a0: {  	[tilespmem:v13+s12+$0x0] =	vst.idx.msk $0xffff, v12  }
0x3a1: {  	v13 =	vor.u32 v2, v4;
	[tilespmem:v16+s12+$0x0] =	vst.idx.msk $0xffff, v15;
	v12 =	vld.idx.msk [tilespmem:v14+s1+$0x0], $0xffff  }
0x3a2: {  	v16 =	vor.u32 v2, v6;
	v14 =	vor.u32 v24, v5;
	v15 =	vld.idx.msk [tilespmem:v17+s1+$0x0], $0xffff;
	[tilespmem:v19+s12+$0x0] =	vst.idx.msk $0xffff, v18  }
0x3a3: {  	v19 =	vor.u32 v2, v10;
	[tilespmem:v22+s12+$0x0] =	vst.idx.msk $0xffff, v21;
	v22 =	vor.u32 v2, v11;
	v2 =	vld [tilespmem:$0x1FF20]  }
0x3a4: {  	v17 =	vor.u32 v24, v7;
	v18 =	vld.idx.msk [tilespmem:v20+s1+$0x0], $0xffff  }
0x3a5: {  	v21 =	vld.idx.msk [tilespmem:v23+s1+$0x0], $0xffff  }
0x3a6: {  	v20 =	vor.u32 v24, v8  }
0x3a7: {  	v23 =	vor.u32 v24, v9;
	v24 =	vld [tilespmem:$0x1FF30];
	[tilespmem:v13+s12+$0x0] =	vst.idx.msk $0xffff, v12  }
0x3a8: {  	[tilespmem:v16+s12+$0x0] =	vst.idx.msk $0xffff, v15;
	v12 =	vld.idx.msk [tilespmem:v14+s1+$0x0], $0xffff  }
0x3a9: {  	v13 =	vor.u32 v2, v4;
	v16 =	vor.u32 v2, v6;
	v15 =	vld.idx.msk [tilespmem:v17+s1+$0x0], $0xffff;
	[tilespmem:v19+s12+$0x0] =	vst.idx.msk $0xffff, v18  }
0x3aa: {  	v19 =	vor.u32 v2, v10;
	[tilespmem:v22+s12+$0x0] =	vst.idx.msk $0xffff, v21;
	v22 =	vor.u32 v2, v11;
	v2 =	vld [tilespmem:$0x1FF40]  }
0x3ab: {  	v18 =	vld.idx.msk [tilespmem:v20+s1+$0x0], $0xffff  }
0x3ac: {  	v14 =	vor.u32 v24, v5;
	v21 =	vld.idx.msk [tilespmem:v23+s1+$0x0], $0xffff  }
0x3ad: {  	v17 =	vor.u32 v24, v7;
	v20 =	vor.u32 v24, v8;
	v23 =	vor.u32 v24, v9;
	v24 =	vld [tilespmem:$0x1FAA0];
	_ =	sdelay $0x2  }
0x3ae: {  	[tilespmem:v13+s12+$0x0] =	vst.idx.msk $0xffff, v12  }
0x3af: {  	v13 =	vor.u32 v2, v4;
	[tilespmem:v16+s12+$0x0] =	vst.idx.msk $0xffff, v15;
	v12 =	vld.idx.msk [tilespmem:v14+s1+$0x0], $0xffff  }
0x3b0: {  	v16 =	vor.u32 v2, v6;
	v14 =	vor.u32 v24, v5;
	v15 =	vld.idx.msk [tilespmem:v17+s1+$0x0], $0xffff;
	[tilespmem:v19+s12+$0x0] =	vst.idx.msk $0xffff, v18  }
0x3b1: {  	v19 =	vor.u32 v2, v10;
	[tilespmem:v22+s12+$0x0] =	vst.idx.msk $0xffff, v21;
	v22 =	vor.u32 v2, v11;
	v2 =	vld [tilespmem:$0x1FAB0]  }
0x3b2: {  	v17 =	vor.u32 v24, v7;
	v18 =	vld.idx.msk [tilespmem:v20+s1+$0x0], $0xffff  }
0x3b3: {  	v21 =	vld.idx.msk [tilespmem:v23+s1+$0x0], $0xffff  }
0x3b4: {  	v20 =	vor.u32 v24, v8  }
0x3b5: {  	v23 =	vor.u32 v24, v9;
	v24 =	vld [tilespmem:$0x1FAC0];
	[tilespmem:v13+s12+$0x0] =	vst.idx.msk $0xffff, v12  }
0x3b6: {  	[tilespmem:v16+s12+$0x0] =	vst.idx.msk $0xffff, v15;
	v12 =	vld.idx.msk [tilespmem:v14+s1+$0x0], $0xffff  }
0x3b7: {  	v13 =	vor.u32 v2, v4;
	v16 =	vor.u32 v2, v6;
	v15 =	vld.idx.msk [tilespmem:v17+s1+$0x0], $0xffff;
	[tilespmem:v19+s12+$0x0] =	vst.idx.msk $0xffff, v18  }
0x3b8: {  	v19 =	vor.u32 v2, v10;
	[tilespmem:v22+s12+$0x0] =	vst.idx.msk $0xffff, v21;
	v22 =	vor.u32 v2, v11;
	v2 =	vld [tilespmem:$0x1FAD0]  }
0x3b9: {  	v18 =	vld.idx.msk [tilespmem:v20+s1+$0x0], $0xffff  }
0x3ba: {  	v14 =	vor.u32 v24, v5;
	v21 =	vld.idx.msk [tilespmem:v23+s1+$0x0], $0xffff  }
0x3bb: {  	v17 =	vor.u32 v24, v7;
	v20 =	vor.u32 v24, v8;
	v23 =	vor.u32 v24, v9;
	v24 =	vld [tilespmem:$0x1FAE0];
	_ =	sdelay $0x2  }
0x3bc: {  	[tilespmem:v13+s12+$0x0] =	vst.idx.msk $0xffff, v12  }
0x3bd: {  	v13 =	vor.u32 v2, v4;
	[tilespmem:v16+s12+$0x0] =	vst.idx.msk $0xffff, v15;
	v12 =	vld.idx.msk [tilespmem:v14+s1+$0x0], $0xffff  }
0x3be: {  	v16 =	vor.u32 v2, v6;
	v14 =	vor.u32 v24, v5;
	v15 =	vld.idx.msk [tilespmem:v17+s1+$0x0], $0xffff;
	[tilespmem:v19+s12+$0x0] =	vst.idx.msk $0xffff, v18  }
0x3bf: {  	v19 =	vor.u32 v2, v10;
	[tilespmem:v22+s12+$0x0] =	vst.idx.msk $0xffff, v21;
	v22 =	vor.u32 v2, v11;
	v2 =	vld [tilespmem:$0x1FAF0]  }
0x3c0: {  	v17 =	vor.u32 v24, v7;
	v18 =	vld.idx.msk [tilespmem:v20+s1+$0x0], $0xffff  }
0x3c1: {  	v21 =	vld.idx.msk [tilespmem:v23+s1+$0x0], $0xffff  }
0x3c2: {  	v20 =	vor.u32 v24, v8  }
0x3c3: {  	v23 =	vor.u32 v24, v9;
	v24 =	vld [tilespmem:$0x1FB00];
	[tilespmem:v13+s12+$0x0] =	vst.idx.msk $0xffff, v12  }
0x3c4: {  	[tilespmem:v16+s12+$0x0] =	vst.idx.msk $0xffff, v15;
	v12 =	vld.idx.msk [tilespmem:v14+s1+$0x0], $0xffff  }
0x3c5: {  	v13 =	vor.u32 v2, v4;
	v16 =	vor.u32 v2, v6;
	v15 =	vld.idx.msk [tilespmem:v17+s1+$0x0], $0xffff;
	[tilespmem:v19+s12+$0x0] =	vst.idx.msk $0xffff, v18  }
0x3c6: {  	v19 =	vor.u32 v2, v10;
	[tilespmem:v22+s12+$0x0] =	vst.idx.msk $0xffff, v21;
	v22 =	vor.u32 v2, v11;
	v2 =	vld [tilespmem:$0x1FB10]  }
0x3c7: {  	v18 =	vld.idx.msk [tilespmem:v20+s1+$0x0], $0xffff  }
0x3c8: {  	v14 =	vor.u32 v24, v5;
	v21 =	vld.idx.msk [tilespmem:v23+s1+$0x0], $0xffff  }
0x3c9: {  	v17 =	vor.u32 v24, v7;
	v20 =	vor.u32 v24, v8;
	v23 =	vor.u32 v24, v9;
	v24 =	vld [tilespmem:$0x1FB20];
	_ =	sdelay $0x2  }
0x3ca: {  	[tilespmem:v13+s12+$0x0] =	vst.idx.msk $0xffff, v12  }
0x3cb: {  	v13 =	vor.u32 v2, v4;
	[tilespmem:v16+s12+$0x0] =	vst.idx.msk $0xffff, v15;
	v12 =	vld.idx.msk [tilespmem:v14+s1+$0x0], $0xffff  }
0x3cc: {  	v16 =	vor.u32 v2, v6;
	v14 =	vor.u32 v24, v5;
	v15 =	vld.idx.msk [tilespmem:v17+s1+$0x0], $0xffff;
	[tilespmem:v19+s12+$0x0] =	vst.idx.msk $0xffff, v18  }
0x3cd: {  	v19 =	vor.u32 v2, v10;
	[tilespmem:v22+s12+$0x0] =	vst.idx.msk $0xffff, v21;
	v22 =	vor.u32 v2, v11;
	v2 =	vld [tilespmem:$0x1FB30]  }
0x3ce: {  	v17 =	vor.u32 v24, v7;
	v18 =	vld.idx.msk [tilespmem:v20+s1+$0x0], $0xffff  }
0x3cf: {  	v21 =	vld.idx.msk [tilespmem:v23+s1+$0x0], $0xffff  }
0x3d0: {  	v20 =	vor.u32 v24, v8  }
0x3d1: {  	v23 =	vor.u32 v24, v9;
	v24 =	vld [tilespmem:$0x1FB40];
	[tilespmem:v13+s12+$0x0] =	vst.idx.msk $0xffff, v12  }
0x3d2: {  	[tilespmem:v16+s12+$0x0] =	vst.idx.msk $0xffff, v15;
	v12 =	vld.idx.msk [tilespmem:v14+s1+$0x0], $0xffff  }
0x3d3: {  	v13 =	vor.u32 v2, v4;
	v16 =	vor.u32 v2, v6;
	v15 =	vld.idx.msk [tilespmem:v17+s1+$0x0], $0xffff;
	[tilespmem:v19+s12+$0x0] =	vst.idx.msk $0xffff, v18  }
0x3d4: {  	v19 =	vor.u32 v2, v10;
	[tilespmem:v22+s12+$0x0] =	vst.idx.msk $0xffff, v21;
	v22 =	vor.u32 v2, v11;
	v2 =	vld [tilespmem:$0x1FB50]  }
0x3d5: {  	v18 =	vld.idx.msk [tilespmem:v20+s1+$0x0], $0xffff  }
0x3d6: {  	v14 =	vor.u32 v24, v5;
	v21 =	vld.idx.msk [tilespmem:v23+s1+$0x0], $0xffff  }
0x3d7: {  	v17 =	vor.u32 v24, v7;
	v20 =	vor.u32 v24, v8;
	v23 =	vor.u32 v24, v9;
	v24 =	vld [tilespmem:$0x1FB60];
	_ =	sdelay $0x2  }
0x3d8: {  	[tilespmem:v13+s12+$0x0] =	vst.idx.msk $0xffff, v12  }
0x3d9: {  	v13 =	vor.u32 v2, v4;
	[tilespmem:v16+s12+$0x0] =	vst.idx.msk $0xffff, v15;
	v12 =	vld.idx.msk [tilespmem:v14+s1+$0x0], $0xffff  }
0x3da: {  	v16 =	vor.u32 v2, v6;
	v14 =	vor.u32 v24, v5;
	v15 =	vld.idx.msk [tilespmem:v17+s1+$0x0], $0xffff;
	[tilespmem:v19+s12+$0x0] =	vst.idx.msk $0xffff, v18  }
0x3db: {  	v19 =	vor.u32 v2, v10;
	[tilespmem:v22+s12+$0x0] =	vst.idx.msk $0xffff, v21;
	v22 =	vor.u32 v2, v11;
	v2 =	vld [tilespmem:$0x1FB70]  }
0x3dc: {  	v17 =	vor.u32 v24, v7;
	v18 =	vld.idx.msk [tilespmem:v20+s1+$0x0], $0xffff  }
0x3dd: {  	v21 =	vld.idx.msk [tilespmem:v23+s1+$0x0], $0xffff  }
0x3de: {  	v20 =	vor.u32 v24, v8  }
0x3df: {  	v23 =	vor.u32 v24, v9;
	v24 =	vld [tilespmem:$0x1FB80];
	[tilespmem:v13+s12+$0x0] =	vst.idx.msk $0xffff, v12  }
0x3e0: {  	[tilespmem:v16+s12+$0x0] =	vst.idx.msk $0xffff, v15;
	v12 =	vld.idx.msk [tilespmem:v14+s1+$0x0], $0xffff  }
0x3e1: {  	v13 =	vor.u32 v2, v4;
	v16 =	vor.u32 v2, v6;
	v15 =	vld.idx.msk [tilespmem:v17+s1+$0x0], $0xffff;
	[tilespmem:v19+s12+$0x0] =	vst.idx.msk $0xffff, v18  }
0x3e2: {  	v19 =	vor.u32 v2, v10;
	[tilespmem:v22+s12+$0x0] =	vst.idx.msk $0xffff, v21;
	v22 =	vor.u32 v2, v11;
	v2 =	vld [tilespmem:$0x1FB90]  }
0x3e3: {  	v18 =	vld.idx.msk [tilespmem:v20+s1+$0x0], $0xffff  }
0x3e4: {  	v14 =	vor.u32 v24, v5;
	v21 =	vld.idx.msk [tilespmem:v23+s1+$0x0], $0xffff  }
0x3e5: {  	v17 =	vor.u32 v24, v7;
	v20 =	vor.u32 v24, v8;
	v23 =	vor.u32 v24, v9;
	v24 =	vld [tilespmem:$0x1FBA0];
	_ =	sdelay $0x2  }
0x3e6: {  	[tilespmem:v13+s12+$0x0] =	vst.idx.msk $0xffff, v12  }
0x3e7: {  	v13 =	vor.u32 v2, v4;
	[tilespmem:v16+s12+$0x0] =	vst.idx.msk $0xffff, v15;
	v12 =	vld.idx.msk [tilespmem:v14+s1+$0x0], $0xffff  }
0x3e8: {  	v16 =	vor.u32 v2, v6;
	v14 =	vor.u32 v24, v5;
	v15 =	vld.idx.msk [tilespmem:v17+s1+$0x0], $0xffff;
	[tilespmem:v19+s12+$0x0] =	vst.idx.msk $0xffff, v18  }
0x3e9: {  	v19 =	vor.u32 v2, v10;
	[tilespmem:v22+s12+$0x0] =	vst.idx.msk $0xffff, v21;
	v22 =	vor.u32 v2, v11;
	v2 =	vld [tilespmem:$0x1FBB0]  }
0x3ea: {  	v17 =	vor.u32 v24, v7;
	v18 =	vld.idx.msk [tilespmem:v20+s1+$0x0], $0xffff  }
0x3eb: {  	v21 =	vld.idx.msk [tilespmem:v23+s1+$0x0], $0xffff  }
0x3ec: {  	v20 =	vor.u32 v24, v8  }
0x3ed: {  	v23 =	vor.u32 v24, v9;
	v24 =	vld [tilespmem:$0x1FBC0];
	[tilespmem:v13+s12+$0x0] =	vst.idx.msk $0xffff, v12  }
0x3ee: {  	[tilespmem:v16+s12+$0x0] =	vst.idx.msk $0xffff, v15;
	v12 =	vld.idx.msk [tilespmem:v14+s1+$0x0], $0xffff  }
0x3ef: {  	v13 =	vor.u32 v2, v4;
	v16 =	vor.u32 v2, v6;
	v15 =	vld.idx.msk [tilespmem:v17+s1+$0x0], $0xffff;
	[tilespmem:v19+s12+$0x0] =	vst.idx.msk $0xffff, v18  }
0x3f0: {  	v19 =	vor.u32 v2, v10;
	[tilespmem:v22+s12+$0x0] =	vst.idx.msk $0xffff, v21;
	v22 =	vor.u32 v2, v11;
	v2 =	vld [tilespmem:$0x1FBD0]  }
0x3f1: {  	v18 =	vld.idx.msk [tilespmem:v20+s1+$0x0], $0xffff  }
0x3f2: {  	v14 =	vor.u32 v24, v5;
	v21 =	vld.idx.msk [tilespmem:v23+s1+$0x0], $0xffff  }
0x3f3: {  	v17 =	vor.u32 v24, v7;
	v20 =	vor.u32 v24, v8;
	v23 =	vor.u32 v24, v9;
	v24 =	vld [tilespmem:$0x1FBE0];
	_ =	sdelay $0x2  }
0x3f4: {  	[tilespmem:v13+s12+$0x0] =	vst.idx.msk $0xffff, v12  }
0x3f5: {  	v13 =	vor.u32 v2, v4;
	[tilespmem:v16+s12+$0x0] =	vst.idx.msk $0xffff, v15;
	v12 =	vld.idx.msk [tilespmem:v14+s1+$0x0], $0xffff  }
0x3f6: {  	v16 =	vor.u32 v2, v6;
	v14 =	vor.u32 v24, v5;
	v15 =	vld.idx.msk [tilespmem:v17+s1+$0x0], $0xffff;
	[tilespmem:v19+s12+$0x0] =	vst.idx.msk $0xffff, v18  }
0x3f7: {  	v19 =	vor.u32 v2, v10;
	[tilespmem:v22+s12+$0x0] =	vst.idx.msk $0xffff, v21;
	v22 =	vor.u32 v2, v11;
	v2 =	vld [tilespmem:$0x1FBF0]  }
0x3f8: {  	v17 =	vor.u32 v24, v7  }
0x3f9: {  	v21 =	vld.idx.msk [tilespmem:v23+s1+$0x0], $0xffff  }
0x3fa: {  	v18 =	vld.idx.msk [tilespmem:v20+s1+$0x0], $0xffff;
	v23 =	vor.u32 v24, v9  }
0x3fb: {  	v20 =	vor.u32 v24, v8;
	[tilespmem:v13+s12+$0x0] =	vst.idx.msk $0xffff, v12  }
0x3fc: {  	v13 =	vor.u32 v2, v4;
	[tilespmem:v16+s12+$0x0] =	vst.idx.msk $0xffff, v15;
	v12 =	vld.idx.msk [tilespmem:v14+s1+$0x0], $0xffff  }
0x3fd: {  	v16 =	vor.u32 v2, v6;
	v14 =	vor.u32 v25, v5;
	v15 =	vld.idx.msk [tilespmem:v17+s1+$0x0], $0xffff  }
0x3fe: {  	v17 =	vor.u32 v25, v7;
	[tilespmem:v22+s12+$0x0] =	vst.idx.msk $0xffff, v21  }
0x3ff: {  	[tilespmem:v19+s12+$0x0] =	vst.idx.msk $0xffff, v18;
	v22 =	vor.u32 v2, v11;
	v21 =	vld.idx.msk [tilespmem:v23+s1+$0x0], $0xffff  }
0x400: {  	v19 =	vor.u32 v2, v10;
	v18 =	vld.idx.msk [tilespmem:v20+s1+$0x0], $0xffff;
	v23 =	vor.u32 v25, v9  }
0x401: {  	v20 =	vor.u32 v25, v8;
	[tilespmem:v13+s12+$0x0] =	vst.idx.msk $0xffff, v12  }
0x402: {  	v13 =	vor.u32 v26, v4;
	[tilespmem:v16+s12+$0x0] =	vst.idx.msk $0xffff, v15;
	v12 =	vld.idx.msk [tilespmem:v14+s1+$0x0], $0xffff  }
0x403: {  	v16 =	vor.u32 v26, v6;
	v14 =	vor.u32 v27, v5;
	v15 =	vld.idx.msk [tilespmem:v17+s1+$0x0], $0xffff  }
0x404: {  	v17 =	vor.u32 v27, v7;
	[tilespmem:v22+s12+$0x0] =	vst.idx.msk $0xffff, v21  }
0x405: {  	[tilespmem:v19+s12+$0x0] =	vst.idx.msk $0xffff, v18;
	v22 =	vor.u32 v26, v11;
	v21 =	vld.idx.msk [tilespmem:v23+s1+$0x0], $0xffff  }
0x406: {  	v19 =	vor.u32 v26, v10;
	v18 =	vld.idx.msk [tilespmem:v20+s1+$0x0], $0xffff;
	v23 =	vor.u32 v27, v9  }
0x407: {  	v20 =	vor.u32 v27, v8;
	[tilespmem:v13+s12+$0x0] =	vst.idx.msk $0xffff, v12  }
0x408: {  	v13 =	vor.u32 v28, v4;
	[tilespmem:v16+s12+$0x0] =	vst.idx.msk $0xffff, v15;
	v12 =	vld.idx.msk [tilespmem:v14+s1+$0x0], $0xffff  }
0x409: {  	v16 =	vor.u32 v28, v6;
	v14 =	vor.u32 v29, v5;
	v15 =	vld.idx.msk [tilespmem:v17+s1+$0x0], $0xffff  }
0x40a: {  	v17 =	vor.u32 v29, v7;
	[tilespmem:v22+s12+$0x0] =	vst.idx.msk $0xffff, v21  }
0x40b: {  	[tilespmem:v19+s12+$0x0] =	vst.idx.msk $0xffff, v18;
	v22 =	vor.u32 v28, v11;
	v21 =	vld.idx.msk [tilespmem:v23+s1+$0x0], $0xffff  }
0x40c: {  	v19 =	vor.u32 v28, v10;
	v18 =	vld.idx.msk [tilespmem:v20+s1+$0x0], $0xffff;
	v23 =	vor.u32 v29, v9  }
0x40d: {  	v20 =	vor.u32 v29, v8;
	[tilespmem:v13+s12+$0x0] =	vst.idx.msk $0xffff, v12  }
0x40e: {  	v13 =	vor.u32 v30, v4;
	[tilespmem:v16+s12+$0x0] =	vst.idx.msk $0xffff, v15;
	v12 =	vld.idx.msk [tilespmem:v14+s1+$0x0], $0xffff  }
0x40f: {  	v16 =	vor.u32 v30, v6;
	v14 =	vor.u32 v31, v5;
	v15 =	vld.idx.msk [tilespmem:v17+s1+$0x0], $0xffff  }
0x410: {  	v17 =	vor.u32 v31, v7;
	[tilespmem:v22+s12+$0x0] =	vst.idx.msk $0xffff, v21  }
0x411: {  	[tilespmem:v19+s12+$0x0] =	vst.idx.msk $0xffff, v18;
	v22 =	vor.u32 v30, v11;
	v21 =	vld.idx.msk [tilespmem:v23+s1+$0x0], $0xffff  }
0x412: {  	v19 =	vor.u32 v30, v10;
	v18 =	vld.idx.msk [tilespmem:v20+s1+$0x0], $0xffff;
	v23 =	vor.u32 v31, v9  }
0x413: {  	v20 =	vor.u32 v31, v8;
	[tilespmem:v13+s12+$0x0] =	vst.idx.msk $0xffff, v12  }
0x414: {  	v13 =	vor.u32 v32, v4;
	[tilespmem:v16+s12+$0x0] =	vst.idx.msk $0xffff, v15;
	v12 =	vld.idx.msk [tilespmem:v14+s1+$0x0], $0xffff  }
0x415: {  	v16 =	vor.u32 v32, v6;
	v14 =	vor.u32 v33, v5;
	v15 =	vld.idx.msk [tilespmem:v17+s1+$0x0], $0xffff  }
0x416: {  	v17 =	vor.u32 v33, v7;
	[tilespmem:v22+s12+$0x0] =	vst.idx.msk $0xffff, v21  }
0x417: {  	[tilespmem:v19+s12+$0x0] =	vst.idx.msk $0xffff, v18;
	v22 =	vor.u32 v32, v11;
	v21 =	vld.idx.msk [tilespmem:v23+s1+$0x0], $0xffff  }
0x418: {  	v19 =	vor.u32 v32, v10;
	v18 =	vld.idx.msk [tilespmem:v20+s1+$0x0], $0xffff;
	v23 =	vor.u32 v33, v9  }
0x419: {  	v20 =	vor.u32 v33, v8;
	[tilespmem:v13+s12+$0x0] =	vst.idx.msk $0xffff, v12  }
0x41a: {  	v13 =	vor.u32 v34, v4;
	[tilespmem:v16+s12+$0x0] =	vst.idx.msk $0xffff, v15;
	v12 =	vld.idx.msk [tilespmem:v14+s1+$0x0], $0xffff  }
0x41b: {  	v16 =	vor.u32 v34, v6;
	v14 =	vor.u32 v35, v5;
	v15 =	vld.idx.msk [tilespmem:v17+s1+$0x0], $0xffff  }
0x41c: {  	v17 =	vor.u32 v35, v7;
	[tilespmem:v22+s12+$0x0] =	vst.idx.msk $0xffff, v21  }
0x41d: {  	[tilespmem:v19+s12+$0x0] =	vst.idx.msk $0xffff, v18;
	v22 =	vor.u32 v34, v11;
	v21 =	vld.idx.msk [tilespmem:v23+s1+$0x0], $0xffff  }
0x41e: {  	v19 =	vor.u32 v34, v10;
	v18 =	vld.idx.msk [tilespmem:v20+s1+$0x0], $0xffff;
	v23 =	vor.u32 v35, v9  }
0x41f: {  	v20 =	vor.u32 v35, v8;
	[tilespmem:v13+s12+$0x0] =	vst.idx.msk $0xffff, v12  }
0x420: {  	v13 =	vor.u32 v36, v4;
	[tilespmem:v16+s12+$0x0] =	vst.idx.msk $0xffff, v15;
	v12 =	vld.idx.msk [tilespmem:v14+s1+$0x0], $0xffff  }
0x421: {  	v16 =	vor.u32 v36, v6;
	v14 =	vor.u32 v37, v5;
	v15 =	vld.idx.msk [tilespmem:v17+s1+$0x0], $0xffff  }
0x422: {  	v17 =	vor.u32 v37, v7;
	[tilespmem:v22+s12+$0x0] =	vst.idx.msk $0xffff, v21  }
0x423: {  	[tilespmem:v19+s12+$0x0] =	vst.idx.msk $0xffff, v18;
	v22 =	vor.u32 v36, v11;
	v21 =	vld.idx.msk [tilespmem:v23+s1+$0x0], $0xffff  }
0x424: {  	v19 =	vor.u32 v36, v10;
	v18 =	vld.idx.msk [tilespmem:v20+s1+$0x0], $0xffff;
	v23 =	vor.u32 v37, v9  }
0x425: {  	v20 =	vor.u32 v37, v8;
	[tilespmem:v13+s12+$0x0] =	vst.idx.msk $0xffff, v12  }
0x426: {  	v13 =	vor.u32 v38, v4;
	[tilespmem:v16+s12+$0x0] =	vst.idx.msk $0xffff, v15;
	v12 =	vld.idx.msk [tilespmem:v14+s1+$0x0], $0xffff  }
0x427: {  	v16 =	vor.u32 v38, v6;
	v14 =	vor.u32 v39, v5;
	v15 =	vld.idx.msk [tilespmem:v17+s1+$0x0], $0xffff  }
0x428: {  	v17 =	vor.u32 v39, v7;
	[tilespmem:v22+s12+$0x0] =	vst.idx.msk $0xffff, v21  }
0x429: {  	[tilespmem:v19+s12+$0x0] =	vst.idx.msk $0xffff, v18;
	v22 =	vor.u32 v38, v11;
	v21 =	vld.idx.msk [tilespmem:v23+s1+$0x0], $0xffff  }
0x42a: {  	v19 =	vor.u32 v38, v10;
	v18 =	vld.idx.msk [tilespmem:v20+s1+$0x0], $0xffff;
	v23 =	vor.u32 v39, v9  }
0x42b: {  	v20 =	vor.u32 v39, v8;
	[tilespmem:v13+s12+$0x0] =	vst.idx.msk $0xffff, v12  }
0x42c: {  	v13 =	vor.u32 v40, v4;
	[tilespmem:v16+s12+$0x0] =	vst.idx.msk $0xffff, v15;
	v12 =	vld.idx.msk [tilespmem:v14+s1+$0x0], $0xffff  }
0x42d: {  	v16 =	vor.u32 v40, v6;
	v14 =	vor.u32 v41, v5;
	v15 =	vld.idx.msk [tilespmem:v17+s1+$0x0], $0xffff  }
0x42e: {  	v17 =	vor.u32 v41, v7;
	[tilespmem:v22+s12+$0x0] =	vst.idx.msk $0xffff, v21  }
0x42f: {  	[tilespmem:v19+s12+$0x0] =	vst.idx.msk $0xffff, v18;
	v22 =	vor.u32 v40, v11;
	v21 =	vld.idx.msk [tilespmem:v23+s1+$0x0], $0xffff  }
0x430: {  	v19 =	vor.u32 v40, v10;
	v18 =	vld.idx.msk [tilespmem:v20+s1+$0x0], $0xffff;
	v23 =	vor.u32 v41, v9  }
0x431: {  	v20 =	vor.u32 v41, v8;
	[tilespmem:v13+s12+$0x0] =	vst.idx.msk $0xffff, v12  }
0x432: {  	v13 =	vor.u32 v42, v4;
	[tilespmem:v16+s12+$0x0] =	vst.idx.msk $0xffff, v15;
	v12 =	vld.idx.msk [tilespmem:v14+s1+$0x0], $0xffff  }
0x433: {  	v16 =	vor.u32 v42, v6;
	v14 =	vor.u32 v43, v5;
	v15 =	vld.idx.msk [tilespmem:v17+s1+$0x0], $0xffff  }
0x434: {  	v17 =	vor.u32 v43, v7;
	[tilespmem:v22+s12+$0x0] =	vst.idx.msk $0xffff, v21  }
0x435: {  	[tilespmem:v19+s12+$0x0] =	vst.idx.msk $0xffff, v18;
	v22 =	vor.u32 v42, v11;
	v21 =	vld.idx.msk [tilespmem:v23+s1+$0x0], $0xffff  }
0x436: {  	v19 =	vor.u32 v42, v10;
	v18 =	vld.idx.msk [tilespmem:v20+s1+$0x0], $0xffff;
	v23 =	vor.u32 v43, v9  }
0x437: {  	v20 =	vor.u32 v43, v8;
	[tilespmem:v13+s12+$0x0] =	vst.idx.msk $0xffff, v12  }
0x438: {  	v13 =	vor.u32 v44, v4;
	[tilespmem:v16+s12+$0x0] =	vst.idx.msk $0xffff, v15;
	v12 =	vld.idx.msk [tilespmem:v14+s1+$0x0], $0xffff  }
0x439: {  	v16 =	vor.u32 v44, v6;
	v14 =	vor.u32 v45, v5;
	v15 =	vld.idx.msk [tilespmem:v17+s1+$0x0], $0xffff  }
0x43a: {  	v17 =	vor.u32 v45, v7;
	[tilespmem:v22+s12+$0x0] =	vst.idx.msk $0xffff, v21  }
0x43b: {  	[tilespmem:v19+s12+$0x0] =	vst.idx.msk $0xffff, v18;
	v22 =	vor.u32 v44, v11;
	v21 =	vld.idx.msk [tilespmem:v23+s1+$0x0], $0xffff  }
0x43c: {  	v19 =	vor.u32 v44, v10;
	v18 =	vld.idx.msk [tilespmem:v20+s1+$0x0], $0xffff;
	v23 =	vor.u32 v45, v9  }
0x43d: {  	v20 =	vor.u32 v45, v8;
	[tilespmem:v13+s12+$0x0] =	vst.idx.msk $0xffff, v12  }
0x43e: {  	v13 =	vor.u32 v46, v4;
	[tilespmem:v16+s12+$0x0] =	vst.idx.msk $0xffff, v15;
	v12 =	vld.idx.msk [tilespmem:v14+s1+$0x0], $0xffff  }
0x43f: {  	v16 =	vor.u32 v46, v6;
	v14 =	vor.u32 v47, v5;
	v15 =	vld.idx.msk [tilespmem:v17+s1+$0x0], $0xffff  }
0x440: {  	v17 =	vor.u32 v47, v7;
	[tilespmem:v22+s12+$0x0] =	vst.idx.msk $0xffff, v21  }
0x441: {  	[tilespmem:v19+s12+$0x0] =	vst.idx.msk $0xffff, v18;
	v22 =	vor.u32 v46, v11;
	v21 =	vld.idx.msk [tilespmem:v23+s1+$0x0], $0xffff  }
0x442: {  	v19 =	vor.u32 v46, v10;
	v18 =	vld.idx.msk [tilespmem:v20+s1+$0x0], $0xffff;
	v23 =	vor.u32 v47, v9  }
0x443: {  	v20 =	vor.u32 v47, v8;
	[tilespmem:v13+s12+$0x0] =	vst.idx.msk $0xffff, v12  }
0x444: {  	v13 =	vor.u32 v48, v4;
	[tilespmem:v16+s12+$0x0] =	vst.idx.msk $0xffff, v15;
	v12 =	vld.idx.msk [tilespmem:v14+s1+$0x0], $0xffff  }
0x445: {  	v16 =	vor.u32 v48, v6;
	v14 =	vor.u32 v49, v5;
	v15 =	vld.idx.msk [tilespmem:v17+s1+$0x0], $0xffff  }
0x446: {  	v17 =	vor.u32 v49, v7;
	[tilespmem:v22+s12+$0x0] =	vst.idx.msk $0xffff, v21  }
0x447: {  	[tilespmem:v19+s12+$0x0] =	vst.idx.msk $0xffff, v18;
	v22 =	vor.u32 v48, v11;
	v21 =	vld.idx.msk [tilespmem:v23+s1+$0x0], $0xffff  }
0x448: {  	v19 =	vor.u32 v48, v10;
	v18 =	vld.idx.msk [tilespmem:v20+s1+$0x0], $0xffff;
	v23 =	vor.u32 v49, v9  }
0x449: {  	v20 =	vor.u32 v49, v8;
	[tilespmem:v13+s12+$0x0] =	vst.idx.msk $0xffff, v12  }
0x44a: {  	v13 =	vor.u32 v50, v4;
	[tilespmem:v16+s12+$0x0] =	vst.idx.msk $0xffff, v15;
	v12 =	vld.idx.msk [tilespmem:v14+s1+$0x0], $0xffff  }
0x44b: {  	v16 =	vor.u32 v50, v6;
	v14 =	vor.u32 v51, v5;
	v15 =	vld.idx.msk [tilespmem:v17+s1+$0x0], $0xffff  }
0x44c: {  	v17 =	vor.u32 v51, v7;
	[tilespmem:v22+s12+$0x0] =	vst.idx.msk $0xffff, v21  }
0x44d: {  	[tilespmem:v19+s12+$0x0] =	vst.idx.msk $0xffff, v18;
	v22 =	vor.u32 v50, v11;
	v21 =	vld.idx.msk [tilespmem:v23+s1+$0x0], $0xffff  }
0x44e: {  	v19 =	vor.u32 v50, v10;
	v18 =	vld.idx.msk [tilespmem:v20+s1+$0x0], $0xffff;
	v23 =	vor.u32 v51, v9  }
0x44f: {  	v20 =	vor.u32 v51, v8;
	[tilespmem:v13+s12+$0x0] =	vst.idx.msk $0xffff, v12  }
0x450: {  	v13 =	vor.u32 v52, v4;
	[tilespmem:v16+s12+$0x0] =	vst.idx.msk $0xffff, v15;
	v12 =	vld.idx.msk [tilespmem:v14+s1+$0x0], $0xffff  }
0x451: {  	v16 =	vor.u32 v52, v6;
	v14 =	vor.u32 v53, v5;
	v15 =	vld.idx.msk [tilespmem:v17+s1+$0x0], $0xffff  }
0x452: {  	v17 =	vor.u32 v53, v7;
	[tilespmem:v22+s12+$0x0] =	vst.idx.msk $0xffff, v21  }
0x453: {  	[tilespmem:v19+s12+$0x0] =	vst.idx.msk $0xffff, v18;
	v22 =	vor.u32 v52, v11;
	v21 =	vld.idx.msk [tilespmem:v23+s1+$0x0], $0xffff  }
0x454: {  	v19 =	vor.u32 v52, v10;
	v18 =	vld.idx.msk [tilespmem:v20+s1+$0x0], $0xffff;
	v23 =	vor.u32 v53, v9  }
0x455: {  	v20 =	vor.u32 v53, v8;
	[tilespmem:v13+s12+$0x0] =	vst.idx.msk $0xffff, v12  }
0x456: {  	v13 =	vor.u32 v54, v4;
	[tilespmem:v16+s12+$0x0] =	vst.idx.msk $0xffff, v15;
	v12 =	vld.idx.msk [tilespmem:v14+s1+$0x0], $0xffff  }
0x457: {  	v16 =	vor.u32 v54, v6;
	v14 =	vor.u32 v55, v5;
	v15 =	vld.idx.msk [tilespmem:v17+s1+$0x0], $0xffff  }
0x458: {  	v17 =	vor.u32 v55, v7;
	[tilespmem:v22+s12+$0x0] =	vst.idx.msk $0xffff, v21  }
0x459: {  	[tilespmem:v19+s12+$0x0] =	vst.idx.msk $0xffff, v18;
	v22 =	vor.u32 v54, v11;
	v21 =	vld.idx.msk [tilespmem:v23+s1+$0x0], $0xffff  }
0x45a: {  	v19 =	vor.u32 v54, v10;
	v18 =	vld.idx.msk [tilespmem:v20+s1+$0x0], $0xffff;
	v23 =	vor.u32 v55, v9  }
0x45b: {  	v20 =	vor.u32 v55, v8;
	[tilespmem:v13+s12+$0x0] =	vst.idx.msk $0xffff, v12  }
0x45c: {  	v13 =	vor.u32 v56, v4;
	[tilespmem:v16+s12+$0x0] =	vst.idx.msk $0xffff, v15;
	v12 =	vld.idx.msk [tilespmem:v14+s1+$0x0], $0xffff  }
0x45d: {  	v16 =	vor.u32 v56, v6;
	v14 =	vor.u32 v57, v5;
	v15 =	vld.idx.msk [tilespmem:v17+s1+$0x0], $0xffff  }
0x45e: {  	v17 =	vor.u32 v57, v7;
	[tilespmem:v22+s12+$0x0] =	vst.idx.msk $0xffff, v21  }
0x45f: {  	[tilespmem:v19+s12+$0x0] =	vst.idx.msk $0xffff, v18;
	v22 =	vor.u32 v56, v11;
	v21 =	vld.idx.msk [tilespmem:v23+s1+$0x0], $0xffff  }
0x460: {  	v19 =	vor.u32 v56, v10;
	v18 =	vld.idx.msk [tilespmem:v20+s1+$0x0], $0xffff;
	v23 =	vor.u32 v57, v9  }
0x461: {  	v20 =	vor.u32 v57, v8;
	[tilespmem:v13+s12+$0x0] =	vst.idx.msk $0xffff, v12  }
0x462: {  	v13 =	vor.u32 v58, v4;
	[tilespmem:v16+s12+$0x0] =	vst.idx.msk $0xffff, v15;
	v12 =	vld.idx.msk [tilespmem:v14+s1+$0x0], $0xffff  }
0x463: {  	v16 =	vor.u32 v58, v6;
	v14 =	vor.u32 v59, v5;
	v15 =	vld.idx.msk [tilespmem:v17+s1+$0x0], $0xffff  }
0x464: {  	v17 =	vor.u32 v59, v7;
	[tilespmem:v22+s12+$0x0] =	vst.idx.msk $0xffff, v21  }
0x465: {  	v26 =	vmov v27;
	[tilespmem:v19+s12+$0x0] =	vst.idx.msk $0xffff, v18;
	v22 =	vor.u32 v58, v11;
	v21 =	vld.idx.msk [tilespmem:v23+s1+$0x0], $0xffff  }
0x466: {  	v27 =	vmovc v28;
	v28 =	vmov v29;
	v19 =	vor.u32 v58, v10;
	v18 =	vld.idx.msk [tilespmem:v20+s1+$0x0], $0xffff;
	v23 =	vor.u32 v59, v9  }
0x467: {  	v29 =	vmovc v30;
	v30 =	vmov v31;
	v31 =	vmov v32;
	v20 =	vor.u32 v59, v8;
	[tilespmem:v13+s12+$0x0] =	vst.idx.msk $0xffff, v12  }
0x468: {  	v32 =	vmov v33;
	v33 =	vmov v34;
	v13 =	vor.u32 v60, v4;
	[tilespmem:v16+s12+$0x0] =	vst.idx.msk $0xffff, v15;
	v12 =	vld.idx.msk [tilespmem:v14+s1+$0x0], $0xffff  }
0x469: {  	v34 =	vmovc v35;
	v35 =	vmov v36;
	v16 =	vor.u32 v60, v6;
	v14 =	vor.u32 v61, v5;
	v15 =	vld.idx.msk [tilespmem:v17+s1+$0x0], $0xffff  }
0x46a: {  	v36 =	vmovc v37;
	v37 =	vmov v38;
	v38 =	vmov v39;
	v17 =	vor.u32 v61, v7;
	[tilespmem:v22+s12+$0x0] =	vst.idx.msk $0xffff, v21  }
0x46b: {  	v39 =	vmov v40;
	v40 =	vmov v41;
	[tilespmem:v19+s12+$0x0] =	vst.idx.msk $0xffff, v18;
	v22 =	vor.u32 v60, v11;
	v21 =	vld.idx.msk [tilespmem:v23+s1+$0x0], $0xffff  }
0x46c: {  	v41 =	vmovc v42;
	v42 =	vmov v43;
	v19 =	vor.u32 v60, v10;
	v18 =	vld.idx.msk [tilespmem:v20+s1+$0x0], $0xffff;
	v23 =	vor.u32 v61, v9  }
0x46d: {  	v3 =	vld [tilespmem:$0x1FA70];
	v43 =	vmovc v44;
	v44 =	vmov v45;
	v45 =	vmov v46;
	v20 =	vor.u32 v61, v8;
	[tilespmem:v13+s12+$0x0] =	vst.idx.msk $0xffff, v12  }
0x46e: {  	v46 =	vmov v47;
	v47 =	vmov v48;
	v13 =	vor.u32 v62, v4;
	[tilespmem:v16+s12+$0x0] =	vst.idx.msk $0xffff, v15;
	v12 =	vld.idx.msk [tilespmem:v14+s1+$0x0], $0xffff  }
0x46f: {  	v48 =	vmovc v49;
	v49 =	vmov v50;
	v16 =	vor.u32 v62, v6;
	v14 =	vor.u32 v63, v5;
	v15 =	vld.idx.msk [tilespmem:v17+s1+$0x0], $0xffff  }
0x470: {  	v2 =	vld [tilespmem:$0x1FA90];
	v50 =	vmovc v51;
	v51 =	vmov v52;
	v52 =	vmov v53;
	v17 =	vor.u32 v63, v7;
	[tilespmem:v22+s12+$0x0] =	vst.idx.msk $0xffff, v21  }
0x471: {  	v53 =	vmov v54;
	v54 =	vmov v55;
	[tilespmem:v19+s12+$0x0] =	vst.idx.msk $0xffff, v18;
	v22 =	vor.u32 v62, v11;
	v21 =	vld.idx.msk [tilespmem:v23+s1+$0x0], $0xffff  }
0x472: {  	v55 =	vmovc v56;
	v56 =	vmovc v57;
	v57 =	vmov v58;
	v58 =	vmov v59;
	v19 =	vor.u32 v62, v10;
	v18 =	vld.idx.msk [tilespmem:v20+s1+$0x0], $0xffff  }
0x473: {  	v59 =	vmovc v60;
	v60 =	vmov v61;
	v61 =	vmov v62;
	v62 =	vld [tilespmem:$0x1FA80];
	v20 =	vor.u32 v63, v8;
	[tilespmem:v13+s12+$0x0] =	vst.idx.msk $0xffff, v12  }
0x474: {  	[tilespmem:v16+s12+$0x0] =	vst.idx.msk $0xffff, v15;
	v12 =	vld.idx.msk [tilespmem:v14+s1+$0x0], $0xffff  }
0x475: {  	v23 =	vor.u32 v63, v9;
	v14 =	vld.idx.msk [tilespmem:v17+s1+$0x0], $0xffff  }
0x476: {  	[tilespmem:v22+s12+$0x0] =	vst.idx.msk $0xffff, v21;
	v21 =	vld [tilespmem:$0x1FF80]  }
0x477: {  	v13 =	vor.u32 v2, v4;
	[tilespmem:v19+s12+$0x0] =	vst.idx.msk $0xffff, v18;
	v22 =	vld [tilespmem:$0x1FF60]  }
0x478: {  	v16 =	vld.idx.msk [tilespmem:v20+s1+$0x0], $0xffff  }
0x479: {  	v5 =	vor.u32 v62, v5;
	v17 =	vor.u32 v2, v10;
	v20 =	vld [tilespmem:$0x1FF50]  }
0x47a: {  	v8 =	vor.u32 v62, v8;
	v19 =	vor.u32 v2, v11;
	v18 =	vld.idx.msk [tilespmem:v23+s1+$0x0], $0xffff  }
0x47b: {  	v15 =	vor.u32 v2, v6;
	v9 =	vor.u32 v62, v9;
	v23 =	vld [tilespmem:$0x1FF70]  }
0x47c: {  	v7 =	vor.u32 v62, v7;
	[tilespmem:v13+s12+$0x0] =	vst.idx.msk $0xffff, v12;
	v13 =	vld [tilespmem:$0x1FFD0]  }
0x47d: {  	v12 =	vld [tilespmem:$0x1FFC0]  }
0x47e: {  	v4 =	vor.u32 v3, v4;
	v5 =	vld.idx.msk [tilespmem:v5+s1+$0x0], $0xffff;
	[tilespmem:v17+s12+$0x0] =	vst.idx.msk $0xffff, v16  }
0x47f: {  	v10 =	vor.u32 v3, v10;
	[tilespmem:v19+s12+$0x0] =	vst.idx.msk $0xffff, v18;
	v8 =	vld.idx.msk [tilespmem:v8+s1+$0x0], $0xffff  }
0x480: {  	v11 =	vor.u32 v3, v11;
	[tilespmem:v15+s12+$0x0] =	vst.idx.msk $0xffff, v14;
	v9 =	vld.idx.msk [tilespmem:v9+s1+$0x0], $0xffff  }
0x481: {  	p0 =	slt.u32 s20, $0x1C;
	v6 =	vor.u32 v3, v6;
	v7 =	vld.idx.msk [tilespmem:v7+s1+$0x0], $0xffff  }
.Ltmp1:
0x482: {  	v15 =	vld [tilespmem:$0x1FFF0];
	(pc) =	sbr.rel @p0 .LBB2_5-.Ltmp1, $4  }
0x483: {  	v14 =	vld [tilespmem:$0x1FFE0];
	[tilespmem:v4+s12+$0x0] =	vst.idx.msk $0xffff, v5  }
0x484: {  	[tilespmem:v10+s12+$0x0] =	vst.idx.msk $0xffff, v8;
	v10 =	vld [tilespmem:$0x1FFA0]  }
0x485: {  	[tilespmem:v11+s12+$0x0] =	vst.idx.msk $0xffff, v9;
	v11 =	vld [tilespmem:$0x1FFB0]  }
0x486: {  	s20 =	sadd.s32 $0x4, s20;
	v24 =	vmov v63;
	[tilespmem:v6+s12+$0x0] =	vst.idx.msk $0xffff, v7;
	v9 =	vld [tilespmem:$0x1FF90]  }
0x487: {  	s19 =	sadd.s32 $0x1, s19  }
0x488: {  	p0 =	sne.s32 s19, $0xC  }
.Ltmp2:
0x489: {  	_ = 	snop;
	(pc) =	sbr.rel @p0 .LBB2_2-.Ltmp2, $4  }
0x48a: {  	s20 =	sor.u32 s13, s21  }
0x48b: {  	s20 =	sshrl.u32 s20, $0x3  }
0x48c: {  	s20 =	sadd.s32 s2, s20  }
0x48d: {  	[hbm4b:s20+s6] =	stream.strided.scatter [tilespmem:s12], [sflag:$0x5], $0x8000, s7, s6, $0x38;
	[tilespmem:$0x18800] =	vst v63  }
0x48e: {  	_ =	swait.ge [sflag:s10], $0x1000  }
0x48f: {  	[sflag:s10] =	ssyncset.done $0x0  }
0x490: {  	[sflag:s10] =	ssyncadd.s32 $0xFFFFF000  }
0x491: {  	_ =	swait.ge [sflag:s10], $0x1000  }
0x492: {  	[sflag:s10] =	ssyncset.done $0x0  }
0x493: {  	[sflag:s10] =	ssyncadd.s32 $0xFFFFF000  }
0x494: {  	_ =	swait.ge [sflag:s10], $0x1000  }
0x495: {  	[sflag:s10] =	ssyncset.done $0x0  }
0x496: {  	[sflag:s10] =	ssyncadd.s32 $0xFFFFF000  }
0x497: {  	_ =	swait.ge [sflag:s10], $0x1000  }
0x498: {  	[sflag:s10] =	ssyncset.done $0x0  }
0x499: {  	[sflag:s10] =	ssyncadd.s32 $0xFFFFF000  }
0x49a: {  	_ =	swait.ge [sflag:s10], $0x1000  }
0x49b: {  	[sflag:s10] =	ssyncset.done $0x0  }
0x49c: {  	[sflag:s10] =	ssyncadd.s32 $0xFFFFF000  }
0x49d: {  	_ =	swait.ge [sflag:s10], $0x1000  }
0x49e: {  	[sflag:s10] =	ssyncset.done $0x0  }
0x49f: {  	[sflag:s10] =	ssyncadd.s32 $0xFFFFF000  }
0x4a0: {  	_ =	swait.ge [sflag:s10], $0x1000  }
0x4a1: {  	[sflag:s10] =	ssyncset.done $0x0  }
0x4a2: {  	[sflag:s10] =	ssyncadd.s32 $0xFFFFF000  }
0x4a3: {  	_ =	swait.ge [sflag:s10], $0x1000  }
0x4a4: {  	[sflag:s10] =	ssyncset.done $0x0  }
0x4a5: {  	[sflag:s10] =	ssyncadd.s32 $0xFFFFF000  }
0x4a6: {  	_ =	swait.ge [sflag:s18], $0x8000  }
0x4a7: {  	[sflag:s18] =	ssyncset.done $0x0  }
0x4a8: {  	v63 =	vmov v2;
	v25 =	vmov v62;
	s19 =	simm.s32 $0x0;
	v0 =	vld [tilespmem:$0x1FBF0];
	[sflag:s18] =	ssyncadd.s32 $0xFFFF8000  }
.LBB2_8:
0x4a9: {  	v2 =	vlaneseq.u32  }
0x4aa: {  	v4 =	vadd.s32 s19, v2  }
0x4ab: {  	v5 =	vand.u32 $0x1F, v4  }
0x4ac: {  	v6 =	vor.u32 v1, v5;
	_ =	sdelay $0x1  }
0x4ad: {  	v7 =	vshll.u32 v4, $0xA;
	v4 =	vshll.u32 v4, $0x7  }
0x4ae: {  	v7 =	vand.u32 $0x6000, v7;
	v4 =	vand.u32 $0x380, v4  }
0x4af: {  	v4 =	vor.u32 v4, v7  }
0x4b0: {  	v7 =	vor.u32 v2, v4;
	v6 =	vld.idx.msk [tilespmem:v6+s16+$0x0], $0xffff  }
0x4b1: {  	v8 =	vor.u32 v20, v5;
	_ =	sdelay $0x3  }
0x4b2: {  	[tilespmem:v7+s12+$0x0] =	vst.idx.msk $0xffff, v6  }
0x4b3: {  	v62 =	vor.u32 v22, v4;
	v6 =	vld.idx.msk [tilespmem:v8+s16+$0x0], $0xffff  }
0x4b4: {  	v8 =	vor.u32 v23, v5;
	_ =	sdelay $0x3  }
0x4b5: {  	[tilespmem:v62+s12+$0x0] =	vst.idx.msk $0xffff, v6  }
0x4b6: {  	v62 =	vor.u32 v21, v4;
	v6 =	vld.idx.msk [tilespmem:v8+s16+$0x0], $0xffff  }
0x4b7: {  	v8 =	vor.u32 v9, v5;
	_ =	sdelay $0x3  }
0x4b8: {  	[tilespmem:v62+s12+$0x0] =	vst.idx.msk $0xffff, v6  }
0x4b9: {  	v62 =	vor.u32 v10, v4;
	v6 =	vld.idx.msk [tilespmem:v8+s16+$0x0], $0xffff  }
0x4ba: {  	v8 =	vor.u32 v11, v5;
	_ =	sdelay $0x3  }
0x4bb: {  	[tilespmem:v62+s12+$0x0] =	vst.idx.msk $0xffff, v6  }
0x4bc: {  	v62 =	vor.u32 v12, v4;
	v6 =	vld.idx.msk [tilespmem:v8+s16+$0x0], $0xffff  }
0x4bd: {  	v8 =	vor.u32 v13, v5;
	_ =	sdelay $0x2  }
0x4be: {  	s23 =	sadd.s32 $0x3, s19  }
0x4bf: {  	s20 =	sadd.s32 $0x1, s19;
	s22 =	sadd.s32 $0x2, s19;
	v16 =	vadd.s32 s23, v2;
	v10 =	vor.u32 v14, v4;
	[tilespmem:v62+s12+$0x0] =	vst.idx.msk $0xffff, v6  }
0x4c0: {  	v12 =	vor.u32 v15, v5;
	v15 =	vadd.s32 s22, v2;
	v6 =	vadd.s32 s20, v2;
	v11 =	vld.idx.msk [tilespmem:v8+s16+$0x0], $0xffff  }
0x4c1: {  	v62 =	vand.u32 $0x1F, v6;
	v8 =	vshll.u32 v6, $0xA;
	v6 =	vshll.u32 v6, $0x7  }
0x4c2: {  	v13 =	vor.u32 v1, v62;
	v14 =	vand.u32 $0x6000, v8;
	v8 =	vand.u32 $0x1F, v15  }
0x4c3: {  	v9 =	vand.u32 $0x1F, v16;
	v6 =	vand.u32 $0x380, v6;
	v17 =	vor.u32 v1, v8  }
0x4c4: {  	v18 =	vor.u32 v1, v9;
	v6 =	vor.u32 v6, v14  }
0x4c5: {  	v14 =	vshll.u32 v15, $0xA;
	v19 =	vor.u32 v2, v6;
	[tilespmem:v10+s12+$0x0] =	vst.idx.msk $0xffff, v11;
	v11 =	vshll.u32 v15, $0x7  }
0x4c6: {  	v21 =	vld [tilespmem:$0x1FF50];
	v10 =	vand.u32 $0x6000, v14;
	v14 =	vshll.u32 v16, $0xA;
	v11 =	vand.u32 $0x380, v11  }
0x4c7: {  	v15 =	vshll.u32 v16, $0x7;
	v13 =	vld.idx.msk [tilespmem:v13+s16+$0x0], $0xffff;
	v10 =	vor.u32 v11, v10;
	v11 =	vand.u32 $0x6000, v14  }
0x4c8: {  	v14 =	vand.u32 $0x380, v15;
	v15 =	vor.u32 v20, v62;
	v16 =	vld.idx.msk [tilespmem:v17+s16+$0x0], $0xffff;
	v17 =	vor.u32 v2, v10  }
0x4c9: {  	v11 =	vor.u32 v14, v11;
	v14 =	vor.u32 v20, v8;
	_ =	sdelay $0x1  }
0x4ca: {  	v18 =	vld.idx.msk [tilespmem:v18+s16+$0x0], $0xffff;
	v20 =	vor.u32 v2, v11  }
0x4cb: {  	v21 =	vor.u32 v21, v9;
	[tilespmem:v19+s12+$0x0] =	vst.idx.msk $0xffff, v13  }
0x4cc: {  	v13 =	vld.idx.msk [tilespmem:v15+s16+$0x0], $0xffff;
	v15 =	vor.u32 v22, v6;
	[tilespmem:v17+s12+$0x0] =	vst.idx.msk $0xffff, v16  }
0x4cd: {  	v17 =	vor.u32 v22, v10;
	v14 =	vld.idx.msk [tilespmem:v14+s16+$0x0], $0xffff  }
0x4ce: {  	v16 =	vor.u32 v23, v62  }
0x4cf: {  	[tilespmem:v20+s12+$0x0] =	vst.idx.msk $0xffff, v18  }
0x4d0: {  	v18 =	vor.u32 v23, v8;
	v19 =	vld.idx.msk [tilespmem:v21+s16+$0x0], $0xffff  }
0x4d1: {  	[tilespmem:v15+s12+$0x0] =	vst.idx.msk $0xffff, v13;
	v15 =	vld [tilespmem:$0x1FF80]  }
0x4d2: {  	v20 =	vor.u32 v22, v11;
	[tilespmem:v17+s12+$0x0] =	vst.idx.msk $0xffff, v14;
	v14 =	vld [tilespmem:$0x1FF90]  }
0x4d3: {  	v21 =	vor.u32 v23, v9;
	v13 =	vld.idx.msk [tilespmem:v16+s16+$0x0], $0xffff  }
0x4d4: {  	v17 =	vld [tilespmem:$0x1FF80]  }
0x4d5: {  	v16 =	vld.idx.msk [tilespmem:v18+s16+$0x0], $0xffff  }
0x4d6: {  	v18 =	vld [tilespmem:$0x1FF90];
	v15 =	vor.u32 v15, v6  }
0x4d7: {  	[tilespmem:v20+s12+$0x0] =	vst.idx.msk $0xffff, v19;
	v20 =	vld [tilespmem:$0x1FF80];
	v14 =	vor.u32 v14, v62  }
0x4d8: {  	v19 =	vld.idx.msk [tilespmem:v21+s16+$0x0], $0xffff  }
0x4d9: {  	v21 =	vld [tilespmem:$0x1FF90];
	v17 =	vor.u32 v17, v10;
	_ =	sdelay $0x1  }
0x4da: {  	v18 =	vor.u32 v18, v8;
	[tilespmem:v15+s12+$0x0] =	vst.idx.msk $0xffff, v13  }
0x4db: {  	v13 =	vld.idx.msk [tilespmem:v14+s16+$0x0], $0xffff  }
0x4dc: {  	v20 =	vor.u32 v20, v11;
	v14 =	vld [tilespmem:$0x1FFA0]  }
0x4dd: {  	v21 =	vor.u32 v21, v9;
	[tilespmem:v17+s12+$0x0] =	vst.idx.msk $0xffff, v16;
	v17 =	vld [tilespmem:$0x1FFA0]  }
0x4de: {  	v15 =	vld [tilespmem:$0x1FFB0]  }
0x4df: {  	v16 =	vld.idx.msk [tilespmem:v18+s16+$0x0], $0xffff  }
0x4e0: {  	v18 =	vld [tilespmem:$0x1FFB0]  }
0x4e1: {  	[tilespmem:v20+s12+$0x0] =	vst.idx.msk $0xffff, v19;
	v20 =	vld [tilespmem:$0x1FFA0];
	v14 =	vor.u32 v14, v6  }
0x4e2: {  	v19 =	vld.idx.msk [tilespmem:v21+s16+$0x0], $0xffff;
	v17 =	vor.u32 v17, v10  }
0x4e3: {  	v21 =	vld [tilespmem:$0x1FFB0];
	v15 =	vor.u32 v15, v62;
	_ =	sdelay $0x1  }
0x4e4: {  	v18 =	vor.u32 v18, v8  }
0x4e5: {  	[tilespmem:v14+s12+$0x0] =	vst.idx.msk $0xffff, v13;
	v14 =	vld [tilespmem:$0x1FFC0]  }
0x4e6: {  	v20 =	vor.u32 v20, v11;
	[tilespmem:v17+s12+$0x0] =	vst.idx.msk $0xffff, v16;
	v17 =	vld [tilespmem:$0x1FFC0]  }
0x4e7: {  	v21 =	vor.u32 v21, v9;
	v13 =	vld.idx.msk [tilespmem:v15+s16+$0x0], $0xffff  }
0x4e8: {  	v15 =	vld [tilespmem:$0x1FFD0]  }
0x4e9: {  	v16 =	vld.idx.msk [tilespmem:v18+s16+$0x0], $0xffff  }
0x4ea: {  	v18 =	vld [tilespmem:$0x1FFD0]  }
0x4eb: {  	[tilespmem:v20+s12+$0x0] =	vst.idx.msk $0xffff, v19;
	v20 =	vld [tilespmem:$0x1FFC0];
	v14 =	vor.u32 v14, v6  }
0x4ec: {  	v19 =	vld.idx.msk [tilespmem:v21+s16+$0x0], $0xffff;
	v17 =	vor.u32 v17, v10  }
0x4ed: {  	v21 =	vld [tilespmem:$0x1FFD0];
	v15 =	vor.u32 v15, v62;
	_ =	sdelay $0x1  }
0x4ee: {  	v18 =	vor.u32 v18, v8  }
0x4ef: {  	[tilespmem:v14+s12+$0x0] =	vst.idx.msk $0xffff, v13;
	v14 =	vld [tilespmem:$0x1FFE0]  }
0x4f0: {  	v20 =	vor.u32 v20, v11;
	[tilespmem:v17+s12+$0x0] =	vst.idx.msk $0xffff, v16;
	v17 =	vld [tilespmem:$0x1FFE0]  }
0x4f1: {  	v21 =	vor.u32 v21, v9;
	v13 =	vld.idx.msk [tilespmem:v15+s16+$0x0], $0xffff  }
0x4f2: {  	v15 =	vld [tilespmem:$0x1FFF0]  }
0x4f3: {  	v16 =	vld.idx.msk [tilespmem:v18+s16+$0x0], $0xffff  }
0x4f4: {  	v18 =	vld [tilespmem:$0x1FFF0]  }
0x4f5: {  	[tilespmem:v20+s12+$0x0] =	vst.idx.msk $0xffff, v19;
	v20 =	vld [tilespmem:$0x1FFE0]  }
0x4f6: {  	v19 =	vld.idx.msk [tilespmem:v21+s16+$0x0], $0xffff  }
0x4f7: {  	v21 =	vld [tilespmem:$0x1FFF0];
	_ =	sdelay $0x1  }
0x4f8: {  	v14 =	vor.u32 v14, v6  }
0x4f9: {  	v2 =	vld [tilespmem:$0x1FC20];
	v17 =	vor.u32 v17, v10;
	v15 =	vor.u32 v15, v62  }
0x4fa: {  	v3 =	vld [tilespmem:$0x1FC30];
	v18 =	vor.u32 v18, v8;
	v20 =	vor.u32 v20, v11  }
0x4fb: {  	v21 =	vor.u32 v21, v9;
	_ =	sdelay $0x1  }
0x4fc: {  	v12 =	vld.idx.msk [tilespmem:v12+s16+$0x0], $0xffff;
	[tilespmem:v14+s12+$0x0] =	vst.idx.msk $0xffff, v13  }
0x4fd: {  	v22 =	vor.u32 v2, v4;
	[tilespmem:v17+s12+$0x0] =	vst.idx.msk $0xffff, v16;
	v14 =	vld.idx.msk [tilespmem:v15+s16+$0x0], $0xffff  }
0x4fe: {  	v13 =	vor.u32 v3, v5;
	v15 =	vor.u32 v2, v6;
	v17 =	vld.idx.msk [tilespmem:v18+s16+$0x0], $0xffff;
	[tilespmem:v20+s12+$0x0] =	vst.idx.msk $0xffff, v19  }
0x4ff: {  	v16 =	vor.u32 v3, v62;
	v18 =	vor.u32 v2, v10;
	v20 =	vld.idx.msk [tilespmem:v21+s16+$0x0], $0xffff  }
0x500: {  	v19 =	vor.u32 v3, v8;
	v21 =	vor.u32 v2, v11;
	v2 =	vld [tilespmem:$0x1FC40];
	_ =	sdelay $0x1  }
0x501: {  	v23 =	vor.u32 v3, v9;
	[tilespmem:v22+s12+$0x0] =	vst.idx.msk $0xffff, v12;
	v3 =	vld [tilespmem:$0x1FC50]  }
0x502: {  	v12 =	vld.idx.msk [tilespmem:v13+s16+$0x0], $0xffff;
	[tilespmem:v15+s12+$0x0] =	vst.idx.msk $0xffff, v14  }
0x503: {  	[tilespmem:v18+s12+$0x0] =	vst.idx.msk $0xffff, v17;
	v15 =	vld.idx.msk [tilespmem:v16+s16+$0x0], $0xffff  }
0x504: {  	v13 =	vor.u32 v2, v4;
	v16 =	vor.u32 v2, v6;
	v18 =	vld.idx.msk [tilespmem:v19+s16+$0x0], $0xffff  }
0x505: {  	v19 =	vor.u32 v2, v10;
	[tilespmem:v21+s12+$0x0] =	vst.idx.msk $0xffff, v20;
	v22 =	vor.u32 v2, v11;
	v2 =	vld [tilespmem:$0x1FC60]  }
0x506: {  	v14 =	vor.u32 v3, v5;
	v21 =	vld.idx.msk [tilespmem:v23+s16+$0x0], $0xffff  }
0x507: {  	v17 =	vor.u32 v3, v62;
	v20 =	vor.u32 v3, v8;
	v23 =	vor.u32 v3, v9;
	v3 =	vld [tilespmem:$0x1FC70];
	_ =	sdelay $0x2  }
0x508: {  	[tilespmem:v13+s12+$0x0] =	vst.idx.msk $0xffff, v12  }
0x509: {  	v13 =	vor.u32 v2, v4;
	[tilespmem:v16+s12+$0x0] =	vst.idx.msk $0xffff, v15;
	v12 =	vld.idx.msk [tilespmem:v14+s16+$0x0], $0xffff  }
0x50a: {  	v16 =	vor.u32 v2, v6;
	[tilespmem:v19+s12+$0x0] =	vst.idx.msk $0xffff, v18;
	v14 =	vor.u32 v3, v5;
	v15 =	vld.idx.msk [tilespmem:v17+s16+$0x0], $0xffff  }
0x50b: {  	v19 =	vor.u32 v2, v10;
	v17 =	vor.u32 v3, v62;
	v18 =	vld.idx.msk [tilespmem:v20+s16+$0x0], $0xffff  }
0x50c: {  	[tilespmem:v22+s12+$0x0] =	vst.idx.msk $0xffff, v21;
	v20 =	vor.u32 v3, v8;
	v22 =	vor.u32 v2, v11;
	v2 =	vld [tilespmem:$0x1FC80]  }
0x50d: {  	v21 =	vld.idx.msk [tilespmem:v23+s16+$0x0], $0xffff  }
0x50e: {  	v23 =	vor.u32 v3, v9;
	v3 =	vld [tilespmem:$0x1FC90];
	[tilespmem:v13+s12+$0x0] =	vst.idx.msk $0xffff, v12  }
0x50f: {  	[tilespmem:v16+s12+$0x0] =	vst.idx.msk $0xffff, v15;
	v12 =	vld.idx.msk [tilespmem:v14+s16+$0x0], $0xffff  }
0x510: {  	[tilespmem:v19+s12+$0x0] =	vst.idx.msk $0xffff, v18;
	v15 =	vld.idx.msk [tilespmem:v17+s16+$0x0], $0xffff  }
0x511: {  	v13 =	vor.u32 v2, v4;
	v16 =	vor.u32 v2, v6;
	v18 =	vld.idx.msk [tilespmem:v20+s16+$0x0], $0xffff  }
0x512: {  	v19 =	vor.u32 v2, v10;
	[tilespmem:v22+s12+$0x0] =	vst.idx.msk $0xffff, v21;
	v22 =	vor.u32 v2, v11;
	v2 =	vld [tilespmem:$0x1FCA0]  }
0x513: {  	v14 =	vor.u32 v3, v5;
	v21 =	vld.idx.msk [tilespmem:v23+s16+$0x0], $0xffff  }
0x514: {  	v17 =	vor.u32 v3, v62;
	v20 =	vor.u32 v3, v8;
	v23 =	vor.u32 v3, v9;
	v3 =	vld [tilespmem:$0x1FCB0];
	_ =	sdelay $0x2  }
0x515: {  	[tilespmem:v13+s12+$0x0] =	vst.idx.msk $0xffff, v12  }
0x516: {  	v13 =	vor.u32 v2, v4;
	[tilespmem:v16+s12+$0x0] =	vst.idx.msk $0xffff, v15;
	v12 =	vld.idx.msk [tilespmem:v14+s16+$0x0], $0xffff  }
0x517: {  	v16 =	vor.u32 v2, v6;
	[tilespmem:v19+s12+$0x0] =	vst.idx.msk $0xffff, v18;
	v14 =	vor.u32 v3, v5;
	v15 =	vld.idx.msk [tilespmem:v17+s16+$0x0], $0xffff  }
0x518: {  	v19 =	vor.u32 v2, v10;
	v18 =	vld.idx.msk [tilespmem:v20+s16+$0x0], $0xffff  }
0x519: {  	v17 =	vor.u32 v3, v62;
	[tilespmem:v22+s12+$0x0] =	vst.idx.msk $0xffff, v21;
	v22 =	vor.u32 v2, v11;
	v2 =	vld [tilespmem:$0x1FCC0]  }
0x51a: {  	v21 =	vld.idx.msk [tilespmem:v23+s16+$0x0], $0xffff  }
0x51b: {  	v20 =	vor.u32 v3, v8;
	[tilespmem:v13+s12+$0x0] =	vst.idx.msk $0xffff, v12  }
0x51c: {  	v23 =	vor.u32 v3, v9;
	[tilespmem:v16+s12+$0x0] =	vst.idx.msk $0xffff, v15;
	v12 =	vld.idx.msk [tilespmem:v14+s16+$0x0], $0xffff  }
0x51d: {  	v3 =	vld [tilespmem:$0x1FCD0]  }
0x51e: {  	v13 =	vor.u32 v2, v4;
	v16 =	vor.u32 v2, v6;
	v15 =	vld.idx.msk [tilespmem:v17+s16+$0x0], $0xffff;
	[tilespmem:v19+s12+$0x0] =	vst.idx.msk $0xffff, v18  }
0x51f: {  	v19 =	vor.u32 v2, v10;
	[tilespmem:v22+s12+$0x0] =	vst.idx.msk $0xffff, v21;
	v22 =	vor.u32 v2, v11;
	v2 =	vld [tilespmem:$0x1FCE0]  }
0x520: {  	v18 =	vld.idx.msk [tilespmem:v20+s16+$0x0], $0xffff  }
0x521: {  	v21 =	vld.idx.msk [tilespmem:v23+s16+$0x0], $0xffff  }
0x522: {  	v14 =	vor.u32 v3, v5  }
0x523: {  	v17 =	vor.u32 v3, v62;
	[tilespmem:v13+s12+$0x0] =	vst.idx.msk $0xffff, v12  }
0x524: {  	v20 =	vor.u32 v3, v8;
	v23 =	vor.u32 v3, v9;
	[tilespmem:v16+s12+$0x0] =	vst.idx.msk $0xffff, v15  }
0x525: {  	v13 =	vor.u32 v2, v4;
	v3 =	vld [tilespmem:$0x1FCF0];
	v16 =	vor.u32 v2, v6;
	[tilespmem:v19+s12+$0x0] =	vst.idx.msk $0xffff, v18  }
0x526: {  	v19 =	vor.u32 v2, v10;
	[tilespmem:v22+s12+$0x0] =	vst.idx.msk $0xffff, v21;
	v22 =	vor.u32 v2, v11;
	v2 =	vld [tilespmem:$0x1FD00]  }
0x527: {  	v12 =	vld.idx.msk [tilespmem:v14+s16+$0x0], $0xffff  }
0x528: {  	v15 =	vld.idx.msk [tilespmem:v17+s16+$0x0], $0xffff  }
0x529: {  	v18 =	vld.idx.msk [tilespmem:v20+s16+$0x0], $0xffff  }
0x52a: {  	v21 =	vld.idx.msk [tilespmem:v23+s16+$0x0], $0xffff  }
0x52b: {  	v14 =	vor.u32 v3, v5  }
0x52c: {  	v17 =	vor.u32 v3, v62;
	[tilespmem:v13+s12+$0x0] =	vst.idx.msk $0xffff, v12  }
0x52d: {  	v20 =	vor.u32 v3, v8;
	v23 =	vor.u32 v3, v9;
	[tilespmem:v16+s12+$0x0] =	vst.idx.msk $0xffff, v15  }
0x52e: {  	v3 =	vld [tilespmem:$0x1FD10];
	v13 =	vor.u32 v2, v4;
	v16 =	vor.u32 v2, v6;
	[tilespmem:v19+s12+$0x0] =	vst.idx.msk $0xffff, v18  }
0x52f: {  	v19 =	vor.u32 v2, v10;
	[tilespmem:v22+s12+$0x0] =	vst.idx.msk $0xffff, v21;
	v22 =	vor.u32 v2, v11;
	v2 =	vld [tilespmem:$0x1FD20]  }
0x530: {  	v12 =	vld.idx.msk [tilespmem:v14+s16+$0x0], $0xffff  }
0x531: {  	v15 =	vld.idx.msk [tilespmem:v17+s16+$0x0], $0xffff  }
0x532: {  	v18 =	vld.idx.msk [tilespmem:v20+s16+$0x0], $0xffff  }
0x533: {  	v21 =	vld.idx.msk [tilespmem:v23+s16+$0x0], $0xffff  }
0x534: {  	v14 =	vor.u32 v3, v5  }
0x535: {  	v17 =	vor.u32 v3, v62;
	[tilespmem:v13+s12+$0x0] =	vst.idx.msk $0xffff, v12  }
0x536: {  	v20 =	vor.u32 v3, v8;
	v23 =	vor.u32 v3, v9;
	[tilespmem:v16+s12+$0x0] =	vst.idx.msk $0xffff, v15  }
0x537: {  	v3 =	vld [tilespmem:$0x1FD30];
	v13 =	vor.u32 v2, v4;
	v16 =	vor.u32 v2, v6;
	[tilespmem:v19+s12+$0x0] =	vst.idx.msk $0xffff, v18  }
0x538: {  	v19 =	vor.u32 v2, v10;
	[tilespmem:v22+s12+$0x0] =	vst.idx.msk $0xffff, v21;
	v22 =	vor.u32 v2, v11;
	v2 =	vld [tilespmem:$0x1FD40]  }
0x539: {  	v12 =	vld.idx.msk [tilespmem:v14+s16+$0x0], $0xffff  }
0x53a: {  	v15 =	vld.idx.msk [tilespmem:v17+s16+$0x0], $0xffff  }
0x53b: {  	v18 =	vld.idx.msk [tilespmem:v20+s16+$0x0], $0xffff  }
0x53c: {  	v21 =	vld.idx.msk [tilespmem:v23+s16+$0x0], $0xffff  }
0x53d: {  	v14 =	vor.u32 v3, v5  }
0x53e: {  	v17 =	vor.u32 v3, v62;
	[tilespmem:v13+s12+$0x0] =	vst.idx.msk $0xffff, v12  }
0x53f: {  	v20 =	vor.u32 v3, v8;
	v23 =	vor.u32 v3, v9;
	[tilespmem:v16+s12+$0x0] =	vst.idx.msk $0xffff, v15  }
0x540: {  	v3 =	vld [tilespmem:$0x1FD50];
	v13 =	vor.u32 v2, v4;
	v16 =	vor.u32 v2, v6;
	[tilespmem:v19+s12+$0x0] =	vst.idx.msk $0xffff, v18  }
0x541: {  	v19 =	vor.u32 v2, v10;
	[tilespmem:v22+s12+$0x0] =	vst.idx.msk $0xffff, v21;
	v22 =	vor.u32 v2, v11;
	v2 =	vld [tilespmem:$0x1FD60]  }
0x542: {  	v12 =	vld.idx.msk [tilespmem:v14+s16+$0x0], $0xffff  }
0x543: {  	v15 =	vld.idx.msk [tilespmem:v17+s16+$0x0], $0xffff  }
0x544: {  	v18 =	vld.idx.msk [tilespmem:v20+s16+$0x0], $0xffff  }
0x545: {  	v21 =	vld.idx.msk [tilespmem:v23+s16+$0x0], $0xffff  }
0x546: {  	v14 =	vor.u32 v3, v5  }
0x547: {  	v17 =	vor.u32 v3, v62;
	[tilespmem:v13+s12+$0x0] =	vst.idx.msk $0xffff, v12  }
0x548: {  	v20 =	vor.u32 v3, v8;
	v23 =	vor.u32 v3, v9;
	[tilespmem:v16+s12+$0x0] =	vst.idx.msk $0xffff, v15  }
0x549: {  	v3 =	vld [tilespmem:$0x1FD70];
	v13 =	vor.u32 v2, v4;
	v16 =	vor.u32 v2, v6;
	[tilespmem:v19+s12+$0x0] =	vst.idx.msk $0xffff, v18  }
0x54a: {  	v19 =	vor.u32 v2, v10;
	[tilespmem:v22+s12+$0x0] =	vst.idx.msk $0xffff, v21;
	v22 =	vor.u32 v2, v11;
	v2 =	vld [tilespmem:$0x1FD80]  }
0x54b: {  	v12 =	vld.idx.msk [tilespmem:v14+s16+$0x0], $0xffff  }
0x54c: {  	v15 =	vld.idx.msk [tilespmem:v17+s16+$0x0], $0xffff  }
0x54d: {  	v18 =	vld.idx.msk [tilespmem:v20+s16+$0x0], $0xffff  }
0x54e: {  	v21 =	vld.idx.msk [tilespmem:v23+s16+$0x0], $0xffff  }
0x54f: {  	v14 =	vor.u32 v3, v5  }
0x550: {  	v17 =	vor.u32 v3, v62;
	[tilespmem:v13+s12+$0x0] =	vst.idx.msk $0xffff, v12  }
0x551: {  	v20 =	vor.u32 v3, v8;
	v23 =	vor.u32 v3, v9;
	[tilespmem:v16+s12+$0x0] =	vst.idx.msk $0xffff, v15  }
0x552: {  	v3 =	vld [tilespmem:$0x1FD90];
	v13 =	vor.u32 v2, v4;
	v16 =	vor.u32 v2, v6;
	[tilespmem:v19+s12+$0x0] =	vst.idx.msk $0xffff, v18  }
0x553: {  	v19 =	vor.u32 v2, v10;
	[tilespmem:v22+s12+$0x0] =	vst.idx.msk $0xffff, v21;
	v22 =	vor.u32 v2, v11;
	v2 =	vld [tilespmem:$0x1FDA0]  }
0x554: {  	v12 =	vld.idx.msk [tilespmem:v14+s16+$0x0], $0xffff  }
0x555: {  	v15 =	vld.idx.msk [tilespmem:v17+s16+$0x0], $0xffff  }
0x556: {  	v18 =	vld.idx.msk [tilespmem:v20+s16+$0x0], $0xffff  }
0x557: {  	v21 =	vld.idx.msk [tilespmem:v23+s16+$0x0], $0xffff  }
0x558: {  	v14 =	vor.u32 v3, v5  }
0x559: {  	v17 =	vor.u32 v3, v62;
	[tilespmem:v13+s12+$0x0] =	vst.idx.msk $0xffff, v12  }
0x55a: {  	v20 =	vor.u32 v3, v8;
	v23 =	vor.u32 v3, v9;
	[tilespmem:v16+s12+$0x0] =	vst.idx.msk $0xffff, v15  }
0x55b: {  	v3 =	vld [tilespmem:$0x1FDB0];
	v13 =	vor.u32 v2, v4;
	v16 =	vor.u32 v2, v6;
	[tilespmem:v19+s12+$0x0] =	vst.idx.msk $0xffff, v18  }
0x55c: {  	v19 =	vor.u32 v2, v10;
	[tilespmem:v22+s12+$0x0] =	vst.idx.msk $0xffff, v21;
	v22 =	vor.u32 v2, v11;
	v2 =	vld [tilespmem:$0x1FDC0]  }
0x55d: {  	v12 =	vld.idx.msk [tilespmem:v14+s16+$0x0], $0xffff  }
0x55e: {  	v15 =	vld.idx.msk [tilespmem:v17+s16+$0x0], $0xffff  }
0x55f: {  	v18 =	vld.idx.msk [tilespmem:v20+s16+$0x0], $0xffff  }
0x560: {  	v21 =	vld.idx.msk [tilespmem:v23+s16+$0x0], $0xffff  }
0x561: {  	v14 =	vor.u32 v3, v5  }
0x562: {  	v17 =	vor.u32 v3, v62;
	[tilespmem:v13+s12+$0x0] =	vst.idx.msk $0xffff, v12  }
0x563: {  	v20 =	vor.u32 v3, v8;
	v23 =	vor.u32 v3, v9;
	[tilespmem:v16+s12+$0x0] =	vst.idx.msk $0xffff, v15  }
0x564: {  	v3 =	vld [tilespmem:$0x1FDD0];
	v13 =	vor.u32 v2, v4;
	v16 =	vor.u32 v2, v6;
	[tilespmem:v19+s12+$0x0] =	vst.idx.msk $0xffff, v18  }
0x565: {  	v19 =	vor.u32 v2, v10;
	[tilespmem:v22+s12+$0x0] =	vst.idx.msk $0xffff, v21;
	v22 =	vor.u32 v2, v11;
	v2 =	vld [tilespmem:$0x1FDE0]  }
0x566: {  	v12 =	vld.idx.msk [tilespmem:v14+s16+$0x0], $0xffff  }
0x567: {  	v15 =	vld.idx.msk [tilespmem:v17+s16+$0x0], $0xffff  }
0x568: {  	v18 =	vld.idx.msk [tilespmem:v20+s16+$0x0], $0xffff  }
0x569: {  	v21 =	vld.idx.msk [tilespmem:v23+s16+$0x0], $0xffff  }
0x56a: {  	v14 =	vor.u32 v3, v5  }
0x56b: {  	v17 =	vor.u32 v3, v62;
	[tilespmem:v13+s12+$0x0] =	vst.idx.msk $0xffff, v12  }
0x56c: {  	v20 =	vor.u32 v3, v8;
	v23 =	vor.u32 v3, v9;
	[tilespmem:v16+s12+$0x0] =	vst.idx.msk $0xffff, v15  }
0x56d: {  	v3 =	vld [tilespmem:$0x1FDF0];
	v13 =	vor.u32 v2, v4;
	v16 =	vor.u32 v2, v6;
	[tilespmem:v19+s12+$0x0] =	vst.idx.msk $0xffff, v18  }
0x56e: {  	v19 =	vor.u32 v2, v10;
	[tilespmem:v22+s12+$0x0] =	vst.idx.msk $0xffff, v21;
	v22 =	vor.u32 v2, v11;
	v2 =	vld [tilespmem:$0x1FE00]  }
0x56f: {  	v12 =	vld.idx.msk [tilespmem:v14+s16+$0x0], $0xffff  }
0x570: {  	v15 =	vld.idx.msk [tilespmem:v17+s16+$0x0], $0xffff  }
0x571: {  	v18 =	vld.idx.msk [tilespmem:v20+s16+$0x0], $0xffff  }
0x572: {  	v21 =	vld.idx.msk [tilespmem:v23+s16+$0x0], $0xffff  }
0x573: {  	v14 =	vor.u32 v3, v5  }
0x574: {  	v17 =	vor.u32 v3, v62;
	[tilespmem:v13+s12+$0x0] =	vst.idx.msk $0xffff, v12  }
0x575: {  	v20 =	vor.u32 v3, v8;
	v23 =	vor.u32 v3, v9;
	[tilespmem:v16+s12+$0x0] =	vst.idx.msk $0xffff, v15  }
0x576: {  	v3 =	vld [tilespmem:$0x1FE10];
	v13 =	vor.u32 v2, v4;
	v16 =	vor.u32 v2, v6;
	[tilespmem:v19+s12+$0x0] =	vst.idx.msk $0xffff, v18  }
0x577: {  	v19 =	vor.u32 v2, v10;
	[tilespmem:v22+s12+$0x0] =	vst.idx.msk $0xffff, v21;
	v22 =	vor.u32 v2, v11;
	v2 =	vld [tilespmem:$0x1FE20]  }
0x578: {  	v12 =	vld.idx.msk [tilespmem:v14+s16+$0x0], $0xffff  }
0x579: {  	v15 =	vld.idx.msk [tilespmem:v17+s16+$0x0], $0xffff  }
0x57a: {  	v18 =	vld.idx.msk [tilespmem:v20+s16+$0x0], $0xffff  }
0x57b: {  	v21 =	vld.idx.msk [tilespmem:v23+s16+$0x0], $0xffff  }
0x57c: {  	v14 =	vor.u32 v3, v5  }
0x57d: {  	v17 =	vor.u32 v3, v62;
	[tilespmem:v13+s12+$0x0] =	vst.idx.msk $0xffff, v12  }
0x57e: {  	v20 =	vor.u32 v3, v8;
	v23 =	vor.u32 v3, v9;
	[tilespmem:v16+s12+$0x0] =	vst.idx.msk $0xffff, v15  }
0x57f: {  	v3 =	vld [tilespmem:$0x1FE30];
	v13 =	vor.u32 v2, v4;
	v16 =	vor.u32 v2, v6;
	[tilespmem:v19+s12+$0x0] =	vst.idx.msk $0xffff, v18  }
0x580: {  	v19 =	vor.u32 v2, v10;
	[tilespmem:v22+s12+$0x0] =	vst.idx.msk $0xffff, v21;
	v22 =	vor.u32 v2, v11;
	v2 =	vld [tilespmem:$0x1FE40]  }
0x581: {  	v12 =	vld.idx.msk [tilespmem:v14+s16+$0x0], $0xffff  }
0x582: {  	v15 =	vld.idx.msk [tilespmem:v17+s16+$0x0], $0xffff  }
0x583: {  	v18 =	vld.idx.msk [tilespmem:v20+s16+$0x0], $0xffff  }
0x584: {  	v21 =	vld.idx.msk [tilespmem:v23+s16+$0x0], $0xffff  }
0x585: {  	v14 =	vor.u32 v3, v5  }
0x586: {  	v17 =	vor.u32 v3, v62;
	[tilespmem:v13+s12+$0x0] =	vst.idx.msk $0xffff, v12  }
0x587: {  	v20 =	vor.u32 v3, v8;
	v23 =	vor.u32 v3, v9;
	[tilespmem:v16+s12+$0x0] =	vst.idx.msk $0xffff, v15  }
0x588: {  	v3 =	vld [tilespmem:$0x1FE50];
	v13 =	vor.u32 v2, v4;
	v16 =	vor.u32 v2, v6;
	[tilespmem:v19+s12+$0x0] =	vst.idx.msk $0xffff, v18  }
0x589: {  	v19 =	vor.u32 v2, v10;
	[tilespmem:v22+s12+$0x0] =	vst.idx.msk $0xffff, v21;
	v22 =	vor.u32 v2, v11;
	v2 =	vld [tilespmem:$0x1FE60]  }
0x58a: {  	v12 =	vld.idx.msk [tilespmem:v14+s16+$0x0], $0xffff  }
0x58b: {  	v15 =	vld.idx.msk [tilespmem:v17+s16+$0x0], $0xffff  }
0x58c: {  	v18 =	vld.idx.msk [tilespmem:v20+s16+$0x0], $0xffff  }
0x58d: {  	v21 =	vld.idx.msk [tilespmem:v23+s16+$0x0], $0xffff  }
0x58e: {  	v14 =	vor.u32 v3, v5  }
0x58f: {  	v17 =	vor.u32 v3, v62;
	[tilespmem:v13+s12+$0x0] =	vst.idx.msk $0xffff, v12  }
0x590: {  	v20 =	vor.u32 v3, v8;
	v23 =	vor.u32 v3, v9;
	[tilespmem:v16+s12+$0x0] =	vst.idx.msk $0xffff, v15  }
0x591: {  	v3 =	vld [tilespmem:$0x1FE70];
	v13 =	vor.u32 v2, v4;
	v16 =	vor.u32 v2, v6;
	[tilespmem:v19+s12+$0x0] =	vst.idx.msk $0xffff, v18  }
0x592: {  	v19 =	vor.u32 v2, v10;
	[tilespmem:v22+s12+$0x0] =	vst.idx.msk $0xffff, v21;
	v22 =	vor.u32 v2, v11;
	v2 =	vld [tilespmem:$0x1FE80]  }
0x593: {  	v12 =	vld.idx.msk [tilespmem:v14+s16+$0x0], $0xffff  }
0x594: {  	v15 =	vld.idx.msk [tilespmem:v17+s16+$0x0], $0xffff  }
0x595: {  	v18 =	vld.idx.msk [tilespmem:v20+s16+$0x0], $0xffff  }
0x596: {  	v21 =	vld.idx.msk [tilespmem:v23+s16+$0x0], $0xffff  }
0x597: {  	v14 =	vor.u32 v3, v5  }
0x598: {  	v17 =	vor.u32 v3, v62;
	[tilespmem:v13+s12+$0x0] =	vst.idx.msk $0xffff, v12  }
0x599: {  	v20 =	vor.u32 v3, v8;
	v23 =	vor.u32 v3, v9;
	[tilespmem:v16+s12+$0x0] =	vst.idx.msk $0xffff, v15  }
0x59a: {  	v3 =	vld [tilespmem:$0x1FE90];
	v13 =	vor.u32 v2, v4;
	v16 =	vor.u32 v2, v6;
	[tilespmem:v19+s12+$0x0] =	vst.idx.msk $0xffff, v18  }
0x59b: {  	v19 =	vor.u32 v2, v10;
	[tilespmem:v22+s12+$0x0] =	vst.idx.msk $0xffff, v21;
	v22 =	vor.u32 v2, v11;
	v2 =	vld [tilespmem:$0x1FEA0]  }
0x59c: {  	v12 =	vld.idx.msk [tilespmem:v14+s16+$0x0], $0xffff  }
0x59d: {  	v15 =	vld.idx.msk [tilespmem:v17+s16+$0x0], $0xffff  }
0x59e: {  	v18 =	vld.idx.msk [tilespmem:v20+s16+$0x0], $0xffff  }
0x59f: {  	v21 =	vld.idx.msk [tilespmem:v23+s16+$0x0], $0xffff  }
0x5a0: {  	v14 =	vor.u32 v3, v5  }
0x5a1: {  	v17 =	vor.u32 v3, v62;
	[tilespmem:v13+s12+$0x0] =	vst.idx.msk $0xffff, v12  }
0x5a2: {  	v20 =	vor.u32 v3, v8;
	v23 =	vor.u32 v3, v9;
	[tilespmem:v16+s12+$0x0] =	vst.idx.msk $0xffff, v15  }
0x5a3: {  	v3 =	vld [tilespmem:$0x1FEB0];
	v13 =	vor.u32 v2, v4;
	v16 =	vor.u32 v2, v6;
	[tilespmem:v19+s12+$0x0] =	vst.idx.msk $0xffff, v18  }
0x5a4: {  	v19 =	vor.u32 v2, v10;
	[tilespmem:v22+s12+$0x0] =	vst.idx.msk $0xffff, v21;
	v22 =	vor.u32 v2, v11;
	v2 =	vld [tilespmem:$0x1FEC0]  }
0x5a5: {  	v12 =	vld.idx.msk [tilespmem:v14+s16+$0x0], $0xffff  }
0x5a6: {  	v15 =	vld.idx.msk [tilespmem:v17+s16+$0x0], $0xffff  }
0x5a7: {  	v18 =	vld.idx.msk [tilespmem:v20+s16+$0x0], $0xffff  }
0x5a8: {  	v21 =	vld.idx.msk [tilespmem:v23+s16+$0x0], $0xffff  }
0x5a9: {  	v14 =	vor.u32 v3, v5  }
0x5aa: {  	v17 =	vor.u32 v3, v62;
	[tilespmem:v13+s12+$0x0] =	vst.idx.msk $0xffff, v12  }
0x5ab: {  	v20 =	vor.u32 v3, v8;
	v23 =	vor.u32 v3, v9;
	[tilespmem:v16+s12+$0x0] =	vst.idx.msk $0xffff, v15  }
0x5ac: {  	v3 =	vld [tilespmem:$0x1FED0];
	v13 =	vor.u32 v2, v4;
	v16 =	vor.u32 v2, v6;
	[tilespmem:v19+s12+$0x0] =	vst.idx.msk $0xffff, v18  }
0x5ad: {  	v19 =	vor.u32 v2, v10;
	[tilespmem:v22+s12+$0x0] =	vst.idx.msk $0xffff, v21;
	v22 =	vor.u32 v2, v11;
	v2 =	vld [tilespmem:$0x1FEE0]  }
0x5ae: {  	v12 =	vld.idx.msk [tilespmem:v14+s16+$0x0], $0xffff  }
0x5af: {  	v15 =	vld.idx.msk [tilespmem:v17+s16+$0x0], $0xffff  }
0x5b0: {  	v18 =	vld.idx.msk [tilespmem:v20+s16+$0x0], $0xffff  }
0x5b1: {  	v21 =	vld.idx.msk [tilespmem:v23+s16+$0x0], $0xffff  }
0x5b2: {  	v14 =	vor.u32 v3, v5  }
0x5b3: {  	v17 =	vor.u32 v3, v62;
	[tilespmem:v13+s12+$0x0] =	vst.idx.msk $0xffff, v12  }
0x5b4: {  	v20 =	vor.u32 v3, v8;
	v23 =	vor.u32 v3, v9;
	[tilespmem:v16+s12+$0x0] =	vst.idx.msk $0xffff, v15  }
0x5b5: {  	v3 =	vld [tilespmem:$0x1FEF0];
	v13 =	vor.u32 v2, v4;
	v16 =	vor.u32 v2, v6;
	[tilespmem:v19+s12+$0x0] =	vst.idx.msk $0xffff, v18  }
0x5b6: {  	v19 =	vor.u32 v2, v10;
	[tilespmem:v22+s12+$0x0] =	vst.idx.msk $0xffff, v21;
	v22 =	vor.u32 v2, v11;
	v2 =	vld [tilespmem:$0x1FF00]  }
0x5b7: {  	v12 =	vld.idx.msk [tilespmem:v14+s16+$0x0], $0xffff  }
0x5b8: {  	v15 =	vld.idx.msk [tilespmem:v17+s16+$0x0], $0xffff  }
0x5b9: {  	v18 =	vld.idx.msk [tilespmem:v20+s16+$0x0], $0xffff  }
0x5ba: {  	v21 =	vld.idx.msk [tilespmem:v23+s16+$0x0], $0xffff  }
0x5bb: {  	v14 =	vor.u32 v3, v5  }
0x5bc: {  	v17 =	vor.u32 v3, v62;
	[tilespmem:v13+s12+$0x0] =	vst.idx.msk $0xffff, v12  }
0x5bd: {  	v20 =	vor.u32 v3, v8;
	v23 =	vor.u32 v3, v9;
	[tilespmem:v16+s12+$0x0] =	vst.idx.msk $0xffff, v15  }
0x5be: {  	v3 =	vld [tilespmem:$0x1FF10];
	v13 =	vor.u32 v2, v4;
	v16 =	vor.u32 v2, v6;
	[tilespmem:v19+s12+$0x0] =	vst.idx.msk $0xffff, v18  }
0x5bf: {  	v19 =	vor.u32 v2, v10;
	[tilespmem:v22+s12+$0x0] =	vst.idx.msk $0xffff, v21;
	v22 =	vor.u32 v2, v11;
	v2 =	vld [tilespmem:$0x1FF20]  }
0x5c0: {  	v12 =	vld.idx.msk [tilespmem:v14+s16+$0x0], $0xffff  }
0x5c1: {  	v15 =	vld.idx.msk [tilespmem:v17+s16+$0x0], $0xffff  }
0x5c2: {  	v18 =	vld.idx.msk [tilespmem:v20+s16+$0x0], $0xffff  }
0x5c3: {  	v21 =	vld.idx.msk [tilespmem:v23+s16+$0x0], $0xffff  }
0x5c4: {  	v14 =	vor.u32 v3, v5  }
0x5c5: {  	v17 =	vor.u32 v3, v62;
	[tilespmem:v13+s12+$0x0] =	vst.idx.msk $0xffff, v12  }
0x5c6: {  	v20 =	vor.u32 v3, v8;
	v23 =	vor.u32 v3, v9;
	[tilespmem:v16+s12+$0x0] =	vst.idx.msk $0xffff, v15  }
0x5c7: {  	v3 =	vld [tilespmem:$0x1FF30];
	v13 =	vor.u32 v2, v4;
	v16 =	vor.u32 v2, v6;
	[tilespmem:v19+s12+$0x0] =	vst.idx.msk $0xffff, v18  }
0x5c8: {  	v19 =	vor.u32 v2, v10;
	[tilespmem:v22+s12+$0x0] =	vst.idx.msk $0xffff, v21;
	v22 =	vor.u32 v2, v11;
	v2 =	vld [tilespmem:$0x1FF40]  }
0x5c9: {  	v12 =	vld.idx.msk [tilespmem:v14+s16+$0x0], $0xffff  }
0x5ca: {  	v15 =	vld.idx.msk [tilespmem:v17+s16+$0x0], $0xffff  }
0x5cb: {  	v18 =	vld.idx.msk [tilespmem:v20+s16+$0x0], $0xffff  }
0x5cc: {  	v21 =	vld.idx.msk [tilespmem:v23+s16+$0x0], $0xffff  }
0x5cd: {  	v14 =	vor.u32 v3, v5  }
0x5ce: {  	v17 =	vor.u32 v3, v62;
	[tilespmem:v13+s12+$0x0] =	vst.idx.msk $0xffff, v12  }
0x5cf: {  	v20 =	vor.u32 v3, v8;
	v23 =	vor.u32 v3, v9;
	[tilespmem:v16+s12+$0x0] =	vst.idx.msk $0xffff, v15  }
0x5d0: {  	v3 =	vld [tilespmem:$0x1FAA0];
	v13 =	vor.u32 v2, v4;
	v16 =	vor.u32 v2, v6;
	[tilespmem:v19+s12+$0x0] =	vst.idx.msk $0xffff, v18  }
0x5d1: {  	v19 =	vor.u32 v2, v10;
	[tilespmem:v22+s12+$0x0] =	vst.idx.msk $0xffff, v21;
	v22 =	vor.u32 v2, v11;
	v2 =	vld [tilespmem:$0x1FAB0]  }
0x5d2: {  	v12 =	vld.idx.msk [tilespmem:v14+s16+$0x0], $0xffff  }
0x5d3: {  	v15 =	vld.idx.msk [tilespmem:v17+s16+$0x0], $0xffff  }
0x5d4: {  	v18 =	vld.idx.msk [tilespmem:v20+s16+$0x0], $0xffff  }
0x5d5: {  	v21 =	vld.idx.msk [tilespmem:v23+s16+$0x0], $0xffff  }
0x5d6: {  	v14 =	vor.u32 v3, v5  }
0x5d7: {  	v17 =	vor.u32 v3, v62;
	[tilespmem:v13+s12+$0x0] =	vst.idx.msk $0xffff, v12  }
0x5d8: {  	v20 =	vor.u32 v3, v8;
	v23 =	vor.u32 v3, v9;
	[tilespmem:v16+s12+$0x0] =	vst.idx.msk $0xffff, v15  }
0x5d9: {  	v3 =	vld [tilespmem:$0x1FAC0];
	v13 =	vor.u32 v2, v4;
	v16 =	vor.u32 v2, v6;
	[tilespmem:v19+s12+$0x0] =	vst.idx.msk $0xffff, v18  }
0x5da: {  	v19 =	vor.u32 v2, v10;
	[tilespmem:v22+s12+$0x0] =	vst.idx.msk $0xffff, v21;
	v22 =	vor.u32 v2, v11;
	v2 =	vld [tilespmem:$0x1FAD0]  }
0x5db: {  	v12 =	vld.idx.msk [tilespmem:v14+s16+$0x0], $0xffff  }
0x5dc: {  	v15 =	vld.idx.msk [tilespmem:v17+s16+$0x0], $0xffff  }
0x5dd: {  	v18 =	vld.idx.msk [tilespmem:v20+s16+$0x0], $0xffff  }
0x5de: {  	v21 =	vld.idx.msk [tilespmem:v23+s16+$0x0], $0xffff  }
0x5df: {  	v14 =	vor.u32 v3, v5  }
0x5e0: {  	v17 =	vor.u32 v3, v62;
	[tilespmem:v13+s12+$0x0] =	vst.idx.msk $0xffff, v12  }
0x5e1: {  	v20 =	vor.u32 v3, v8;
	v23 =	vor.u32 v3, v9;
	[tilespmem:v16+s12+$0x0] =	vst.idx.msk $0xffff, v15  }
0x5e2: {  	v3 =	vld [tilespmem:$0x1FAE0];
	v13 =	vor.u32 v2, v4;
	v16 =	vor.u32 v2, v6;
	[tilespmem:v19+s12+$0x0] =	vst.idx.msk $0xffff, v18  }
0x5e3: {  	v19 =	vor.u32 v2, v10;
	[tilespmem:v22+s12+$0x0] =	vst.idx.msk $0xffff, v21;
	v22 =	vor.u32 v2, v11;
	v2 =	vld [tilespmem:$0x1FAF0]  }
0x5e4: {  	v12 =	vld.idx.msk [tilespmem:v14+s16+$0x0], $0xffff  }
0x5e5: {  	v15 =	vld.idx.msk [tilespmem:v17+s16+$0x0], $0xffff  }
0x5e6: {  	v18 =	vld.idx.msk [tilespmem:v20+s16+$0x0], $0xffff  }
0x5e7: {  	v21 =	vld.idx.msk [tilespmem:v23+s16+$0x0], $0xffff  }
0x5e8: {  	v14 =	vor.u32 v3, v5  }
0x5e9: {  	v17 =	vor.u32 v3, v62;
	[tilespmem:v13+s12+$0x0] =	vst.idx.msk $0xffff, v12  }
0x5ea: {  	v20 =	vor.u32 v3, v8;
	v23 =	vor.u32 v3, v9;
	[tilespmem:v16+s12+$0x0] =	vst.idx.msk $0xffff, v15  }
0x5eb: {  	v3 =	vld [tilespmem:$0x1FB00];
	v13 =	vor.u32 v2, v4;
	v16 =	vor.u32 v2, v6;
	[tilespmem:v19+s12+$0x0] =	vst.idx.msk $0xffff, v18  }
0x5ec: {  	v19 =	vor.u32 v2, v10;
	[tilespmem:v22+s12+$0x0] =	vst.idx.msk $0xffff, v21;
	v22 =	vor.u32 v2, v11;
	v2 =	vld [tilespmem:$0x1FB10]  }
0x5ed: {  	v12 =	vld.idx.msk [tilespmem:v14+s16+$0x0], $0xffff  }
0x5ee: {  	v15 =	vld.idx.msk [tilespmem:v17+s16+$0x0], $0xffff  }
0x5ef: {  	v18 =	vld.idx.msk [tilespmem:v20+s16+$0x0], $0xffff  }
0x5f0: {  	v21 =	vld.idx.msk [tilespmem:v23+s16+$0x0], $0xffff  }
0x5f1: {  	v14 =	vor.u32 v3, v5  }
0x5f2: {  	v17 =	vor.u32 v3, v62;
	[tilespmem:v13+s12+$0x0] =	vst.idx.msk $0xffff, v12  }
0x5f3: {  	v20 =	vor.u32 v3, v8;
	v23 =	vor.u32 v3, v9;
	[tilespmem:v16+s12+$0x0] =	vst.idx.msk $0xffff, v15  }
0x5f4: {  	v3 =	vld [tilespmem:$0x1FB20];
	v13 =	vor.u32 v2, v4;
	v16 =	vor.u32 v2, v6;
	[tilespmem:v19+s12+$0x0] =	vst.idx.msk $0xffff, v18  }
0x5f5: {  	v19 =	vor.u32 v2, v10;
	[tilespmem:v22+s12+$0x0] =	vst.idx.msk $0xffff, v21;
	v22 =	vor.u32 v2, v11;
	v2 =	vld [tilespmem:$0x1FB30]  }
0x5f6: {  	v12 =	vld.idx.msk [tilespmem:v14+s16+$0x0], $0xffff  }
0x5f7: {  	v15 =	vld.idx.msk [tilespmem:v17+s16+$0x0], $0xffff  }
0x5f8: {  	v18 =	vld.idx.msk [tilespmem:v20+s16+$0x0], $0xffff  }
0x5f9: {  	v21 =	vld.idx.msk [tilespmem:v23+s16+$0x0], $0xffff  }
0x5fa: {  	v14 =	vor.u32 v3, v5  }
0x5fb: {  	v17 =	vor.u32 v3, v62;
	[tilespmem:v13+s12+$0x0] =	vst.idx.msk $0xffff, v12  }
0x5fc: {  	v20 =	vor.u32 v3, v8;
	v23 =	vor.u32 v3, v9;
	[tilespmem:v16+s12+$0x0] =	vst.idx.msk $0xffff, v15  }
0x5fd: {  	v3 =	vld [tilespmem:$0x1FB40];
	v13 =	vor.u32 v2, v4;
	v16 =	vor.u32 v2, v6;
	[tilespmem:v19+s12+$0x0] =	vst.idx.msk $0xffff, v18  }
0x5fe: {  	v19 =	vor.u32 v2, v10;
	[tilespmem:v22+s12+$0x0] =	vst.idx.msk $0xffff, v21;
	v22 =	vor.u32 v2, v11;
	v2 =	vld [tilespmem:$0x1FB50]  }
0x5ff: {  	v12 =	vld.idx.msk [tilespmem:v14+s16+$0x0], $0xffff  }
0x600: {  	v15 =	vld.idx.msk [tilespmem:v17+s16+$0x0], $0xffff  }
0x601: {  	v18 =	vld.idx.msk [tilespmem:v20+s16+$0x0], $0xffff  }
0x602: {  	v21 =	vld.idx.msk [tilespmem:v23+s16+$0x0], $0xffff  }
0x603: {  	v14 =	vor.u32 v3, v5  }
0x604: {  	v17 =	vor.u32 v3, v62;
	[tilespmem:v13+s12+$0x0] =	vst.idx.msk $0xffff, v12  }
0x605: {  	v20 =	vor.u32 v3, v8;
	v23 =	vor.u32 v3, v9;
	[tilespmem:v16+s12+$0x0] =	vst.idx.msk $0xffff, v15  }
0x606: {  	v3 =	vld [tilespmem:$0x1FB60];
	v13 =	vor.u32 v2, v4;
	v16 =	vor.u32 v2, v6;
	[tilespmem:v19+s12+$0x0] =	vst.idx.msk $0xffff, v18  }
0x607: {  	v19 =	vor.u32 v2, v10;
	[tilespmem:v22+s12+$0x0] =	vst.idx.msk $0xffff, v21;
	v22 =	vor.u32 v2, v11;
	v2 =	vld [tilespmem:$0x1FB70]  }
0x608: {  	v12 =	vld.idx.msk [tilespmem:v14+s16+$0x0], $0xffff  }
0x609: {  	v15 =	vld.idx.msk [tilespmem:v17+s16+$0x0], $0xffff  }
0x60a: {  	v18 =	vld.idx.msk [tilespmem:v20+s16+$0x0], $0xffff  }
0x60b: {  	v21 =	vld.idx.msk [tilespmem:v23+s16+$0x0], $0xffff  }
0x60c: {  	v14 =	vor.u32 v3, v5  }
0x60d: {  	v17 =	vor.u32 v3, v62;
	[tilespmem:v13+s12+$0x0] =	vst.idx.msk $0xffff, v12  }
0x60e: {  	v20 =	vor.u32 v3, v8;
	v23 =	vor.u32 v3, v9;
	[tilespmem:v16+s12+$0x0] =	vst.idx.msk $0xffff, v15  }
0x60f: {  	v3 =	vld [tilespmem:$0x1FB80];
	v13 =	vor.u32 v2, v4;
	v16 =	vor.u32 v2, v6;
	[tilespmem:v19+s12+$0x0] =	vst.idx.msk $0xffff, v18  }
0x610: {  	v19 =	vor.u32 v2, v10;
	[tilespmem:v22+s12+$0x0] =	vst.idx.msk $0xffff, v21;
	v22 =	vor.u32 v2, v11;
	v2 =	vld [tilespmem:$0x1FB90]  }
0x611: {  	v12 =	vld.idx.msk [tilespmem:v14+s16+$0x0], $0xffff  }
0x612: {  	v15 =	vld.idx.msk [tilespmem:v17+s16+$0x0], $0xffff  }
0x613: {  	v18 =	vld.idx.msk [tilespmem:v20+s16+$0x0], $0xffff  }
0x614: {  	v21 =	vld.idx.msk [tilespmem:v23+s16+$0x0], $0xffff  }
0x615: {  	v14 =	vor.u32 v3, v5  }
0x616: {  	v17 =	vor.u32 v3, v62;
	[tilespmem:v13+s12+$0x0] =	vst.idx.msk $0xffff, v12  }
0x617: {  	v20 =	vor.u32 v3, v8;
	v23 =	vor.u32 v3, v9;
	[tilespmem:v16+s12+$0x0] =	vst.idx.msk $0xffff, v15  }
0x618: {  	v3 =	vld [tilespmem:$0x1FBA0];
	v13 =	vor.u32 v2, v4;
	v16 =	vor.u32 v2, v6;
	[tilespmem:v19+s12+$0x0] =	vst.idx.msk $0xffff, v18  }
0x619: {  	v19 =	vor.u32 v2, v10;
	[tilespmem:v22+s12+$0x0] =	vst.idx.msk $0xffff, v21;
	v22 =	vor.u32 v2, v11;
	v2 =	vld [tilespmem:$0x1FBB0]  }
0x61a: {  	v12 =	vld.idx.msk [tilespmem:v14+s16+$0x0], $0xffff  }
0x61b: {  	v15 =	vld.idx.msk [tilespmem:v17+s16+$0x0], $0xffff  }
0x61c: {  	v18 =	vld.idx.msk [tilespmem:v20+s16+$0x0], $0xffff  }
0x61d: {  	v21 =	vld.idx.msk [tilespmem:v23+s16+$0x0], $0xffff  }
0x61e: {  	v14 =	vor.u32 v3, v5  }
0x61f: {  	v17 =	vor.u32 v3, v62;
	[tilespmem:v13+s12+$0x0] =	vst.idx.msk $0xffff, v12  }
0x620: {  	v20 =	vor.u32 v3, v8;
	v23 =	vor.u32 v3, v9;
	[tilespmem:v16+s12+$0x0] =	vst.idx.msk $0xffff, v15  }
0x621: {  	v3 =	vld [tilespmem:$0x1FBC0];
	v13 =	vor.u32 v2, v4;
	v16 =	vor.u32 v2, v6;
	[tilespmem:v19+s12+$0x0] =	vst.idx.msk $0xffff, v18  }
0x622: {  	v19 =	vor.u32 v2, v10;
	[tilespmem:v22+s12+$0x0] =	vst.idx.msk $0xffff, v21;
	v22 =	vor.u32 v2, v11;
	v2 =	vld [tilespmem:$0x1FBD0]  }
0x623: {  	v12 =	vld.idx.msk [tilespmem:v14+s16+$0x0], $0xffff  }
0x624: {  	v15 =	vld.idx.msk [tilespmem:v17+s16+$0x0], $0xffff  }
0x625: {  	v18 =	vld.idx.msk [tilespmem:v20+s16+$0x0], $0xffff  }
0x626: {  	v14 =	vor.u32 v3, v5;
	v21 =	vld.idx.msk [tilespmem:v23+s16+$0x0], $0xffff  }
0x627: {  	v17 =	vor.u32 v3, v62;
	v20 =	vor.u32 v3, v8;
	v23 =	vor.u32 v3, v9;
	v3 =	vld [tilespmem:$0x1FBE0];
	_ =	sdelay $0x2  }
0x628: {  	[tilespmem:v13+s12+$0x0] =	vst.idx.msk $0xffff, v12  }
0x629: {  	v13 =	vor.u32 v2, v4;
	[tilespmem:v16+s12+$0x0] =	vst.idx.msk $0xffff, v15;
	v12 =	vld.idx.msk [tilespmem:v14+s16+$0x0], $0xffff  }
0x62a: {  	v16 =	vor.u32 v2, v6;
	[tilespmem:v19+s12+$0x0] =	vst.idx.msk $0xffff, v18;
	v14 =	vor.u32 v3, v5;
	v15 =	vld.idx.msk [tilespmem:v17+s16+$0x0], $0xffff  }
0x62b: {  	v19 =	vor.u32 v2, v10;
	[tilespmem:v22+s12+$0x0] =	vst.idx.msk $0xffff, v21;
	v17 =	vor.u32 v3, v62;
	v18 =	vld.idx.msk [tilespmem:v20+s16+$0x0], $0xffff  }
0x62c: {  	v22 =	vor.u32 v2, v11;
	v20 =	vor.u32 v3, v8;
	v21 =	vld.idx.msk [tilespmem:v23+s16+$0x0], $0xffff  }
0x62d: {  	v23 =	vor.u32 v3, v9;
	v3 =	vld [tilespmem:$0x1FC00]  }
0x62e: {  	[tilespmem:v13+s12+$0x0] =	vst.idx.msk $0xffff, v12  }
0x62f: {  	[tilespmem:v16+s12+$0x0] =	vst.idx.msk $0xffff, v15;
	v12 =	vld.idx.msk [tilespmem:v14+s16+$0x0], $0xffff  }
0x630: {  	[tilespmem:v19+s12+$0x0] =	vst.idx.msk $0xffff, v18;
	v15 =	vld.idx.msk [tilespmem:v17+s16+$0x0], $0xffff  }
0x631: {  	[tilespmem:v22+s12+$0x0] =	vst.idx.msk $0xffff, v21;
	v18 =	vld.idx.msk [tilespmem:v20+s16+$0x0], $0xffff  }
0x632: {  	v13 =	vor.u32 v0, v4;
	v22 =	vor.u32 v0, v11;
	v14 =	vor.u32 v3, v5;
	v21 =	vld.idx.msk [tilespmem:v23+s16+$0x0], $0xffff  }
0x633: {  	v17 =	vor.u32 v3, v62;
	v20 =	vor.u32 v3, v8;
	v23 =	vor.u32 v3, v9;
	v3 =	vld [tilespmem:$0x1FC10]  }
0x634: {  	v16 =	vor.u32 v0, v6  }
0x635: {  	v19 =	vor.u32 v0, v10;
	_ =	sdelay $0x1  }
0x636: {  	[tilespmem:v22+s12+$0x0] =	vst.idx.msk $0xffff, v21  }
0x637: {  	[tilespmem:v13+s12+$0x0] =	vst.idx.msk $0xffff, v12;
	v22 =	vor.u32 v3, v11;
	v21 =	vld.idx.msk [tilespmem:v23+s16+$0x0], $0xffff  }
0x638: {  	v13 =	vor.u32 v3, v4;
	[tilespmem:v16+s12+$0x0] =	vst.idx.msk $0xffff, v15;
	v12 =	vld.idx.msk [tilespmem:v14+s16+$0x0], $0xffff;
	v23 =	vor.u32 v26, v9  }
0x639: {  	v16 =	vor.u32 v3, v6;
	[tilespmem:v19+s12+$0x0] =	vst.idx.msk $0xffff, v18;
	v14 =	vor.u32 v26, v5;
	v15 =	vld.idx.msk [tilespmem:v17+s16+$0x0], $0xffff  }
0x63a: {  	v19 =	vor.u32 v3, v10;
	v17 =	vor.u32 v26, v62;
	v18 =	vld.idx.msk [tilespmem:v20+s16+$0x0], $0xffff  }
0x63b: {  	v20 =	vor.u32 v26, v8  }
0x63c: {  	[tilespmem:v22+s12+$0x0] =	vst.idx.msk $0xffff, v21  }
0x63d: {  	[tilespmem:v13+s12+$0x0] =	vst.idx.msk $0xffff, v12;
	v22 =	vor.u32 v27, v11;
	v21 =	vld.idx.msk [tilespmem:v23+s16+$0x0], $0xffff  }
0x63e: {  	v13 =	vor.u32 v27, v4;
	[tilespmem:v16+s12+$0x0] =	vst.idx.msk $0xffff, v15;
	v12 =	vld.idx.msk [tilespmem:v14+s16+$0x0], $0xffff;
	v23 =	vor.u32 v28, v9  }
0x63f: {  	v16 =	vor.u32 v27, v6;
	[tilespmem:v19+s12+$0x0] =	vst.idx.msk $0xffff, v18;
	v14 =	vor.u32 v28, v5;
	v15 =	vld.idx.msk [tilespmem:v17+s16+$0x0], $0xffff  }
0x640: {  	v19 =	vor.u32 v27, v10;
	v17 =	vor.u32 v28, v62;
	v18 =	vld.idx.msk [tilespmem:v20+s16+$0x0], $0xffff  }
0x641: {  	v20 =	vor.u32 v28, v8  }
0x642: {  	[tilespmem:v22+s12+$0x0] =	vst.idx.msk $0xffff, v21  }
0x643: {  	[tilespmem:v13+s12+$0x0] =	vst.idx.msk $0xffff, v12;
	v22 =	vor.u32 v29, v11;
	v21 =	vld.idx.msk [tilespmem:v23+s16+$0x0], $0xffff  }
0x644: {  	v13 =	vor.u32 v29, v4;
	[tilespmem:v16+s12+$0x0] =	vst.idx.msk $0xffff, v15;
	v12 =	vld.idx.msk [tilespmem:v14+s16+$0x0], $0xffff;
	v23 =	vor.u32 v30, v9  }
0x645: {  	v16 =	vor.u32 v29, v6;
	[tilespmem:v19+s12+$0x0] =	vst.idx.msk $0xffff, v18;
	v14 =	vor.u32 v30, v5;
	v15 =	vld.idx.msk [tilespmem:v17+s16+$0x0], $0xffff  }
0x646: {  	v19 =	vor.u32 v29, v10;
	v17 =	vor.u32 v30, v62;
	v18 =	vld.idx.msk [tilespmem:v20+s16+$0x0], $0xffff  }
0x647: {  	v20 =	vor.u32 v30, v8  }
0x648: {  	[tilespmem:v22+s12+$0x0] =	vst.idx.msk $0xffff, v21  }
0x649: {  	[tilespmem:v13+s12+$0x0] =	vst.idx.msk $0xffff, v12;
	v22 =	vor.u32 v31, v11;
	v21 =	vld.idx.msk [tilespmem:v23+s16+$0x0], $0xffff  }
0x64a: {  	v13 =	vor.u32 v31, v4;
	[tilespmem:v16+s12+$0x0] =	vst.idx.msk $0xffff, v15;
	v12 =	vld.idx.msk [tilespmem:v14+s16+$0x0], $0xffff;
	v23 =	vor.u32 v32, v9  }
0x64b: {  	v16 =	vor.u32 v31, v6;
	[tilespmem:v19+s12+$0x0] =	vst.idx.msk $0xffff, v18;
	v14 =	vor.u32 v32, v5;
	v15 =	vld.idx.msk [tilespmem:v17+s16+$0x0], $0xffff  }
0x64c: {  	v19 =	vor.u32 v31, v10;
	v17 =	vor.u32 v32, v62;
	v18 =	vld.idx.msk [tilespmem:v20+s16+$0x0], $0xffff  }
0x64d: {  	v20 =	vor.u32 v32, v8  }
0x64e: {  	[tilespmem:v22+s12+$0x0] =	vst.idx.msk $0xffff, v21  }
0x64f: {  	[tilespmem:v13+s12+$0x0] =	vst.idx.msk $0xffff, v12;
	v22 =	vor.u32 v33, v11;
	v21 =	vld.idx.msk [tilespmem:v23+s16+$0x0], $0xffff  }
0x650: {  	v13 =	vor.u32 v33, v4;
	[tilespmem:v16+s12+$0x0] =	vst.idx.msk $0xffff, v15;
	v12 =	vld.idx.msk [tilespmem:v14+s16+$0x0], $0xffff;
	v23 =	vor.u32 v34, v9  }
0x651: {  	v16 =	vor.u32 v33, v6;
	[tilespmem:v19+s12+$0x0] =	vst.idx.msk $0xffff, v18;
	v14 =	vor.u32 v34, v5;
	v15 =	vld.idx.msk [tilespmem:v17+s16+$0x0], $0xffff  }
0x652: {  	v19 =	vor.u32 v33, v10;
	v17 =	vor.u32 v34, v62;
	v18 =	vld.idx.msk [tilespmem:v20+s16+$0x0], $0xffff  }
0x653: {  	v20 =	vor.u32 v34, v8  }
0x654: {  	[tilespmem:v22+s12+$0x0] =	vst.idx.msk $0xffff, v21  }
0x655: {  	[tilespmem:v13+s12+$0x0] =	vst.idx.msk $0xffff, v12;
	v22 =	vor.u32 v35, v11;
	v21 =	vld.idx.msk [tilespmem:v23+s16+$0x0], $0xffff  }
0x656: {  	v13 =	vor.u32 v35, v4;
	[tilespmem:v16+s12+$0x0] =	vst.idx.msk $0xffff, v15;
	v12 =	vld.idx.msk [tilespmem:v14+s16+$0x0], $0xffff;
	v23 =	vor.u32 v36, v9  }
0x657: {  	v16 =	vor.u32 v35, v6;
	[tilespmem:v19+s12+$0x0] =	vst.idx.msk $0xffff, v18;
	v14 =	vor.u32 v36, v5;
	v15 =	vld.idx.msk [tilespmem:v17+s16+$0x0], $0xffff  }
0x658: {  	v19 =	vor.u32 v35, v10;
	v17 =	vor.u32 v36, v62;
	v18 =	vld.idx.msk [tilespmem:v20+s16+$0x0], $0xffff  }
0x659: {  	v20 =	vor.u32 v36, v8  }
0x65a: {  	[tilespmem:v22+s12+$0x0] =	vst.idx.msk $0xffff, v21  }
0x65b: {  	[tilespmem:v13+s12+$0x0] =	vst.idx.msk $0xffff, v12;
	v22 =	vor.u32 v37, v11;
	v21 =	vld.idx.msk [tilespmem:v23+s16+$0x0], $0xffff  }
0x65c: {  	v13 =	vor.u32 v37, v4;
	[tilespmem:v16+s12+$0x0] =	vst.idx.msk $0xffff, v15;
	v12 =	vld.idx.msk [tilespmem:v14+s16+$0x0], $0xffff;
	v23 =	vor.u32 v38, v9  }
0x65d: {  	v16 =	vor.u32 v37, v6;
	[tilespmem:v19+s12+$0x0] =	vst.idx.msk $0xffff, v18;
	v14 =	vor.u32 v38, v5;
	v15 =	vld.idx.msk [tilespmem:v17+s16+$0x0], $0xffff  }
0x65e: {  	v19 =	vor.u32 v37, v10;
	v17 =	vor.u32 v38, v62;
	v18 =	vld.idx.msk [tilespmem:v20+s16+$0x0], $0xffff  }
0x65f: {  	v20 =	vor.u32 v38, v8  }
0x660: {  	[tilespmem:v22+s12+$0x0] =	vst.idx.msk $0xffff, v21  }
0x661: {  	[tilespmem:v13+s12+$0x0] =	vst.idx.msk $0xffff, v12;
	v22 =	vor.u32 v39, v11;
	v21 =	vld.idx.msk [tilespmem:v23+s16+$0x0], $0xffff  }
0x662: {  	v13 =	vor.u32 v39, v4;
	[tilespmem:v16+s12+$0x0] =	vst.idx.msk $0xffff, v15;
	v12 =	vld.idx.msk [tilespmem:v14+s16+$0x0], $0xffff;
	v23 =	vor.u32 v40, v9  }
0x663: {  	v16 =	vor.u32 v39, v6;
	[tilespmem:v19+s12+$0x0] =	vst.idx.msk $0xffff, v18;
	v14 =	vor.u32 v40, v5;
	v15 =	vld.idx.msk [tilespmem:v17+s16+$0x0], $0xffff  }
0x664: {  	v19 =	vor.u32 v39, v10;
	v17 =	vor.u32 v40, v62;
	v18 =	vld.idx.msk [tilespmem:v20+s16+$0x0], $0xffff  }
0x665: {  	v20 =	vor.u32 v40, v8  }
0x666: {  	[tilespmem:v22+s12+$0x0] =	vst.idx.msk $0xffff, v21  }
0x667: {  	[tilespmem:v13+s12+$0x0] =	vst.idx.msk $0xffff, v12;
	v22 =	vor.u32 v41, v11;
	v21 =	vld.idx.msk [tilespmem:v23+s16+$0x0], $0xffff  }
0x668: {  	v13 =	vor.u32 v41, v4;
	[tilespmem:v16+s12+$0x0] =	vst.idx.msk $0xffff, v15;
	v12 =	vld.idx.msk [tilespmem:v14+s16+$0x0], $0xffff;
	v23 =	vor.u32 v42, v9  }
0x669: {  	v16 =	vor.u32 v41, v6;
	[tilespmem:v19+s12+$0x0] =	vst.idx.msk $0xffff, v18;
	v14 =	vor.u32 v42, v5;
	v15 =	vld.idx.msk [tilespmem:v17+s16+$0x0], $0xffff  }
0x66a: {  	v19 =	vor.u32 v41, v10;
	v17 =	vor.u32 v42, v62;
	v18 =	vld.idx.msk [tilespmem:v20+s16+$0x0], $0xffff  }
0x66b: {  	v20 =	vor.u32 v42, v8  }
0x66c: {  	[tilespmem:v22+s12+$0x0] =	vst.idx.msk $0xffff, v21  }
0x66d: {  	[tilespmem:v13+s12+$0x0] =	vst.idx.msk $0xffff, v12;
	v22 =	vor.u32 v43, v11;
	v21 =	vld.idx.msk [tilespmem:v23+s16+$0x0], $0xffff  }
0x66e: {  	v13 =	vor.u32 v43, v4;
	[tilespmem:v16+s12+$0x0] =	vst.idx.msk $0xffff, v15;
	v12 =	vld.idx.msk [tilespmem:v14+s16+$0x0], $0xffff;
	v23 =	vor.u32 v44, v9  }
0x66f: {  	v16 =	vor.u32 v43, v6;
	[tilespmem:v19+s12+$0x0] =	vst.idx.msk $0xffff, v18;
	v14 =	vor.u32 v44, v5;
	v15 =	vld.idx.msk [tilespmem:v17+s16+$0x0], $0xffff  }
0x670: {  	v19 =	vor.u32 v43, v10;
	v17 =	vor.u32 v44, v62;
	v18 =	vld.idx.msk [tilespmem:v20+s16+$0x0], $0xffff  }
0x671: {  	v20 =	vor.u32 v44, v8  }
0x672: {  	[tilespmem:v22+s12+$0x0] =	vst.idx.msk $0xffff, v21  }
0x673: {  	[tilespmem:v13+s12+$0x0] =	vst.idx.msk $0xffff, v12;
	v22 =	vor.u32 v45, v11;
	v21 =	vld.idx.msk [tilespmem:v23+s16+$0x0], $0xffff  }
0x674: {  	v13 =	vor.u32 v45, v4;
	[tilespmem:v16+s12+$0x0] =	vst.idx.msk $0xffff, v15;
	v12 =	vld.idx.msk [tilespmem:v14+s16+$0x0], $0xffff;
	v23 =	vor.u32 v46, v9  }
0x675: {  	v16 =	vor.u32 v45, v6;
	[tilespmem:v19+s12+$0x0] =	vst.idx.msk $0xffff, v18;
	v14 =	vor.u32 v46, v5;
	v15 =	vld.idx.msk [tilespmem:v17+s16+$0x0], $0xffff  }
0x676: {  	v19 =	vor.u32 v45, v10;
	v17 =	vor.u32 v46, v62;
	v18 =	vld.idx.msk [tilespmem:v20+s16+$0x0], $0xffff  }
0x677: {  	v20 =	vor.u32 v46, v8  }
0x678: {  	[tilespmem:v22+s12+$0x0] =	vst.idx.msk $0xffff, v21  }
0x679: {  	[tilespmem:v13+s12+$0x0] =	vst.idx.msk $0xffff, v12;
	v22 =	vor.u32 v47, v11;
	v21 =	vld.idx.msk [tilespmem:v23+s16+$0x0], $0xffff  }
0x67a: {  	v13 =	vor.u32 v47, v4;
	[tilespmem:v16+s12+$0x0] =	vst.idx.msk $0xffff, v15;
	v12 =	vld.idx.msk [tilespmem:v14+s16+$0x0], $0xffff;
	v23 =	vor.u32 v48, v9  }
0x67b: {  	v16 =	vor.u32 v47, v6;
	[tilespmem:v19+s12+$0x0] =	vst.idx.msk $0xffff, v18;
	v14 =	vor.u32 v48, v5;
	v15 =	vld.idx.msk [tilespmem:v17+s16+$0x0], $0xffff  }
0x67c: {  	v19 =	vor.u32 v47, v10;
	v17 =	vor.u32 v48, v62;
	v18 =	vld.idx.msk [tilespmem:v20+s16+$0x0], $0xffff  }
0x67d: {  	v20 =	vor.u32 v48, v8  }
0x67e: {  	[tilespmem:v22+s12+$0x0] =	vst.idx.msk $0xffff, v21  }
0x67f: {  	[tilespmem:v13+s12+$0x0] =	vst.idx.msk $0xffff, v12;
	v22 =	vor.u32 v49, v11;
	v21 =	vld.idx.msk [tilespmem:v23+s16+$0x0], $0xffff  }
0x680: {  	v13 =	vor.u32 v49, v4;
	[tilespmem:v16+s12+$0x0] =	vst.idx.msk $0xffff, v15;
	v12 =	vld.idx.msk [tilespmem:v14+s16+$0x0], $0xffff;
	v23 =	vor.u32 v50, v9  }
0x681: {  	v16 =	vor.u32 v49, v6;
	[tilespmem:v19+s12+$0x0] =	vst.idx.msk $0xffff, v18;
	v14 =	vor.u32 v50, v5;
	v15 =	vld.idx.msk [tilespmem:v17+s16+$0x0], $0xffff  }
0x682: {  	v19 =	vor.u32 v49, v10;
	v17 =	vor.u32 v50, v62;
	v18 =	vld.idx.msk [tilespmem:v20+s16+$0x0], $0xffff  }
0x683: {  	v20 =	vor.u32 v50, v8  }
0x684: {  	[tilespmem:v22+s12+$0x0] =	vst.idx.msk $0xffff, v21  }
0x685: {  	[tilespmem:v13+s12+$0x0] =	vst.idx.msk $0xffff, v12;
	v22 =	vor.u32 v51, v11;
	v21 =	vld.idx.msk [tilespmem:v23+s16+$0x0], $0xffff  }
0x686: {  	v13 =	vor.u32 v51, v4;
	[tilespmem:v16+s12+$0x0] =	vst.idx.msk $0xffff, v15;
	v12 =	vld.idx.msk [tilespmem:v14+s16+$0x0], $0xffff;
	v23 =	vor.u32 v52, v9  }
0x687: {  	v16 =	vor.u32 v51, v6;
	[tilespmem:v19+s12+$0x0] =	vst.idx.msk $0xffff, v18;
	v14 =	vor.u32 v52, v5;
	v15 =	vld.idx.msk [tilespmem:v17+s16+$0x0], $0xffff  }
0x688: {  	v19 =	vor.u32 v51, v10;
	v17 =	vor.u32 v52, v62;
	v18 =	vld.idx.msk [tilespmem:v20+s16+$0x0], $0xffff  }
0x689: {  	v20 =	vor.u32 v52, v8  }
0x68a: {  	[tilespmem:v22+s12+$0x0] =	vst.idx.msk $0xffff, v21  }
0x68b: {  	[tilespmem:v13+s12+$0x0] =	vst.idx.msk $0xffff, v12;
	v22 =	vor.u32 v53, v11;
	v21 =	vld.idx.msk [tilespmem:v23+s16+$0x0], $0xffff  }
0x68c: {  	v13 =	vor.u32 v53, v4;
	[tilespmem:v16+s12+$0x0] =	vst.idx.msk $0xffff, v15;
	v12 =	vld.idx.msk [tilespmem:v14+s16+$0x0], $0xffff;
	v23 =	vor.u32 v54, v9  }
0x68d: {  	v16 =	vor.u32 v53, v6;
	[tilespmem:v19+s12+$0x0] =	vst.idx.msk $0xffff, v18;
	v14 =	vor.u32 v54, v5;
	v15 =	vld.idx.msk [tilespmem:v17+s16+$0x0], $0xffff  }
0x68e: {  	v19 =	vor.u32 v53, v10;
	v17 =	vor.u32 v54, v62;
	v18 =	vld.idx.msk [tilespmem:v20+s16+$0x0], $0xffff  }
0x68f: {  	v20 =	vor.u32 v54, v8  }
0x690: {  	[tilespmem:v22+s12+$0x0] =	vst.idx.msk $0xffff, v21  }
0x691: {  	[tilespmem:v13+s12+$0x0] =	vst.idx.msk $0xffff, v12;
	v22 =	vor.u32 v55, v11;
	v21 =	vld.idx.msk [tilespmem:v23+s16+$0x0], $0xffff  }
0x692: {  	v13 =	vor.u32 v55, v4;
	[tilespmem:v16+s12+$0x0] =	vst.idx.msk $0xffff, v15;
	v12 =	vld.idx.msk [tilespmem:v14+s16+$0x0], $0xffff;
	v23 =	vor.u32 v56, v9  }
0x693: {  	v16 =	vor.u32 v55, v6;
	[tilespmem:v19+s12+$0x0] =	vst.idx.msk $0xffff, v18;
	v14 =	vor.u32 v56, v5;
	v15 =	vld.idx.msk [tilespmem:v17+s16+$0x0], $0xffff  }
0x694: {  	v19 =	vor.u32 v55, v10;
	v17 =	vor.u32 v56, v62;
	v18 =	vld.idx.msk [tilespmem:v20+s16+$0x0], $0xffff  }
0x695: {  	v20 =	vor.u32 v56, v8  }
0x696: {  	[tilespmem:v22+s12+$0x0] =	vst.idx.msk $0xffff, v21  }
0x697: {  	[tilespmem:v13+s12+$0x0] =	vst.idx.msk $0xffff, v12;
	v22 =	vor.u32 v57, v11;
	v21 =	vld.idx.msk [tilespmem:v23+s16+$0x0], $0xffff  }
0x698: {  	v13 =	vor.u32 v57, v4;
	[tilespmem:v16+s12+$0x0] =	vst.idx.msk $0xffff, v15;
	v12 =	vld.idx.msk [tilespmem:v14+s16+$0x0], $0xffff;
	v23 =	vor.u32 v58, v9  }
0x699: {  	v16 =	vor.u32 v57, v6;
	[tilespmem:v19+s12+$0x0] =	vst.idx.msk $0xffff, v18;
	v14 =	vor.u32 v58, v5;
	v15 =	vld.idx.msk [tilespmem:v17+s16+$0x0], $0xffff  }
0x69a: {  	v19 =	vor.u32 v57, v10;
	v17 =	vor.u32 v58, v62;
	v18 =	vld.idx.msk [tilespmem:v20+s16+$0x0], $0xffff  }
0x69b: {  	v20 =	vor.u32 v58, v8  }
0x69c: {  	[tilespmem:v22+s12+$0x0] =	vst.idx.msk $0xffff, v21  }
0x69d: {  	[tilespmem:v13+s12+$0x0] =	vst.idx.msk $0xffff, v12;
	v22 =	vor.u32 v59, v11;
	v21 =	vld.idx.msk [tilespmem:v23+s16+$0x0], $0xffff  }
0x69e: {  	v13 =	vor.u32 v59, v4;
	[tilespmem:v16+s12+$0x0] =	vst.idx.msk $0xffff, v15;
	v12 =	vld.idx.msk [tilespmem:v14+s16+$0x0], $0xffff;
	v23 =	vor.u32 v60, v9  }
0x69f: {  	v16 =	vor.u32 v59, v6;
	[tilespmem:v19+s12+$0x0] =	vst.idx.msk $0xffff, v18;
	v14 =	vor.u32 v60, v5;
	v15 =	vld.idx.msk [tilespmem:v17+s16+$0x0], $0xffff  }
0x6a0: {  	v19 =	vor.u32 v59, v10;
	v17 =	vor.u32 v60, v62;
	v18 =	vld.idx.msk [tilespmem:v20+s16+$0x0], $0xffff  }
0x6a1: {  	v20 =	vor.u32 v60, v8  }
0x6a2: {  	[tilespmem:v22+s12+$0x0] =	vst.idx.msk $0xffff, v21  }
0x6a3: {  	[tilespmem:v13+s12+$0x0] =	vst.idx.msk $0xffff, v12;
	v22 =	vor.u32 v61, v11;
	v21 =	vld.idx.msk [tilespmem:v23+s16+$0x0], $0xffff  }
0x6a4: {  	v13 =	vor.u32 v61, v4;
	[tilespmem:v16+s12+$0x0] =	vst.idx.msk $0xffff, v15;
	v12 =	vld.idx.msk [tilespmem:v14+s16+$0x0], $0xffff  }
0x6a5: {  	v16 =	vor.u32 v61, v6;
	[tilespmem:v19+s12+$0x0] =	vst.idx.msk $0xffff, v18;
	v14 =	vor.u32 v24, v5;
	v15 =	vld.idx.msk [tilespmem:v17+s16+$0x0], $0xffff  }
0x6a6: {  	v19 =	vor.u32 v61, v10;
	v17 =	vor.u32 v24, v62;
	v18 =	vld.idx.msk [tilespmem:v20+s16+$0x0], $0xffff  }
0x6a7: {  	v3 =	vld [tilespmem:$0x1FA70];
	v20 =	vor.u32 v24, v8  }
0x6a8: {  	[tilespmem:v22+s12+$0x0] =	vst.idx.msk $0xffff, v21;
	v21 =	vld [tilespmem:$0x1FF80]  }
0x6a9: {  	v23 =	vor.u32 v24, v9;
	[tilespmem:v13+s12+$0x0] =	vst.idx.msk $0xffff, v12;
	v22 =	vld [tilespmem:$0x1FF60]  }
0x6aa: {  	[tilespmem:v16+s12+$0x0] =	vst.idx.msk $0xffff, v15;
	v12 =	vld.idx.msk [tilespmem:v14+s16+$0x0], $0xffff  }
0x6ab: {  	v13 =	vor.u32 v63, v4;
	[tilespmem:v19+s12+$0x0] =	vst.idx.msk $0xffff, v18;
	v14 =	vld.idx.msk [tilespmem:v17+s16+$0x0], $0xffff  }
0x6ac: {  	v16 =	vld.idx.msk [tilespmem:v20+s16+$0x0], $0xffff  }
0x6ad: {  	v5 =	vor.u32 v25, v5;
	v20 =	vld [tilespmem:$0x1FF50];
	v17 =	vor.u32 v63, v10  }
0x6ae: {  	v8 =	vor.u32 v25, v8;
	v19 =	vor.u32 v63, v11;
	v18 =	vld.idx.msk [tilespmem:v23+s16+$0x0], $0xffff  }
0x6af: {  	v9 =	vor.u32 v25, v9;
	v15 =	vor.u32 v63, v6;
	v23 =	vld [tilespmem:$0x1FF70]  }
0x6b0: {  	v7 =	vor.u32 v25, v62;
	[tilespmem:v13+s12+$0x0] =	vst.idx.msk $0xffff, v12;
	v13 =	vld [tilespmem:$0x1FFD0]  }
0x6b1: {  	v12 =	vld [tilespmem:$0x1FFC0]  }
0x6b2: {  	v4 =	vor.u32 v3, v4;
	[tilespmem:v17+s12+$0x0] =	vst.idx.msk $0xffff, v16;
	v5 =	vld.idx.msk [tilespmem:v5+s16+$0x0], $0xffff  }
0x6b3: {  	v10 =	vor.u32 v3, v10;
	[tilespmem:v19+s12+$0x0] =	vst.idx.msk $0xffff, v18;
	v8 =	vld.idx.msk [tilespmem:v8+s16+$0x0], $0xffff  }
0x6b4: {  	v11 =	vor.u32 v3, v11;
	[tilespmem:v15+s12+$0x0] =	vst.idx.msk $0xffff, v14;
	v9 =	vld.idx.msk [tilespmem:v9+s16+$0x0], $0xffff  }
0x6b5: {  	p0 =	slt.u32 s19, $0x1C;
	v6 =	vor.u32 v3, v6;
	v7 =	vld.idx.msk [tilespmem:v7+s16+$0x0], $0xffff  }
.Ltmp3:
0x6b6: {  	v15 =	vld [tilespmem:$0x1FFF0];
	(pc) =	sbr.rel @p0 .LBB2_8-.Ltmp3, $4  }
0x6b7: {  	v14 =	vld [tilespmem:$0x1FFE0];
	[tilespmem:v4+s12+$0x0] =	vst.idx.msk $0xffff, v5  }
0x6b8: {  	[tilespmem:v10+s12+$0x0] =	vst.idx.msk $0xffff, v8;
	v10 =	vld [tilespmem:$0x1FFA0]  }
0x6b9: {  	[tilespmem:v11+s12+$0x0] =	vst.idx.msk $0xffff, v9;
	v11 =	vld [tilespmem:$0x1FFB0]  }
0x6ba: {  	s19 =	sadd.s32 $0x4, s19;
	[tilespmem:v6+s12+$0x0] =	vst.idx.msk $0xffff, v7;
	v9 =	vld [tilespmem:$0x1FF90]  }
0x6bb: {  	s19 =	rddreg [dreg:$0x5]  }
0x6bc: {  	[hbm4b:s19+s6] =	stream.strided.scatter [tilespmem:s12], [sflag:$0x5], $0x8000, s7, s6, $0x38;
	[tilespmem:$0x18800] =	vst v63  }
0x6bd: {  	_ =	swait.ge [sflag:s18], $0x8000  }
0x6be: {  	s20 =	rddreg [dreg:$0x7]  }
0x6bf: {  	s23 =	rddreg [dreg:$0x6];
	s20 =	sadd.s32 $0x1, s20  }
0x6c0: {  	p0 =	sne.s32 s20, s23  }
.Ltmp4:
0x6c1: {  	_ = 	snop;
	(pc) =	sbr.rel @p0 .LBB2_1-.Ltmp4, $3  }
0x6c2: {  	_ =	sdelay $0x1  }
0x6c3: {  	[sflag:s18] =	ssyncset.done $0x0  }
0x6c4: {  	[sflag:s18] =	ssyncadd.s32 $0xFFFF8000  }
0x6c5: {  	_ =	sfence.sel $0x180000  }
0x6c6: {  	[bflag:$0x0] =	sbarrier.arrive $0xFFFF  }
0x6c7: {  	_ =	strace $0x90000047  }
0x6c8: {  	s0 =	stileid.u32;
	[bflag:$0x2] =	sbarrier.arrive $0xFFFF  }
0x6c9: {  	p0 =	sne.s32 s0, $0x0;
	s0 =	rddreg [dreg:$0x2]  }
0x6ca: {  	s0 =	sadd.s32 @!p0 $0x100000, s0  }
0x6cb: {  	[sflag:s0] =	ssyncadd.tile.s32 @!p0 $0x1;
	_ =	shalt  }
.Lfunc_end2:
_tile_overlayer_lowered:
.L_overlay_start_2:
0x6cc: {  	(tag) =	ssettag $0x2  }
0x6cd: {  	s0 =	rddreg [dreg:$0x0];
	s2 =	stileid.u32  }
0x6ce: {  	s1 =	rddreg [dreg:$0x1];
	p0 =	sne.s32 s2, $0x0  }
0x6cf: {  	s3 =	rddreg [dreg:$0x2];
	[bflag:$0x3] =	sbarrier.arrive $0xFFFF;
	s2 =	simm.s32 @!p0 $0x1C06  }
0x6d0: {  	[timem:s3], [sflag:s2] =	dma.local @!p0 [hbm:s0], s1  }
0x6d1: {  	s0 =	simm.s32 @!p0 $0x6  }
0x6d2: {  	_ =	swait.ge @!p0 [sflag:s0], s1  }
0x6d3: {  	s1 =	ssub.s32 @!p0 $0x0, s1;
	[sflag:s0] =	ssyncset.done @!p0 $0x0  }
0x6d4: {  	[sflag:s0] =	ssyncadd.s32 @!p0 s1  }
0x6d5: {  	[bflag:$0x3] =	sbarrier.arrive $0xFFFF  }
0x6d6: {  	_ =	shalt  }

</sc_bundles>
